<compile_context>
chip_gen: v7x
topology: tpu7x:2x2x1
jax: 0.10.2.dev20260603
libtpu: 0.0.44.dev20260713+nightly
codegen_flags: <defaults>
</compile_context>

<pallas_src>
import functools

import jax
import jax.numpy as jnp
from jax import lax
from jax.experimental import pallas as pl
from jax.experimental.pallas import tpu as pltpu
from jax.experimental.pallas import tpu_sc as plsc

NENTITY = 1_000_000
NREL = 1000
D = 64
B = 16384
NNEG = 200
L = 16
NC, NS = 2, 16
NW = NC * NS
RPW = B // NW
CB = 4
NSTEPS = RPW // CB
GROUPS = (NNEG + L - 1) // L
CHUNK = CB * NNEG
GCH = 100
NGD = CHUNK // GCH


def _body(ent_hbm, rel_hbm, pidx_hbm, nidx_hbm,
          pos_hbm, neg_hbm,
          pidx_v, posbuf, hrext,
          prow_a, rrow_a, trow_a,
          nidx_a, nidx_b, rows_a, rows_b, nout_a, nout_b,
          psem_a, sem_a, sem_b, osem_a, osem_b, isem_a, isem_b):
    isem_ = (isem_a, isem_b)
    nidx_ = (nidx_a, nidx_b)
    rows_ = (rows_a, rows_b)
    nout_ = (nout_a, nout_b)
    nsem_ = (sem_a, sem_b)
    osem_ = (osem_a, osem_b)
    wid = lax.axis_index("s") * NC + lax.axis_index("c")
    base = wid * RPW
    pltpu.sync_copy(pidx_hbm.at[pl.ds(base, RPW)], pidx_v)
    iota = lax.iota(jnp.int32, L)

    def stage_nidx(s, nb):
        r0s = jnp.minimum(s, NSTEPS - 1) * CB
        pltpu.sync_copy(nidx_hbm.at[pl.ds((base + r0s) * (NNEG // GCH), NGD)],
                        nb)

    def stage_nidx_async(s, nb, sem):
        r0s = jnp.minimum(s, NSTEPS - 1) * CB
        pltpu.async_copy(nidx_hbm.at[pl.ds((base + r0s) * (NNEG // GCH), NGD)],
                         nb, sem)

    def wait_nidx(nb, sem):
        pltpu.make_async_copy(nidx_hbm.at[pl.ds(0, NGD)], nb, sem).wait()

    def issue_gathers(nb, rows, sem):
        return [pltpu.async_copy(ent_hbm.at[nb.at[j]],
                                 rows.at[pl.ds(j * GCH, GCH)], sem)
                for j in range(NGD)]

    def wait_gathers(nb, rows, sem):
        for j in range(NGD):
            pltpu.make_async_copy(ent_hbm.at[nb.at[j]],
                                  rows.at[pl.ds(j * GCH, GCH)], sem).wait()

    def issue_pos(r0):
        sel = jnp.minimum(r0 + iota, RPW - 1)
        hv = plsc.load_gather(pidx_v, [sel, jnp.full((L,), 0, jnp.int32)])
        rv = plsc.load_gather(pidx_v, [sel, jnp.full((L,), 1, jnp.int32)])
        tv = plsc.load_gather(pidx_v, [sel, jnp.full((L,), 2, jnp.int32)])
        pltpu.async_copy(ent_hbm.at[hv], prow_a, psem_a)
        pltpu.async_copy(rel_hbm.at[rv], rrow_a, psem_a)
        pltpu.async_copy(ent_hbm.at[tv], trow_a, psem_a)

    def wait_pos():
        for ref in (prow_a, rrow_a, trow_a):
            tbl = ent_hbm if ref is not rrow_a else rel_hbm
            pltpu.make_async_copy(tbl.at[iota], ref, psem_a).wait()

    def pos_compute(h):
        r0 = h * CB
        rbase = (h % 4) * CB
        psc = jnp.zeros((L,), jnp.float32)
        for i in range(CB):
            acc = jnp.zeros((L,), jnp.float32)
            for k in range(D // L):
                hrk = (prow_a[rbase + i, pl.ds(k * L, L)]
                       * rrow_a[rbase + i, pl.ds(k * L, L)])
                acc = acc + hrk * trow_a[rbase + i, pl.ds(k * L, L)]
                hrext[i, pl.ds(k * L, L)] = hrk
                hrext[i, pl.ds(D + k * L, L)] = hrk
            psc = jnp.where(iota == i, jnp.sum(acc), psc)
        plsc.store_scatter(posbuf, [jnp.minimum(r0 + iota, RPW - 1)], psc,
                           mask=iota < CB)

    def neg_compute(h, rows_v, nout_v):
        zf = jnp.zeros((L,), jnp.float32)
        for i in range(CB):
            for gb in range(3):
                nbase = i * NNEG + gb * 4 * L
                ids = [nbase + gg * L + iota for gg in range(4)]

                def dbody(d, carry, i=i, ids=ids, rows_v=rows_v):
                    a0, a1, a2, a3, col = carry
                    hb = hrext[i, pl.ds(d, L)]
                    a = [a0, a1, a2, a3]
                    for gg in range(4):
                        v = plsc.load_gather(rows_v, [ids[gg], col])
                        a[gg] = a[gg] + hb * v
                    return (a[0], a[1], a[2], a[3],
                            (col + 1) & (D - 1))

                a0, a1, a2, a3, _ = plsc.parallel_loop(
                    0, D, carry=(zf, zf, zf, zf, iota))(dbody)
                for gg, agg in enumerate((a0, a1, a2, a3)):
                    plsc.store_scatter(nout_v, [ids[gg]], agg)
            pos0 = i * NNEG + 12 * L
            ids_t = jnp.minimum(pos0 + iota, CHUNK - 1)
            mask_t = (pos0 + iota) < (i + 1) * NNEG

            def tbody(d, carry, i=i, ids_t=ids_t, rows_v=rows_v):
                acc, col = carry
                hb = hrext[i, pl.ds(d, L)]
                v = plsc.load_gather(rows_v, [ids_t, col])
                return (acc + hb * v, (col + 1) & (D - 1))

            acc_t, _ = plsc.parallel_loop(0, D, carry=(zf, iota))(tbody)
            plsc.store_scatter(nout_v, [ids_t], acc_t, mask=mask_t)

    def wait_nout(cur):
        pltpu.make_async_copy(nout_[cur],
                              neg_hbm.at[pl.ds(0, CHUNK)], osem_[cur]).wait()

    def substep(p, h, cur, last_issue_guard):
        nx = 1 - cur
        def _issue():
            wait_nidx(nidx_[nx], isem_[nx])
            issue_gathers(nidx_[nx], rows_[nx], nsem_[nx])
        if last_issue_guard is None:
            _issue()
        else:
            pl.when(last_issue_guard)(_issue)
        pl.when(h % 4 == 0)(wait_pos)
        pos_compute(h)
        pl.when(h % 4 == 3)(lambda: issue_pos((h + 1) * CB))
        wait_gathers(nidx_[cur], rows_[cur], nsem_[cur])
        stage_nidx_async(h + 2, nidx_[cur], isem_[cur])
        pl.when(p > 0)(lambda: wait_nout(cur))
        neg_compute(h, rows_[cur], nout_[cur])
        pltpu.async_copy(nout_[cur],
                         neg_hbm.at[pl.ds((base + h * CB) * NNEG, CHUNK)],
                         osem_[cur])

    stage_nidx(0, nidx_a)
    issue_gathers(nidx_a, rows_a, sem_a)
    issue_pos(0)
    stage_nidx_async(1, nidx_b, isem_b)

    def pair(p, carry):
        substep(p, 2 * p, 0, None)
        substep(p, 2 * p + 1, 1, p < NSTEPS // 2 - 1)
        return carry

    lax.fori_loop(0, NSTEPS // 2, pair, 0)
    wait_nout(0)
    wait_nout(1)
    wait_nidx(nidx_a, isem_a)
    wait_nidx(nidx_b, isem_b)
    wait_pos()
    pltpu.sync_copy(posbuf, pos_hbm.at[pl.ds(base, RPW)])


@functools.partial(
    pl.kernel,
    out_type=(jax.ShapeDtypeStruct((B,), jnp.float32),
              jax.ShapeDtypeStruct((B * NNEG,), jnp.float32)),
    mesh=plsc.VectorSubcoreMesh(core_axis_name="c", subcore_axis_name="s",
                                num_cores=NC, num_subcores=NS),
    compiler_params=pltpu.CompilerParams(needs_layout_passes=False,
                                         use_tc_tiling_on_sc=False),
    scratch_types=[
        pltpu.VMEM((RPW, 3), jnp.int32),
        pltpu.VMEM((RPW,), jnp.float32),
        pltpu.VMEM((CB, 2 * D), jnp.float32),
        pltpu.VMEM((L, D), jnp.float32),
        pltpu.VMEM((L, D), jnp.float32),
        pltpu.VMEM((L, D), jnp.float32),
        pltpu.VMEM((NGD, GCH), jnp.int32),
        pltpu.VMEM((NGD, GCH), jnp.int32),
        pltpu.VMEM((CHUNK, D), jnp.float32),
        pltpu.VMEM((CHUNK, D), jnp.float32),
        pltpu.VMEM((CHUNK,), jnp.float32),
        pltpu.VMEM((CHUNK,), jnp.float32),
        pltpu.SemaphoreType.DMA,
        pltpu.SemaphoreType.DMA,
        pltpu.SemaphoreType.DMA,
        pltpu.SemaphoreType.DMA,
        pltpu.SemaphoreType.DMA,
        pltpu.SemaphoreType.DMA,
        pltpu.SemaphoreType.DMA,
    ],
)
def _distmult_sc(ent_hbm, rel_hbm, pidx_hbm, nidx_hbm,
                 pos_hbm, neg_hbm, *scratch):
    _body(ent_hbm, rel_hbm, pidx_hbm, nidx_hbm,
          pos_hbm, neg_hbm, *scratch)


def kernel(positive, negative, entity_embedding, relation_embedding):
    nidx = negative.astype(jnp.int32).reshape(B * NNEG // GCH, GCH)
    pos, negf = _distmult_sc(entity_embedding, relation_embedding,
                             positive.astype(jnp.int32), nidx)
    return pos, negf.reshape(B, NNEG)

# --- scband reference (transcript-rebuilt; emitter-appended) ---
"""Pipeline reference for scband-dist-mult-51616916963970 (READ-ONLY COPY).

The authoritative reference and input builder live on the scoring server;
editing this copy changes nothing except your own understanding.
"""

import jax, jax.numpy as jnp
import numpy as np

NENTITY = 1000000
NRELATION = 1000
HIDDEN_DIM = 64
BATCH = 16384
NNEG = 200

def setup_inputs(seed: int = 0) -> dict:
    key = jax.random.key(seed)
    k1, k2, k3, k4 = jax.random.split(key, 4)
    positive = jax.random.randint(k1, (BATCH, 3), 0, 1000, dtype=jnp.int64 if jax.config.jax_enable_x64 else jnp.int32).astype(jnp.int32)
    negative = jax.random.randint(k2, (BATCH, NNEG), 0, NENTITY).astype(jnp.int32)
    # xavier_uniform init for embedding tables
    lim_e = float(np.sqrt(6.0 / (NENTITY + HIDDEN_DIM)))
    lim_r = float(np.sqrt(6.0 / (NRELATION + HIDDEN_DIM)))
    entity_embedding = jax.random.uniform(k3, (NENTITY, HIDDEN_DIM), minval=-lim_e, maxval=lim_e, dtype=jnp.float32)
    relation_embedding = jax.random.uniform(k4, (NRELATION, HIDDEN_DIM), minval=-lim_r, maxval=lim_r, dtype=jnp.float32)
    return {"positive": positive, "negative": negative, "entity_embedding": entity_embedding, "relation_embedding": relation_embedding}

def reference(positive, negative, entity_embedding, relation_embedding):
    # DistMult: score(h, r, t) = sum(h * r * t)
    head = jnp.take(entity_embedding, positive[:, 0], axis=0)       # [B, d]
    relation = jnp.take(relation_embedding, positive[:, 1], axis=0)  # [B, d]
    tail = jnp.take(entity_embedding, positive[:, 2], axis=0)       # [B, d]
    positive_score = jnp.sum(head * relation * tail, axis=-1)        # [B]
    neg_tail = jnp.take(entity_embedding, negative, axis=0)          # [B, N, d]
    hr = head * relation                                             # [B, d]
    negative_score = jnp.sum(hr[:, None, :] * neg_tail, axis=-1)     # [B, N]
    return positive_score, negative_score

if __name__ == "__main__":
    import jax
    _d = setup_inputs()
    print(jax.jit(kernel)(*tuple(_d.values())))

</pallas_src>

<mosaic_0001>
#map = affine_map<(d0, d1) -> (0, 0)>
#map1 = affine_map<(d0, d1) -> (0)>
module attributes {stable_mosaic.version = 14 : i64} {
  func.func @_distmult_sc(%arg0: i32, %arg1: i32, %arg2: memref<1000000x64xf32, #tpu.memory_space<hbm>>, %arg3: memref<1000x64xf32, #tpu.memory_space<hbm>>, %arg4: memref<16384x3xi32, #tpu.memory_space<hbm>>, %arg5: memref<32768x100xi32, #tpu.memory_space<hbm>>, %arg6: memref<16384xf32, #tpu.memory_space<hbm>>, %arg7: memref<3276800xf32, #tpu.memory_space<hbm>>, %arg8: memref<512x3xi32, #tpu.memory_space<vmem>>, %arg9: memref<512xf32, #tpu.memory_space<vmem>>, %arg10: memref<4x128xf32, #tpu.memory_space<vmem>>, %arg11: memref<16x64xf32, #tpu.memory_space<vmem>>, %arg12: memref<16x64xf32, #tpu.memory_space<vmem>>, %arg13: memref<16x64xf32, #tpu.memory_space<vmem>>, %arg14: memref<8x100xi32, #tpu.memory_space<vmem>>, %arg15: memref<8x100xi32, #tpu.memory_space<vmem>>, %arg16: memref<800x64xf32, #tpu.memory_space<vmem>>, %arg17: memref<800x64xf32, #tpu.memory_space<vmem>>, %arg18: memref<800xf32, #tpu.memory_space<vmem>>, %arg19: memref<800xf32, #tpu.memory_space<vmem>>, %arg20: memref<!tpu.dma_semaphore, #tpu.memory_space<semaphore_mem>>, %arg21: memref<!tpu.dma_semaphore, #tpu.memory_space<semaphore_mem>>, %arg22: memref<!tpu.dma_semaphore, #tpu.memory_space<semaphore_mem>>, %arg23: memref<!tpu.dma_semaphore, #tpu.memory_space<semaphore_mem>>, %arg24: memref<!tpu.dma_semaphore, #tpu.memory_space<semaphore_mem>>, %arg25: memref<!tpu.dma_semaphore, #tpu.memory_space<semaphore_mem>>, %arg26: memref<!tpu.dma_semaphore, #tpu.memory_space<semaphore_mem>>) attributes {dimension_semantics = [#tpu.dimension_semantics<core_parallel>, #tpu.dimension_semantics<subcore_parallel>], iteration_bounds = array<i64: 2, 16>, scalar_prefetch = 0 : i64, scratch_operands = 19 : i64, tpu.core_type = #tpu.core_type<sc_vector_subcore>, window_params = [{transform_indices = #map}, {transform_indices = #map}, {transform_indices = #map}, {transform_indices = #map}, {transform_indices = #map1}, {transform_indices = #map1}]} {
    %mul3A = arith.constant 2 : i32
    %mul3A_0 = arith.muli %arg1, %mul3A : i32
    %add3A = arith.addi %mul3A_0, %arg0 : i32
    %mul3A_1 = arith.constant 512 : i32
    %mul3A_2 = arith.muli %add3A, %mul3A_1 : i32
    "tpu.region"() ({
      %run_scoped3A = tpu.sem_alloc : memref<!tpu.dma_semaphore, #tpu.memory_space<semaphore_mem>>
      %dma_start3A_156 = arith.constant 0 : i32
      %dma_start3A_157 = tpu.memref_slice %arg4[%mul3A_2, %dma_start3A_156] : memref<16384x3xi32, #tpu.memory_space<hbm>> -> memref<512x3xi32, #tpu.memory_space<hbm>>
      %dma_start3A_158 = arith.constant 0 : i32
      %dma_start3A_159 = tpu.memref_slice %arg4[%mul3A_2, %dma_start3A_158] : memref<16384x3xi32, #tpu.memory_space<hbm>> -> memref<512x3xi32, #tpu.memory_space<hbm>>
      tpu.enqueue_dma source(%dma_start3A_159 : memref<512x3xi32, #tpu.memory_space<hbm>>) target(%arg8 : memref<512x3xi32, #tpu.memory_space<vmem>>) target_semaphore(%run_scoped3A : memref<!tpu.dma_semaphore, #tpu.memory_space<semaphore_mem>>)
      %dma_wait3A_160 = arith.constant 0 : i32
      %dma_wait3A_161 = tpu.memref_slice %arg4[%mul3A_2, %dma_wait3A_160] : memref<16384x3xi32, #tpu.memory_space<hbm>> -> memref<512x3xi32, #tpu.memory_space<hbm>>
      %dma_wait3A_162 = arith.constant 0 : i32
      %dma_wait3A_163 = tpu.memref_slice %arg4[%mul3A_2, %dma_wait3A_162] : memref<16384x3xi32, #tpu.memory_space<hbm>> -> memref<512x3xi32, #tpu.memory_space<hbm>>
      tpu.wait_dma2 semaphore(%run_scoped3A : memref<!tpu.dma_semaphore, #tpu.memory_space<semaphore_mem>>) src(%dma_wait3A_163 : memref<512x3xi32, #tpu.memory_space<hbm>>) dst(%arg8 : memref<512x3xi32, #tpu.memory_space<vmem>>)
      tpu.yield
    }) : () -> ()
    %iota3A = tpu.iota {dimensions = array<i32: 0>} : vector<16xi32>
    %min3A = arith.constant 0 : i32
    %min3A_3 = arith.constant 127 : i32
    %min3A_4 = arith.minsi %min3A, %min3A_3 : i32
    %mul3A_5 = arith.constant 4 : i32
    %mul3A_6 = arith.muli %min3A_4, %mul3A_5 : i32
    %add3A_7 = arith.addi %mul3A_2, %mul3A_6 : i32
    %mul3A_8 = arith.constant 2 : i32
    %mul3A_9 = arith.muli %add3A_7, %mul3A_8 : i32
    "tpu.region"() ({
      %run_scoped3A = tpu.sem_alloc : memref<!tpu.dma_semaphore, #tpu.memory_space<semaphore_mem>>
      %dma_start3A_156 = arith.constant 0 : i32
      %dma_start3A_157 = tpu.memref_slice %arg5[%mul3A_9, %dma_start3A_156] : memref<32768x100xi32, #tpu.memory_space<hbm>> -> memref<8x100xi32, #tpu.memory_space<hbm>>
      %dma_start3A_158 = arith.constant 0 : i32
      %dma_start3A_159 = tpu.memref_slice %arg5[%mul3A_9, %dma_start3A_158] : memref<32768x100xi32, #tpu.memory_space<hbm>> -> memref<8x100xi32, #tpu.memory_space<hbm>>
      tpu.enqueue_dma source(%dma_start3A_159 : memref<8x100xi32, #tpu.memory_space<hbm>>) target(%arg14 : memref<8x100xi32, #tpu.memory_space<vmem>>) target_semaphore(%run_scoped3A : memref<!tpu.dma_semaphore, #tpu.memory_space<semaphore_mem>>)
      %dma_wait3A_160 = arith.constant 0 : i32
      %dma_wait3A_161 = tpu.memref_slice %arg5[%mul3A_9, %dma_wait3A_160] : memref<32768x100xi32, #tpu.memory_space<hbm>> -> memref<8x100xi32, #tpu.memory_space<hbm>>
      %dma_wait3A_162 = arith.constant 0 : i32
      %dma_wait3A_163 = tpu.memref_slice %arg5[%mul3A_9, %dma_wait3A_162] : memref<32768x100xi32, #tpu.memory_space<hbm>> -> memref<8x100xi32, #tpu.memory_space<hbm>>
      tpu.wait_dma2 semaphore(%run_scoped3A : memref<!tpu.dma_semaphore, #tpu.memory_space<semaphore_mem>>) src(%dma_wait3A_163 : memref<8x100xi32, #tpu.memory_space<hbm>>) dst(%arg14 : memref<8x100xi32, #tpu.memory_space<vmem>>)
      tpu.yield
    }) : () -> ()
    %dma_start3A = arith.constant 0 : i32
    %dma_start3A_10 = arith.constant 0 : i32
    %dma_start3A_11 = arith.constant 0 : i32
    %dma_start3A_12 = tpu.memref_slice %arg16[%dma_start3A_10, %dma_start3A_11] : memref<800x64xf32, #tpu.memory_space<vmem>> -> memref<100x64xf32, #tpu.memory_space<vmem>>
    %dma_start3A_13 = arith.constant 0 : i32
    %dma_start3A_14 = tpu.memref_slice %arg14[%dma_start3A, %dma_start3A_13] : memref<8x100xi32, #tpu.memory_space<vmem>> -> memref<1x100xi32, #tpu.memory_space<vmem>>
    %dma_start3A_15 = tpu.memref_squeeze %dma_start3A_14 : memref<1x100xi32, #tpu.memory_space<vmem>> -> memref<100xi32, #tpu.memory_space<vmem>>
    %dma_start3A_16 = arith.constant 0 : i32
    %dma_start3A_17 = arith.constant 0 : i32
    %dma_start3A_18 = tpu.memref_slice %arg2[%dma_start3A_16, %dma_start3A_17] : memref<1000000x64xf32, #tpu.memory_space<hbm>> -> memref<1000000x64xf32, #tpu.memory_space<hbm>>
    tpu.enqueue_indirect_dma source(%dma_start3A_18 : memref<1000000x64xf32, #tpu.memory_space<hbm>>) target(%dma_start3A_12 : memref<100x64xf32, #tpu.memory_space<vmem>>) offsets(%dma_start3A_15 : memref<100xi32, #tpu.memory_space<vmem>>) semaphore(%arg21 : memref<!tpu.dma_semaphore, #tpu.memory_space<semaphore_mem>>)
    %dma_start3A_19 = arith.constant 1 : i32
    %dma_start3A_20 = arith.constant 100 : i32
    %dma_start3A_21 = arith.constant 0 : i32
    %dma_start3A_22 = tpu.memref_slice %arg16[%dma_start3A_20, %dma_start3A_21] : memref<800x64xf32, #tpu.memory_space<vmem>> -> memref<100x64xf32, #tpu.memory_space<vmem>>
    %dma_start3A_23 = arith.constant 0 : i32
    %dma_start3A_24 = tpu.memref_slice %arg14[%dma_start3A_19, %dma_start3A_23] : memref<8x100xi32, #tpu.memory_space<vmem>> -> memref<1x100xi32, #tpu.memory_space<vmem>>
    %dma_start3A_25 = tpu.memref_squeeze %dma_start3A_24 : memref<1x100xi32, #tpu.memory_space<vmem>> -> memref<100xi32, #tpu.memory_space<vmem>>
    %dma_start3A_26 = arith.constant 0 : i32
    %dma_start3A_27 = arith.constant 0 : i32
    %dma_start3A_28 = tpu.memref_slice %arg2[%dma_start3A_26, %dma_start3A_27] : memref<1000000x64xf32, #tpu.memory_space<hbm>> -> memref<1000000x64xf32, #tpu.memory_space<hbm>>
    tpu.enqueue_indirect_dma source(%dma_start3A_28 : memref<1000000x64xf32, #tpu.memory_space<hbm>>) target(%dma_start3A_22 : memref<100x64xf32, #tpu.memory_space<vmem>>) offsets(%dma_start3A_25 : memref<100xi32, #tpu.memory_space<vmem>>) semaphore(%arg21 : memref<!tpu.dma_semaphore, #tpu.memory_space<semaphore_mem>>)
    %dma_start3A_29 = arith.constant 2 : i32
    %dma_start3A_30 = arith.constant 200 : i32
    %dma_start3A_31 = arith.constant 0 : i32
    %dma_start3A_32 = tpu.memref_slice %arg16[%dma_start3A_30, %dma_start3A_31] : memref<800x64xf32, #tpu.memory_space<vmem>> -> memref<100x64xf32, #tpu.memory_space<vmem>>
    %dma_start3A_33 = arith.constant 0 : i32
    %dma_start3A_34 = tpu.memref_slice %arg14[%dma_start3A_29, %dma_start3A_33] : memref<8x100xi32, #tpu.memory_space<vmem>> -> memref<1x100xi32, #tpu.memory_space<vmem>>
    %dma_start3A_35 = tpu.memref_squeeze %dma_start3A_34 : memref<1x100xi32, #tpu.memory_space<vmem>> -> memref<100xi32, #tpu.memory_space<vmem>>
    %dma_start3A_36 = arith.constant 0 : i32
    %dma_start3A_37 = arith.constant 0 : i32
    %dma_start3A_38 = tpu.memref_slice %arg2[%dma_start3A_36, %dma_start3A_37] : memref<1000000x64xf32, #tpu.memory_space<hbm>> -> memref<1000000x64xf32, #tpu.memory_space<hbm>>
    tpu.enqueue_indirect_dma source(%dma_start3A_38 : memref<1000000x64xf32, #tpu.memory_space<hbm>>) target(%dma_start3A_32 : memref<100x64xf32, #tpu.memory_space<vmem>>) offsets(%dma_start3A_35 : memref<100xi32, #tpu.memory_space<vmem>>) semaphore(%arg21 : memref<!tpu.dma_semaphore, #tpu.memory_space<semaphore_mem>>)
    %dma_start3A_39 = arith.constant 3 : i32
    %dma_start3A_40 = arith.constant 300 : i32
    %dma_start3A_41 = arith.constant 0 : i32
    %dma_start3A_42 = tpu.memref_slice %arg16[%dma_start3A_40, %dma_start3A_41] : memref<800x64xf32, #tpu.memory_space<vmem>> -> memref<100x64xf32, #tpu.memory_space<vmem>>
    %dma_start3A_43 = arith.constant 0 : i32
    %dma_start3A_44 = tpu.memref_slice %arg14[%dma_start3A_39, %dma_start3A_43] : memref<8x100xi32, #tpu.memory_space<vmem>> -> memref<1x100xi32, #tpu.memory_space<vmem>>
    %dma_start3A_45 = tpu.memref_squeeze %dma_start3A_44 : memref<1x100xi32, #tpu.memory_space<vmem>> -> memref<100xi32, #tpu.memory_space<vmem>>
    %dma_start3A_46 = arith.constant 0 : i32
    %dma_start3A_47 = arith.constant 0 : i32
    %dma_start3A_48 = tpu.memref_slice %arg2[%dma_start3A_46, %dma_start3A_47] : memref<1000000x64xf32, #tpu.memory_space<hbm>> -> memref<1000000x64xf32, #tpu.memory_space<hbm>>
    tpu.enqueue_indirect_dma source(%dma_start3A_48 : memref<1000000x64xf32, #tpu.memory_space<hbm>>) target(%dma_start3A_42 : memref<100x64xf32, #tpu.memory_space<vmem>>) offsets(%dma_start3A_45 : memref<100xi32, #tpu.memory_space<vmem>>) semaphore(%arg21 : memref<!tpu.dma_semaphore, #tpu.memory_space<semaphore_mem>>)
    %dma_start3A_49 = arith.constant 4 : i32
    %dma_start3A_50 = arith.constant 400 : i32
    %dma_start3A_51 = arith.constant 0 : i32
    %dma_start3A_52 = tpu.memref_slice %arg16[%dma_start3A_50, %dma_start3A_51] : memref<800x64xf32, #tpu.memory_space<vmem>> -> memref<100x64xf32, #tpu.memory_space<vmem>>
    %dma_start3A_53 = arith.constant 0 : i32
    %dma_start3A_54 = tpu.memref_slice %arg14[%dma_start3A_49, %dma_start3A_53] : memref<8x100xi32, #tpu.memory_space<vmem>> -> memref<1x100xi32, #tpu.memory_space<vmem>>
    %dma_start3A_55 = tpu.memref_squeeze %dma_start3A_54 : memref<1x100xi32, #tpu.memory_space<vmem>> -> memref<100xi32, #tpu.memory_space<vmem>>
    %dma_start3A_56 = arith.constant 0 : i32
    %dma_start3A_57 = arith.constant 0 : i32
    %dma_start3A_58 = tpu.memref_slice %arg2[%dma_start3A_56, %dma_start3A_57] : memref<1000000x64xf32, #tpu.memory_space<hbm>> -> memref<1000000x64xf32, #tpu.memory_space<hbm>>
    tpu.enqueue_indirect_dma source(%dma_start3A_58 : memref<1000000x64xf32, #tpu.memory_space<hbm>>) target(%dma_start3A_52 : memref<100x64xf32, #tpu.memory_space<vmem>>) offsets(%dma_start3A_55 : memref<100xi32, #tpu.memory_space<vmem>>) semaphore(%arg21 : memref<!tpu.dma_semaphore, #tpu.memory_space<semaphore_mem>>)
    %dma_start3A_59 = arith.constant 5 : i32
    %dma_start3A_60 = arith.constant 500 : i32
    %dma_start3A_61 = arith.constant 0 : i32
    %dma_start3A_62 = tpu.memref_slice %arg16[%dma_start3A_60, %dma_start3A_61] : memref<800x64xf32, #tpu.memory_space<vmem>> -> memref<100x64xf32, #tpu.memory_space<vmem>>
    %dma_start3A_63 = arith.constant 0 : i32
    %dma_start3A_64 = tpu.memref_slice %arg14[%dma_start3A_59, %dma_start3A_63] : memref<8x100xi32, #tpu.memory_space<vmem>> -> memref<1x100xi32, #tpu.memory_space<vmem>>
    %dma_start3A_65 = tpu.memref_squeeze %dma_start3A_64 : memref<1x100xi32, #tpu.memory_space<vmem>> -> memref<100xi32, #tpu.memory_space<vmem>>
    %dma_start3A_66 = arith.constant 0 : i32
    %dma_start3A_67 = arith.constant 0 : i32
    %dma_start3A_68 = tpu.memref_slice %arg2[%dma_start3A_66, %dma_start3A_67] : memref<1000000x64xf32, #tpu.memory_space<hbm>> -> memref<1000000x64xf32, #tpu.memory_space<hbm>>
    tpu.enqueue_indirect_dma source(%dma_start3A_68 : memref<1000000x64xf32, #tpu.memory_space<hbm>>) target(%dma_start3A_62 : memref<100x64xf32, #tpu.memory_space<vmem>>) offsets(%dma_start3A_65 : memref<100xi32, #tpu.memory_space<vmem>>) semaphore(%arg21 : memref<!tpu.dma_semaphore, #tpu.memory_space<semaphore_mem>>)
    %dma_start3A_69 = arith.constant 6 : i32
    %dma_start3A_70 = arith.constant 600 : i32
    %dma_start3A_71 = arith.constant 0 : i32
    %dma_start3A_72 = tpu.memref_slice %arg16[%dma_start3A_70, %dma_start3A_71] : memref<800x64xf32, #tpu.memory_space<vmem>> -> memref<100x64xf32, #tpu.memory_space<vmem>>
    %dma_start3A_73 = arith.constant 0 : i32
    %dma_start3A_74 = tpu.memref_slice %arg14[%dma_start3A_69, %dma_start3A_73] : memref<8x100xi32, #tpu.memory_space<vmem>> -> memref<1x100xi32, #tpu.memory_space<vmem>>
    %dma_start3A_75 = tpu.memref_squeeze %dma_start3A_74 : memref<1x100xi32, #tpu.memory_space<vmem>> -> memref<100xi32, #tpu.memory_space<vmem>>
    %dma_start3A_76 = arith.constant 0 : i32
    %dma_start3A_77 = arith.constant 0 : i32
    %dma_start3A_78 = tpu.memref_slice %arg2[%dma_start3A_76, %dma_start3A_77] : memref<1000000x64xf32, #tpu.memory_space<hbm>> -> memref<1000000x64xf32, #tpu.memory_space<hbm>>
    tpu.enqueue_indirect_dma source(%dma_start3A_78 : memref<1000000x64xf32, #tpu.memory_space<hbm>>) target(%dma_start3A_72 : memref<100x64xf32, #tpu.memory_space<vmem>>) offsets(%dma_start3A_75 : memref<100xi32, #tpu.memory_space<vmem>>) semaphore(%arg21 : memref<!tpu.dma_semaphore, #tpu.memory_space<semaphore_mem>>)
    %dma_start3A_79 = arith.constant 7 : i32
    %dma_start3A_80 = arith.constant 700 : i32
    %dma_start3A_81 = arith.constant 0 : i32
    %dma_start3A_82 = tpu.memref_slice %arg16[%dma_start3A_80, %dma_start3A_81] : memref<800x64xf32, #tpu.memory_space<vmem>> -> memref<100x64xf32, #tpu.memory_space<vmem>>
    %dma_start3A_83 = arith.constant 0 : i32
    %dma_start3A_84 = tpu.memref_slice %arg14[%dma_start3A_79, %dma_start3A_83] : memref<8x100xi32, #tpu.memory_space<vmem>> -> memref<1x100xi32, #tpu.memory_space<vmem>>
    %dma_start3A_85 = tpu.memref_squeeze %dma_start3A_84 : memref<1x100xi32, #tpu.memory_space<vmem>> -> memref<100xi32, #tpu.memory_space<vmem>>
    %dma_start3A_86 = arith.constant 0 : i32
    %dma_start3A_87 = arith.constant 0 : i32
    %dma_start3A_88 = tpu.memref_slice %arg2[%dma_start3A_86, %dma_start3A_87] : memref<1000000x64xf32, #tpu.memory_space<hbm>> -> memref<1000000x64xf32, #tpu.memory_space<hbm>>
    tpu.enqueue_indirect_dma source(%dma_start3A_88 : memref<1000000x64xf32, #tpu.memory_space<hbm>>) target(%dma_start3A_82 : memref<100x64xf32, #tpu.memory_space<vmem>>) offsets(%dma_start3A_85 : memref<100xi32, #tpu.memory_space<vmem>>) semaphore(%arg21 : memref<!tpu.dma_semaphore, #tpu.memory_space<semaphore_mem>>)
    %add3A_89 = arith.constant 0 : i32
    %add3A_90 = vector.broadcast %add3A_89 : i32 to vector<16xi32>
    %add3A_91 = arith.addi %add3A_90, %iota3A : vector<16xi32>
    %min3A_92 = arith.constant 511 : i32
    %min3A_93 = vector.broadcast %min3A_92 : i32 to vector<16xi32>
    %min3A_94 = arith.minsi %add3A_91, %min3A_93 : vector<16xi32>
    %broadcast_in_dim3A = arith.constant 0 : i32
    %broadcast_in_dim3A_95 = vector.broadcast %broadcast_in_dim3A : i32 to vector<16xi32>
    %gather3A = tpu.vector_load_idx %arg8[%min3A_94, %broadcast_in_dim3A_95] : memref<512x3xi32, #tpu.memory_space<vmem>>[vector<16xi32>, vector<16xi32>], vector<16xi32>,
    %broadcast_in_dim3A_96 = arith.constant 1 : i32
    %broadcast_in_dim3A_97 = vector.broadcast %broadcast_in_dim3A_96 : i32 to vector<16xi32>
    %gather3A_98 = tpu.vector_load_idx %arg8[%min3A_94, %broadcast_in_dim3A_97] : memref<512x3xi32, #tpu.memory_space<vmem>>[vector<16xi32>, vector<16xi32>], vector<16xi32>,
    %broadcast_in_dim3A_99 = arith.constant 2 : i32
    %broadcast_in_dim3A_100 = vector.broadcast %broadcast_in_dim3A_99 : i32 to vector<16xi32>
    %gather3A_101 = tpu.vector_load_idx %arg8[%min3A_94, %broadcast_in_dim3A_100] : memref<512x3xi32, #tpu.memory_space<vmem>>[vector<16xi32>, vector<16xi32>], vector<16xi32>,
    %dma_start3A_102 = arith.constant 0 : i32
    %dma_start3A_103 = arith.constant 0 : i32
    %dma_start3A_104 = tpu.memref_slice %arg2[%dma_start3A_102, %dma_start3A_103] : memref<1000000x64xf32, #tpu.memory_space<hbm>> -> memref<1000000x64xf32, #tpu.memory_space<hbm>>
    tpu.enqueue_indirect_dma source(%dma_start3A_104 : memref<1000000x64xf32, #tpu.memory_space<hbm>>) target(%arg11 : memref<16x64xf32, #tpu.memory_space<vmem>>) offsets(%gather3A : vector<16xi32>) semaphore(%arg20 : memref<!tpu.dma_semaphore, #tpu.memory_space<semaphore_mem>>)
    %dma_start3A_105 = arith.constant 0 : i32
    %dma_start3A_106 = arith.constant 0 : i32
    %dma_start3A_107 = tpu.memref_slice %arg3[%dma_start3A_105, %dma_start3A_106] : memref<1000x64xf32, #tpu.memory_space<hbm>> -> memref<1000x64xf32, #tpu.memory_space<hbm>>
    tpu.enqueue_indirect_dma source(%dma_start3A_107 : memref<1000x64xf32, #tpu.memory_space<hbm>>) target(%arg12 : memref<16x64xf32, #tpu.memory_space<vmem>>) offsets(%gather3A_98 : vector<16xi32>) semaphore(%arg20 : memref<!tpu.dma_semaphore, #tpu.memory_space<semaphore_mem>>)
    %dma_start3A_108 = arith.constant 0 : i32
    %dma_start3A_109 = arith.constant 0 : i32
    %dma_start3A_110 = tpu.memref_slice %arg2[%dma_start3A_108, %dma_start3A_109] : memref<1000000x64xf32, #tpu.memory_space<hbm>> -> memref<1000000x64xf32, #tpu.memory_space<hbm>>
    tpu.enqueue_indirect_dma source(%dma_start3A_110 : memref<1000000x64xf32, #tpu.memory_space<hbm>>) target(%arg13 : memref<16x64xf32, #tpu.memory_space<vmem>>) offsets(%gather3A_101 : vector<16xi32>) semaphore(%arg20 : memref<!tpu.dma_semaphore, #tpu.memory_space<semaphore_mem>>)
    %min3A_111 = arith.constant 1 : i32
    %min3A_112 = arith.constant 127 : i32
    %min3A_113 = arith.minsi %min3A_111, %min3A_112 : i32
    %mul3A_114 = arith.constant 4 : i32
    %mul3A_115 = arith.muli %min3A_113, %mul3A_114 : i32
    %add3A_116 = arith.addi %mul3A_2, %mul3A_115 : i32
    %mul3A_117 = arith.constant 2 : i32
    %mul3A_118 = arith.muli %add3A_116, %mul3A_117 : i32
    %dma_start3A_119 = arith.constant 0 : i32
    %dma_start3A_120 = tpu.memref_slice %arg5[%mul3A_118, %dma_start3A_119] : memref<32768x100xi32, #tpu.memory_space<hbm>> -> memref<8x100xi32, #tpu.memory_space<hbm>>
    %dma_start3A_121 = arith.constant 0 : i32
    %dma_start3A_122 = tpu.memref_slice %arg5[%mul3A_118, %dma_start3A_121] : memref<32768x100xi32, #tpu.memory_space<hbm>> -> memref<8x100xi32, #tpu.memory_space<hbm>>
    tpu.enqueue_dma source(%dma_start3A_122 : memref<8x100xi32, #tpu.memory_space<hbm>>) target(%arg15 : memref<8x100xi32, #tpu.memory_space<vmem>>) target_semaphore(%arg26 : memref<!tpu.dma_semaphore, #tpu.memory_space<semaphore_mem>>)
    %scan3A = arith.constant 0 : i32
    %scan3A_123 = arith.constant 0 : i32
    %scan3A_124 = arith.constant 64 : i32
    %scan3A_125 = arith.addi %scan3A_123, %scan3A_124 : i32
    %scan3A_126 = arith.constant 1 : i32
    scf.for %scan3A_156 = %scan3A_123 to %scan3A_125 step %scan3A_126  : i32 {
      %mul3A_157 = arith.constant 2 : i32
      %mul3A_158 = arith.muli %mul3A_157, %scan3A_156 : i32
      %dma_wait3A_159 = arith.constant 0 : i32
      %dma_wait3A_160 = arith.constant 0 : i32
      %dma_wait3A_161 = tpu.memref_slice %arg5[%dma_wait3A_159, %dma_wait3A_160] : memref<32768x100xi32, #tpu.memory_space<hbm>> -> memref<8x100xi32, #tpu.memory_space<hbm>>
      %dma_wait3A_162 = arith.constant 0 : i32
      %dma_wait3A_163 = arith.constant 0 : i32
      %dma_wait3A_164 = tpu.memref_slice %arg5[%dma_wait3A_162, %dma_wait3A_163] : memref<32768x100xi32, #tpu.memory_space<hbm>> -> memref<8x100xi32, #tpu.memory_space<hbm>>
      tpu.wait_dma2 semaphore(%arg26 : memref<!tpu.dma_semaphore, #tpu.memory_space<semaphore_mem>>) src(%dma_wait3A_164 : memref<8x100xi32, #tpu.memory_space<hbm>>) dst(%arg15 : memref<8x100xi32, #tpu.memory_space<vmem>>)
      %dma_start3A_165 = arith.constant 0 : i32
      %dma_start3A_166 = arith.constant 0 : i32
      %dma_start3A_167 = arith.constant 0 : i32
      %dma_start3A_168 = tpu.memref_slice %arg17[%dma_start3A_166, %dma_start3A_167] : memref<800x64xf32, #tpu.memory_space<vmem>> -> memref<100x64xf32, #tpu.memory_space<vmem>>
      %dma_start3A_169 = arith.constant 0 : i32
      %dma_start3A_170 = tpu.memref_slice %arg15[%dma_start3A_165, %dma_start3A_169] : memref<8x100xi32, #tpu.memory_space<vmem>> -> memref<1x100xi32, #tpu.memory_space<vmem>>
      %dma_start3A_171 = tpu.memref_squeeze %dma_start3A_170 : memref<1x100xi32, #tpu.memory_space<vmem>> -> memref<100xi32, #tpu.memory_space<vmem>>
      %dma_start3A_172 = arith.constant 0 : i32
      %dma_start3A_173 = arith.constant 0 : i32
      %dma_start3A_174 = tpu.memref_slice %arg2[%dma_start3A_172, %dma_start3A_173] : memref<1000000x64xf32, #tpu.memory_space<hbm>> -> memref<1000000x64xf32, #tpu.memory_space<hbm>>
      tpu.enqueue_indirect_dma source(%dma_start3A_174 : memref<1000000x64xf32, #tpu.memory_space<hbm>>) target(%dma_start3A_168 : memref<100x64xf32, #tpu.memory_space<vmem>>) offsets(%dma_start3A_171 : memref<100xi32, #tpu.memory_space<vmem>>) semaphore(%arg22 : memref<!tpu.dma_semaphore, #tpu.memory_space<semaphore_mem>>)
      %dma_start3A_175 = arith.constant 1 : i32
      %dma_start3A_176 = arith.constant 100 : i32
      %dma_start3A_177 = arith.constant 0 : i32
      %dma_start3A_178 = tpu.memref_slice %arg17[%dma_start3A_176, %dma_start3A_177] : memref<800x64xf32, #tpu.memory_space<vmem>> -> memref<100x64xf32, #tpu.memory_space<vmem>>
      %dma_start3A_179 = arith.constant 0 : i32
      %dma_start3A_180 = tpu.memref_slice %arg15[%dma_start3A_175, %dma_start3A_179] : memref<8x100xi32, #tpu.memory_space<vmem>> -> memref<1x100xi32, #tpu.memory_space<vmem>>
      %dma_start3A_181 = tpu.memref_squeeze %dma_start3A_180 : memref<1x100xi32, #tpu.memory_space<vmem>> -> memref<100xi32, #tpu.memory_space<vmem>>
      %dma_start3A_182 = arith.constant 0 : i32
      %dma_start3A_183 = arith.constant 0 : i32
      %dma_start3A_184 = tpu.memref_slice %arg2[%dma_start3A_182, %dma_start3A_183] : memref<1000000x64xf32, #tpu.memory_space<hbm>> -> memref<1000000x64xf32, #tpu.memory_space<hbm>>
      tpu.enqueue_indirect_dma source(%dma_start3A_184 : memref<1000000x64xf32, #tpu.memory_space<hbm>>) target(%dma_start3A_178 : memref<100x64xf32, #tpu.memory_space<vmem>>) offsets(%dma_start3A_181 : memref<100xi32, #tpu.memory_space<vmem>>) semaphore(%arg22 : memref<!tpu.dma_semaphore, #tpu.memory_space<semaphore_mem>>)
      %dma_start3A_185 = arith.constant 2 : i32
      %dma_start3A_186 = arith.constant 200 : i32
      %dma_start3A_187 = arith.constant 0 : i32
      %dma_start3A_188 = tpu.memref_slice %arg17[%dma_start3A_186, %dma_start3A_187] : memref<800x64xf32, #tpu.memory_space<vmem>> -> memref<100x64xf32, #tpu.memory_space<vmem>>
      %dma_start3A_189 = arith.constant 0 : i32
      %dma_start3A_190 = tpu.memref_slice %arg15[%dma_start3A_185, %dma_start3A_189] : memref<8x100xi32, #tpu.memory_space<vmem>> -> memref<1x100xi32, #tpu.memory_space<vmem>>
      %dma_start3A_191 = tpu.memref_squeeze %dma_start3A_190 : memref<1x100xi32, #tpu.memory_space<vmem>> -> memref<100xi32, #tpu.memory_space<vmem>>
      %dma_start3A_192 = arith.constant 0 : i32
      %dma_start3A_193 = arith.constant 0 : i32
      %dma_start3A_194 = tpu.memref_slice %arg2[%dma_start3A_192, %dma_start3A_193] : memref<1000000x64xf32, #tpu.memory_space<hbm>> -> memref<1000000x64xf32, #tpu.memory_space<hbm>>
      tpu.enqueue_indirect_dma source(%dma_start3A_194 : memref<1000000x64xf32, #tpu.memory_space<hbm>>) target(%dma_start3A_188 : memref<100x64xf32, #tpu.memory_space<vmem>>) offsets(%dma_start3A_191 : memref<100xi32, #tpu.memory_space<vmem>>) semaphore(%arg22 : memref<!tpu.dma_semaphore, #tpu.memory_space<semaphore_mem>>)
      %dma_start3A_195 = arith.constant 3 : i32
      %dma_start3A_196 = arith.constant 300 : i32
      %dma_start3A_197 = arith.constant 0 : i32
      %dma_start3A_198 = tpu.memref_slice %arg17[%dma_start3A_196, %dma_start3A_197] : memref<800x64xf32, #tpu.memory_space<vmem>> -> memref<100x64xf32, #tpu.memory_space<vmem>>
      %dma_start3A_199 = arith.constant 0 : i32
      %dma_start3A_200 = tpu.memref_slice %arg15[%dma_start3A_195, %dma_start3A_199] : memref<8x100xi32, #tpu.memory_space<vmem>> -> memref<1x100xi32, #tpu.memory_space<vmem>>
      %dma_start3A_201 = tpu.memref_squeeze %dma_start3A_200 : memref<1x100xi32, #tpu.memory_space<vmem>> -> memref<100xi32, #tpu.memory_space<vmem>>
      %dma_start3A_202 = arith.constant 0 : i32
      %dma_start3A_203 = arith.constant 0 : i32
      %dma_start3A_204 = tpu.memref_slice %arg2[%dma_start3A_202, %dma_start3A_203] : memref<1000000x64xf32, #tpu.memory_space<hbm>> -> memref<1000000x64xf32, #tpu.memory_space<hbm>>
      tpu.enqueue_indirect_dma source(%dma_start3A_204 : memref<1000000x64xf32, #tpu.memory_space<hbm>>) target(%dma_start3A_198 : memref<100x64xf32, #tpu.memory_space<vmem>>) offsets(%dma_start3A_201 : memref<100xi32, #tpu.memory_space<vmem>>) semaphore(%arg22 : memref<!tpu.dma_semaphore, #tpu.memory_space<semaphore_mem>>)
      %dma_start3A_205 = arith.constant 4 : i32
      %dma_start3A_206 = arith.constant 400 : i32
      %dma_start3A_207 = arith.constant 0 : i32
      %dma_start3A_208 = tpu.memref_slice %arg17[%dma_start3A_206, %dma_start3A_207] : memref<800x64xf32, #tpu.memory_space<vmem>> -> memref<100x64xf32, #tpu.memory_space<vmem>>
      %dma_start3A_209 = arith.constant 0 : i32
      %dma_start3A_210 = tpu.memref_slice %arg15[%dma_start3A_205, %dma_start3A_209] : memref<8x100xi32, #tpu.memory_space<vmem>> -> memref<1x100xi32, #tpu.memory_space<vmem>>
      %dma_start3A_211 = tpu.memref_squeeze %dma_start3A_210 : memref<1x100xi32, #tpu.memory_space<vmem>> -> memref<100xi32, #tpu.memory_space<vmem>>
      %dma_start3A_212 = arith.constant 0 : i32
      %dma_start3A_213 = arith.constant 0 : i32
      %dma_start3A_214 = tpu.memref_slice %arg2[%dma_start3A_212, %dma_start3A_213] : memref<1000000x64xf32, #tpu.memory_space<hbm>> -> memref<1000000x64xf32, #tpu.memory_space<hbm>>
      tpu.enqueue_indirect_dma source(%dma_start3A_214 : memref<1000000x64xf32, #tpu.memory_space<hbm>>) target(%dma_start3A_208 : memref<100x64xf32, #tpu.memory_space<vmem>>) offsets(%dma_start3A_211 : memref<100xi32, #tpu.memory_space<vmem>>) semaphore(%arg22 : memref<!tpu.dma_semaphore, #tpu.memory_space<semaphore_mem>>)
      %dma_start3A_215 = arith.constant 5 : i32
      %dma_start3A_216 = arith.constant 500 : i32
      %dma_start3A_217 = arith.constant 0 : i32
      %dma_start3A_218 = tpu.memref_slice %arg17[%dma_start3A_216, %dma_start3A_217] : memref<800x64xf32, #tpu.memory_space<vmem>> -> memref<100x64xf32, #tpu.memory_space<vmem>>
      %dma_start3A_219 = arith.constant 0 : i32
      %dma_start3A_220 = tpu.memref_slice %arg15[%dma_start3A_215, %dma_start3A_219] : memref<8x100xi32, #tpu.memory_space<vmem>> -> memref<1x100xi32, #tpu.memory_space<vmem>>
      %dma_start3A_221 = tpu.memref_squeeze %dma_start3A_220 : memref<1x100xi32, #tpu.memory_space<vmem>> -> memref<100xi32, #tpu.memory_space<vmem>>
      %dma_start3A_222 = arith.constant 0 : i32
      %dma_start3A_223 = arith.constant 0 : i32
      %dma_start3A_224 = tpu.memref_slice %arg2[%dma_start3A_222, %dma_start3A_223] : memref<1000000x64xf32, #tpu.memory_space<hbm>> -> memref<1000000x64xf32, #tpu.memory_space<hbm>>
      tpu.enqueue_indirect_dma source(%dma_start3A_224 : memref<1000000x64xf32, #tpu.memory_space<hbm>>) target(%dma_start3A_218 : memref<100x64xf32, #tpu.memory_space<vmem>>) offsets(%dma_start3A_221 : memref<100xi32, #tpu.memory_space<vmem>>) semaphore(%arg22 : memref<!tpu.dma_semaphore, #tpu.memory_space<semaphore_mem>>)
      %dma_start3A_225 = arith.constant 6 : i32
      %dma_start3A_226 = arith.constant 600 : i32
      %dma_start3A_227 = arith.constant 0 : i32
      %dma_start3A_228 = tpu.memref_slice %arg17[%dma_start3A_226, %dma_start3A_227] : memref<800x64xf32, #tpu.memory_space<vmem>> -> memref<100x64xf32, #tpu.memory_space<vmem>>
      %dma_start3A_229 = arith.constant 0 : i32
      %dma_start3A_230 = tpu.memref_slice %arg15[%dma_start3A_225, %dma_start3A_229] : memref<8x100xi32, #tpu.memory_space<vmem>> -> memref<1x100xi32, #tpu.memory_space<vmem>>
      %dma_start3A_231 = tpu.memref_squeeze %dma_start3A_230 : memref<1x100xi32, #tpu.memory_space<vmem>> -> memref<100xi32, #tpu.memory_space<vmem>>
      %dma_start3A_232 = arith.constant 0 : i32
      %dma_start3A_233 = arith.constant 0 : i32
      %dma_start3A_234 = tpu.memref_slice %arg2[%dma_start3A_232, %dma_start3A_233] : memref<1000000x64xf32, #tpu.memory_space<hbm>> -> memref<1000000x64xf32, #tpu.memory_space<hbm>>
      tpu.enqueue_indirect_dma source(%dma_start3A_234 : memref<1000000x64xf32, #tpu.memory_space<hbm>>) target(%dma_start3A_228 : memref<100x64xf32, #tpu.memory_space<vmem>>) offsets(%dma_start3A_231 : memref<100xi32, #tpu.memory_space<vmem>>) semaphore(%arg22 : memref<!tpu.dma_semaphore, #tpu.memory_space<semaphore_mem>>)
      %dma_start3A_235 = arith.constant 7 : i32
      %dma_start3A_236 = arith.constant 700 : i32
      %dma_start3A_237 = arith.constant 0 : i32
      %dma_start3A_238 = tpu.memref_slice %arg17[%dma_start3A_236, %dma_start3A_237] : memref<800x64xf32, #tpu.memory_space<vmem>> -> memref<100x64xf32, #tpu.memory_space<vmem>>
      %dma_start3A_239 = arith.constant 0 : i32
      %dma_start3A_240 = tpu.memref_slice %arg15[%dma_start3A_235, %dma_start3A_239] : memref<8x100xi32, #tpu.memory_space<vmem>> -> memref<1x100xi32, #tpu.memory_space<vmem>>
      %dma_start3A_241 = tpu.memref_squeeze %dma_start3A_240 : memref<1x100xi32, #tpu.memory_space<vmem>> -> memref<100xi32, #tpu.memory_space<vmem>>
      %dma_start3A_242 = arith.constant 0 : i32
      %dma_start3A_243 = arith.constant 0 : i32
      %dma_start3A_244 = tpu.memref_slice %arg2[%dma_start3A_242, %dma_start3A_243] : memref<1000000x64xf32, #tpu.memory_space<hbm>> -> memref<1000000x64xf32, #tpu.memory_space<hbm>>
      tpu.enqueue_indirect_dma source(%dma_start3A_244 : memref<1000000x64xf32, #tpu.memory_space<hbm>>) target(%dma_start3A_238 : memref<100x64xf32, #tpu.memory_space<vmem>>) offsets(%dma_start3A_241 : memref<100xi32, #tpu.memory_space<vmem>>) semaphore(%arg22 : memref<!tpu.dma_semaphore, #tpu.memory_space<semaphore_mem>>)
      %jit3A = arith.constant 4 : i32
      %eq3A = arith.constant 0 : i32
      %eq3A_245 = arith.cmpi eq, %jit3A, %eq3A : i32
      %jit3A_246 = arith.constant 1 : i32
      %select_n3A = arith.select %eq3A_245, %jit3A_246, %jit3A : i32
      %rem3A = arith.remsi %mul3A_158, %select_n3A : i32
      %ne3A = arith.constant 0 : i32
      %ne3A_247 = arith.cmpi ne, %rem3A, %ne3A : i32
      %lt3A = arith.constant 0 : i32
      %lt3A_248 = arith.cmpi slt, %rem3A, %lt3A : i32
      %lt3A_249 = arith.constant 0 : i32
      %lt3A_250 = arith.cmpi slt, %select_n3A, %lt3A_249 : i32
      %ne3A_251 = arith.xori %lt3A_248, %lt3A_250 : i1
      %and3A = arith.andi %ne3A_251, %ne3A_247 : i1
      %add3A_252 = arith.addi %rem3A, %select_n3A : i32
      %select_n3A_253 = arith.select %and3A, %add3A_252, %rem3A : i32
      %eq3A_254 = arith.constant 0 : i32
      %eq3A_255 = arith.cmpi eq, %select_n3A_253, %eq3A_254 : i32
      %convert_element_type3A = arith.extui %eq3A_255 : i1 to i32
      %cond3A = arith.constant 0 : i32
      %cond3A_256 = arith.cmpi ne, %convert_element_type3A, %cond3A : i32
      scf.if %cond3A_256 {
        %dma_wait3A_2030 = arith.constant 0 : i32
        %dma_wait3A_2031 = arith.constant 0 : i32
        %dma_wait3A_2032 = tpu.memref_slice %arg2[%dma_wait3A_2030, %dma_wait3A_2031] : memref<1000000x64xf32, #tpu.memory_space<hbm>> -> memref<1000000x64xf32, #tpu.memory_space<hbm>>
        tpu.wait_indirect_dma semaphore(%arg20 : memref<!tpu.dma_semaphore, #tpu.memory_space<semaphore_mem>>) src(%dma_wait3A_2032 : memref<1000000x64xf32, #tpu.memory_space<hbm>>) dst(%arg11 : memref<16x64xf32, #tpu.memory_space<vmem>>)
        %dma_wait3A_2033 = arith.constant 0 : i32
        %dma_wait3A_2034 = arith.constant 0 : i32
        %dma_wait3A_2035 = tpu.memref_slice %arg3[%dma_wait3A_2033, %dma_wait3A_2034] : memref<1000x64xf32, #tpu.memory_space<hbm>> -> memref<1000x64xf32, #tpu.memory_space<hbm>>
        tpu.wait_indirect_dma semaphore(%arg20 : memref<!tpu.dma_semaphore, #tpu.memory_space<semaphore_mem>>) src(%dma_wait3A_2035 : memref<1000x64xf32, #tpu.memory_space<hbm>>) dst(%arg12 : memref<16x64xf32, #tpu.memory_space<vmem>>)
        %dma_wait3A_2036 = arith.constant 0 : i32
        %dma_wait3A_2037 = arith.constant 0 : i32
        %dma_wait3A_2038 = tpu.memref_slice %arg2[%dma_wait3A_2036, %dma_wait3A_2037] : memref<1000000x64xf32, #tpu.memory_space<hbm>> -> memref<1000000x64xf32, #tpu.memory_space<hbm>>
        tpu.wait_indirect_dma semaphore(%arg20 : memref<!tpu.dma_semaphore, #tpu.memory_space<semaphore_mem>>) src(%dma_wait3A_2038 : memref<1000000x64xf32, #tpu.memory_space<hbm>>) dst(%arg13 : memref<16x64xf32, #tpu.memory_space<vmem>>)
      } else {
      }
      %mul3A_257 = arith.constant 4 : i32
      %mul3A_258 = arith.muli %mul3A_158, %mul3A_257 : i32
      %jit3A_259 = arith.constant 4 : i32
      %eq3A_260 = arith.constant 0 : i32
      %eq3A_261 = arith.cmpi eq, %jit3A_259, %eq3A_260 : i32
      %jit3A_262 = arith.constant 1 : i32
      %select_n3A_263 = arith.select %eq3A_261, %jit3A_262, %jit3A_259 : i32
      %rem3A_264 = arith.remsi %mul3A_158, %select_n3A_263 : i32
      %ne3A_265 = arith.constant 0 : i32
      %ne3A_266 = arith.cmpi ne, %rem3A_264, %ne3A_265 : i32
      %lt3A_267 = arith.constant 0 : i32
      %lt3A_268 = arith.cmpi slt, %rem3A_264, %lt3A_267 : i32
      %lt3A_269 = arith.constant 0 : i32
      %lt3A_270 = arith.cmpi slt, %select_n3A_263, %lt3A_269 : i32
      %ne3A_271 = arith.xori %lt3A_268, %lt3A_270 : i1
      %and3A_272 = arith.andi %ne3A_271, %ne3A_266 : i1
      %add3A_273 = arith.addi %rem3A_264, %select_n3A_263 : i32
      %select_n3A_274 = arith.select %and3A_272, %add3A_273, %rem3A_264 : i32
      %mul3A_275 = arith.constant 4 : i32
      %mul3A_276 = arith.muli %select_n3A_274, %mul3A_275 : i32
      %broadcast_in_dim3A_277 = arith.constant 0.000000e+00 : f32
      %broadcast_in_dim3A_278 = vector.broadcast %broadcast_in_dim3A_277 : f32 to vector<16xf32>
      %broadcast_in_dim3A_279 = arith.constant 0.000000e+00 : f32
      %broadcast_in_dim3A_280 = vector.broadcast %broadcast_in_dim3A_279 : f32 to vector<16xf32>
      %add3A_281 = arith.constant 0 : i32
      %add3A_282 = arith.addi %mul3A_276, %add3A_281 : i32
      %get3A = arith.index_cast %add3A_282 : i32 to index
      %get3A_283 = arith.constant 0 : index
      %get3A_284 = tpu.vector_load %arg11[%get3A, %get3A_283] {strides = array<i32>} : memref<16x64xf32, #tpu.memory_space<vmem>>, vector<16xf32>,
      %add3A_285 = arith.constant 0 : i32
      %add3A_286 = arith.addi %mul3A_276, %add3A_285 : i32
      %get3A_287 = arith.index_cast %add3A_286 : i32 to index
      %get3A_288 = arith.constant 0 : index
      %get3A_289 = tpu.vector_load %arg12[%get3A_287, %get3A_288] {strides = array<i32>} : memref<16x64xf32, #tpu.memory_space<vmem>>, vector<16xf32>,
      %mul3A_290 = arith.mulf %get3A_284, %get3A_289 : vector<16xf32>
      %add3A_291 = arith.constant 0 : i32
      %add3A_292 = arith.addi %mul3A_276, %add3A_291 : i32
      %get3A_293 = arith.index_cast %add3A_292 : i32 to index
      %get3A_294 = arith.constant 0 : index
      %get3A_295 = tpu.vector_load %arg13[%get3A_293, %get3A_294] {strides = array<i32>} : memref<16x64xf32, #tpu.memory_space<vmem>>, vector<16xf32>,
      %mul3A_296 = arith.mulf %mul3A_290, %get3A_295 : vector<16xf32>
      %add3A_297 = arith.addf %broadcast_in_dim3A_280, %mul3A_296 : vector<16xf32>
      %swap3A = arith.constant 0 : i32
      %swap3A_298 = arith.index_cast %swap3A : i32 to index
      %swap3A_299 = arith.constant 0 : index
      %swap3A_300 = tpu.vector_load %arg10[%swap3A_298, %swap3A_299] {strides = array<i32>} : memref<4x128xf32, #tpu.memory_space<vmem>>, vector<16xf32>,
      tpu.vector_store %arg10[%swap3A_298, %swap3A_299], %mul3A_290 {strides = array<i32>} : memref<4x128xf32, #tpu.memory_space<vmem>>, vector<16xf32>,
      %swap3A_301 = arith.constant 0 : i32
      %swap3A_302 = arith.index_cast %swap3A_301 : i32 to index
      %swap3A_303 = arith.constant 64 : index
      %swap3A_304 = tpu.vector_load %arg10[%swap3A_302, %swap3A_303] {strides = array<i32>} : memref<4x128xf32, #tpu.memory_space<vmem>>, vector<16xf32>,
      tpu.vector_store %arg10[%swap3A_302, %swap3A_303], %mul3A_290 {strides = array<i32>} : memref<4x128xf32, #tpu.memory_space<vmem>>, vector<16xf32>,
      %add3A_305 = arith.constant 0 : i32
      %add3A_306 = arith.addi %mul3A_276, %add3A_305 : i32
      %get3A_307 = arith.index_cast %add3A_306 : i32 to index
      %get3A_308 = arith.constant 16 : index
      %get3A_309 = tpu.vector_load %arg11[%get3A_307, %get3A_308] {strides = array<i32>} : memref<16x64xf32, #tpu.memory_space<vmem>>, vector<16xf32>,
      %add3A_310 = arith.constant 0 : i32
      %add3A_311 = arith.addi %mul3A_276, %add3A_310 : i32
      %get3A_312 = arith.index_cast %add3A_311 : i32 to index
      %get3A_313 = arith.constant 16 : index
      %get3A_314 = tpu.vector_load %arg12[%get3A_312, %get3A_313] {strides = array<i32>} : memref<16x64xf32, #tpu.memory_space<vmem>>, vector<16xf32>,
      %mul3A_315 = arith.mulf %get3A_309, %get3A_314 : vector<16xf32>
      %add3A_316 = arith.constant 0 : i32
      %add3A_317 = arith.addi %mul3A_276, %add3A_316 : i32
      %get3A_318 = arith.index_cast %add3A_317 : i32 to index
      %get3A_319 = arith.constant 16 : index
      %get3A_320 = tpu.vector_load %arg13[%get3A_318, %get3A_319] {strides = array<i32>} : memref<16x64xf32, #tpu.memory_space<vmem>>, vector<16xf32>,
      %mul3A_321 = arith.mulf %mul3A_315, %get3A_320 : vector<16xf32>
      %add3A_322 = arith.addf %add3A_297, %mul3A_321 : vector<16xf32>
      %swap3A_323 = arith.constant 0 : i32
      %swap3A_324 = arith.index_cast %swap3A_323 : i32 to index
      %swap3A_325 = arith.constant 16 : index
      %swap3A_326 = tpu.vector_load %arg10[%swap3A_324, %swap3A_325] {strides = array<i32>} : memref<4x128xf32, #tpu.memory_space<vmem>>, vector<16xf32>,
      tpu.vector_store %arg10[%swap3A_324, %swap3A_325], %mul3A_315 {strides = array<i32>} : memref<4x128xf32, #tpu.memory_space<vmem>>, vector<16xf32>,
      %swap3A_327 = arith.constant 0 : i32
      %swap3A_328 = arith.index_cast %swap3A_327 : i32 to index
      %swap3A_329 = arith.constant 80 : index
      %swap3A_330 = tpu.vector_load %arg10[%swap3A_328, %swap3A_329] {strides = array<i32>} : memref<4x128xf32, #tpu.memory_space<vmem>>, vector<16xf32>,
      tpu.vector_store %arg10[%swap3A_328, %swap3A_329], %mul3A_315 {strides = array<i32>} : memref<4x128xf32, #tpu.memory_space<vmem>>, vector<16xf32>,
      %add3A_331 = arith.constant 0 : i32
      %add3A_332 = arith.addi %mul3A_276, %add3A_331 : i32
      %get3A_333 = arith.index_cast %add3A_332 : i32 to index
      %get3A_334 = arith.constant 32 : index
      %get3A_335 = tpu.vector_load %arg11[%get3A_333, %get3A_334] {strides = array<i32>} : memref<16x64xf32, #tpu.memory_space<vmem>>, vector<16xf32>,
      %add3A_336 = arith.constant 0 : i32
      %add3A_337 = arith.addi %mul3A_276, %add3A_336 : i32
      %get3A_338 = arith.index_cast %add3A_337 : i32 to index
      %get3A_339 = arith.constant 32 : index
      %get3A_340 = tpu.vector_load %arg12[%get3A_338, %get3A_339] {strides = array<i32>} : memref<16x64xf32, #tpu.memory_space<vmem>>, vector<16xf32>,
      %mul3A_341 = arith.mulf %get3A_335, %get3A_340 : vector<16xf32>
      %add3A_342 = arith.constant 0 : i32
      %add3A_343 = arith.addi %mul3A_276, %add3A_342 : i32
      %get3A_344 = arith.index_cast %add3A_343 : i32 to index
      %get3A_345 = arith.constant 32 : index
      %get3A_346 = tpu.vector_load %arg13[%get3A_344, %get3A_345] {strides = array<i32>} : memref<16x64xf32, #tpu.memory_space<vmem>>, vector<16xf32>,
      %mul3A_347 = arith.mulf %mul3A_341, %get3A_346 : vector<16xf32>
      %add3A_348 = arith.addf %add3A_322, %mul3A_347 : vector<16xf32>
      %swap3A_349 = arith.constant 0 : i32
      %swap3A_350 = arith.index_cast %swap3A_349 : i32 to index
      %swap3A_351 = arith.constant 32 : index
      %swap3A_352 = tpu.vector_load %arg10[%swap3A_350, %swap3A_351] {strides = array<i32>} : memref<4x128xf32, #tpu.memory_space<vmem>>, vector<16xf32>,
      tpu.vector_store %arg10[%swap3A_350, %swap3A_351], %mul3A_341 {strides = array<i32>} : memref<4x128xf32, #tpu.memory_space<vmem>>, vector<16xf32>,
      %swap3A_353 = arith.constant 0 : i32
      %swap3A_354 = arith.index_cast %swap3A_353 : i32 to index
      %swap3A_355 = arith.constant 96 : index
      %swap3A_356 = tpu.vector_load %arg10[%swap3A_354, %swap3A_355] {strides = array<i32>} : memref<4x128xf32, #tpu.memory_space<vmem>>, vector<16xf32>,
      tpu.vector_store %arg10[%swap3A_354, %swap3A_355], %mul3A_341 {strides = array<i32>} : memref<4x128xf32, #tpu.memory_space<vmem>>, vector<16xf32>,
      %add3A_357 = arith.constant 0 : i32
      %add3A_358 = arith.addi %mul3A_276, %add3A_357 : i32
      %get3A_359 = arith.index_cast %add3A_358 : i32 to index
      %get3A_360 = arith.constant 48 : index
      %get3A_361 = tpu.vector_load %arg11[%get3A_359, %get3A_360] {strides = array<i32>} : memref<16x64xf32, #tpu.memory_space<vmem>>, vector<16xf32>,
      %add3A_362 = arith.constant 0 : i32
      %add3A_363 = arith.addi %mul3A_276, %add3A_362 : i32
      %get3A_364 = arith.index_cast %add3A_363 : i32 to index
      %get3A_365 = arith.constant 48 : index
      %get3A_366 = tpu.vector_load %arg12[%get3A_364, %get3A_365] {strides = array<i32>} : memref<16x64xf32, #tpu.memory_space<vmem>>, vector<16xf32>,
      %mul3A_367 = arith.mulf %get3A_361, %get3A_366 : vector<16xf32>
      %add3A_368 = arith.constant 0 : i32
      %add3A_369 = arith.addi %mul3A_276, %add3A_368 : i32
      %get3A_370 = arith.index_cast %add3A_369 : i32 to index
      %get3A_371 = arith.constant 48 : index
      %get3A_372 = tpu.vector_load %arg13[%get3A_370, %get3A_371] {strides = array<i32>} : memref<16x64xf32, #tpu.memory_space<vmem>>, vector<16xf32>,
      %mul3A_373 = arith.mulf %mul3A_367, %get3A_372 : vector<16xf32>
      %add3A_374 = arith.addf %add3A_348, %mul3A_373 : vector<16xf32>
      %swap3A_375 = arith.constant 0 : i32
      %swap3A_376 = arith.index_cast %swap3A_375 : i32 to index
      %swap3A_377 = arith.constant 48 : index
      %swap3A_378 = tpu.vector_load %arg10[%swap3A_376, %swap3A_377] {strides = array<i32>} : memref<4x128xf32, #tpu.memory_space<vmem>>, vector<16xf32>,
      tpu.vector_store %arg10[%swap3A_376, %swap3A_377], %mul3A_367 {strides = array<i32>} : memref<4x128xf32, #tpu.memory_space<vmem>>, vector<16xf32>,
      %swap3A_379 = arith.constant 0 : i32
      %swap3A_380 = arith.index_cast %swap3A_379 : i32 to index
      %swap3A_381 = arith.constant 112 : index
      %swap3A_382 = tpu.vector_load %arg10[%swap3A_380, %swap3A_381] {strides = array<i32>} : memref<4x128xf32, #tpu.memory_space<vmem>>, vector<16xf32>,
      tpu.vector_store %arg10[%swap3A_380, %swap3A_381], %mul3A_367 {strides = array<i32>} : memref<4x128xf32, #tpu.memory_space<vmem>>, vector<16xf32>,
      %eq3A_383 = arith.constant 0 : i32
      %eq3A_384 = vector.broadcast %eq3A_383 : i32 to vector<16xi32>
      %eq3A_385 = arith.cmpi eq, %iota3A, %eq3A_384 : vector<16xi32>
      %reduce_sum3A = arith.constant true
      %reduce_sum3A_386 = vector.broadcast %reduce_sum3A : i1 to vector<16xi1>
      %reduce_sum3A_387 = tpu.scan <sum>, %add3A_374 masked %reduce_sum3A_386 : vector<16xf32>, vector<16xi1> -> vector<16xf32>
      %reduce_sum3A_388 = vector.extract %reduce_sum3A_387[15] : f32 from vector<16xf32>
      %broadcast_in_dim3A_389 = vector.broadcast %reduce_sum3A_388 : f32 to vector<16xf32>
      %select_n3A_390 = arith.select %eq3A_385, %broadcast_in_dim3A_389, %broadcast_in_dim3A_278 : vector<16xi1>, vector<16xf32>
      %broadcast_in_dim3A_391 = arith.constant 0.000000e+00 : f32
      %broadcast_in_dim3A_392 = vector.broadcast %broadcast_in_dim3A_391 : f32 to vector<16xf32>
      %add3A_393 = arith.constant 1 : i32
      %add3A_394 = arith.addi %mul3A_276, %add3A_393 : i32
      %get3A_395 = arith.index_cast %add3A_394 : i32 to index
      %get3A_396 = arith.constant 0 : index
      %get3A_397 = tpu.vector_load %arg11[%get3A_395, %get3A_396] {strides = array<i32>} : memref<16x64xf32, #tpu.memory_space<vmem>>, vector<16xf32>,
      %add3A_398 = arith.constant 1 : i32
      %add3A_399 = arith.addi %mul3A_276, %add3A_398 : i32
      %get3A_400 = arith.index_cast %add3A_399 : i32 to index
      %get3A_401 = arith.constant 0 : index
      %get3A_402 = tpu.vector_load %arg12[%get3A_400, %get3A_401] {strides = array<i32>} : memref<16x64xf32, #tpu.memory_space<vmem>>, vector<16xf32>,
      %mul3A_403 = arith.mulf %get3A_397, %get3A_402 : vector<16xf32>
      %add3A_404 = arith.constant 1 : i32
      %add3A_405 = arith.addi %mul3A_276, %add3A_404 : i32
      %get3A_406 = arith.index_cast %add3A_405 : i32 to index
      %get3A_407 = arith.constant 0 : index
      %get3A_408 = tpu.vector_load %arg13[%get3A_406, %get3A_407] {strides = array<i32>} : memref<16x64xf32, #tpu.memory_space<vmem>>, vector<16xf32>,
      %mul3A_409 = arith.mulf %mul3A_403, %get3A_408 : vector<16xf32>
      %add3A_410 = arith.addf %broadcast_in_dim3A_392, %mul3A_409 : vector<16xf32>
      %swap3A_411 = arith.constant 1 : i32
      %swap3A_412 = arith.index_cast %swap3A_411 : i32 to index
      %swap3A_413 = arith.constant 0 : index
      %swap3A_414 = tpu.vector_load %arg10[%swap3A_412, %swap3A_413] {strides = array<i32>} : memref<4x128xf32, #tpu.memory_space<vmem>>, vector<16xf32>,
      tpu.vector_store %arg10[%swap3A_412, %swap3A_413], %mul3A_403 {strides = array<i32>} : memref<4x128xf32, #tpu.memory_space<vmem>>, vector<16xf32>,
      %swap3A_415 = arith.constant 1 : i32
      %swap3A_416 = arith.index_cast %swap3A_415 : i32 to index
      %swap3A_417 = arith.constant 64 : index
      %swap3A_418 = tpu.vector_load %arg10[%swap3A_416, %swap3A_417] {strides = array<i32>} : memref<4x128xf32, #tpu.memory_space<vmem>>, vector<16xf32>,
      tpu.vector_store %arg10[%swap3A_416, %swap3A_417], %mul3A_403 {strides = array<i32>} : memref<4x128xf32, #tpu.memory_space<vmem>>, vector<16xf32>,
      %add3A_419 = arith.constant 1 : i32
      %add3A_420 = arith.addi %mul3A_276, %add3A_419 : i32
      %get3A_421 = arith.index_cast %add3A_420 : i32 to index
      %get3A_422 = arith.constant 16 : index
      %get3A_423 = tpu.vector_load %arg11[%get3A_421, %get3A_422] {strides = array<i32>} : memref<16x64xf32, #tpu.memory_space<vmem>>, vector<16xf32>,
      %add3A_424 = arith.constant 1 : i32
      %add3A_425 = arith.addi %mul3A_276, %add3A_424 : i32
      %get3A_426 = arith.index_cast %add3A_425 : i32 to index
      %get3A_427 = arith.constant 16 : index
      %get3A_428 = tpu.vector_load %arg12[%get3A_426, %get3A_427] {strides = array<i32>} : memref<16x64xf32, #tpu.memory_space<vmem>>, vector<16xf32>,
      %mul3A_429 = arith.mulf %get3A_423, %get3A_428 : vector<16xf32>
      %add3A_430 = arith.constant 1 : i32
      %add3A_431 = arith.addi %mul3A_276, %add3A_430 : i32
      %get3A_432 = arith.index_cast %add3A_431 : i32 to index
      %get3A_433 = arith.constant 16 : index
      %get3A_434 = tpu.vector_load %arg13[%get3A_432, %get3A_433] {strides = array<i32>} : memref<16x64xf32, #tpu.memory_space<vmem>>, vector<16xf32>,
      %mul3A_435 = arith.mulf %mul3A_429, %get3A_434 : vector<16xf32>
      %add3A_436 = arith.addf %add3A_410, %mul3A_435 : vector<16xf32>
      %swap3A_437 = arith.constant 1 : i32
      %swap3A_438 = arith.index_cast %swap3A_437 : i32 to index
      %swap3A_439 = arith.constant 16 : index
      %swap3A_440 = tpu.vector_load %arg10[%swap3A_438, %swap3A_439] {strides = array<i32>} : memref<4x128xf32, #tpu.memory_space<vmem>>, vector<16xf32>,
      tpu.vector_store %arg10[%swap3A_438, %swap3A_439], %mul3A_429 {strides = array<i32>} : memref<4x128xf32, #tpu.memory_space<vmem>>, vector<16xf32>,
      %swap3A_441 = arith.constant 1 : i32
      %swap3A_442 = arith.index_cast %swap3A_441 : i32 to index
      %swap3A_443 = arith.constant 80 : index
      %swap3A_444 = tpu.vector_load %arg10[%swap3A_442, %swap3A_443] {strides = array<i32>} : memref<4x128xf32, #tpu.memory_space<vmem>>, vector<16xf32>,
      tpu.vector_store %arg10[%swap3A_442, %swap3A_443], %mul3A_429 {strides = array<i32>} : memref<4x128xf32, #tpu.memory_space<vmem>>, vector<16xf32>,
      %add3A_445 = arith.constant 1 : i32
      %add3A_446 = arith.addi %mul3A_276, %add3A_445 : i32
      %get3A_447 = arith.index_cast %add3A_446 : i32 to index
      %get3A_448 = arith.constant 32 : index
      %get3A_449 = tpu.vector_load %arg11[%get3A_447, %get3A_448] {strides = array<i32>} : memref<16x64xf32, #tpu.memory_space<vmem>>, vector<16xf32>,
      %add3A_450 = arith.constant 1 : i32
      %add3A_451 = arith.addi %mul3A_276, %add3A_450 : i32
      %get3A_452 = arith.index_cast %add3A_451 : i32 to index
      %get3A_453 = arith.constant 32 : index
      %get3A_454 = tpu.vector_load %arg12[%get3A_452, %get3A_453] {strides = array<i32>} : memref<16x64xf32, #tpu.memory_space<vmem>>, vector<16xf32>,
      %mul3A_455 = arith.mulf %get3A_449, %get3A_454 : vector<16xf32>
      %add3A_456 = arith.constant 1 : i32
      %add3A_457 = arith.addi %mul3A_276, %add3A_456 : i32
      %get3A_458 = arith.index_cast %add3A_457 : i32 to index
      %get3A_459 = arith.constant 32 : index
      %get3A_460 = tpu.vector_load %arg13[%get3A_458, %get3A_459] {strides = array<i32>} : memref<16x64xf32, #tpu.memory_space<vmem>>, vector<16xf32>,
      %mul3A_461 = arith.mulf %mul3A_455, %get3A_460 : vector<16xf32>
      %add3A_462 = arith.addf %add3A_436, %mul3A_461 : vector<16xf32>
      %swap3A_463 = arith.constant 1 : i32
      %swap3A_464 = arith.index_cast %swap3A_463 : i32 to index
      %swap3A_465 = arith.constant 32 : index
      %swap3A_466 = tpu.vector_load %arg10[%swap3A_464, %swap3A_465] {strides = array<i32>} : memref<4x128xf32, #tpu.memory_space<vmem>>, vector<16xf32>,
      tpu.vector_store %arg10[%swap3A_464, %swap3A_465], %mul3A_455 {strides = array<i32>} : memref<4x128xf32, #tpu.memory_space<vmem>>, vector<16xf32>,
      %swap3A_467 = arith.constant 1 : i32
      %swap3A_468 = arith.index_cast %swap3A_467 : i32 to index
      %swap3A_469 = arith.constant 96 : index
      %swap3A_470 = tpu.vector_load %arg10[%swap3A_468, %swap3A_469] {strides = array<i32>} : memref<4x128xf32, #tpu.memory_space<vmem>>, vector<16xf32>,
      tpu.vector_store %arg10[%swap3A_468, %swap3A_469], %mul3A_455 {strides = array<i32>} : memref<4x128xf32, #tpu.memory_space<vmem>>, vector<16xf32>,
      %add3A_471 = arith.constant 1 : i32
      %add3A_472 = arith.addi %mul3A_276, %add3A_471 : i32
      %get3A_473 = arith.index_cast %add3A_472 : i32 to index
      %get3A_474 = arith.constant 48 : index
      %get3A_475 = tpu.vector_load %arg11[%get3A_473, %get3A_474] {strides = array<i32>} : memref<16x64xf32, #tpu.memory_space<vmem>>, vector<16xf32>,
      %add3A_476 = arith.constant 1 : i32
      %add3A_477 = arith.addi %mul3A_276, %add3A_476 : i32
      %get3A_478 = arith.index_cast %add3A_477 : i32 to index
      %get3A_479 = arith.constant 48 : index
      %get3A_480 = tpu.vector_load %arg12[%get3A_478, %get3A_479] {strides = array<i32>} : memref<16x64xf32, #tpu.memory_space<vmem>>, vector<16xf32>,
      %mul3A_481 = arith.mulf %get3A_475, %get3A_480 : vector<16xf32>
      %add3A_482 = arith.constant 1 : i32
      %add3A_483 = arith.addi %mul3A_276, %add3A_482 : i32
      %get3A_484 = arith.index_cast %add3A_483 : i32 to index
      %get3A_485 = arith.constant 48 : index
      %get3A_486 = tpu.vector_load %arg13[%get3A_484, %get3A_485] {strides = array<i32>} : memref<16x64xf32, #tpu.memory_space<vmem>>, vector<16xf32>,
      %mul3A_487 = arith.mulf %mul3A_481, %get3A_486 : vector<16xf32>
      %add3A_488 = arith.addf %add3A_462, %mul3A_487 : vector<16xf32>
      %swap3A_489 = arith.constant 1 : i32
      %swap3A_490 = arith.index_cast %swap3A_489 : i32 to index
      %swap3A_491 = arith.constant 48 : index
      %swap3A_492 = tpu.vector_load %arg10[%swap3A_490, %swap3A_491] {strides = array<i32>} : memref<4x128xf32, #tpu.memory_space<vmem>>, vector<16xf32>,
      tpu.vector_store %arg10[%swap3A_490, %swap3A_491], %mul3A_481 {strides = array<i32>} : memref<4x128xf32, #tpu.memory_space<vmem>>, vector<16xf32>,
      %swap3A_493 = arith.constant 1 : i32
      %swap3A_494 = arith.index_cast %swap3A_493 : i32 to index
      %swap3A_495 = arith.constant 112 : index
      %swap3A_496 = tpu.vector_load %arg10[%swap3A_494, %swap3A_495] {strides = array<i32>} : memref<4x128xf32, #tpu.memory_space<vmem>>, vector<16xf32>,
      tpu.vector_store %arg10[%swap3A_494, %swap3A_495], %mul3A_481 {strides = array<i32>} : memref<4x128xf32, #tpu.memory_space<vmem>>, vector<16xf32>,
      %eq3A_497 = arith.constant 1 : i32
      %eq3A_498 = vector.broadcast %eq3A_497 : i32 to vector<16xi32>
      %eq3A_499 = arith.cmpi eq, %iota3A, %eq3A_498 : vector<16xi32>
      %reduce_sum3A_500 = arith.constant true
      %reduce_sum3A_501 = vector.broadcast %reduce_sum3A_500 : i1 to vector<16xi1>
      %reduce_sum3A_502 = tpu.scan <sum>, %add3A_488 masked %reduce_sum3A_501 : vector<16xf32>, vector<16xi1> -> vector<16xf32>
      %reduce_sum3A_503 = vector.extract %reduce_sum3A_502[15] : f32 from vector<16xf32>
      %broadcast_in_dim3A_504 = vector.broadcast %reduce_sum3A_503 : f32 to vector<16xf32>
      %select_n3A_505 = arith.select %eq3A_499, %broadcast_in_dim3A_504, %select_n3A_390 : vector<16xi1>, vector<16xf32>
      %broadcast_in_dim3A_506 = arith.constant 0.000000e+00 : f32
      %broadcast_in_dim3A_507 = vector.broadcast %broadcast_in_dim3A_506 : f32 to vector<16xf32>
      %add3A_508 = arith.constant 2 : i32
      %add3A_509 = arith.addi %mul3A_276, %add3A_508 : i32
      %get3A_510 = arith.index_cast %add3A_509 : i32 to index
      %get3A_511 = arith.constant 0 : index
      %get3A_512 = tpu.vector_load %arg11[%get3A_510, %get3A_511] {strides = array<i32>} : memref<16x64xf32, #tpu.memory_space<vmem>>, vector<16xf32>,
      %add3A_513 = arith.constant 2 : i32
      %add3A_514 = arith.addi %mul3A_276, %add3A_513 : i32
      %get3A_515 = arith.index_cast %add3A_514 : i32 to index
      %get3A_516 = arith.constant 0 : index
      %get3A_517 = tpu.vector_load %arg12[%get3A_515, %get3A_516] {strides = array<i32>} : memref<16x64xf32, #tpu.memory_space<vmem>>, vector<16xf32>,
      %mul3A_518 = arith.mulf %get3A_512, %get3A_517 : vector<16xf32>
      %add3A_519 = arith.constant 2 : i32
      %add3A_520 = arith.addi %mul3A_276, %add3A_519 : i32
      %get3A_521 = arith.index_cast %add3A_520 : i32 to index
      %get3A_522 = arith.constant 0 : index
      %get3A_523 = tpu.vector_load %arg13[%get3A_521, %get3A_522] {strides = array<i32>} : memref<16x64xf32, #tpu.memory_space<vmem>>, vector<16xf32>,
      %mul3A_524 = arith.mulf %mul3A_518, %get3A_523 : vector<16xf32>
      %add3A_525 = arith.addf %broadcast_in_dim3A_507, %mul3A_524 : vector<16xf32>
      %swap3A_526 = arith.constant 2 : i32
      %swap3A_527 = arith.index_cast %swap3A_526 : i32 to index
      %swap3A_528 = arith.constant 0 : index
      %swap3A_529 = tpu.vector_load %arg10[%swap3A_527, %swap3A_528] {strides = array<i32>} : memref<4x128xf32, #tpu.memory_space<vmem>>, vector<16xf32>,
      tpu.vector_store %arg10[%swap3A_527, %swap3A_528], %mul3A_518 {strides = array<i32>} : memref<4x128xf32, #tpu.memory_space<vmem>>, vector<16xf32>,
      %swap3A_530 = arith.constant 2 : i32
      %swap3A_531 = arith.index_cast %swap3A_530 : i32 to index
      %swap3A_532 = arith.constant 64 : index
      %swap3A_533 = tpu.vector_load %arg10[%swap3A_531, %swap3A_532] {strides = array<i32>} : memref<4x128xf32, #tpu.memory_space<vmem>>, vector<16xf32>,
      tpu.vector_store %arg10[%swap3A_531, %swap3A_532], %mul3A_518 {strides = array<i32>} : memref<4x128xf32, #tpu.memory_space<vmem>>, vector<16xf32>,
      %add3A_534 = arith.constant 2 : i32
      %add3A_535 = arith.addi %mul3A_276, %add3A_534 : i32
      %get3A_536 = arith.index_cast %add3A_535 : i32 to index
      %get3A_537 = arith.constant 16 : index
      %get3A_538 = tpu.vector_load %arg11[%get3A_536, %get3A_537] {strides = array<i32>} : memref<16x64xf32, #tpu.memory_space<vmem>>, vector<16xf32>,
      %add3A_539 = arith.constant 2 : i32
      %add3A_540 = arith.addi %mul3A_276, %add3A_539 : i32
      %get3A_541 = arith.index_cast %add3A_540 : i32 to index
      %get3A_542 = arith.constant 16 : index
      %get3A_543 = tpu.vector_load %arg12[%get3A_541, %get3A_542] {strides = array<i32>} : memref<16x64xf32, #tpu.memory_space<vmem>>, vector<16xf32>,
      %mul3A_544 = arith.mulf %get3A_538, %get3A_543 : vector<16xf32>
      %add3A_545 = arith.constant 2 : i32
      %add3A_546 = arith.addi %mul3A_276, %add3A_545 : i32
      %get3A_547 = arith.index_cast %add3A_546 : i32 to index
      %get3A_548 = arith.constant 16 : index
      %get3A_549 = tpu.vector_load %arg13[%get3A_547, %get3A_548] {strides = array<i32>} : memref<16x64xf32, #tpu.memory_space<vmem>>, vector<16xf32>,
      %mul3A_550 = arith.mulf %mul3A_544, %get3A_549 : vector<16xf32>
      %add3A_551 = arith.addf %add3A_525, %mul3A_550 : vector<16xf32>
      %swap3A_552 = arith.constant 2 : i32
      %swap3A_553 = arith.index_cast %swap3A_552 : i32 to index
      %swap3A_554 = arith.constant 16 : index
      %swap3A_555 = tpu.vector_load %arg10[%swap3A_553, %swap3A_554] {strides = array<i32>} : memref<4x128xf32, #tpu.memory_space<vmem>>, vector<16xf32>,
      tpu.vector_store %arg10[%swap3A_553, %swap3A_554], %mul3A_544 {strides = array<i32>} : memref<4x128xf32, #tpu.memory_space<vmem>>, vector<16xf32>,
      %swap3A_556 = arith.constant 2 : i32
      %swap3A_557 = arith.index_cast %swap3A_556 : i32 to index
      %swap3A_558 = arith.constant 80 : index
      %swap3A_559 = tpu.vector_load %arg10[%swap3A_557, %swap3A_558] {strides = array<i32>} : memref<4x128xf32, #tpu.memory_space<vmem>>, vector<16xf32>,
      tpu.vector_store %arg10[%swap3A_557, %swap3A_558], %mul3A_544 {strides = array<i32>} : memref<4x128xf32, #tpu.memory_space<vmem>>, vector<16xf32>,
      %add3A_560 = arith.constant 2 : i32
      %add3A_561 = arith.addi %mul3A_276, %add3A_560 : i32
      %get3A_562 = arith.index_cast %add3A_561 : i32 to index
      %get3A_563 = arith.constant 32 : index
      %get3A_564 = tpu.vector_load %arg11[%get3A_562, %get3A_563] {strides = array<i32>} : memref<16x64xf32, #tpu.memory_space<vmem>>, vector<16xf32>,
      %add3A_565 = arith.constant 2 : i32
      %add3A_566 = arith.addi %mul3A_276, %add3A_565 : i32
      %get3A_567 = arith.index_cast %add3A_566 : i32 to index
      %get3A_568 = arith.constant 32 : index
      %get3A_569 = tpu.vector_load %arg12[%get3A_567, %get3A_568] {strides = array<i32>} : memref<16x64xf32, #tpu.memory_space<vmem>>, vector<16xf32>,
      %mul3A_570 = arith.mulf %get3A_564, %get3A_569 : vector<16xf32>
      %add3A_571 = arith.constant 2 : i32
      %add3A_572 = arith.addi %mul3A_276, %add3A_571 : i32
      %get3A_573 = arith.index_cast %add3A_572 : i32 to index
      %get3A_574 = arith.constant 32 : index
      %get3A_575 = tpu.vector_load %arg13[%get3A_573, %get3A_574] {strides = array<i32>} : memref<16x64xf32, #tpu.memory_space<vmem>>, vector<16xf32>,
      %mul3A_576 = arith.mulf %mul3A_570, %get3A_575 : vector<16xf32>
      %add3A_577 = arith.addf %add3A_551, %mul3A_576 : vector<16xf32>
      %swap3A_578 = arith.constant 2 : i32
      %swap3A_579 = arith.index_cast %swap3A_578 : i32 to index
      %swap3A_580 = arith.constant 32 : index
      %swap3A_581 = tpu.vector_load %arg10[%swap3A_579, %swap3A_580] {strides = array<i32>} : memref<4x128xf32, #tpu.memory_space<vmem>>, vector<16xf32>,
      tpu.vector_store %arg10[%swap3A_579, %swap3A_580], %mul3A_570 {strides = array<i32>} : memref<4x128xf32, #tpu.memory_space<vmem>>, vector<16xf32>,
      %swap3A_582 = arith.constant 2 : i32
      %swap3A_583 = arith.index_cast %swap3A_582 : i32 to index
      %swap3A_584 = arith.constant 96 : index
      %swap3A_585 = tpu.vector_load %arg10[%swap3A_583, %swap3A_584] {strides = array<i32>} : memref<4x128xf32, #tpu.memory_space<vmem>>, vector<16xf32>,
      tpu.vector_store %arg10[%swap3A_583, %swap3A_584], %mul3A_570 {strides = array<i32>} : memref<4x128xf32, #tpu.memory_space<vmem>>, vector<16xf32>,
      %add3A_586 = arith.constant 2 : i32
      %add3A_587 = arith.addi %mul3A_276, %add3A_586 : i32
      %get3A_588 = arith.index_cast %add3A_587 : i32 to index
      %get3A_589 = arith.constant 48 : index
      %get3A_590 = tpu.vector_load %arg11[%get3A_588, %get3A_589] {strides = array<i32>} : memref<16x64xf32, #tpu.memory_space<vmem>>, vector<16xf32>,
      %add3A_591 = arith.constant 2 : i32
      %add3A_592 = arith.addi %mul3A_276, %add3A_591 : i32
      %get3A_593 = arith.index_cast %add3A_592 : i32 to index
      %get3A_594 = arith.constant 48 : index
      %get3A_595 = tpu.vector_load %arg12[%get3A_593, %get3A_594] {strides = array<i32>} : memref<16x64xf32, #tpu.memory_space<vmem>>, vector<16xf32>,
      %mul3A_596 = arith.mulf %get3A_590, %get3A_595 : vector<16xf32>
      %add3A_597 = arith.constant 2 : i32
      %add3A_598 = arith.addi %mul3A_276, %add3A_597 : i32
      %get3A_599 = arith.index_cast %add3A_598 : i32 to index
      %get3A_600 = arith.constant 48 : index
      %get3A_601 = tpu.vector_load %arg13[%get3A_599, %get3A_600] {strides = array<i32>} : memref<16x64xf32, #tpu.memory_space<vmem>>, vector<16xf32>,
      %mul3A_602 = arith.mulf %mul3A_596, %get3A_601 : vector<16xf32>
      %add3A_603 = arith.addf %add3A_577, %mul3A_602 : vector<16xf32>
      %swap3A_604 = arith.constant 2 : i32
      %swap3A_605 = arith.index_cast %swap3A_604 : i32 to index
      %swap3A_606 = arith.constant 48 : index
      %swap3A_607 = tpu.vector_load %arg10[%swap3A_605, %swap3A_606] {strides = array<i32>} : memref<4x128xf32, #tpu.memory_space<vmem>>, vector<16xf32>,
      tpu.vector_store %arg10[%swap3A_605, %swap3A_606], %mul3A_596 {strides = array<i32>} : memref<4x128xf32, #tpu.memory_space<vmem>>, vector<16xf32>,
      %swap3A_608 = arith.constant 2 : i32
      %swap3A_609 = arith.index_cast %swap3A_608 : i32 to index
      %swap3A_610 = arith.constant 112 : index
      %swap3A_611 = tpu.vector_load %arg10[%swap3A_609, %swap3A_610] {strides = array<i32>} : memref<4x128xf32, #tpu.memory_space<vmem>>, vector<16xf32>,
      tpu.vector_store %arg10[%swap3A_609, %swap3A_610], %mul3A_596 {strides = array<i32>} : memref<4x128xf32, #tpu.memory_space<vmem>>, vector<16xf32>,
      %eq3A_612 = arith.constant 2 : i32
      %eq3A_613 = vector.broadcast %eq3A_612 : i32 to vector<16xi32>
      %eq3A_614 = arith.cmpi eq, %iota3A, %eq3A_613 : vector<16xi32>
      %reduce_sum3A_615 = arith.constant true
      %reduce_sum3A_616 = vector.broadcast %reduce_sum3A_615 : i1 to vector<16xi1>
      %reduce_sum3A_617 = tpu.scan <sum>, %add3A_603 masked %reduce_sum3A_616 : vector<16xf32>, vector<16xi1> -> vector<16xf32>
      %reduce_sum3A_618 = vector.extract %reduce_sum3A_617[15] : f32 from vector<16xf32>
      %broadcast_in_dim3A_619 = vector.broadcast %reduce_sum3A_618 : f32 to vector<16xf32>
      %select_n3A_620 = arith.select %eq3A_614, %broadcast_in_dim3A_619, %select_n3A_505 : vector<16xi1>, vector<16xf32>
      %broadcast_in_dim3A_621 = arith.constant 0.000000e+00 : f32
      %broadcast_in_dim3A_622 = vector.broadcast %broadcast_in_dim3A_621 : f32 to vector<16xf32>
      %add3A_623 = arith.constant 3 : i32
      %add3A_624 = arith.addi %mul3A_276, %add3A_623 : i32
      %get3A_625 = arith.index_cast %add3A_624 : i32 to index
      %get3A_626 = arith.constant 0 : index
      %get3A_627 = tpu.vector_load %arg11[%get3A_625, %get3A_626] {strides = array<i32>} : memref<16x64xf32, #tpu.memory_space<vmem>>, vector<16xf32>,
      %add3A_628 = arith.constant 3 : i32
      %add3A_629 = arith.addi %mul3A_276, %add3A_628 : i32
      %get3A_630 = arith.index_cast %add3A_629 : i32 to index
      %get3A_631 = arith.constant 0 : index
      %get3A_632 = tpu.vector_load %arg12[%get3A_630, %get3A_631] {strides = array<i32>} : memref<16x64xf32, #tpu.memory_space<vmem>>, vector<16xf32>,
      %mul3A_633 = arith.mulf %get3A_627, %get3A_632 : vector<16xf32>
      %add3A_634 = arith.constant 3 : i32
      %add3A_635 = arith.addi %mul3A_276, %add3A_634 : i32
      %get3A_636 = arith.index_cast %add3A_635 : i32 to index
      %get3A_637 = arith.constant 0 : index
      %get3A_638 = tpu.vector_load %arg13[%get3A_636, %get3A_637] {strides = array<i32>} : memref<16x64xf32, #tpu.memory_space<vmem>>, vector<16xf32>,
      %mul3A_639 = arith.mulf %mul3A_633, %get3A_638 : vector<16xf32>
      %add3A_640 = arith.addf %broadcast_in_dim3A_622, %mul3A_639 : vector<16xf32>
      %swap3A_641 = arith.constant 3 : i32
      %swap3A_642 = arith.index_cast %swap3A_641 : i32 to index
      %swap3A_643 = arith.constant 0 : index
      %swap3A_644 = tpu.vector_load %arg10[%swap3A_642, %swap3A_643] {strides = array<i32>} : memref<4x128xf32, #tpu.memory_space<vmem>>, vector<16xf32>,
      tpu.vector_store %arg10[%swap3A_642, %swap3A_643], %mul3A_633 {strides = array<i32>} : memref<4x128xf32, #tpu.memory_space<vmem>>, vector<16xf32>,
      %swap3A_645 = arith.constant 3 : i32
      %swap3A_646 = arith.index_cast %swap3A_645 : i32 to index
      %swap3A_647 = arith.constant 64 : index
      %swap3A_648 = tpu.vector_load %arg10[%swap3A_646, %swap3A_647] {strides = array<i32>} : memref<4x128xf32, #tpu.memory_space<vmem>>, vector<16xf32>,
      tpu.vector_store %arg10[%swap3A_646, %swap3A_647], %mul3A_633 {strides = array<i32>} : memref<4x128xf32, #tpu.memory_space<vmem>>, vector<16xf32>,
      %add3A_649 = arith.constant 3 : i32
      %add3A_650 = arith.addi %mul3A_276, %add3A_649 : i32
      %get3A_651 = arith.index_cast %add3A_650 : i32 to index
      %get3A_652 = arith.constant 16 : index
      %get3A_653 = tpu.vector_load %arg11[%get3A_651, %get3A_652] {strides = array<i32>} : memref<16x64xf32, #tpu.memory_space<vmem>>, vector<16xf32>,
      %add3A_654 = arith.constant 3 : i32
      %add3A_655 = arith.addi %mul3A_276, %add3A_654 : i32
      %get3A_656 = arith.index_cast %add3A_655 : i32 to index
      %get3A_657 = arith.constant 16 : index
      %get3A_658 = tpu.vector_load %arg12[%get3A_656, %get3A_657] {strides = array<i32>} : memref<16x64xf32, #tpu.memory_space<vmem>>, vector<16xf32>,
      %mul3A_659 = arith.mulf %get3A_653, %get3A_658 : vector<16xf32>
      %add3A_660 = arith.constant 3 : i32
      %add3A_661 = arith.addi %mul3A_276, %add3A_660 : i32
      %get3A_662 = arith.index_cast %add3A_661 : i32 to index
      %get3A_663 = arith.constant 16 : index
      %get3A_664 = tpu.vector_load %arg13[%get3A_662, %get3A_663] {strides = array<i32>} : memref<16x64xf32, #tpu.memory_space<vmem>>, vector<16xf32>,
      %mul3A_665 = arith.mulf %mul3A_659, %get3A_664 : vector<16xf32>
      %add3A_666 = arith.addf %add3A_640, %mul3A_665 : vector<16xf32>
      %swap3A_667 = arith.constant 3 : i32
      %swap3A_668 = arith.index_cast %swap3A_667 : i32 to index
      %swap3A_669 = arith.constant 16 : index
      %swap3A_670 = tpu.vector_load %arg10[%swap3A_668, %swap3A_669] {strides = array<i32>} : memref<4x128xf32, #tpu.memory_space<vmem>>, vector<16xf32>,
      tpu.vector_store %arg10[%swap3A_668, %swap3A_669], %mul3A_659 {strides = array<i32>} : memref<4x128xf32, #tpu.memory_space<vmem>>, vector<16xf32>,
      %swap3A_671 = arith.constant 3 : i32
      %swap3A_672 = arith.index_cast %swap3A_671 : i32 to index
      %swap3A_673 = arith.constant 80 : index
      %swap3A_674 = tpu.vector_load %arg10[%swap3A_672, %swap3A_673] {strides = array<i32>} : memref<4x128xf32, #tpu.memory_space<vmem>>, vector<16xf32>,
      tpu.vector_store %arg10[%swap3A_672, %swap3A_673], %mul3A_659 {strides = array<i32>} : memref<4x128xf32, #tpu.memory_space<vmem>>, vector<16xf32>,
      %add3A_675 = arith.constant 3 : i32
      %add3A_676 = arith.addi %mul3A_276, %add3A_675 : i32
      %get3A_677 = arith.index_cast %add3A_676 : i32 to index
      %get3A_678 = arith.constant 32 : index
      %get3A_679 = tpu.vector_load %arg11[%get3A_677, %get3A_678] {strides = array<i32>} : memref<16x64xf32, #tpu.memory_space<vmem>>, vector<16xf32>,
      %add3A_680 = arith.constant 3 : i32
      %add3A_681 = arith.addi %mul3A_276, %add3A_680 : i32
      %get3A_682 = arith.index_cast %add3A_681 : i32 to index
      %get3A_683 = arith.constant 32 : index
      %get3A_684 = tpu.vector_load %arg12[%get3A_682, %get3A_683] {strides = array<i32>} : memref<16x64xf32, #tpu.memory_space<vmem>>, vector<16xf32>,
      %mul3A_685 = arith.mulf %get3A_679, %get3A_684 : vector<16xf32>
      %add3A_686 = arith.constant 3 : i32
      %add3A_687 = arith.addi %mul3A_276, %add3A_686 : i32
      %get3A_688 = arith.index_cast %add3A_687 : i32 to index
      %get3A_689 = arith.constant 32 : index
      %get3A_690 = tpu.vector_load %arg13[%get3A_688, %get3A_689] {strides = array<i32>} : memref<16x64xf32, #tpu.memory_space<vmem>>, vector<16xf32>,
      %mul3A_691 = arith.mulf %mul3A_685, %get3A_690 : vector<16xf32>
      %add3A_692 = arith.addf %add3A_666, %mul3A_691 : vector<16xf32>
      %swap3A_693 = arith.constant 3 : i32
      %swap3A_694 = arith.index_cast %swap3A_693 : i32 to index
      %swap3A_695 = arith.constant 32 : index
      %swap3A_696 = tpu.vector_load %arg10[%swap3A_694, %swap3A_695] {strides = array<i32>} : memref<4x128xf32, #tpu.memory_space<vmem>>, vector<16xf32>,
      tpu.vector_store %arg10[%swap3A_694, %swap3A_695], %mul3A_685 {strides = array<i32>} : memref<4x128xf32, #tpu.memory_space<vmem>>, vector<16xf32>,
      %swap3A_697 = arith.constant 3 : i32
      %swap3A_698 = arith.index_cast %swap3A_697 : i32 to index
      %swap3A_699 = arith.constant 96 : index
      %swap3A_700 = tpu.vector_load %arg10[%swap3A_698, %swap3A_699] {strides = array<i32>} : memref<4x128xf32, #tpu.memory_space<vmem>>, vector<16xf32>,
      tpu.vector_store %arg10[%swap3A_698, %swap3A_699], %mul3A_685 {strides = array<i32>} : memref<4x128xf32, #tpu.memory_space<vmem>>, vector<16xf32>,
      %add3A_701 = arith.constant 3 : i32
      %add3A_702 = arith.addi %mul3A_276, %add3A_701 : i32
      %get3A_703 = arith.index_cast %add3A_702 : i32 to index
      %get3A_704 = arith.constant 48 : index
      %get3A_705 = tpu.vector_load %arg11[%get3A_703, %get3A_704] {strides = array<i32>} : memref<16x64xf32, #tpu.memory_space<vmem>>, vector<16xf32>,
      %add3A_706 = arith.constant 3 : i32
      %add3A_707 = arith.addi %mul3A_276, %add3A_706 : i32
      %get3A_708 = arith.index_cast %add3A_707 : i32 to index
      %get3A_709 = arith.constant 48 : index
      %get3A_710 = tpu.vector_load %arg12[%get3A_708, %get3A_709] {strides = array<i32>} : memref<16x64xf32, #tpu.memory_space<vmem>>, vector<16xf32>,
      %mul3A_711 = arith.mulf %get3A_705, %get3A_710 : vector<16xf32>
      %add3A_712 = arith.constant 3 : i32
      %add3A_713 = arith.addi %mul3A_276, %add3A_712 : i32
      %get3A_714 = arith.index_cast %add3A_713 : i32 to index
      %get3A_715 = arith.constant 48 : index
      %get3A_716 = tpu.vector_load %arg13[%get3A_714, %get3A_715] {strides = array<i32>} : memref<16x64xf32, #tpu.memory_space<vmem>>, vector<16xf32>,
      %mul3A_717 = arith.mulf %mul3A_711, %get3A_716 : vector<16xf32>
      %add3A_718 = arith.addf %add3A_692, %mul3A_717 : vector<16xf32>
      %swap3A_719 = arith.constant 3 : i32
      %swap3A_720 = arith.index_cast %swap3A_719 : i32 to index
      %swap3A_721 = arith.constant 48 : index
      %swap3A_722 = tpu.vector_load %arg10[%swap3A_720, %swap3A_721] {strides = array<i32>} : memref<4x128xf32, #tpu.memory_space<vmem>>, vector<16xf32>,
      tpu.vector_store %arg10[%swap3A_720, %swap3A_721], %mul3A_711 {strides = array<i32>} : memref<4x128xf32, #tpu.memory_space<vmem>>, vector<16xf32>,
      %swap3A_723 = arith.constant 3 : i32
      %swap3A_724 = arith.index_cast %swap3A_723 : i32 to index
      %swap3A_725 = arith.constant 112 : index
      %swap3A_726 = tpu.vector_load %arg10[%swap3A_724, %swap3A_725] {strides = array<i32>} : memref<4x128xf32, #tpu.memory_space<vmem>>, vector<16xf32>,
      tpu.vector_store %arg10[%swap3A_724, %swap3A_725], %mul3A_711 {strides = array<i32>} : memref<4x128xf32, #tpu.memory_space<vmem>>, vector<16xf32>,
      %eq3A_727 = arith.constant 3 : i32
      %eq3A_728 = vector.broadcast %eq3A_727 : i32 to vector<16xi32>
      %eq3A_729 = arith.cmpi eq, %iota3A, %eq3A_728 : vector<16xi32>
      %reduce_sum3A_730 = arith.constant true
      %reduce_sum3A_731 = vector.broadcast %reduce_sum3A_730 : i1 to vector<16xi1>
      %reduce_sum3A_732 = tpu.scan <sum>, %add3A_718 masked %reduce_sum3A_731 : vector<16xf32>, vector<16xi1> -> vector<16xf32>
      %reduce_sum3A_733 = vector.extract %reduce_sum3A_732[15] : f32 from vector<16xf32>
      %broadcast_in_dim3A_734 = vector.broadcast %reduce_sum3A_733 : f32 to vector<16xf32>
      %select_n3A_735 = arith.select %eq3A_729, %broadcast_in_dim3A_734, %select_n3A_620 : vector<16xi1>, vector<16xf32>
      %add3A_736 = vector.broadcast %mul3A_258 : i32 to vector<16xi32>
      %add3A_737 = arith.addi %add3A_736, %iota3A : vector<16xi32>
      %min3A_738 = arith.constant 511 : i32
      %min3A_739 = vector.broadcast %min3A_738 : i32 to vector<16xi32>
      %min3A_740 = arith.minsi %add3A_737, %min3A_739 : vector<16xi32>
      %lt3A_741 = arith.constant 4 : i32
      %lt3A_742 = vector.broadcast %lt3A_741 : i32 to vector<16xi32>
      %lt3A_743 = arith.cmpi slt, %iota3A, %lt3A_742 : vector<16xi32>
      tpu.vector_store_idx %arg9[%min3A_740], %select_n3A_735 masked %lt3A_743 : memref<512xf32, #tpu.memory_space<vmem>>[vector<16xi32>], vector<16xf32>, vector<16xi1>
      %jit3A_744 = arith.constant 4 : i32
      %eq3A_745 = arith.constant 0 : i32
      %eq3A_746 = arith.cmpi eq, %jit3A_744, %eq3A_745 : i32
      %jit3A_747 = arith.constant 1 : i32
      %select_n3A_748 = arith.select %eq3A_746, %jit3A_747, %jit3A_744 : i32
      %rem3A_749 = arith.remsi %mul3A_158, %select_n3A_748 : i32
      %ne3A_750 = arith.constant 0 : i32
      %ne3A_751 = arith.cmpi ne, %rem3A_749, %ne3A_750 : i32
      %lt3A_752 = arith.constant 0 : i32
      %lt3A_753 = arith.cmpi slt, %rem3A_749, %lt3A_752 : i32
      %lt3A_754 = arith.constant 0 : i32
      %lt3A_755 = arith.cmpi slt, %select_n3A_748, %lt3A_754 : i32
      %ne3A_756 = arith.xori %lt3A_753, %lt3A_755 : i1
      %and3A_757 = arith.andi %ne3A_756, %ne3A_751 : i1
      %add3A_758 = arith.addi %rem3A_749, %select_n3A_748 : i32
      %select_n3A_759 = arith.select %and3A_757, %add3A_758, %rem3A_749 : i32
      %eq3A_760 = arith.constant 3 : i32
      %eq3A_761 = arith.cmpi eq, %select_n3A_759, %eq3A_760 : i32
      %convert_element_type3A_762 = arith.extui %eq3A_761 : i1 to i32
      %cond3A_763 = arith.constant 0 : i32
      %cond3A_764 = arith.cmpi ne, %convert_element_type3A_762, %cond3A_763 : i32
      scf.if %cond3A_764 {
        %add3A_2030 = arith.constant 1 : i32
        %add3A_2031 = arith.addi %mul3A_158, %add3A_2030 : i32
        %mul3A_2032 = arith.constant 4 : i32
        %mul3A_2033 = arith.muli %add3A_2031, %mul3A_2032 : i32
        %add3A_2034 = vector.broadcast %mul3A_2033 : i32 to vector<16xi32>
        %add3A_2035 = arith.addi %add3A_2034, %iota3A : vector<16xi32>
        %min3A_2036 = arith.constant 511 : i32
        %min3A_2037 = vector.broadcast %min3A_2036 : i32 to vector<16xi32>
        %min3A_2038 = arith.minsi %add3A_2035, %min3A_2037 : vector<16xi32>
        %broadcast_in_dim3A_2039 = arith.constant 0 : i32
        %broadcast_in_dim3A_2040 = vector.broadcast %broadcast_in_dim3A_2039 : i32 to vector<16xi32>
        %gather3A_2041 = tpu.vector_load_idx %arg8[%min3A_2038, %broadcast_in_dim3A_2040] : memref<512x3xi32, #tpu.memory_space<vmem>>[vector<16xi32>, vector<16xi32>], vector<16xi32>,
        %broadcast_in_dim3A_2042 = arith.constant 1 : i32
        %broadcast_in_dim3A_2043 = vector.broadcast %broadcast_in_dim3A_2042 : i32 to vector<16xi32>
        %gather3A_2044 = tpu.vector_load_idx %arg8[%min3A_2038, %broadcast_in_dim3A_2043] : memref<512x3xi32, #tpu.memory_space<vmem>>[vector<16xi32>, vector<16xi32>], vector<16xi32>,
        %broadcast_in_dim3A_2045 = arith.constant 2 : i32
        %broadcast_in_dim3A_2046 = vector.broadcast %broadcast_in_dim3A_2045 : i32 to vector<16xi32>
        %gather3A_2047 = tpu.vector_load_idx %arg8[%min3A_2038, %broadcast_in_dim3A_2046] : memref<512x3xi32, #tpu.memory_space<vmem>>[vector<16xi32>, vector<16xi32>], vector<16xi32>,
        %dma_start3A_2048 = arith.constant 0 : i32
        %dma_start3A_2049 = arith.constant 0 : i32
        %dma_start3A_2050 = tpu.memref_slice %arg2[%dma_start3A_2048, %dma_start3A_2049] : memref<1000000x64xf32, #tpu.memory_space<hbm>> -> memref<1000000x64xf32, #tpu.memory_space<hbm>>
        tpu.enqueue_indirect_dma source(%dma_start3A_2050 : memref<1000000x64xf32, #tpu.memory_space<hbm>>) target(%arg11 : memref<16x64xf32, #tpu.memory_space<vmem>>) offsets(%gather3A_2041 : vector<16xi32>) semaphore(%arg20 : memref<!tpu.dma_semaphore, #tpu.memory_space<semaphore_mem>>)
        %dma_start3A_2051 = arith.constant 0 : i32
        %dma_start3A_2052 = arith.constant 0 : i32
        %dma_start3A_2053 = tpu.memref_slice %arg3[%dma_start3A_2051, %dma_start3A_2052] : memref<1000x64xf32, #tpu.memory_space<hbm>> -> memref<1000x64xf32, #tpu.memory_space<hbm>>
        tpu.enqueue_indirect_dma source(%dma_start3A_2053 : memref<1000x64xf32, #tpu.memory_space<hbm>>) target(%arg12 : memref<16x64xf32, #tpu.memory_space<vmem>>) offsets(%gather3A_2044 : vector<16xi32>) semaphore(%arg20 : memref<!tpu.dma_semaphore, #tpu.memory_space<semaphore_mem>>)
        %dma_start3A_2054 = arith.constant 0 : i32
        %dma_start3A_2055 = arith.constant 0 : i32
        %dma_start3A_2056 = tpu.memref_slice %arg2[%dma_start3A_2054, %dma_start3A_2055] : memref<1000000x64xf32, #tpu.memory_space<hbm>> -> memref<1000000x64xf32, #tpu.memory_space<hbm>>
        tpu.enqueue_indirect_dma source(%dma_start3A_2056 : memref<1000000x64xf32, #tpu.memory_space<hbm>>) target(%arg13 : memref<16x64xf32, #tpu.memory_space<vmem>>) offsets(%gather3A_2047 : vector<16xi32>) semaphore(%arg20 : memref<!tpu.dma_semaphore, #tpu.memory_space<semaphore_mem>>)
      } else {
      }
      %dma_wait3A_765 = arith.constant 0 : i32
      %dma_wait3A_766 = arith.constant 0 : i32
      %dma_wait3A_767 = arith.constant 0 : i32
      %dma_wait3A_768 = tpu.memref_slice %arg16[%dma_wait3A_766, %dma_wait3A_767] : memref<800x64xf32, #tpu.memory_space<vmem>> -> memref<100x64xf32, #tpu.memory_space<vmem>>
      %dma_wait3A_769 = arith.constant 0 : i32
      %dma_wait3A_770 = tpu.memref_slice %arg14[%dma_wait3A_765, %dma_wait3A_769] : memref<8x100xi32, #tpu.memory_space<vmem>> -> memref<1x100xi32, #tpu.memory_space<vmem>>
      %dma_wait3A_771 = tpu.memref_squeeze %dma_wait3A_770 : memref<1x100xi32, #tpu.memory_space<vmem>> -> memref<100xi32, #tpu.memory_space<vmem>>
      %dma_wait3A_772 = arith.constant 0 : i32
      %dma_wait3A_773 = arith.constant 0 : i32
      %dma_wait3A_774 = tpu.memref_slice %arg2[%dma_wait3A_772, %dma_wait3A_773] : memref<1000000x64xf32, #tpu.memory_space<hbm>> -> memref<1000000x64xf32, #tpu.memory_space<hbm>>
      tpu.wait_indirect_dma semaphore(%arg21 : memref<!tpu.dma_semaphore, #tpu.memory_space<semaphore_mem>>) src(%dma_wait3A_774 : memref<1000000x64xf32, #tpu.memory_space<hbm>>) dst(%dma_wait3A_768 : memref<100x64xf32, #tpu.memory_space<vmem>>)
      %dma_wait3A_775 = arith.constant 1 : i32
      %dma_wait3A_776 = arith.constant 100 : i32
      %dma_wait3A_777 = arith.constant 0 : i32
      %dma_wait3A_778 = tpu.memref_slice %arg16[%dma_wait3A_776, %dma_wait3A_777] : memref<800x64xf32, #tpu.memory_space<vmem>> -> memref<100x64xf32, #tpu.memory_space<vmem>>
      %dma_wait3A_779 = arith.constant 0 : i32
      %dma_wait3A_780 = tpu.memref_slice %arg14[%dma_wait3A_775, %dma_wait3A_779] : memref<8x100xi32, #tpu.memory_space<vmem>> -> memref<1x100xi32, #tpu.memory_space<vmem>>
      %dma_wait3A_781 = tpu.memref_squeeze %dma_wait3A_780 : memref<1x100xi32, #tpu.memory_space<vmem>> -> memref<100xi32, #tpu.memory_space<vmem>>
      %dma_wait3A_782 = arith.constant 0 : i32
      %dma_wait3A_783 = arith.constant 0 : i32
      %dma_wait3A_784 = tpu.memref_slice %arg2[%dma_wait3A_782, %dma_wait3A_783] : memref<1000000x64xf32, #tpu.memory_space<hbm>> -> memref<1000000x64xf32, #tpu.memory_space<hbm>>
      tpu.wait_indirect_dma semaphore(%arg21 : memref<!tpu.dma_semaphore, #tpu.memory_space<semaphore_mem>>) src(%dma_wait3A_784 : memref<1000000x64xf32, #tpu.memory_space<hbm>>) dst(%dma_wait3A_778 : memref<100x64xf32, #tpu.memory_space<vmem>>)
      %dma_wait3A_785 = arith.constant 2 : i32
      %dma_wait3A_786 = arith.constant 200 : i32
      %dma_wait3A_787 = arith.constant 0 : i32
      %dma_wait3A_788 = tpu.memref_slice %arg16[%dma_wait3A_786, %dma_wait3A_787] : memref<800x64xf32, #tpu.memory_space<vmem>> -> memref<100x64xf32, #tpu.memory_space<vmem>>
      %dma_wait3A_789 = arith.constant 0 : i32
      %dma_wait3A_790 = tpu.memref_slice %arg14[%dma_wait3A_785, %dma_wait3A_789] : memref<8x100xi32, #tpu.memory_space<vmem>> -> memref<1x100xi32, #tpu.memory_space<vmem>>
      %dma_wait3A_791 = tpu.memref_squeeze %dma_wait3A_790 : memref<1x100xi32, #tpu.memory_space<vmem>> -> memref<100xi32, #tpu.memory_space<vmem>>
      %dma_wait3A_792 = arith.constant 0 : i32
      %dma_wait3A_793 = arith.constant 0 : i32
      %dma_wait3A_794 = tpu.memref_slice %arg2[%dma_wait3A_792, %dma_wait3A_793] : memref<1000000x64xf32, #tpu.memory_space<hbm>> -> memref<1000000x64xf32, #tpu.memory_space<hbm>>
      tpu.wait_indirect_dma semaphore(%arg21 : memref<!tpu.dma_semaphore, #tpu.memory_space<semaphore_mem>>) src(%dma_wait3A_794 : memref<1000000x64xf32, #tpu.memory_space<hbm>>) dst(%dma_wait3A_788 : memref<100x64xf32, #tpu.memory_space<vmem>>)
      %dma_wait3A_795 = arith.constant 3 : i32
      %dma_wait3A_796 = arith.constant 300 : i32
      %dma_wait3A_797 = arith.constant 0 : i32
      %dma_wait3A_798 = tpu.memref_slice %arg16[%dma_wait3A_796, %dma_wait3A_797] : memref<800x64xf32, #tpu.memory_space<vmem>> -> memref<100x64xf32, #tpu.memory_space<vmem>>
      %dma_wait3A_799 = arith.constant 0 : i32
      %dma_wait3A_800 = tpu.memref_slice %arg14[%dma_wait3A_795, %dma_wait3A_799] : memref<8x100xi32, #tpu.memory_space<vmem>> -> memref<1x100xi32, #tpu.memory_space<vmem>>
      %dma_wait3A_801 = tpu.memref_squeeze %dma_wait3A_800 : memref<1x100xi32, #tpu.memory_space<vmem>> -> memref<100xi32, #tpu.memory_space<vmem>>
      %dma_wait3A_802 = arith.constant 0 : i32
      %dma_wait3A_803 = arith.constant 0 : i32
      %dma_wait3A_804 = tpu.memref_slice %arg2[%dma_wait3A_802, %dma_wait3A_803] : memref<1000000x64xf32, #tpu.memory_space<hbm>> -> memref<1000000x64xf32, #tpu.memory_space<hbm>>
      tpu.wait_indirect_dma semaphore(%arg21 : memref<!tpu.dma_semaphore, #tpu.memory_space<semaphore_mem>>) src(%dma_wait3A_804 : memref<1000000x64xf32, #tpu.memory_space<hbm>>) dst(%dma_wait3A_798 : memref<100x64xf32, #tpu.memory_space<vmem>>)
      %dma_wait3A_805 = arith.constant 4 : i32
      %dma_wait3A_806 = arith.constant 400 : i32
      %dma_wait3A_807 = arith.constant 0 : i32
      %dma_wait3A_808 = tpu.memref_slice %arg16[%dma_wait3A_806, %dma_wait3A_807] : memref<800x64xf32, #tpu.memory_space<vmem>> -> memref<100x64xf32, #tpu.memory_space<vmem>>
      %dma_wait3A_809 = arith.constant 0 : i32
      %dma_wait3A_810 = tpu.memref_slice %arg14[%dma_wait3A_805, %dma_wait3A_809] : memref<8x100xi32, #tpu.memory_space<vmem>> -> memref<1x100xi32, #tpu.memory_space<vmem>>
      %dma_wait3A_811 = tpu.memref_squeeze %dma_wait3A_810 : memref<1x100xi32, #tpu.memory_space<vmem>> -> memref<100xi32, #tpu.memory_space<vmem>>
      %dma_wait3A_812 = arith.constant 0 : i32
      %dma_wait3A_813 = arith.constant 0 : i32
      %dma_wait3A_814 = tpu.memref_slice %arg2[%dma_wait3A_812, %dma_wait3A_813] : memref<1000000x64xf32, #tpu.memory_space<hbm>> -> memref<1000000x64xf32, #tpu.memory_space<hbm>>
      tpu.wait_indirect_dma semaphore(%arg21 : memref<!tpu.dma_semaphore, #tpu.memory_space<semaphore_mem>>) src(%dma_wait3A_814 : memref<1000000x64xf32, #tpu.memory_space<hbm>>) dst(%dma_wait3A_808 : memref<100x64xf32, #tpu.memory_space<vmem>>)
      %dma_wait3A_815 = arith.constant 5 : i32
      %dma_wait3A_816 = arith.constant 500 : i32
      %dma_wait3A_817 = arith.constant 0 : i32
      %dma_wait3A_818 = tpu.memref_slice %arg16[%dma_wait3A_816, %dma_wait3A_817] : memref<800x64xf32, #tpu.memory_space<vmem>> -> memref<100x64xf32, #tpu.memory_space<vmem>>
      %dma_wait3A_819 = arith.constant 0 : i32
      %dma_wait3A_820 = tpu.memref_slice %arg14[%dma_wait3A_815, %dma_wait3A_819] : memref<8x100xi32, #tpu.memory_space<vmem>> -> memref<1x100xi32, #tpu.memory_space<vmem>>
      %dma_wait3A_821 = tpu.memref_squeeze %dma_wait3A_820 : memref<1x100xi32, #tpu.memory_space<vmem>> -> memref<100xi32, #tpu.memory_space<vmem>>
      %dma_wait3A_822 = arith.constant 0 : i32
      %dma_wait3A_823 = arith.constant 0 : i32
      %dma_wait3A_824 = tpu.memref_slice %arg2[%dma_wait3A_822, %dma_wait3A_823] : memref<1000000x64xf32, #tpu.memory_space<hbm>> -> memref<1000000x64xf32, #tpu.memory_space<hbm>>
      tpu.wait_indirect_dma semaphore(%arg21 : memref<!tpu.dma_semaphore, #tpu.memory_space<semaphore_mem>>) src(%dma_wait3A_824 : memref<1000000x64xf32, #tpu.memory_space<hbm>>) dst(%dma_wait3A_818 : memref<100x64xf32, #tpu.memory_space<vmem>>)
      %dma_wait3A_825 = arith.constant 6 : i32
      %dma_wait3A_826 = arith.constant 600 : i32
      %dma_wait3A_827 = arith.constant 0 : i32
      %dma_wait3A_828 = tpu.memref_slice %arg16[%dma_wait3A_826, %dma_wait3A_827] : memref<800x64xf32, #tpu.memory_space<vmem>> -> memref<100x64xf32, #tpu.memory_space<vmem>>
      %dma_wait3A_829 = arith.constant 0 : i32
      %dma_wait3A_830 = tpu.memref_slice %arg14[%dma_wait3A_825, %dma_wait3A_829] : memref<8x100xi32, #tpu.memory_space<vmem>> -> memref<1x100xi32, #tpu.memory_space<vmem>>
      %dma_wait3A_831 = tpu.memref_squeeze %dma_wait3A_830 : memref<1x100xi32, #tpu.memory_space<vmem>> -> memref<100xi32, #tpu.memory_space<vmem>>
      %dma_wait3A_832 = arith.constant 0 : i32
      %dma_wait3A_833 = arith.constant 0 : i32
      %dma_wait3A_834 = tpu.memref_slice %arg2[%dma_wait3A_832, %dma_wait3A_833] : memref<1000000x64xf32, #tpu.memory_space<hbm>> -> memref<1000000x64xf32, #tpu.memory_space<hbm>>
      tpu.wait_indirect_dma semaphore(%arg21 : memref<!tpu.dma_semaphore, #tpu.memory_space<semaphore_mem>>) src(%dma_wait3A_834 : memref<1000000x64xf32, #tpu.memory_space<hbm>>) dst(%dma_wait3A_828 : memref<100x64xf32, #tpu.memory_space<vmem>>)
      %dma_wait3A_835 = arith.constant 7 : i32
      %dma_wait3A_836 = arith.constant 700 : i32
      %dma_wait3A_837 = arith.constant 0 : i32
      %dma_wait3A_838 = tpu.memref_slice %arg16[%dma_wait3A_836, %dma_wait3A_837] : memref<800x64xf32, #tpu.memory_space<vmem>> -> memref<100x64xf32, #tpu.memory_space<vmem>>
      %dma_wait3A_839 = arith.constant 0 : i32
      %dma_wait3A_840 = tpu.memref_slice %arg14[%dma_wait3A_835, %dma_wait3A_839] : memref<8x100xi32, #tpu.memory_space<vmem>> -> memref<1x100xi32, #tpu.memory_space<vmem>>
      %dma_wait3A_841 = tpu.memref_squeeze %dma_wait3A_840 : memref<1x100xi32, #tpu.memory_space<vmem>> -> memref<100xi32, #tpu.memory_space<vmem>>
      %dma_wait3A_842 = arith.constant 0 : i32
      %dma_wait3A_843 = arith.constant 0 : i32
      %dma_wait3A_844 = tpu.memref_slice %arg2[%dma_wait3A_842, %dma_wait3A_843] : memref<1000000x64xf32, #tpu.memory_space<hbm>> -> memref<1000000x64xf32, #tpu.memory_space<hbm>>
      tpu.wait_indirect_dma semaphore(%arg21 : memref<!tpu.dma_semaphore, #tpu.memory_space<semaphore_mem>>) src(%dma_wait3A_844 : memref<1000000x64xf32, #tpu.memory_space<hbm>>) dst(%dma_wait3A_838 : memref<100x64xf32, #tpu.memory_space<vmem>>)
      %add3A_845 = arith.constant 2 : i32
      %add3A_846 = arith.addi %mul3A_158, %add3A_845 : i32
      %min3A_847 = arith.constant 127 : i32
      %min3A_848 = arith.minsi %add3A_846, %min3A_847 : i32
      %mul3A_849 = arith.constant 4 : i32
      %mul3A_850 = arith.muli %min3A_848, %mul3A_849 : i32
      %add3A_851 = arith.addi %mul3A_2, %mul3A_850 : i32
      %mul3A_852 = arith.constant 2 : i32
      %mul3A_853 = arith.muli %add3A_851, %mul3A_852 : i32
      %dma_start3A_854 = arith.constant 0 : i32
      %dma_start3A_855 = tpu.memref_slice %arg5[%mul3A_853, %dma_start3A_854] : memref<32768x100xi32, #tpu.memory_space<hbm>> -> memref<8x100xi32, #tpu.memory_space<hbm>>
      %dma_start3A_856 = arith.constant 0 : i32
      %dma_start3A_857 = tpu.memref_slice %arg5[%mul3A_853, %dma_start3A_856] : memref<32768x100xi32, #tpu.memory_space<hbm>> -> memref<8x100xi32, #tpu.memory_space<hbm>>
      tpu.enqueue_dma source(%dma_start3A_857 : memref<8x100xi32, #tpu.memory_space<hbm>>) target(%arg14 : memref<8x100xi32, #tpu.memory_space<vmem>>) target_semaphore(%arg25 : memref<!tpu.dma_semaphore, #tpu.memory_space<semaphore_mem>>)
      %gt3A = arith.constant 0 : i32
      %gt3A_858 = arith.cmpi sgt, %scan3A_156, %gt3A : i32
      %convert_element_type3A_859 = arith.extui %gt3A_858 : i1 to i32
      %cond3A_860 = arith.constant 0 : i32
      %cond3A_861 = arith.cmpi ne, %convert_element_type3A_859, %cond3A_860 : i32
      scf.if %cond3A_861 {
        %dma_wait3A_2030 = arith.constant 0 : i32
        %dma_wait3A_2031 = tpu.memref_slice %arg7[%dma_wait3A_2030] : memref<3276800xf32, #tpu.memory_space<hbm>> -> memref<800xf32, #tpu.memory_space<hbm>>
        %dma_wait3A_2032 = arith.constant 0 : i32
        %dma_wait3A_2033 = tpu.memref_slice %arg7[%dma_wait3A_2032] : memref<3276800xf32, #tpu.memory_space<hbm>> -> memref<800xf32, #tpu.memory_space<hbm>>
        tpu.wait_dma2 semaphore(%arg23 : memref<!tpu.dma_semaphore, #tpu.memory_space<semaphore_mem>>) src(%arg18 : memref<800xf32, #tpu.memory_space<vmem>>) dst(%dma_wait3A_2033 : memref<800xf32, #tpu.memory_space<hbm>>)
      } else {
      }
      %broadcast_in_dim3A_862 = arith.constant 0.000000e+00 : f32
      %broadcast_in_dim3A_863 = vector.broadcast %broadcast_in_dim3A_862 : f32 to vector<16xf32>
      %add3A_864 = arith.constant 0 : i32
      %add3A_865 = vector.broadcast %add3A_864 : i32 to vector<16xi32>
      %add3A_866 = arith.addi %add3A_865, %iota3A : vector<16xi32>
      %add3A_867 = arith.constant 16 : i32
      %add3A_868 = vector.broadcast %add3A_867 : i32 to vector<16xi32>
      %add3A_869 = arith.addi %add3A_868, %iota3A : vector<16xi32>
      %add3A_870 = arith.constant 32 : i32
      %add3A_871 = vector.broadcast %add3A_870 : i32 to vector<16xi32>
      %add3A_872 = arith.addi %add3A_871, %iota3A : vector<16xi32>
      %add3A_873 = arith.constant 48 : i32
      %add3A_874 = vector.broadcast %add3A_873 : i32 to vector<16xi32>
      %add3A_875 = arith.addi %add3A_874, %iota3A : vector<16xi32>
      %parallel_loop3A = arith.constant 0 : i32
      %parallel_loop3A_876 = arith.constant 64 : i32
      %parallel_loop3A_877 = arith.constant 1 : i32
      %parallel_loop3A_878:5 = scf.for %parallel_loop3A_2030 = %parallel_loop3A to %parallel_loop3A_876 step %parallel_loop3A_877 iter_args(%parallel_loop3A_2031 = %broadcast_in_dim3A_863, %parallel_loop3A_2032 = %broadcast_in_dim3A_863, %parallel_loop3A_2033 = %broadcast_in_dim3A_863, %parallel_loop3A_2034 = %broadcast_in_dim3A_863, %parallel_loop3A_2035 = %iota3A) -> (vector<16xf32>, vector<16xf32>, vector<16xf32>, vector<16xf32>, vector<16xi32>)  : i32 {
        %parallel_loop3A_2036 = arith.constant 0 : i32
        %parallel_loop3A_2037 = arith.index_cast %parallel_loop3A_2036 : i32 to index
        %parallel_loop3A_2038 = arith.index_cast %parallel_loop3A_2030 : i32 to index
        %parallel_loop3A_2039 = tpu.vector_load %arg10[%parallel_loop3A_2037, %parallel_loop3A_2038] {strides = array<i32>} : memref<4x128xf32, #tpu.memory_space<vmem>>, vector<16xf32>,
        %parallel_loop3A_2040 = tpu.vector_load_idx %arg16[%add3A_866, %parallel_loop3A_2035] : memref<800x64xf32, #tpu.memory_space<vmem>>[vector<16xi32>, vector<16xi32>], vector<16xf32>,
        %parallel_loop3A_2041 = arith.mulf %parallel_loop3A_2039, %parallel_loop3A_2040 : vector<16xf32>
        %parallel_loop3A_2042 = arith.addf %parallel_loop3A_2031, %parallel_loop3A_2041 : vector<16xf32>
        %parallel_loop3A_2043 = tpu.vector_load_idx %arg16[%add3A_869, %parallel_loop3A_2035] : memref<800x64xf32, #tpu.memory_space<vmem>>[vector<16xi32>, vector<16xi32>], vector<16xf32>,
        %parallel_loop3A_2044 = arith.mulf %parallel_loop3A_2039, %parallel_loop3A_2043 : vector<16xf32>
        %parallel_loop3A_2045 = arith.addf %parallel_loop3A_2032, %parallel_loop3A_2044 : vector<16xf32>
        %parallel_loop3A_2046 = tpu.vector_load_idx %arg16[%add3A_872, %parallel_loop3A_2035] : memref<800x64xf32, #tpu.memory_space<vmem>>[vector<16xi32>, vector<16xi32>], vector<16xf32>,
        %parallel_loop3A_2047 = arith.mulf %parallel_loop3A_2039, %parallel_loop3A_2046 : vector<16xf32>
        %parallel_loop3A_2048 = arith.addf %parallel_loop3A_2033, %parallel_loop3A_2047 : vector<16xf32>
        %parallel_loop3A_2049 = tpu.vector_load_idx %arg16[%add3A_875, %parallel_loop3A_2035] : memref<800x64xf32, #tpu.memory_space<vmem>>[vector<16xi32>, vector<16xi32>], vector<16xf32>,
        %parallel_loop3A_2050 = arith.mulf %parallel_loop3A_2039, %parallel_loop3A_2049 : vector<16xf32>
        %parallel_loop3A_2051 = arith.addf %parallel_loop3A_2034, %parallel_loop3A_2050 : vector<16xf32>
        %parallel_loop3A_2052 = arith.constant 1 : i32
        %parallel_loop3A_2053 = vector.broadcast %parallel_loop3A_2052 : i32 to vector<16xi32>
        %parallel_loop3A_2054 = arith.addi %parallel_loop3A_2035, %parallel_loop3A_2053 : vector<16xi32>
        %parallel_loop3A_2055 = arith.constant 63 : i32
        %parallel_loop3A_2056 = vector.broadcast %parallel_loop3A_2055 : i32 to vector<16xi32>
        %parallel_loop3A_2057 = arith.andi %parallel_loop3A_2054, %parallel_loop3A_2056 : vector<16xi32>
        scf.yield %parallel_loop3A_2042, %parallel_loop3A_2045, %parallel_loop3A_2048, %parallel_loop3A_2051, %parallel_loop3A_2057 : vector<16xf32>, vector<16xf32>, vector<16xf32>, vector<16xf32>, vector<16xi32>
      } {sc.loop_unroll_factor = 1 : i64, sc.parallel_access}
      tpu.vector_store_idx %arg18[%add3A_866], %parallel_loop3A_878#0 : memref<800xf32, #tpu.memory_space<vmem>>[vector<16xi32>], vector<16xf32>,
      tpu.vector_store_idx %arg18[%add3A_869], %parallel_loop3A_878#1 : memref<800xf32, #tpu.memory_space<vmem>>[vector<16xi32>], vector<16xf32>,
      tpu.vector_store_idx %arg18[%add3A_872], %parallel_loop3A_878#2 : memref<800xf32, #tpu.memory_space<vmem>>[vector<16xi32>], vector<16xf32>,
      tpu.vector_store_idx %arg18[%add3A_875], %parallel_loop3A_878#3 : memref<800xf32, #tpu.memory_space<vmem>>[vector<16xi32>], vector<16xf32>,
      %add3A_879 = arith.constant 64 : i32
      %add3A_880 = vector.broadcast %add3A_879 : i32 to vector<16xi32>
      %add3A_881 = arith.addi %add3A_880, %iota3A : vector<16xi32>
      %add3A_882 = arith.constant 80 : i32
      %add3A_883 = vector.broadcast %add3A_882 : i32 to vector<16xi32>
      %add3A_884 = arith.addi %add3A_883, %iota3A : vector<16xi32>
      %add3A_885 = arith.constant 96 : i32
      %add3A_886 = vector.broadcast %add3A_885 : i32 to vector<16xi32>
      %add3A_887 = arith.addi %add3A_886, %iota3A : vector<16xi32>
      %add3A_888 = arith.constant 112 : i32
      %add3A_889 = vector.broadcast %add3A_888 : i32 to vector<16xi32>
      %add3A_890 = arith.addi %add3A_889, %iota3A : vector<16xi32>
      %parallel_loop3A_891 = arith.constant 0 : i32
      %parallel_loop3A_892 = arith.constant 64 : i32
      %parallel_loop3A_893 = arith.constant 1 : i32
      %parallel_loop3A_894:5 = scf.for %parallel_loop3A_2030 = %parallel_loop3A_891 to %parallel_loop3A_892 step %parallel_loop3A_893 iter_args(%parallel_loop3A_2031 = %broadcast_in_dim3A_863, %parallel_loop3A_2032 = %broadcast_in_dim3A_863, %parallel_loop3A_2033 = %broadcast_in_dim3A_863, %parallel_loop3A_2034 = %broadcast_in_dim3A_863, %parallel_loop3A_2035 = %iota3A) -> (vector<16xf32>, vector<16xf32>, vector<16xf32>, vector<16xf32>, vector<16xi32>)  : i32 {
        %parallel_loop3A_2036 = arith.constant 0 : i32
        %parallel_loop3A_2037 = arith.index_cast %parallel_loop3A_2036 : i32 to index
        %parallel_loop3A_2038 = arith.index_cast %parallel_loop3A_2030 : i32 to index
        %parallel_loop3A_2039 = tpu.vector_load %arg10[%parallel_loop3A_2037, %parallel_loop3A_2038] {strides = array<i32>} : memref<4x128xf32, #tpu.memory_space<vmem>>, vector<16xf32>,
        %parallel_loop3A_2040 = tpu.vector_load_idx %arg16[%add3A_881, %parallel_loop3A_2035] : memref<800x64xf32, #tpu.memory_space<vmem>>[vector<16xi32>, vector<16xi32>], vector<16xf32>,
        %parallel_loop3A_2041 = arith.mulf %parallel_loop3A_2039, %parallel_loop3A_2040 : vector<16xf32>
        %parallel_loop3A_2042 = arith.addf %parallel_loop3A_2031, %parallel_loop3A_2041 : vector<16xf32>
        %parallel_loop3A_2043 = tpu.vector_load_idx %arg16[%add3A_884, %parallel_loop3A_2035] : memref<800x64xf32, #tpu.memory_space<vmem>>[vector<16xi32>, vector<16xi32>], vector<16xf32>,
        %parallel_loop3A_2044 = arith.mulf %parallel_loop3A_2039, %parallel_loop3A_2043 : vector<16xf32>
        %parallel_loop3A_2045 = arith.addf %parallel_loop3A_2032, %parallel_loop3A_2044 : vector<16xf32>
        %parallel_loop3A_2046 = tpu.vector_load_idx %arg16[%add3A_887, %parallel_loop3A_2035] : memref<800x64xf32, #tpu.memory_space<vmem>>[vector<16xi32>, vector<16xi32>], vector<16xf32>,
        %parallel_loop3A_2047 = arith.mulf %parallel_loop3A_2039, %parallel_loop3A_2046 : vector<16xf32>
        %parallel_loop3A_2048 = arith.addf %parallel_loop3A_2033, %parallel_loop3A_2047 : vector<16xf32>
        %parallel_loop3A_2049 = tpu.vector_load_idx %arg16[%add3A_890, %parallel_loop3A_2035] : memref<800x64xf32, #tpu.memory_space<vmem>>[vector<16xi32>, vector<16xi32>], vector<16xf32>,
        %parallel_loop3A_2050 = arith.mulf %parallel_loop3A_2039, %parallel_loop3A_2049 : vector<16xf32>
        %parallel_loop3A_2051 = arith.addf %parallel_loop3A_2034, %parallel_loop3A_2050 : vector<16xf32>
        %parallel_loop3A_2052 = arith.constant 1 : i32
        %parallel_loop3A_2053 = vector.broadcast %parallel_loop3A_2052 : i32 to vector<16xi32>
        %parallel_loop3A_2054 = arith.addi %parallel_loop3A_2035, %parallel_loop3A_2053 : vector<16xi32>
        %parallel_loop3A_2055 = arith.constant 63 : i32
        %parallel_loop3A_2056 = vector.broadcast %parallel_loop3A_2055 : i32 to vector<16xi32>
        %parallel_loop3A_2057 = arith.andi %parallel_loop3A_2054, %parallel_loop3A_2056 : vector<16xi32>
        scf.yield %parallel_loop3A_2042, %parallel_loop3A_2045, %parallel_loop3A_2048, %parallel_loop3A_2051, %parallel_loop3A_2057 : vector<16xf32>, vector<16xf32>, vector<16xf32>, vector<16xf32>, vector<16xi32>
      } {sc.loop_unroll_factor = 1 : i64, sc.parallel_access}
      tpu.vector_store_idx %arg18[%add3A_881], %parallel_loop3A_894#0 : memref<800xf32, #tpu.memory_space<vmem>>[vector<16xi32>], vector<16xf32>,
      tpu.vector_store_idx %arg18[%add3A_884], %parallel_loop3A_894#1 : memref<800xf32, #tpu.memory_space<vmem>>[vector<16xi32>], vector<16xf32>,
      tpu.vector_store_idx %arg18[%add3A_887], %parallel_loop3A_894#2 : memref<800xf32, #tpu.memory_space<vmem>>[vector<16xi32>], vector<16xf32>,
      tpu.vector_store_idx %arg18[%add3A_890], %parallel_loop3A_894#3 : memref<800xf32, #tpu.memory_space<vmem>>[vector<16xi32>], vector<16xf32>,
      %add3A_895 = arith.constant 128 : i32
      %add3A_896 = vector.broadcast %add3A_895 : i32 to vector<16xi32>
      %add3A_897 = arith.addi %add3A_896, %iota3A : vector<16xi32>
      %add3A_898 = arith.constant 144 : i32
      %add3A_899 = vector.broadcast %add3A_898 : i32 to vector<16xi32>
      %add3A_900 = arith.addi %add3A_899, %iota3A : vector<16xi32>
      %add3A_901 = arith.constant 160 : i32
      %add3A_902 = vector.broadcast %add3A_901 : i32 to vector<16xi32>
      %add3A_903 = arith.addi %add3A_902, %iota3A : vector<16xi32>
      %add3A_904 = arith.constant 176 : i32
      %add3A_905 = vector.broadcast %add3A_904 : i32 to vector<16xi32>
      %add3A_906 = arith.addi %add3A_905, %iota3A : vector<16xi32>
      %parallel_loop3A_907 = arith.constant 0 : i32
      %parallel_loop3A_908 = arith.constant 64 : i32
      %parallel_loop3A_909 = arith.constant 1 : i32
      %parallel_loop3A_910:5 = scf.for %parallel_loop3A_2030 = %parallel_loop3A_907 to %parallel_loop3A_908 step %parallel_loop3A_909 iter_args(%parallel_loop3A_2031 = %broadcast_in_dim3A_863, %parallel_loop3A_2032 = %broadcast_in_dim3A_863, %parallel_loop3A_2033 = %broadcast_in_dim3A_863, %parallel_loop3A_2034 = %broadcast_in_dim3A_863, %parallel_loop3A_2035 = %iota3A) -> (vector<16xf32>, vector<16xf32>, vector<16xf32>, vector<16xf32>, vector<16xi32>)  : i32 {
        %parallel_loop3A_2036 = arith.constant 0 : i32
        %parallel_loop3A_2037 = arith.index_cast %parallel_loop3A_2036 : i32 to index
        %parallel_loop3A_2038 = arith.index_cast %parallel_loop3A_2030 : i32 to index
        %parallel_loop3A_2039 = tpu.vector_load %arg10[%parallel_loop3A_2037, %parallel_loop3A_2038] {strides = array<i32>} : memref<4x128xf32, #tpu.memory_space<vmem>>, vector<16xf32>,
        %parallel_loop3A_2040 = tpu.vector_load_idx %arg16[%add3A_897, %parallel_loop3A_2035] : memref<800x64xf32, #tpu.memory_space<vmem>>[vector<16xi32>, vector<16xi32>], vector<16xf32>,
        %parallel_loop3A_2041 = arith.mulf %parallel_loop3A_2039, %parallel_loop3A_2040 : vector<16xf32>
        %parallel_loop3A_2042 = arith.addf %parallel_loop3A_2031, %parallel_loop3A_2041 : vector<16xf32>
        %parallel_loop3A_2043 = tpu.vector_load_idx %arg16[%add3A_900, %parallel_loop3A_2035] : memref<800x64xf32, #tpu.memory_space<vmem>>[vector<16xi32>, vector<16xi32>], vector<16xf32>,
        %parallel_loop3A_2044 = arith.mulf %parallel_loop3A_2039, %parallel_loop3A_2043 : vector<16xf32>
        %parallel_loop3A_2045 = arith.addf %parallel_loop3A_2032, %parallel_loop3A_2044 : vector<16xf32>
        %parallel_loop3A_2046 = tpu.vector_load_idx %arg16[%add3A_903, %parallel_loop3A_2035] : memref<800x64xf32, #tpu.memory_space<vmem>>[vector<16xi32>, vector<16xi32>], vector<16xf32>,
        %parallel_loop3A_2047 = arith.mulf %parallel_loop3A_2039, %parallel_loop3A_2046 : vector<16xf32>
        %parallel_loop3A_2048 = arith.addf %parallel_loop3A_2033, %parallel_loop3A_2047 : vector<16xf32>
        %parallel_loop3A_2049 = tpu.vector_load_idx %arg16[%add3A_906, %parallel_loop3A_2035] : memref<800x64xf32, #tpu.memory_space<vmem>>[vector<16xi32>, vector<16xi32>], vector<16xf32>,
        %parallel_loop3A_2050 = arith.mulf %parallel_loop3A_2039, %parallel_loop3A_2049 : vector<16xf32>
        %parallel_loop3A_2051 = arith.addf %parallel_loop3A_2034, %parallel_loop3A_2050 : vector<16xf32>
        %parallel_loop3A_2052 = arith.constant 1 : i32
        %parallel_loop3A_2053 = vector.broadcast %parallel_loop3A_2052 : i32 to vector<16xi32>
        %parallel_loop3A_2054 = arith.addi %parallel_loop3A_2035, %parallel_loop3A_2053 : vector<16xi32>
        %parallel_loop3A_2055 = arith.constant 63 : i32
        %parallel_loop3A_2056 = vector.broadcast %parallel_loop3A_2055 : i32 to vector<16xi32>
        %parallel_loop3A_2057 = arith.andi %parallel_loop3A_2054, %parallel_loop3A_2056 : vector<16xi32>
        scf.yield %parallel_loop3A_2042, %parallel_loop3A_2045, %parallel_loop3A_2048, %parallel_loop3A_2051, %parallel_loop3A_2057 : vector<16xf32>, vector<16xf32>, vector<16xf32>, vector<16xf32>, vector<16xi32>
      } {sc.loop_unroll_factor = 1 : i64, sc.parallel_access}
      tpu.vector_store_idx %arg18[%add3A_897], %parallel_loop3A_910#0 : memref<800xf32, #tpu.memory_space<vmem>>[vector<16xi32>], vector<16xf32>,
      tpu.vector_store_idx %arg18[%add3A_900], %parallel_loop3A_910#1 : memref<800xf32, #tpu.memory_space<vmem>>[vector<16xi32>], vector<16xf32>,
      tpu.vector_store_idx %arg18[%add3A_903], %parallel_loop3A_910#2 : memref<800xf32, #tpu.memory_space<vmem>>[vector<16xi32>], vector<16xf32>,
      tpu.vector_store_idx %arg18[%add3A_906], %parallel_loop3A_910#3 : memref<800xf32, #tpu.memory_space<vmem>>[vector<16xi32>], vector<16xf32>,
      %add3A_911 = arith.constant 192 : i32
      %add3A_912 = vector.broadcast %add3A_911 : i32 to vector<16xi32>
      %add3A_913 = arith.addi %add3A_912, %iota3A : vector<16xi32>
      %min3A_914 = arith.constant 799 : i32
      %min3A_915 = vector.broadcast %min3A_914 : i32 to vector<16xi32>
      %min3A_916 = arith.minsi %add3A_913, %min3A_915 : vector<16xi32>
      %add3A_917 = arith.constant 192 : i32
      %add3A_918 = vector.broadcast %add3A_917 : i32 to vector<16xi32>
      %add3A_919 = arith.addi %add3A_918, %iota3A : vector<16xi32>
      %lt3A_920 = arith.constant 200 : i32
      %lt3A_921 = vector.broadcast %lt3A_920 : i32 to vector<16xi32>
      %lt3A_922 = arith.cmpi slt, %add3A_919, %lt3A_921 : vector<16xi32>
      %parallel_loop3A_923 = arith.constant 0 : i32
      %parallel_loop3A_924 = arith.constant 64 : i32
      %parallel_loop3A_925 = arith.constant 1 : i32
      %parallel_loop3A_926:2 = scf.for %parallel_loop3A_2030 = %parallel_loop3A_923 to %parallel_loop3A_924 step %parallel_loop3A_925 iter_args(%parallel_loop3A_2031 = %broadcast_in_dim3A_863, %parallel_loop3A_2032 = %iota3A) -> (vector<16xf32>, vector<16xi32>)  : i32 {
        %parallel_loop3A_2033 = arith.constant 0 : i32
        %parallel_loop3A_2034 = arith.index_cast %parallel_loop3A_2033 : i32 to index
        %parallel_loop3A_2035 = arith.index_cast %parallel_loop3A_2030 : i32 to index
        %parallel_loop3A_2036 = tpu.vector_load %arg10[%parallel_loop3A_2034, %parallel_loop3A_2035] {strides = array<i32>} : memref<4x128xf32, #tpu.memory_space<vmem>>, vector<16xf32>,
        %parallel_loop3A_2037 = tpu.vector_load_idx %arg16[%min3A_916, %parallel_loop3A_2032] : memref<800x64xf32, #tpu.memory_space<vmem>>[vector<16xi32>, vector<16xi32>], vector<16xf32>,
        %parallel_loop3A_2038 = arith.mulf %parallel_loop3A_2036, %parallel_loop3A_2037 : vector<16xf32>
        %parallel_loop3A_2039 = arith.addf %parallel_loop3A_2031, %parallel_loop3A_2038 : vector<16xf32>
        %parallel_loop3A_2040 = arith.constant 1 : i32
        %parallel_loop3A_2041 = vector.broadcast %parallel_loop3A_2040 : i32 to vector<16xi32>
        %parallel_loop3A_2042 = arith.addi %parallel_loop3A_2032, %parallel_loop3A_2041 : vector<16xi32>
        %parallel_loop3A_2043 = arith.constant 63 : i32
        %parallel_loop3A_2044 = vector.broadcast %parallel_loop3A_2043 : i32 to vector<16xi32>
        %parallel_loop3A_2045 = arith.andi %parallel_loop3A_2042, %parallel_loop3A_2044 : vector<16xi32>
        scf.yield %parallel_loop3A_2039, %parallel_loop3A_2045 : vector<16xf32>, vector<16xi32>
      } {sc.loop_unroll_factor = 1 : i64, sc.parallel_access}
      tpu.vector_store_idx %arg18[%min3A_916], %parallel_loop3A_926#0 masked %lt3A_922 : memref<800xf32, #tpu.memory_space<vmem>>[vector<16xi32>], vector<16xf32>, vector<16xi1>
      %add3A_927 = arith.constant 200 : i32
      %add3A_928 = vector.broadcast %add3A_927 : i32 to vector<16xi32>
      %add3A_929 = arith.addi %add3A_928, %iota3A : vector<16xi32>
      %add3A_930 = arith.constant 216 : i32
      %add3A_931 = vector.broadcast %add3A_930 : i32 to vector<16xi32>
      %add3A_932 = arith.addi %add3A_931, %iota3A : vector<16xi32>
      %add3A_933 = arith.constant 232 : i32
      %add3A_934 = vector.broadcast %add3A_933 : i32 to vector<16xi32>
      %add3A_935 = arith.addi %add3A_934, %iota3A : vector<16xi32>
      %add3A_936 = arith.constant 248 : i32
      %add3A_937 = vector.broadcast %add3A_936 : i32 to vector<16xi32>
      %add3A_938 = arith.addi %add3A_937, %iota3A : vector<16xi32>
      %parallel_loop3A_939 = arith.constant 0 : i32
      %parallel_loop3A_940 = arith.constant 64 : i32
      %parallel_loop3A_941 = arith.constant 1 : i32
      %parallel_loop3A_942:5 = scf.for %parallel_loop3A_2030 = %parallel_loop3A_939 to %parallel_loop3A_940 step %parallel_loop3A_941 iter_args(%parallel_loop3A_2031 = %broadcast_in_dim3A_863, %parallel_loop3A_2032 = %broadcast_in_dim3A_863, %parallel_loop3A_2033 = %broadcast_in_dim3A_863, %parallel_loop3A_2034 = %broadcast_in_dim3A_863, %parallel_loop3A_2035 = %iota3A) -> (vector<16xf32>, vector<16xf32>, vector<16xf32>, vector<16xf32>, vector<16xi32>)  : i32 {
        %parallel_loop3A_2036 = arith.constant 1 : i32
        %parallel_loop3A_2037 = arith.index_cast %parallel_loop3A_2036 : i32 to index
        %parallel_loop3A_2038 = arith.index_cast %parallel_loop3A_2030 : i32 to index
        %parallel_loop3A_2039 = tpu.vector_load %arg10[%parallel_loop3A_2037, %parallel_loop3A_2038] {strides = array<i32>} : memref<4x128xf32, #tpu.memory_space<vmem>>, vector<16xf32>,
        %parallel_loop3A_2040 = tpu.vector_load_idx %arg16[%add3A_929, %parallel_loop3A_2035] : memref<800x64xf32, #tpu.memory_space<vmem>>[vector<16xi32>, vector<16xi32>], vector<16xf32>,
        %parallel_loop3A_2041 = arith.mulf %parallel_loop3A_2039, %parallel_loop3A_2040 : vector<16xf32>
        %parallel_loop3A_2042 = arith.addf %parallel_loop3A_2031, %parallel_loop3A_2041 : vector<16xf32>
        %parallel_loop3A_2043 = tpu.vector_load_idx %arg16[%add3A_932, %parallel_loop3A_2035] : memref<800x64xf32, #tpu.memory_space<vmem>>[vector<16xi32>, vector<16xi32>], vector<16xf32>,
        %parallel_loop3A_2044 = arith.mulf %parallel_loop3A_2039, %parallel_loop3A_2043 : vector<16xf32>
        %parallel_loop3A_2045 = arith.addf %parallel_loop3A_2032, %parallel_loop3A_2044 : vector<16xf32>
        %parallel_loop3A_2046 = tpu.vector_load_idx %arg16[%add3A_935, %parallel_loop3A_2035] : memref<800x64xf32, #tpu.memory_space<vmem>>[vector<16xi32>, vector<16xi32>], vector<16xf32>,
        %parallel_loop3A_2047 = arith.mulf %parallel_loop3A_2039, %parallel_loop3A_2046 : vector<16xf32>
        %parallel_loop3A_2048 = arith.addf %parallel_loop3A_2033, %parallel_loop3A_2047 : vector<16xf32>
        %parallel_loop3A_2049 = tpu.vector_load_idx %arg16[%add3A_938, %parallel_loop3A_2035] : memref<800x64xf32, #tpu.memory_space<vmem>>[vector<16xi32>, vector<16xi32>], vector<16xf32>,
        %parallel_loop3A_2050 = arith.mulf %parallel_loop3A_2039, %parallel_loop3A_2049 : vector<16xf32>
        %parallel_loop3A_2051 = arith.addf %parallel_loop3A_2034, %parallel_loop3A_2050 : vector<16xf32>
        %parallel_loop3A_2052 = arith.constant 1 : i32
        %parallel_loop3A_2053 = vector.broadcast %parallel_loop3A_2052 : i32 to vector<16xi32>
        %parallel_loop3A_2054 = arith.addi %parallel_loop3A_2035, %parallel_loop3A_2053 : vector<16xi32>
        %parallel_loop3A_2055 = arith.constant 63 : i32
        %parallel_loop3A_2056 = vector.broadcast %parallel_loop3A_2055 : i32 to vector<16xi32>
        %parallel_loop3A_2057 = arith.andi %parallel_loop3A_2054, %parallel_loop3A_2056 : vector<16xi32>
        scf.yield %parallel_loop3A_2042, %parallel_loop3A_2045, %parallel_loop3A_2048, %parallel_loop3A_2051, %parallel_loop3A_2057 : vector<16xf32>, vector<16xf32>, vector<16xf32>, vector<16xf32>, vector<16xi32>
      } {sc.loop_unroll_factor = 1 : i64, sc.parallel_access}
      tpu.vector_store_idx %arg18[%add3A_929], %parallel_loop3A_942#0 : memref<800xf32, #tpu.memory_space<vmem>>[vector<16xi32>], vector<16xf32>,
      tpu.vector_store_idx %arg18[%add3A_932], %parallel_loop3A_942#1 : memref<800xf32, #tpu.memory_space<vmem>>[vector<16xi32>], vector<16xf32>,
      tpu.vector_store_idx %arg18[%add3A_935], %parallel_loop3A_942#2 : memref<800xf32, #tpu.memory_space<vmem>>[vector<16xi32>], vector<16xf32>,
      tpu.vector_store_idx %arg18[%add3A_938], %parallel_loop3A_942#3 : memref<800xf32, #tpu.memory_space<vmem>>[vector<16xi32>], vector<16xf32>,
      %add3A_943 = arith.constant 264 : i32
      %add3A_944 = vector.broadcast %add3A_943 : i32 to vector<16xi32>
      %add3A_945 = arith.addi %add3A_944, %iota3A : vector<16xi32>
      %add3A_946 = arith.constant 280 : i32
      %add3A_947 = vector.broadcast %add3A_946 : i32 to vector<16xi32>
      %add3A_948 = arith.addi %add3A_947, %iota3A : vector<16xi32>
      %add3A_949 = arith.constant 296 : i32
      %add3A_950 = vector.broadcast %add3A_949 : i32 to vector<16xi32>
      %add3A_951 = arith.addi %add3A_950, %iota3A : vector<16xi32>
      %add3A_952 = arith.constant 312 : i32
      %add3A_953 = vector.broadcast %add3A_952 : i32 to vector<16xi32>
      %add3A_954 = arith.addi %add3A_953, %iota3A : vector<16xi32>
      %parallel_loop3A_955 = arith.constant 0 : i32
      %parallel_loop3A_956 = arith.constant 64 : i32
      %parallel_loop3A_957 = arith.constant 1 : i32
      %parallel_loop3A_958:5 = scf.for %parallel_loop3A_2030 = %parallel_loop3A_955 to %parallel_loop3A_956 step %parallel_loop3A_957 iter_args(%parallel_loop3A_2031 = %broadcast_in_dim3A_863, %parallel_loop3A_2032 = %broadcast_in_dim3A_863, %parallel_loop3A_2033 = %broadcast_in_dim3A_863, %parallel_loop3A_2034 = %broadcast_in_dim3A_863, %parallel_loop3A_2035 = %iota3A) -> (vector<16xf32>, vector<16xf32>, vector<16xf32>, vector<16xf32>, vector<16xi32>)  : i32 {
        %parallel_loop3A_2036 = arith.constant 1 : i32
        %parallel_loop3A_2037 = arith.index_cast %parallel_loop3A_2036 : i32 to index
        %parallel_loop3A_2038 = arith.index_cast %parallel_loop3A_2030 : i32 to index
        %parallel_loop3A_2039 = tpu.vector_load %arg10[%parallel_loop3A_2037, %parallel_loop3A_2038] {strides = array<i32>} : memref<4x128xf32, #tpu.memory_space<vmem>>, vector<16xf32>,
        %parallel_loop3A_2040 = tpu.vector_load_idx %arg16[%add3A_945, %parallel_loop3A_2035] : memref<800x64xf32, #tpu.memory_space<vmem>>[vector<16xi32>, vector<16xi32>], vector<16xf32>,
        %parallel_loop3A_2041 = arith.mulf %parallel_loop3A_2039, %parallel_loop3A_2040 : vector<16xf32>
        %parallel_loop3A_2042 = arith.addf %parallel_loop3A_2031, %parallel_loop3A_2041 : vector<16xf32>
        %parallel_loop3A_2043 = tpu.vector_load_idx %arg16[%add3A_948, %parallel_loop3A_2035] : memref<800x64xf32, #tpu.memory_space<vmem>>[vector<16xi32>, vector<16xi32>], vector<16xf32>,
        %parallel_loop3A_2044 = arith.mulf %parallel_loop3A_2039, %parallel_loop3A_2043 : vector<16xf32>
        %parallel_loop3A_2045 = arith.addf %parallel_loop3A_2032, %parallel_loop3A_2044 : vector<16xf32>
        %parallel_loop3A_2046 = tpu.vector_load_idx %arg16[%add3A_951, %parallel_loop3A_2035] : memref<800x64xf32, #tpu.memory_space<vmem>>[vector<16xi32>, vector<16xi32>], vector<16xf32>,
        %parallel_loop3A_2047 = arith.mulf %parallel_loop3A_2039, %parallel_loop3A_2046 : vector<16xf32>
        %parallel_loop3A_2048 = arith.addf %parallel_loop3A_2033, %parallel_loop3A_2047 : vector<16xf32>
        %parallel_loop3A_2049 = tpu.vector_load_idx %arg16[%add3A_954, %parallel_loop3A_2035] : memref<800x64xf32, #tpu.memory_space<vmem>>[vector<16xi32>, vector<16xi32>], vector<16xf32>,
        %parallel_loop3A_2050 = arith.mulf %parallel_loop3A_2039, %parallel_loop3A_2049 : vector<16xf32>
        %parallel_loop3A_2051 = arith.addf %parallel_loop3A_2034, %parallel_loop3A_2050 : vector<16xf32>
        %parallel_loop3A_2052 = arith.constant 1 : i32
        %parallel_loop3A_2053 = vector.broadcast %parallel_loop3A_2052 : i32 to vector<16xi32>
        %parallel_loop3A_2054 = arith.addi %parallel_loop3A_2035, %parallel_loop3A_2053 : vector<16xi32>
        %parallel_loop3A_2055 = arith.constant 63 : i32
        %parallel_loop3A_2056 = vector.broadcast %parallel_loop3A_2055 : i32 to vector<16xi32>
        %parallel_loop3A_2057 = arith.andi %parallel_loop3A_2054, %parallel_loop3A_2056 : vector<16xi32>
        scf.yield %parallel_loop3A_2042, %parallel_loop3A_2045, %parallel_loop3A_2048, %parallel_loop3A_2051, %parallel_loop3A_2057 : vector<16xf32>, vector<16xf32>, vector<16xf32>, vector<16xf32>, vector<16xi32>
      } {sc.loop_unroll_factor = 1 : i64, sc.parallel_access}
      tpu.vector_store_idx %arg18[%add3A_945], %parallel_loop3A_958#0 : memref<800xf32, #tpu.memory_space<vmem>>[vector<16xi32>], vector<16xf32>,
      tpu.vector_store_idx %arg18[%add3A_948], %parallel_loop3A_958#1 : memref<800xf32, #tpu.memory_space<vmem>>[vector<16xi32>], vector<16xf32>,
      tpu.vector_store_idx %arg18[%add3A_951], %parallel_loop3A_958#2 : memref<800xf32, #tpu.memory_space<vmem>>[vector<16xi32>], vector<16xf32>,
      tpu.vector_store_idx %arg18[%add3A_954], %parallel_loop3A_958#3 : memref<800xf32, #tpu.memory_space<vmem>>[vector<16xi32>], vector<16xf32>,
      %add3A_959 = arith.constant 328 : i32
      %add3A_960 = vector.broadcast %add3A_959 : i32 to vector<16xi32>
      %add3A_961 = arith.addi %add3A_960, %iota3A : vector<16xi32>
      %add3A_962 = arith.constant 344 : i32
      %add3A_963 = vector.broadcast %add3A_962 : i32 to vector<16xi32>
      %add3A_964 = arith.addi %add3A_963, %iota3A : vector<16xi32>
      %add3A_965 = arith.constant 360 : i32
      %add3A_966 = vector.broadcast %add3A_965 : i32 to vector<16xi32>
      %add3A_967 = arith.addi %add3A_966, %iota3A : vector<16xi32>
      %add3A_968 = arith.constant 376 : i32
      %add3A_969 = vector.broadcast %add3A_968 : i32 to vector<16xi32>
      %add3A_970 = arith.addi %add3A_969, %iota3A : vector<16xi32>
      %parallel_loop3A_971 = arith.constant 0 : i32
      %parallel_loop3A_972 = arith.constant 64 : i32
      %parallel_loop3A_973 = arith.constant 1 : i32
      %parallel_loop3A_974:5 = scf.for %parallel_loop3A_2030 = %parallel_loop3A_971 to %parallel_loop3A_972 step %parallel_loop3A_973 iter_args(%parallel_loop3A_2031 = %broadcast_in_dim3A_863, %parallel_loop3A_2032 = %broadcast_in_dim3A_863, %parallel_loop3A_2033 = %broadcast_in_dim3A_863, %parallel_loop3A_2034 = %broadcast_in_dim3A_863, %parallel_loop3A_2035 = %iota3A) -> (vector<16xf32>, vector<16xf32>, vector<16xf32>, vector<16xf32>, vector<16xi32>)  : i32 {
        %parallel_loop3A_2036 = arith.constant 1 : i32
        %parallel_loop3A_2037 = arith.index_cast %parallel_loop3A_2036 : i32 to index
        %parallel_loop3A_2038 = arith.index_cast %parallel_loop3A_2030 : i32 to index
        %parallel_loop3A_2039 = tpu.vector_load %arg10[%parallel_loop3A_2037, %parallel_loop3A_2038] {strides = array<i32>} : memref<4x128xf32, #tpu.memory_space<vmem>>, vector<16xf32>,
        %parallel_loop3A_2040 = tpu.vector_load_idx %arg16[%add3A_961, %parallel_loop3A_2035] : memref<800x64xf32, #tpu.memory_space<vmem>>[vector<16xi32>, vector<16xi32>], vector<16xf32>,
        %parallel_loop3A_2041 = arith.mulf %parallel_loop3A_2039, %parallel_loop3A_2040 : vector<16xf32>
        %parallel_loop3A_2042 = arith.addf %parallel_loop3A_2031, %parallel_loop3A_2041 : vector<16xf32>
        %parallel_loop3A_2043 = tpu.vector_load_idx %arg16[%add3A_964, %parallel_loop3A_2035] : memref<800x64xf32, #tpu.memory_space<vmem>>[vector<16xi32>, vector<16xi32>], vector<16xf32>,
        %parallel_loop3A_2044 = arith.mulf %parallel_loop3A_2039, %parallel_loop3A_2043 : vector<16xf32>
        %parallel_loop3A_2045 = arith.addf %parallel_loop3A_2032, %parallel_loop3A_2044 : vector<16xf32>
        %parallel_loop3A_2046 = tpu.vector_load_idx %arg16[%add3A_967, %parallel_loop3A_2035] : memref<800x64xf32, #tpu.memory_space<vmem>>[vector<16xi32>, vector<16xi32>], vector<16xf32>,
        %parallel_loop3A_2047 = arith.mulf %parallel_loop3A_2039, %parallel_loop3A_2046 : vector<16xf32>
        %parallel_loop3A_2048 = arith.addf %parallel_loop3A_2033, %parallel_loop3A_2047 : vector<16xf32>
        %parallel_loop3A_2049 = tpu.vector_load_idx %arg16[%add3A_970, %parallel_loop3A_2035] : memref<800x64xf32, #tpu.memory_space<vmem>>[vector<16xi32>, vector<16xi32>], vector<16xf32>,
        %parallel_loop3A_2050 = arith.mulf %parallel_loop3A_2039, %parallel_loop3A_2049 : vector<16xf32>
        %parallel_loop3A_2051 = arith.addf %parallel_loop3A_2034, %parallel_loop3A_2050 : vector<16xf32>
        %parallel_loop3A_2052 = arith.constant 1 : i32
        %parallel_loop3A_2053 = vector.broadcast %parallel_loop3A_2052 : i32 to vector<16xi32>
        %parallel_loop3A_2054 = arith.addi %parallel_loop3A_2035, %parallel_loop3A_2053 : vector<16xi32>
        %parallel_loop3A_2055 = arith.constant 63 : i32
        %parallel_loop3A_2056 = vector.broadcast %parallel_loop3A_2055 : i32 to vector<16xi32>
        %parallel_loop3A_2057 = arith.andi %parallel_loop3A_2054, %parallel_loop3A_2056 : vector<16xi32>
        scf.yield %parallel_loop3A_2042, %parallel_loop3A_2045, %parallel_loop3A_2048, %parallel_loop3A_2051, %parallel_loop3A_2057 : vector<16xf32>, vector<16xf32>, vector<16xf32>, vector<16xf32>, vector<16xi32>
      } {sc.loop_unroll_factor = 1 : i64, sc.parallel_access}
      tpu.vector_store_idx %arg18[%add3A_961], %parallel_loop3A_974#0 : memref<800xf32, #tpu.memory_space<vmem>>[vector<16xi32>], vector<16xf32>,
      tpu.vector_store_idx %arg18[%add3A_964], %parallel_loop3A_974#1 : memref<800xf32, #tpu.memory_space<vmem>>[vector<16xi32>], vector<16xf32>,
      tpu.vector_store_idx %arg18[%add3A_967], %parallel_loop3A_974#2 : memref<800xf32, #tpu.memory_space<vmem>>[vector<16xi32>], vector<16xf32>,
      tpu.vector_store_idx %arg18[%add3A_970], %parallel_loop3A_974#3 : memref<800xf32, #tpu.memory_space<vmem>>[vector<16xi32>], vector<16xf32>,
      %add3A_975 = arith.constant 392 : i32
      %add3A_976 = vector.broadcast %add3A_975 : i32 to vector<16xi32>
      %add3A_977 = arith.addi %add3A_976, %iota3A : vector<16xi32>
      %min3A_978 = arith.constant 799 : i32
      %min3A_979 = vector.broadcast %min3A_978 : i32 to vector<16xi32>
      %min3A_980 = arith.minsi %add3A_977, %min3A_979 : vector<16xi32>
      %add3A_981 = arith.constant 392 : i32
      %add3A_982 = vector.broadcast %add3A_981 : i32 to vector<16xi32>
      %add3A_983 = arith.addi %add3A_982, %iota3A : vector<16xi32>
      %lt3A_984 = arith.constant 400 : i32
      %lt3A_985 = vector.broadcast %lt3A_984 : i32 to vector<16xi32>
      %lt3A_986 = arith.cmpi slt, %add3A_983, %lt3A_985 : vector<16xi32>
      %parallel_loop3A_987 = arith.constant 0 : i32
      %parallel_loop3A_988 = arith.constant 64 : i32
      %parallel_loop3A_989 = arith.constant 1 : i32
      %parallel_loop3A_990:2 = scf.for %parallel_loop3A_2030 = %parallel_loop3A_987 to %parallel_loop3A_988 step %parallel_loop3A_989 iter_args(%parallel_loop3A_2031 = %broadcast_in_dim3A_863, %parallel_loop3A_2032 = %iota3A) -> (vector<16xf32>, vector<16xi32>)  : i32 {
        %parallel_loop3A_2033 = arith.constant 1 : i32
        %parallel_loop3A_2034 = arith.index_cast %parallel_loop3A_2033 : i32 to index
        %parallel_loop3A_2035 = arith.index_cast %parallel_loop3A_2030 : i32 to index
        %parallel_loop3A_2036 = tpu.vector_load %arg10[%parallel_loop3A_2034, %parallel_loop3A_2035] {strides = array<i32>} : memref<4x128xf32, #tpu.memory_space<vmem>>, vector<16xf32>,
        %parallel_loop3A_2037 = tpu.vector_load_idx %arg16[%min3A_980, %parallel_loop3A_2032] : memref<800x64xf32, #tpu.memory_space<vmem>>[vector<16xi32>, vector<16xi32>], vector<16xf32>,
        %parallel_loop3A_2038 = arith.mulf %parallel_loop3A_2036, %parallel_loop3A_2037 : vector<16xf32>
        %parallel_loop3A_2039 = arith.addf %parallel_loop3A_2031, %parallel_loop3A_2038 : vector<16xf32>
        %parallel_loop3A_2040 = arith.constant 1 : i32
        %parallel_loop3A_2041 = vector.broadcast %parallel_loop3A_2040 : i32 to vector<16xi32>
        %parallel_loop3A_2042 = arith.addi %parallel_loop3A_2032, %parallel_loop3A_2041 : vector<16xi32>
        %parallel_loop3A_2043 = arith.constant 63 : i32
        %parallel_loop3A_2044 = vector.broadcast %parallel_loop3A_2043 : i32 to vector<16xi32>
        %parallel_loop3A_2045 = arith.andi %parallel_loop3A_2042, %parallel_loop3A_2044 : vector<16xi32>
        scf.yield %parallel_loop3A_2039, %parallel_loop3A_2045 : vector<16xf32>, vector<16xi32>
      } {sc.loop_unroll_factor = 1 : i64, sc.parallel_access}
      tpu.vector_store_idx %arg18[%min3A_980], %parallel_loop3A_990#0 masked %lt3A_986 : memref<800xf32, #tpu.memory_space<vmem>>[vector<16xi32>], vector<16xf32>, vector<16xi1>
      %add3A_991 = arith.constant 400 : i32
      %add3A_992 = vector.broadcast %add3A_991 : i32 to vector<16xi32>
      %add3A_993 = arith.addi %add3A_992, %iota3A : vector<16xi32>
      %add3A_994 = arith.constant 416 : i32
      %add3A_995 = vector.broadcast %add3A_994 : i32 to vector<16xi32>
      %add3A_996 = arith.addi %add3A_995, %iota3A : vector<16xi32>
      %add3A_997 = arith.constant 432 : i32
      %add3A_998 = vector.broadcast %add3A_997 : i32 to vector<16xi32>
      %add3A_999 = arith.addi %add3A_998, %iota3A : vector<16xi32>
      %add3A_1000 = arith.constant 448 : i32
      %add3A_1001 = vector.broadcast %add3A_1000 : i32 to vector<16xi32>
      %add3A_1002 = arith.addi %add3A_1001, %iota3A : vector<16xi32>
      %parallel_loop3A_1003 = arith.constant 0 : i32
      %parallel_loop3A_1004 = arith.constant 64 : i32
      %parallel_loop3A_1005 = arith.constant 1 : i32
      %parallel_loop3A_1006:5 = scf.for %parallel_loop3A_2030 = %parallel_loop3A_1003 to %parallel_loop3A_1004 step %parallel_loop3A_1005 iter_args(%parallel_loop3A_2031 = %broadcast_in_dim3A_863, %parallel_loop3A_2032 = %broadcast_in_dim3A_863, %parallel_loop3A_2033 = %broadcast_in_dim3A_863, %parallel_loop3A_2034 = %broadcast_in_dim3A_863, %parallel_loop3A_2035 = %iota3A) -> (vector<16xf32>, vector<16xf32>, vector<16xf32>, vector<16xf32>, vector<16xi32>)  : i32 {
        %parallel_loop3A_2036 = arith.constant 2 : i32
        %parallel_loop3A_2037 = arith.index_cast %parallel_loop3A_2036 : i32 to index
        %parallel_loop3A_2038 = arith.index_cast %parallel_loop3A_2030 : i32 to index
        %parallel_loop3A_2039 = tpu.vector_load %arg10[%parallel_loop3A_2037, %parallel_loop3A_2038] {strides = array<i32>} : memref<4x128xf32, #tpu.memory_space<vmem>>, vector<16xf32>,
        %parallel_loop3A_2040 = tpu.vector_load_idx %arg16[%add3A_993, %parallel_loop3A_2035] : memref<800x64xf32, #tpu.memory_space<vmem>>[vector<16xi32>, vector<16xi32>], vector<16xf32>,
        %parallel_loop3A_2041 = arith.mulf %parallel_loop3A_2039, %parallel_loop3A_2040 : vector<16xf32>
        %parallel_loop3A_2042 = arith.addf %parallel_loop3A_2031, %parallel_loop3A_2041 : vector<16xf32>
        %parallel_loop3A_2043 = tpu.vector_load_idx %arg16[%add3A_996, %parallel_loop3A_2035] : memref<800x64xf32, #tpu.memory_space<vmem>>[vector<16xi32>, vector<16xi32>], vector<16xf32>,
        %parallel_loop3A_2044 = arith.mulf %parallel_loop3A_2039, %parallel_loop3A_2043 : vector<16xf32>
        %parallel_loop3A_2045 = arith.addf %parallel_loop3A_2032, %parallel_loop3A_2044 : vector<16xf32>
        %parallel_loop3A_2046 = tpu.vector_load_idx %arg16[%add3A_999, %parallel_loop3A_2035] : memref<800x64xf32, #tpu.memory_space<vmem>>[vector<16xi32>, vector<16xi32>], vector<16xf32>,
        %parallel_loop3A_2047 = arith.mulf %parallel_loop3A_2039, %parallel_loop3A_2046 : vector<16xf32>
        %parallel_loop3A_2048 = arith.addf %parallel_loop3A_2033, %parallel_loop3A_2047 : vector<16xf32>
        %parallel_loop3A_2049 = tpu.vector_load_idx %arg16[%add3A_1002, %parallel_loop3A_2035] : memref<800x64xf32, #tpu.memory_space<vmem>>[vector<16xi32>, vector<16xi32>], vector<16xf32>,
        %parallel_loop3A_2050 = arith.mulf %parallel_loop3A_2039, %parallel_loop3A_2049 : vector<16xf32>
        %parallel_loop3A_2051 = arith.addf %parallel_loop3A_2034, %parallel_loop3A_2050 : vector<16xf32>
        %parallel_loop3A_2052 = arith.constant 1 : i32
        %parallel_loop3A_2053 = vector.broadcast %parallel_loop3A_2052 : i32 to vector<16xi32>
        %parallel_loop3A_2054 = arith.addi %parallel_loop3A_2035, %parallel_loop3A_2053 : vector<16xi32>
        %parallel_loop3A_2055 = arith.constant 63 : i32
        %parallel_loop3A_2056 = vector.broadcast %parallel_loop3A_2055 : i32 to vector<16xi32>
        %parallel_loop3A_2057 = arith.andi %parallel_loop3A_2054, %parallel_loop3A_2056 : vector<16xi32>
        scf.yield %parallel_loop3A_2042, %parallel_loop3A_2045, %parallel_loop3A_2048, %parallel_loop3A_2051, %parallel_loop3A_2057 : vector<16xf32>, vector<16xf32>, vector<16xf32>, vector<16xf32>, vector<16xi32>
      } {sc.loop_unroll_factor = 1 : i64, sc.parallel_access}
      tpu.vector_store_idx %arg18[%add3A_993], %parallel_loop3A_1006#0 : memref<800xf32, #tpu.memory_space<vmem>>[vector<16xi32>], vector<16xf32>,
      tpu.vector_store_idx %arg18[%add3A_996], %parallel_loop3A_1006#1 : memref<800xf32, #tpu.memory_space<vmem>>[vector<16xi32>], vector<16xf32>,
      tpu.vector_store_idx %arg18[%add3A_999], %parallel_loop3A_1006#2 : memref<800xf32, #tpu.memory_space<vmem>>[vector<16xi32>], vector<16xf32>,
      tpu.vector_store_idx %arg18[%add3A_1002], %parallel_loop3A_1006#3 : memref<800xf32, #tpu.memory_space<vmem>>[vector<16xi32>], vector<16xf32>,
      %add3A_1007 = arith.constant 464 : i32
      %add3A_1008 = vector.broadcast %add3A_1007 : i32 to vector<16xi32>
      %add3A_1009 = arith.addi %add3A_1008, %iota3A : vector<16xi32>
      %add3A_1010 = arith.constant 480 : i32
      %add3A_1011 = vector.broadcast %add3A_1010 : i32 to vector<16xi32>
      %add3A_1012 = arith.addi %add3A_1011, %iota3A : vector<16xi32>
      %add3A_1013 = arith.constant 496 : i32
      %add3A_1014 = vector.broadcast %add3A_1013 : i32 to vector<16xi32>
      %add3A_1015 = arith.addi %add3A_1014, %iota3A : vector<16xi32>
      %add3A_1016 = arith.constant 512 : i32
      %add3A_1017 = vector.broadcast %add3A_1016 : i32 to vector<16xi32>
      %add3A_1018 = arith.addi %add3A_1017, %iota3A : vector<16xi32>
      %parallel_loop3A_1019 = arith.constant 0 : i32
      %parallel_loop3A_1020 = arith.constant 64 : i32
      %parallel_loop3A_1021 = arith.constant 1 : i32
      %parallel_loop3A_1022:5 = scf.for %parallel_loop3A_2030 = %parallel_loop3A_1019 to %parallel_loop3A_1020 step %parallel_loop3A_1021 iter_args(%parallel_loop3A_2031 = %broadcast_in_dim3A_863, %parallel_loop3A_2032 = %broadcast_in_dim3A_863, %parallel_loop3A_2033 = %broadcast_in_dim3A_863, %parallel_loop3A_2034 = %broadcast_in_dim3A_863, %parallel_loop3A_2035 = %iota3A) -> (vector<16xf32>, vector<16xf32>, vector<16xf32>, vector<16xf32>, vector<16xi32>)  : i32 {
        %parallel_loop3A_2036 = arith.constant 2 : i32
        %parallel_loop3A_2037 = arith.index_cast %parallel_loop3A_2036 : i32 to index
        %parallel_loop3A_2038 = arith.index_cast %parallel_loop3A_2030 : i32 to index
        %parallel_loop3A_2039 = tpu.vector_load %arg10[%parallel_loop3A_2037, %parallel_loop3A_2038] {strides = array<i32>} : memref<4x128xf32, #tpu.memory_space<vmem>>, vector<16xf32>,
        %parallel_loop3A_2040 = tpu.vector_load_idx %arg16[%add3A_1009, %parallel_loop3A_2035] : memref<800x64xf32, #tpu.memory_space<vmem>>[vector<16xi32>, vector<16xi32>], vector<16xf32>,
        %parallel_loop3A_2041 = arith.mulf %parallel_loop3A_2039, %parallel_loop3A_2040 : vector<16xf32>
        %parallel_loop3A_2042 = arith.addf %parallel_loop3A_2031, %parallel_loop3A_2041 : vector<16xf32>
        %parallel_loop3A_2043 = tpu.vector_load_idx %arg16[%add3A_1012, %parallel_loop3A_2035] : memref<800x64xf32, #tpu.memory_space<vmem>>[vector<16xi32>, vector<16xi32>], vector<16xf32>,
        %parallel_loop3A_2044 = arith.mulf %parallel_loop3A_2039, %parallel_loop3A_2043 : vector<16xf32>
        %parallel_loop3A_2045 = arith.addf %parallel_loop3A_2032, %parallel_loop3A_2044 : vector<16xf32>
        %parallel_loop3A_2046 = tpu.vector_load_idx %arg16[%add3A_1015, %parallel_loop3A_2035] : memref<800x64xf32, #tpu.memory_space<vmem>>[vector<16xi32>, vector<16xi32>], vector<16xf32>,
        %parallel_loop3A_2047 = arith.mulf %parallel_loop3A_2039, %parallel_loop3A_2046 : vector<16xf32>
        %parallel_loop3A_2048 = arith.addf %parallel_loop3A_2033, %parallel_loop3A_2047 : vector<16xf32>
        %parallel_loop3A_2049 = tpu.vector_load_idx %arg16[%add3A_1018, %parallel_loop3A_2035] : memref<800x64xf32, #tpu.memory_space<vmem>>[vector<16xi32>, vector<16xi32>], vector<16xf32>,
        %parallel_loop3A_2050 = arith.mulf %parallel_loop3A_2039, %parallel_loop3A_2049 : vector<16xf32>
        %parallel_loop3A_2051 = arith.addf %parallel_loop3A_2034, %parallel_loop3A_2050 : vector<16xf32>
        %parallel_loop3A_2052 = arith.constant 1 : i32
        %parallel_loop3A_2053 = vector.broadcast %parallel_loop3A_2052 : i32 to vector<16xi32>
        %parallel_loop3A_2054 = arith.addi %parallel_loop3A_2035, %parallel_loop3A_2053 : vector<16xi32>
        %parallel_loop3A_2055 = arith.constant 63 : i32
        %parallel_loop3A_2056 = vector.broadcast %parallel_loop3A_2055 : i32 to vector<16xi32>
        %parallel_loop3A_2057 = arith.andi %parallel_loop3A_2054, %parallel_loop3A_2056 : vector<16xi32>
        scf.yield %parallel_loop3A_2042, %parallel_loop3A_2045, %parallel_loop3A_2048, %parallel_loop3A_2051, %parallel_loop3A_2057 : vector<16xf32>, vector<16xf32>, vector<16xf32>, vector<16xf32>, vector<16xi32>
      } {sc.loop_unroll_factor = 1 : i64, sc.parallel_access}
      tpu.vector_store_idx %arg18[%add3A_1009], %parallel_loop3A_1022#0 : memref<800xf32, #tpu.memory_space<vmem>>[vector<16xi32>], vector<16xf32>,
      tpu.vector_store_idx %arg18[%add3A_1012], %parallel_loop3A_1022#1 : memref<800xf32, #tpu.memory_space<vmem>>[vector<16xi32>], vector<16xf32>,
      tpu.vector_store_idx %arg18[%add3A_1015], %parallel_loop3A_1022#2 : memref<800xf32, #tpu.memory_space<vmem>>[vector<16xi32>], vector<16xf32>,
      tpu.vector_store_idx %arg18[%add3A_1018], %parallel_loop3A_1022#3 : memref<800xf32, #tpu.memory_space<vmem>>[vector<16xi32>], vector<16xf32>,
      %add3A_1023 = arith.constant 528 : i32
      %add3A_1024 = vector.broadcast %add3A_1023 : i32 to vector<16xi32>
      %add3A_1025 = arith.addi %add3A_1024, %iota3A : vector<16xi32>
      %add3A_1026 = arith.constant 544 : i32
      %add3A_1027 = vector.broadcast %add3A_1026 : i32 to vector<16xi32>
      %add3A_1028 = arith.addi %add3A_1027, %iota3A : vector<16xi32>
      %add3A_1029 = arith.constant 560 : i32
      %add3A_1030 = vector.broadcast %add3A_1029 : i32 to vector<16xi32>
      %add3A_1031 = arith.addi %add3A_1030, %iota3A : vector<16xi32>
      %add3A_1032 = arith.constant 576 : i32
      %add3A_1033 = vector.broadcast %add3A_1032 : i32 to vector<16xi32>
      %add3A_1034 = arith.addi %add3A_1033, %iota3A : vector<16xi32>
      %parallel_loop3A_1035 = arith.constant 0 : i32
      %parallel_loop3A_1036 = arith.constant 64 : i32
      %parallel_loop3A_1037 = arith.constant 1 : i32
      %parallel_loop3A_1038:5 = scf.for %parallel_loop3A_2030 = %parallel_loop3A_1035 to %parallel_loop3A_1036 step %parallel_loop3A_1037 iter_args(%parallel_loop3A_2031 = %broadcast_in_dim3A_863, %parallel_loop3A_2032 = %broadcast_in_dim3A_863, %parallel_loop3A_2033 = %broadcast_in_dim3A_863, %parallel_loop3A_2034 = %broadcast_in_dim3A_863, %parallel_loop3A_2035 = %iota3A) -> (vector<16xf32>, vector<16xf32>, vector<16xf32>, vector<16xf32>, vector<16xi32>)  : i32 {
        %parallel_loop3A_2036 = arith.constant 2 : i32
        %parallel_loop3A_2037 = arith.index_cast %parallel_loop3A_2036 : i32 to index
        %parallel_loop3A_2038 = arith.index_cast %parallel_loop3A_2030 : i32 to index
        %parallel_loop3A_2039 = tpu.vector_load %arg10[%parallel_loop3A_2037, %parallel_loop3A_2038] {strides = array<i32>} : memref<4x128xf32, #tpu.memory_space<vmem>>, vector<16xf32>,
        %parallel_loop3A_2040 = tpu.vector_load_idx %arg16[%add3A_1025, %parallel_loop3A_2035] : memref<800x64xf32, #tpu.memory_space<vmem>>[vector<16xi32>, vector<16xi32>], vector<16xf32>,
        %parallel_loop3A_2041 = arith.mulf %parallel_loop3A_2039, %parallel_loop3A_2040 : vector<16xf32>
        %parallel_loop3A_2042 = arith.addf %parallel_loop3A_2031, %parallel_loop3A_2041 : vector<16xf32>
        %parallel_loop3A_2043 = tpu.vector_load_idx %arg16[%add3A_1028, %parallel_loop3A_2035] : memref<800x64xf32, #tpu.memory_space<vmem>>[vector<16xi32>, vector<16xi32>], vector<16xf32>,
        %parallel_loop3A_2044 = arith.mulf %parallel_loop3A_2039, %parallel_loop3A_2043 : vector<16xf32>
        %parallel_loop3A_2045 = arith.addf %parallel_loop3A_2032, %parallel_loop3A_2044 : vector<16xf32>
        %parallel_loop3A_2046 = tpu.vector_load_idx %arg16[%add3A_1031, %parallel_loop3A_2035] : memref<800x64xf32, #tpu.memory_space<vmem>>[vector<16xi32>, vector<16xi32>], vector<16xf32>,
        %parallel_loop3A_2047 = arith.mulf %parallel_loop3A_2039, %parallel_loop3A_2046 : vector<16xf32>
        %parallel_loop3A_2048 = arith.addf %parallel_loop3A_2033, %parallel_loop3A_2047 : vector<16xf32>
        %parallel_loop3A_2049 = tpu.vector_load_idx %arg16[%add3A_1034, %parallel_loop3A_2035] : memref<800x64xf32, #tpu.memory_space<vmem>>[vector<16xi32>, vector<16xi32>], vector<16xf32>,
        %parallel_loop3A_2050 = arith.mulf %parallel_loop3A_2039, %parallel_loop3A_2049 : vector<16xf32>
        %parallel_loop3A_2051 = arith.addf %parallel_loop3A_2034, %parallel_loop3A_2050 : vector<16xf32>
        %parallel_loop3A_2052 = arith.constant 1 : i32
        %parallel_loop3A_2053 = vector.broadcast %parallel_loop3A_2052 : i32 to vector<16xi32>
        %parallel_loop3A_2054 = arith.addi %parallel_loop3A_2035, %parallel_loop3A_2053 : vector<16xi32>
        %parallel_loop3A_2055 = arith.constant 63 : i32
        %parallel_loop3A_2056 = vector.broadcast %parallel_loop3A_2055 : i32 to vector<16xi32>
        %parallel_loop3A_2057 = arith.andi %parallel_loop3A_2054, %parallel_loop3A_2056 : vector<16xi32>
        scf.yield %parallel_loop3A_2042, %parallel_loop3A_2045, %parallel_loop3A_2048, %parallel_loop3A_2051, %parallel_loop3A_2057 : vector<16xf32>, vector<16xf32>, vector<16xf32>, vector<16xf32>, vector<16xi32>
      } {sc.loop_unroll_factor = 1 : i64, sc.parallel_access}
      tpu.vector_store_idx %arg18[%add3A_1025], %parallel_loop3A_1038#0 : memref<800xf32, #tpu.memory_space<vmem>>[vector<16xi32>], vector<16xf32>,
      tpu.vector_store_idx %arg18[%add3A_1028], %parallel_loop3A_1038#1 : memref<800xf32, #tpu.memory_space<vmem>>[vector<16xi32>], vector<16xf32>,
      tpu.vector_store_idx %arg18[%add3A_1031], %parallel_loop3A_1038#2 : memref<800xf32, #tpu.memory_space<vmem>>[vector<16xi32>], vector<16xf32>,
      tpu.vector_store_idx %arg18[%add3A_1034], %parallel_loop3A_1038#3 : memref<800xf32, #tpu.memory_space<vmem>>[vector<16xi32>], vector<16xf32>,
      %add3A_1039 = arith.constant 592 : i32
      %add3A_1040 = vector.broadcast %add3A_1039 : i32 to vector<16xi32>
      %add3A_1041 = arith.addi %add3A_1040, %iota3A : vector<16xi32>
      %min3A_1042 = arith.constant 799 : i32
      %min3A_1043 = vector.broadcast %min3A_1042 : i32 to vector<16xi32>
      %min3A_1044 = arith.minsi %add3A_1041, %min3A_1043 : vector<16xi32>
      %add3A_1045 = arith.constant 592 : i32
      %add3A_1046 = vector.broadcast %add3A_1045 : i32 to vector<16xi32>
      %add3A_1047 = arith.addi %add3A_1046, %iota3A : vector<16xi32>
      %lt3A_1048 = arith.constant 600 : i32
      %lt3A_1049 = vector.broadcast %lt3A_1048 : i32 to vector<16xi32>
      %lt3A_1050 = arith.cmpi slt, %add3A_1047, %lt3A_1049 : vector<16xi32>
      %parallel_loop3A_1051 = arith.constant 0 : i32
      %parallel_loop3A_1052 = arith.constant 64 : i32
      %parallel_loop3A_1053 = arith.constant 1 : i32
      %parallel_loop3A_1054:2 = scf.for %parallel_loop3A_2030 = %parallel_loop3A_1051 to %parallel_loop3A_1052 step %parallel_loop3A_1053 iter_args(%parallel_loop3A_2031 = %broadcast_in_dim3A_863, %parallel_loop3A_2032 = %iota3A) -> (vector<16xf32>, vector<16xi32>)  : i32 {
        %parallel_loop3A_2033 = arith.constant 2 : i32
        %parallel_loop3A_2034 = arith.index_cast %parallel_loop3A_2033 : i32 to index
        %parallel_loop3A_2035 = arith.index_cast %parallel_loop3A_2030 : i32 to index
        %parallel_loop3A_2036 = tpu.vector_load %arg10[%parallel_loop3A_2034, %parallel_loop3A_2035] {strides = array<i32>} : memref<4x128xf32, #tpu.memory_space<vmem>>, vector<16xf32>,
        %parallel_loop3A_2037 = tpu.vector_load_idx %arg16[%min3A_1044, %parallel_loop3A_2032] : memref<800x64xf32, #tpu.memory_space<vmem>>[vector<16xi32>, vector<16xi32>], vector<16xf32>,
        %parallel_loop3A_2038 = arith.mulf %parallel_loop3A_2036, %parallel_loop3A_2037 : vector<16xf32>
        %parallel_loop3A_2039 = arith.addf %parallel_loop3A_2031, %parallel_loop3A_2038 : vector<16xf32>
        %parallel_loop3A_2040 = arith.constant 1 : i32
        %parallel_loop3A_2041 = vector.broadcast %parallel_loop3A_2040 : i32 to vector<16xi32>
        %parallel_loop3A_2042 = arith.addi %parallel_loop3A_2032, %parallel_loop3A_2041 : vector<16xi32>
        %parallel_loop3A_2043 = arith.constant 63 : i32
        %parallel_loop3A_2044 = vector.broadcast %parallel_loop3A_2043 : i32 to vector<16xi32>
        %parallel_loop3A_2045 = arith.andi %parallel_loop3A_2042, %parallel_loop3A_2044 : vector<16xi32>
        scf.yield %parallel_loop3A_2039, %parallel_loop3A_2045 : vector<16xf32>, vector<16xi32>
      } {sc.loop_unroll_factor = 1 : i64, sc.parallel_access}
      tpu.vector_store_idx %arg18[%min3A_1044], %parallel_loop3A_1054#0 masked %lt3A_1050 : memref<800xf32, #tpu.memory_space<vmem>>[vector<16xi32>], vector<16xf32>, vector<16xi1>
      %add3A_1055 = arith.constant 600 : i32
      %add3A_1056 = vector.broadcast %add3A_1055 : i32 to vector<16xi32>
      %add3A_1057 = arith.addi %add3A_1056, %iota3A : vector<16xi32>
      %add3A_1058 = arith.constant 616 : i32
      %add3A_1059 = vector.broadcast %add3A_1058 : i32 to vector<16xi32>
      %add3A_1060 = arith.addi %add3A_1059, %iota3A : vector<16xi32>
      %add3A_1061 = arith.constant 632 : i32
      %add3A_1062 = vector.broadcast %add3A_1061 : i32 to vector<16xi32>
      %add3A_1063 = arith.addi %add3A_1062, %iota3A : vector<16xi32>
      %add3A_1064 = arith.constant 648 : i32
      %add3A_1065 = vector.broadcast %add3A_1064 : i32 to vector<16xi32>
      %add3A_1066 = arith.addi %add3A_1065, %iota3A : vector<16xi32>
      %parallel_loop3A_1067 = arith.constant 0 : i32
      %parallel_loop3A_1068 = arith.constant 64 : i32
      %parallel_loop3A_1069 = arith.constant 1 : i32
      %parallel_loop3A_1070:5 = scf.for %parallel_loop3A_2030 = %parallel_loop3A_1067 to %parallel_loop3A_1068 step %parallel_loop3A_1069 iter_args(%parallel_loop3A_2031 = %broadcast_in_dim3A_863, %parallel_loop3A_2032 = %broadcast_in_dim3A_863, %parallel_loop3A_2033 = %broadcast_in_dim3A_863, %parallel_loop3A_2034 = %broadcast_in_dim3A_863, %parallel_loop3A_2035 = %iota3A) -> (vector<16xf32>, vector<16xf32>, vector<16xf32>, vector<16xf32>, vector<16xi32>)  : i32 {
        %parallel_loop3A_2036 = arith.constant 3 : i32
        %parallel_loop3A_2037 = arith.index_cast %parallel_loop3A_2036 : i32 to index
        %parallel_loop3A_2038 = arith.index_cast %parallel_loop3A_2030 : i32 to index
        %parallel_loop3A_2039 = tpu.vector_load %arg10[%parallel_loop3A_2037, %parallel_loop3A_2038] {strides = array<i32>} : memref<4x128xf32, #tpu.memory_space<vmem>>, vector<16xf32>,
        %parallel_loop3A_2040 = tpu.vector_load_idx %arg16[%add3A_1057, %parallel_loop3A_2035] : memref<800x64xf32, #tpu.memory_space<vmem>>[vector<16xi32>, vector<16xi32>], vector<16xf32>,
        %parallel_loop3A_2041 = arith.mulf %parallel_loop3A_2039, %parallel_loop3A_2040 : vector<16xf32>
        %parallel_loop3A_2042 = arith.addf %parallel_loop3A_2031, %parallel_loop3A_2041 : vector<16xf32>
        %parallel_loop3A_2043 = tpu.vector_load_idx %arg16[%add3A_1060, %parallel_loop3A_2035] : memref<800x64xf32, #tpu.memory_space<vmem>>[vector<16xi32>, vector<16xi32>], vector<16xf32>,
        %parallel_loop3A_2044 = arith.mulf %parallel_loop3A_2039, %parallel_loop3A_2043 : vector<16xf32>
        %parallel_loop3A_2045 = arith.addf %parallel_loop3A_2032, %parallel_loop3A_2044 : vector<16xf32>
        %parallel_loop3A_2046 = tpu.vector_load_idx %arg16[%add3A_1063, %parallel_loop3A_2035] : memref<800x64xf32, #tpu.memory_space<vmem>>[vector<16xi32>, vector<16xi32>], vector<16xf32>,
        %parallel_loop3A_2047 = arith.mulf %parallel_loop3A_2039, %parallel_loop3A_2046 : vector<16xf32>
        %parallel_loop3A_2048 = arith.addf %parallel_loop3A_2033, %parallel_loop3A_2047 : vector<16xf32>
        %parallel_loop3A_2049 = tpu.vector_load_idx %arg16[%add3A_1066, %parallel_loop3A_2035] : memref<800x64xf32, #tpu.memory_space<vmem>>[vector<16xi32>, vector<16xi32>], vector<16xf32>,
        %parallel_loop3A_2050 = arith.mulf %parallel_loop3A_2039, %parallel_loop3A_2049 : vector<16xf32>
        %parallel_loop3A_2051 = arith.addf %parallel_loop3A_2034, %parallel_loop3A_2050 : vector<16xf32>
        %parallel_loop3A_2052 = arith.constant 1 : i32
        %parallel_loop3A_2053 = vector.broadcast %parallel_loop3A_2052 : i32 to vector<16xi32>
        %parallel_loop3A_2054 = arith.addi %parallel_loop3A_2035, %parallel_loop3A_2053 : vector<16xi32>
        %parallel_loop3A_2055 = arith.constant 63 : i32
        %parallel_loop3A_2056 = vector.broadcast %parallel_loop3A_2055 : i32 to vector<16xi32>
        %parallel_loop3A_2057 = arith.andi %parallel_loop3A_2054, %parallel_loop3A_2056 : vector<16xi32>
        scf.yield %parallel_loop3A_2042, %parallel_loop3A_2045, %parallel_loop3A_2048, %parallel_loop3A_2051, %parallel_loop3A_2057 : vector<16xf32>, vector<16xf32>, vector<16xf32>, vector<16xf32>, vector<16xi32>
      } {sc.loop_unroll_factor = 1 : i64, sc.parallel_access}
      tpu.vector_store_idx %arg18[%add3A_1057], %parallel_loop3A_1070#0 : memref<800xf32, #tpu.memory_space<vmem>>[vector<16xi32>], vector<16xf32>,
      tpu.vector_store_idx %arg18[%add3A_1060], %parallel_loop3A_1070#1 : memref<800xf32, #tpu.memory_space<vmem>>[vector<16xi32>], vector<16xf32>,
      tpu.vector_store_idx %arg18[%add3A_1063], %parallel_loop3A_1070#2 : memref<800xf32, #tpu.memory_space<vmem>>[vector<16xi32>], vector<16xf32>,
      tpu.vector_store_idx %arg18[%add3A_1066], %parallel_loop3A_1070#3 : memref<800xf32, #tpu.memory_space<vmem>>[vector<16xi32>], vector<16xf32>,
      %add3A_1071 = arith.constant 664 : i32
      %add3A_1072 = vector.broadcast %add3A_1071 : i32 to vector<16xi32>
      %add3A_1073 = arith.addi %add3A_1072, %iota3A : vector<16xi32>
      %add3A_1074 = arith.constant 680 : i32
      %add3A_1075 = vector.broadcast %add3A_1074 : i32 to vector<16xi32>
      %add3A_1076 = arith.addi %add3A_1075, %iota3A : vector<16xi32>
      %add3A_1077 = arith.constant 696 : i32
      %add3A_1078 = vector.broadcast %add3A_1077 : i32 to vector<16xi32>
      %add3A_1079 = arith.addi %add3A_1078, %iota3A : vector<16xi32>
      %add3A_1080 = arith.constant 712 : i32
      %add3A_1081 = vector.broadcast %add3A_1080 : i32 to vector<16xi32>
      %add3A_1082 = arith.addi %add3A_1081, %iota3A : vector<16xi32>
      %parallel_loop3A_1083 = arith.constant 0 : i32
      %parallel_loop3A_1084 = arith.constant 64 : i32
      %parallel_loop3A_1085 = arith.constant 1 : i32
      %parallel_loop3A_1086:5 = scf.for %parallel_loop3A_2030 = %parallel_loop3A_1083 to %parallel_loop3A_1084 step %parallel_loop3A_1085 iter_args(%parallel_loop3A_2031 = %broadcast_in_dim3A_863, %parallel_loop3A_2032 = %broadcast_in_dim3A_863, %parallel_loop3A_2033 = %broadcast_in_dim3A_863, %parallel_loop3A_2034 = %broadcast_in_dim3A_863, %parallel_loop3A_2035 = %iota3A) -> (vector<16xf32>, vector<16xf32>, vector<16xf32>, vector<16xf32>, vector<16xi32>)  : i32 {
        %parallel_loop3A_2036 = arith.constant 3 : i32
        %parallel_loop3A_2037 = arith.index_cast %parallel_loop3A_2036 : i32 to index
        %parallel_loop3A_2038 = arith.index_cast %parallel_loop3A_2030 : i32 to index
        %parallel_loop3A_2039 = tpu.vector_load %arg10[%parallel_loop3A_2037, %parallel_loop3A_2038] {strides = array<i32>} : memref<4x128xf32, #tpu.memory_space<vmem>>, vector<16xf32>,
        %parallel_loop3A_2040 = tpu.vector_load_idx %arg16[%add3A_1073, %parallel_loop3A_2035] : memref<800x64xf32, #tpu.memory_space<vmem>>[vector<16xi32>, vector<16xi32>], vector<16xf32>,
        %parallel_loop3A_2041 = arith.mulf %parallel_loop3A_2039, %parallel_loop3A_2040 : vector<16xf32>
        %parallel_loop3A_2042 = arith.addf %parallel_loop3A_2031, %parallel_loop3A_2041 : vector<16xf32>
        %parallel_loop3A_2043 = tpu.vector_load_idx %arg16[%add3A_1076, %parallel_loop3A_2035] : memref<800x64xf32, #tpu.memory_space<vmem>>[vector<16xi32>, vector<16xi32>], vector<16xf32>,
        %parallel_loop3A_2044 = arith.mulf %parallel_loop3A_2039, %parallel_loop3A_2043 : vector<16xf32>
        %parallel_loop3A_2045 = arith.addf %parallel_loop3A_2032, %parallel_loop3A_2044 : vector<16xf32>
        %parallel_loop3A_2046 = tpu.vector_load_idx %arg16[%add3A_1079, %parallel_loop3A_2035] : memref<800x64xf32, #tpu.memory_space<vmem>>[vector<16xi32>, vector<16xi32>], vector<16xf32>,
        %parallel_loop3A_2047 = arith.mulf %parallel_loop3A_2039, %parallel_loop3A_2046 : vector<16xf32>
        %parallel_loop3A_2048 = arith.addf %parallel_loop3A_2033, %parallel_loop3A_2047 : vector<16xf32>
        %parallel_loop3A_2049 = tpu.vector_load_idx %arg16[%add3A_1082, %parallel_loop3A_2035] : memref<800x64xf32, #tpu.memory_space<vmem>>[vector<16xi32>, vector<16xi32>], vector<16xf32>,
        %parallel_loop3A_2050 = arith.mulf %parallel_loop3A_2039, %parallel_loop3A_2049 : vector<16xf32>
        %parallel_loop3A_2051 = arith.addf %parallel_loop3A_2034, %parallel_loop3A_2050 : vector<16xf32>
        %parallel_loop3A_2052 = arith.constant 1 : i32
        %parallel_loop3A_2053 = vector.broadcast %parallel_loop3A_2052 : i32 to vector<16xi32>
        %parallel_loop3A_2054 = arith.addi %parallel_loop3A_2035, %parallel_loop3A_2053 : vector<16xi32>
        %parallel_loop3A_2055 = arith.constant 63 : i32
        %parallel_loop3A_2056 = vector.broadcast %parallel_loop3A_2055 : i32 to vector<16xi32>
        %parallel_loop3A_2057 = arith.andi %parallel_loop3A_2054, %parallel_loop3A_2056 : vector<16xi32>
        scf.yield %parallel_loop3A_2042, %parallel_loop3A_2045, %parallel_loop3A_2048, %parallel_loop3A_2051, %parallel_loop3A_2057 : vector<16xf32>, vector<16xf32>, vector<16xf32>, vector<16xf32>, vector<16xi32>
      } {sc.loop_unroll_factor = 1 : i64, sc.parallel_access}
      tpu.vector_store_idx %arg18[%add3A_1073], %parallel_loop3A_1086#0 : memref<800xf32, #tpu.memory_space<vmem>>[vector<16xi32>], vector<16xf32>,
      tpu.vector_store_idx %arg18[%add3A_1076], %parallel_loop3A_1086#1 : memref<800xf32, #tpu.memory_space<vmem>>[vector<16xi32>], vector<16xf32>,
      tpu.vector_store_idx %arg18[%add3A_1079], %parallel_loop3A_1086#2 : memref<800xf32, #tpu.memory_space<vmem>>[vector<16xi32>], vector<16xf32>,
      tpu.vector_store_idx %arg18[%add3A_1082], %parallel_loop3A_1086#3 : memref<800xf32, #tpu.memory_space<vmem>>[vector<16xi32>], vector<16xf32>,
      %add3A_1087 = arith.constant 728 : i32
      %add3A_1088 = vector.broadcast %add3A_1087 : i32 to vector<16xi32>
      %add3A_1089 = arith.addi %add3A_1088, %iota3A : vector<16xi32>
      %add3A_1090 = arith.constant 744 : i32
      %add3A_1091 = vector.broadcast %add3A_1090 : i32 to vector<16xi32>
      %add3A_1092 = arith.addi %add3A_1091, %iota3A : vector<16xi32>
      %add3A_1093 = arith.constant 760 : i32
      %add3A_1094 = vector.broadcast %add3A_1093 : i32 to vector<16xi32>
      %add3A_1095 = arith.addi %add3A_1094, %iota3A : vector<16xi32>
      %add3A_1096 = arith.constant 776 : i32
      %add3A_1097 = vector.broadcast %add3A_1096 : i32 to vector<16xi32>
      %add3A_1098 = arith.addi %add3A_1097, %iota3A : vector<16xi32>
      %parallel_loop3A_1099 = arith.constant 0 : i32
      %parallel_loop3A_1100 = arith.constant 64 : i32
      %parallel_loop3A_1101 = arith.constant 1 : i32
      %parallel_loop3A_1102:5 = scf.for %parallel_loop3A_2030 = %parallel_loop3A_1099 to %parallel_loop3A_1100 step %parallel_loop3A_1101 iter_args(%parallel_loop3A_2031 = %broadcast_in_dim3A_863, %parallel_loop3A_2032 = %broadcast_in_dim3A_863, %parallel_loop3A_2033 = %broadcast_in_dim3A_863, %parallel_loop3A_2034 = %broadcast_in_dim3A_863, %parallel_loop3A_2035 = %iota3A) -> (vector<16xf32>, vector<16xf32>, vector<16xf32>, vector<16xf32>, vector<16xi32>)  : i32 {
        %parallel_loop3A_2036 = arith.constant 3 : i32
        %parallel_loop3A_2037 = arith.index_cast %parallel_loop3A_2036 : i32 to index
        %parallel_loop3A_2038 = arith.index_cast %parallel_loop3A_2030 : i32 to index
        %parallel_loop3A_2039 = tpu.vector_load %arg10[%parallel_loop3A_2037, %parallel_loop3A_2038] {strides = array<i32>} : memref<4x128xf32, #tpu.memory_space<vmem>>, vector<16xf32>,
        %parallel_loop3A_2040 = tpu.vector_load_idx %arg16[%add3A_1089, %parallel_loop3A_2035] : memref<800x64xf32, #tpu.memory_space<vmem>>[vector<16xi32>, vector<16xi32>], vector<16xf32>,
        %parallel_loop3A_2041 = arith.mulf %parallel_loop3A_2039, %parallel_loop3A_2040 : vector<16xf32>
        %parallel_loop3A_2042 = arith.addf %parallel_loop3A_2031, %parallel_loop3A_2041 : vector<16xf32>
        %parallel_loop3A_2043 = tpu.vector_load_idx %arg16[%add3A_1092, %parallel_loop3A_2035] : memref<800x64xf32, #tpu.memory_space<vmem>>[vector<16xi32>, vector<16xi32>], vector<16xf32>,
        %parallel_loop3A_2044 = arith.mulf %parallel_loop3A_2039, %parallel_loop3A_2043 : vector<16xf32>
        %parallel_loop3A_2045 = arith.addf %parallel_loop3A_2032, %parallel_loop3A_2044 : vector<16xf32>
        %parallel_loop3A_2046 = tpu.vector_load_idx %arg16[%add3A_1095, %parallel_loop3A_2035] : memref<800x64xf32, #tpu.memory_space<vmem>>[vector<16xi32>, vector<16xi32>], vector<16xf32>,
        %parallel_loop3A_2047 = arith.mulf %parallel_loop3A_2039, %parallel_loop3A_2046 : vector<16xf32>
        %parallel_loop3A_2048 = arith.addf %parallel_loop3A_2033, %parallel_loop3A_2047 : vector<16xf32>
        %parallel_loop3A_2049 = tpu.vector_load_idx %arg16[%add3A_1098, %parallel_loop3A_2035] : memref<800x64xf32, #tpu.memory_space<vmem>>[vector<16xi32>, vector<16xi32>], vector<16xf32>,
        %parallel_loop3A_2050 = arith.mulf %parallel_loop3A_2039, %parallel_loop3A_2049 : vector<16xf32>
        %parallel_loop3A_2051 = arith.addf %parallel_loop3A_2034, %parallel_loop3A_2050 : vector<16xf32>
        %parallel_loop3A_2052 = arith.constant 1 : i32
        %parallel_loop3A_2053 = vector.broadcast %parallel_loop3A_2052 : i32 to vector<16xi32>
        %parallel_loop3A_2054 = arith.addi %parallel_loop3A_2035, %parallel_loop3A_2053 : vector<16xi32>
        %parallel_loop3A_2055 = arith.constant 63 : i32
        %parallel_loop3A_2056 = vector.broadcast %parallel_loop3A_2055 : i32 to vector<16xi32>
        %parallel_loop3A_2057 = arith.andi %parallel_loop3A_2054, %parallel_loop3A_2056 : vector<16xi32>
        scf.yield %parallel_loop3A_2042, %parallel_loop3A_2045, %parallel_loop3A_2048, %parallel_loop3A_2051, %parallel_loop3A_2057 : vector<16xf32>, vector<16xf32>, vector<16xf32>, vector<16xf32>, vector<16xi32>
      } {sc.loop_unroll_factor = 1 : i64, sc.parallel_access}
      tpu.vector_store_idx %arg18[%add3A_1089], %parallel_loop3A_1102#0 : memref<800xf32, #tpu.memory_space<vmem>>[vector<16xi32>], vector<16xf32>,
      tpu.vector_store_idx %arg18[%add3A_1092], %parallel_loop3A_1102#1 : memref<800xf32, #tpu.memory_space<vmem>>[vector<16xi32>], vector<16xf32>,
      tpu.vector_store_idx %arg18[%add3A_1095], %parallel_loop3A_1102#2 : memref<800xf32, #tpu.memory_space<vmem>>[vector<16xi32>], vector<16xf32>,
      tpu.vector_store_idx %arg18[%add3A_1098], %parallel_loop3A_1102#3 : memref<800xf32, #tpu.memory_space<vmem>>[vector<16xi32>], vector<16xf32>,
      %add3A_1103 = arith.constant 792 : i32
      %add3A_1104 = vector.broadcast %add3A_1103 : i32 to vector<16xi32>
      %add3A_1105 = arith.addi %add3A_1104, %iota3A : vector<16xi32>
      %min3A_1106 = arith.constant 799 : i32
      %min3A_1107 = vector.broadcast %min3A_1106 : i32 to vector<16xi32>
      %min3A_1108 = arith.minsi %add3A_1105, %min3A_1107 : vector<16xi32>
      %add3A_1109 = arith.constant 792 : i32
      %add3A_1110 = vector.broadcast %add3A_1109 : i32 to vector<16xi32>
      %add3A_1111 = arith.addi %add3A_1110, %iota3A : vector<16xi32>
      %lt3A_1112 = arith.constant 800 : i32
      %lt3A_1113 = vector.broadcast %lt3A_1112 : i32 to vector<16xi32>
      %lt3A_1114 = arith.cmpi slt, %add3A_1111, %lt3A_1113 : vector<16xi32>
      %parallel_loop3A_1115 = arith.constant 0 : i32
      %parallel_loop3A_1116 = arith.constant 64 : i32
      %parallel_loop3A_1117 = arith.constant 1 : i32
      %parallel_loop3A_1118:2 = scf.for %parallel_loop3A_2030 = %parallel_loop3A_1115 to %parallel_loop3A_1116 step %parallel_loop3A_1117 iter_args(%parallel_loop3A_2031 = %broadcast_in_dim3A_863, %parallel_loop3A_2032 = %iota3A) -> (vector<16xf32>, vector<16xi32>)  : i32 {
        %parallel_loop3A_2033 = arith.constant 3 : i32
        %parallel_loop3A_2034 = arith.index_cast %parallel_loop3A_2033 : i32 to index
        %parallel_loop3A_2035 = arith.index_cast %parallel_loop3A_2030 : i32 to index
        %parallel_loop3A_2036 = tpu.vector_load %arg10[%parallel_loop3A_2034, %parallel_loop3A_2035] {strides = array<i32>} : memref<4x128xf32, #tpu.memory_space<vmem>>, vector<16xf32>,
        %parallel_loop3A_2037 = tpu.vector_load_idx %arg16[%min3A_1108, %parallel_loop3A_2032] : memref<800x64xf32, #tpu.memory_space<vmem>>[vector<16xi32>, vector<16xi32>], vector<16xf32>,
        %parallel_loop3A_2038 = arith.mulf %parallel_loop3A_2036, %parallel_loop3A_2037 : vector<16xf32>
        %parallel_loop3A_2039 = arith.addf %parallel_loop3A_2031, %parallel_loop3A_2038 : vector<16xf32>
        %parallel_loop3A_2040 = arith.constant 1 : i32
        %parallel_loop3A_2041 = vector.broadcast %parallel_loop3A_2040 : i32 to vector<16xi32>
        %parallel_loop3A_2042 = arith.addi %parallel_loop3A_2032, %parallel_loop3A_2041 : vector<16xi32>
        %parallel_loop3A_2043 = arith.constant 63 : i32
        %parallel_loop3A_2044 = vector.broadcast %parallel_loop3A_2043 : i32 to vector<16xi32>
        %parallel_loop3A_2045 = arith.andi %parallel_loop3A_2042, %parallel_loop3A_2044 : vector<16xi32>
        scf.yield %parallel_loop3A_2039, %parallel_loop3A_2045 : vector<16xf32>, vector<16xi32>
      } {sc.loop_unroll_factor = 1 : i64, sc.parallel_access}
      tpu.vector_store_idx %arg18[%min3A_1108], %parallel_loop3A_1118#0 masked %lt3A_1114 : memref<800xf32, #tpu.memory_space<vmem>>[vector<16xi32>], vector<16xf32>, vector<16xi1>
      %mul3A_1119 = arith.constant 4 : i32
      %mul3A_1120 = arith.muli %mul3A_158, %mul3A_1119 : i32
      %add3A_1121 = arith.addi %mul3A_2, %mul3A_1120 : i32
      %mul3A_1122 = arith.constant 200 : i32
      %mul3A_1123 = arith.muli %add3A_1121, %mul3A_1122 : i32
      %dma_start3A_1124 = tpu.memref_slice %arg7[%mul3A_1123] : memref<3276800xf32, #tpu.memory_space<hbm>> -> memref<800xf32, #tpu.memory_space<hbm>>
      %dma_start3A_1125 = tpu.memref_slice %arg7[%mul3A_1123] : memref<3276800xf32, #tpu.memory_space<hbm>> -> memref<800xf32, #tpu.memory_space<hbm>>
      tpu.enqueue_dma source(%arg18 : memref<800xf32, #tpu.memory_space<vmem>>) target(%dma_start3A_1125 : memref<800xf32, #tpu.memory_space<hbm>>) target_semaphore(%arg23 : memref<!tpu.dma_semaphore, #tpu.memory_space<semaphore_mem>>)
      %mul3A_1126 = arith.constant 2 : i32
      %mul3A_1127 = arith.muli %mul3A_1126, %scan3A_156 : i32
      %add3A_1128 = arith.constant 1 : i32
      %add3A_1129 = arith.addi %mul3A_1127, %add3A_1128 : i32
      %lt3A_1130 = arith.constant 63 : i32
      %lt3A_1131 = arith.cmpi slt, %scan3A_156, %lt3A_1130 : i32
      %convert_element_type3A_1132 = arith.extui %lt3A_1131 : i1 to i32
      %cond3A_1133 = arith.constant 0 : i32
      %cond3A_1134 = arith.cmpi ne, %convert_element_type3A_1132, %cond3A_1133 : i32
      scf.if %cond3A_1134 {
        %dma_wait3A_2030 = arith.constant 0 : i32
        %dma_wait3A_2031 = arith.constant 0 : i32
        %dma_wait3A_2032 = tpu.memref_slice %arg5[%dma_wait3A_2030, %dma_wait3A_2031] : memref<32768x100xi32, #tpu.memory_space<hbm>> -> memref<8x100xi32, #tpu.memory_space<hbm>>
        %dma_wait3A_2033 = arith.constant 0 : i32
        %dma_wait3A_2034 = arith.constant 0 : i32
        %dma_wait3A_2035 = tpu.memref_slice %arg5[%dma_wait3A_2033, %dma_wait3A_2034] : memref<32768x100xi32, #tpu.memory_space<hbm>> -> memref<8x100xi32, #tpu.memory_space<hbm>>
        tpu.wait_dma2 semaphore(%arg25 : memref<!tpu.dma_semaphore, #tpu.memory_space<semaphore_mem>>) src(%dma_wait3A_2035 : memref<8x100xi32, #tpu.memory_space<hbm>>) dst(%arg14 : memref<8x100xi32, #tpu.memory_space<vmem>>)
        %dma_start3A_2036 = arith.constant 0 : i32
        %dma_start3A_2037 = arith.constant 0 : i32
        %dma_start3A_2038 = arith.constant 0 : i32
        %dma_start3A_2039 = tpu.memref_slice %arg16[%dma_start3A_2037, %dma_start3A_2038] : memref<800x64xf32, #tpu.memory_space<vmem>> -> memref<100x64xf32, #tpu.memory_space<vmem>>
        %dma_start3A_2040 = arith.constant 0 : i32
        %dma_start3A_2041 = tpu.memref_slice %arg14[%dma_start3A_2036, %dma_start3A_2040] : memref<8x100xi32, #tpu.memory_space<vmem>> -> memref<1x100xi32, #tpu.memory_space<vmem>>
        %dma_start3A_2042 = tpu.memref_squeeze %dma_start3A_2041 : memref<1x100xi32, #tpu.memory_space<vmem>> -> memref<100xi32, #tpu.memory_space<vmem>>
        %dma_start3A_2043 = arith.constant 0 : i32
        %dma_start3A_2044 = arith.constant 0 : i32
        %dma_start3A_2045 = tpu.memref_slice %arg2[%dma_start3A_2043, %dma_start3A_2044] : memref<1000000x64xf32, #tpu.memory_space<hbm>> -> memref<1000000x64xf32, #tpu.memory_space<hbm>>
        tpu.enqueue_indirect_dma source(%dma_start3A_2045 : memref<1000000x64xf32, #tpu.memory_space<hbm>>) target(%dma_start3A_2039 : memref<100x64xf32, #tpu.memory_space<vmem>>) offsets(%dma_start3A_2042 : memref<100xi32, #tpu.memory_space<vmem>>) semaphore(%arg21 : memref<!tpu.dma_semaphore, #tpu.memory_space<semaphore_mem>>)
        %dma_start3A_2046 = arith.constant 1 : i32
        %dma_start3A_2047 = arith.constant 100 : i32
        %dma_start3A_2048 = arith.constant 0 : i32
        %dma_start3A_2049 = tpu.memref_slice %arg16[%dma_start3A_2047, %dma_start3A_2048] : memref<800x64xf32, #tpu.memory_space<vmem>> -> memref<100x64xf32, #tpu.memory_space<vmem>>
        %dma_start3A_2050 = arith.constant 0 : i32
        %dma_start3A_2051 = tpu.memref_slice %arg14[%dma_start3A_2046, %dma_start3A_2050] : memref<8x100xi32, #tpu.memory_space<vmem>> -> memref<1x100xi32, #tpu.memory_space<vmem>>
        %dma_start3A_2052 = tpu.memref_squeeze %dma_start3A_2051 : memref<1x100xi32, #tpu.memory_space<vmem>> -> memref<100xi32, #tpu.memory_space<vmem>>
        %dma_start3A_2053 = arith.constant 0 : i32
        %dma_start3A_2054 = arith.constant 0 : i32
        %dma_start3A_2055 = tpu.memref_slice %arg2[%dma_start3A_2053, %dma_start3A_2054] : memref<1000000x64xf32, #tpu.memory_space<hbm>> -> memref<1000000x64xf32, #tpu.memory_space<hbm>>
        tpu.enqueue_indirect_dma source(%dma_start3A_2055 : memref<1000000x64xf32, #tpu.memory_space<hbm>>) target(%dma_start3A_2049 : memref<100x64xf32, #tpu.memory_space<vmem>>) offsets(%dma_start3A_2052 : memref<100xi32, #tpu.memory_space<vmem>>) semaphore(%arg21 : memref<!tpu.dma_semaphore, #tpu.memory_space<semaphore_mem>>)
        %dma_start3A_2056 = arith.constant 2 : i32
        %dma_start3A_2057 = arith.constant 200 : i32
        %dma_start3A_2058 = arith.constant 0 : i32
        %dma_start3A_2059 = tpu.memref_slice %arg16[%dma_start3A_2057, %dma_start3A_2058] : memref<800x64xf32, #tpu.memory_space<vmem>> -> memref<100x64xf32, #tpu.memory_space<vmem>>
        %dma_start3A_2060 = arith.constant 0 : i32
        %dma_start3A_2061 = tpu.memref_slice %arg14[%dma_start3A_2056, %dma_start3A_2060] : memref<8x100xi32, #tpu.memory_space<vmem>> -> memref<1x100xi32, #tpu.memory_space<vmem>>
        %dma_start3A_2062 = tpu.memref_squeeze %dma_start3A_2061 : memref<1x100xi32, #tpu.memory_space<vmem>> -> memref<100xi32, #tpu.memory_space<vmem>>
        %dma_start3A_2063 = arith.constant 0 : i32
        %dma_start3A_2064 = arith.constant 0 : i32
        %dma_start3A_2065 = tpu.memref_slice %arg2[%dma_start3A_2063, %dma_start3A_2064] : memref<1000000x64xf32, #tpu.memory_space<hbm>> -> memref<1000000x64xf32, #tpu.memory_space<hbm>>
        tpu.enqueue_indirect_dma source(%dma_start3A_2065 : memref<1000000x64xf32, #tpu.memory_space<hbm>>) target(%dma_start3A_2059 : memref<100x64xf32, #tpu.memory_space<vmem>>) offsets(%dma_start3A_2062 : memref<100xi32, #tpu.memory_space<vmem>>) semaphore(%arg21 : memref<!tpu.dma_semaphore, #tpu.memory_space<semaphore_mem>>)
        %dma_start3A_2066 = arith.constant 3 : i32
        %dma_start3A_2067 = arith.constant 300 : i32
        %dma_start3A_2068 = arith.constant 0 : i32
        %dma_start3A_2069 = tpu.memref_slice %arg16[%dma_start3A_2067, %dma_start3A_2068] : memref<800x64xf32, #tpu.memory_space<vmem>> -> memref<100x64xf32, #tpu.memory_space<vmem>>
        %dma_start3A_2070 = arith.constant 0 : i32
        %dma_start3A_2071 = tpu.memref_slice %arg14[%dma_start3A_2066, %dma_start3A_2070] : memref<8x100xi32, #tpu.memory_space<vmem>> -> memref<1x100xi32, #tpu.memory_space<vmem>>
        %dma_start3A_2072 = tpu.memref_squeeze %dma_start3A_2071 : memref<1x100xi32, #tpu.memory_space<vmem>> -> memref<100xi32, #tpu.memory_space<vmem>>
        %dma_start3A_2073 = arith.constant 0 : i32
        %dma_start3A_2074 = arith.constant 0 : i32
        %dma_start3A_2075 = tpu.memref_slice %arg2[%dma_start3A_2073, %dma_start3A_2074] : memref<1000000x64xf32, #tpu.memory_space<hbm>> -> memref<1000000x64xf32, #tpu.memory_space<hbm>>
        tpu.enqueue_indirect_dma source(%dma_start3A_2075 : memref<1000000x64xf32, #tpu.memory_space<hbm>>) target(%dma_start3A_2069 : memref<100x64xf32, #tpu.memory_space<vmem>>) offsets(%dma_start3A_2072 : memref<100xi32, #tpu.memory_space<vmem>>) semaphore(%arg21 : memref<!tpu.dma_semaphore, #tpu.memory_space<semaphore_mem>>)
        %dma_start3A_2076 = arith.constant 4 : i32
        %dma_start3A_2077 = arith.constant 400 : i32
        %dma_start3A_2078 = arith.constant 0 : i32
        %dma_start3A_2079 = tpu.memref_slice %arg16[%dma_start3A_2077, %dma_start3A_2078] : memref<800x64xf32, #tpu.memory_space<vmem>> -> memref<100x64xf32, #tpu.memory_space<vmem>>
        %dma_start3A_2080 = arith.constant 0 : i32
        %dma_start3A_2081 = tpu.memref_slice %arg14[%dma_start3A_2076, %dma_start3A_2080] : memref<8x100xi32, #tpu.memory_space<vmem>> -> memref<1x100xi32, #tpu.memory_space<vmem>>
        %dma_start3A_2082 = tpu.memref_squeeze %dma_start3A_2081 : memref<1x100xi32, #tpu.memory_space<vmem>> -> memref<100xi32, #tpu.memory_space<vmem>>
        %dma_start3A_2083 = arith.constant 0 : i32
        %dma_start3A_2084 = arith.constant 0 : i32
        %dma_start3A_2085 = tpu.memref_slice %arg2[%dma_start3A_2083, %dma_start3A_2084] : memref<1000000x64xf32, #tpu.memory_space<hbm>> -> memref<1000000x64xf32, #tpu.memory_space<hbm>>
        tpu.enqueue_indirect_dma source(%dma_start3A_2085 : memref<1000000x64xf32, #tpu.memory_space<hbm>>) target(%dma_start3A_2079 : memref<100x64xf32, #tpu.memory_space<vmem>>) offsets(%dma_start3A_2082 : memref<100xi32, #tpu.memory_space<vmem>>) semaphore(%arg21 : memref<!tpu.dma_semaphore, #tpu.memory_space<semaphore_mem>>)
        %dma_start3A_2086 = arith.constant 5 : i32
        %dma_start3A_2087 = arith.constant 500 : i32
        %dma_start3A_2088 = arith.constant 0 : i32
        %dma_start3A_2089 = tpu.memref_slice %arg16[%dma_start3A_2087, %dma_start3A_2088] : memref<800x64xf32, #tpu.memory_space<vmem>> -> memref<100x64xf32, #tpu.memory_space<vmem>>
        %dma_start3A_2090 = arith.constant 0 : i32
        %dma_start3A_2091 = tpu.memref_slice %arg14[%dma_start3A_2086, %dma_start3A_2090] : memref<8x100xi32, #tpu.memory_space<vmem>> -> memref<1x100xi32, #tpu.memory_space<vmem>>
        %dma_start3A_2092 = tpu.memref_squeeze %dma_start3A_2091 : memref<1x100xi32, #tpu.memory_space<vmem>> -> memref<100xi32, #tpu.memory_space<vmem>>
        %dma_start3A_2093 = arith.constant 0 : i32
        %dma_start3A_2094 = arith.constant 0 : i32
        %dma_start3A_2095 = tpu.memref_slice %arg2[%dma_start3A_2093, %dma_start3A_2094] : memref<1000000x64xf32, #tpu.memory_space<hbm>> -> memref<1000000x64xf32, #tpu.memory_space<hbm>>
        tpu.enqueue_indirect_dma source(%dma_start3A_2095 : memref<1000000x64xf32, #tpu.memory_space<hbm>>) target(%dma_start3A_2089 : memref<100x64xf32, #tpu.memory_space<vmem>>) offsets(%dma_start3A_2092 : memref<100xi32, #tpu.memory_space<vmem>>) semaphore(%arg21 : memref<!tpu.dma_semaphore, #tpu.memory_space<semaphore_mem>>)
        %dma_start3A_2096 = arith.constant 6 : i32
        %dma_start3A_2097 = arith.constant 600 : i32
        %dma_start3A_2098 = arith.constant 0 : i32
        %dma_start3A_2099 = tpu.memref_slice %arg16[%dma_start3A_2097, %dma_start3A_2098] : memref<800x64xf32, #tpu.memory_space<vmem>> -> memref<100x64xf32, #tpu.memory_space<vmem>>
        %dma_start3A_2100 = arith.constant 0 : i32
        %dma_start3A_2101 = tpu.memref_slice %arg14[%dma_start3A_2096, %dma_start3A_2100] : memref<8x100xi32, #tpu.memory_space<vmem>> -> memref<1x100xi32, #tpu.memory_space<vmem>>
        %dma_start3A_2102 = tpu.memref_squeeze %dma_start3A_2101 : memref<1x100xi32, #tpu.memory_space<vmem>> -> memref<100xi32, #tpu.memory_space<vmem>>
        %dma_start3A_2103 = arith.constant 0 : i32
        %dma_start3A_2104 = arith.constant 0 : i32
        %dma_start3A_2105 = tpu.memref_slice %arg2[%dma_start3A_2103, %dma_start3A_2104] : memref<1000000x64xf32, #tpu.memory_space<hbm>> -> memref<1000000x64xf32, #tpu.memory_space<hbm>>
        tpu.enqueue_indirect_dma source(%dma_start3A_2105 : memref<1000000x64xf32, #tpu.memory_space<hbm>>) target(%dma_start3A_2099 : memref<100x64xf32, #tpu.memory_space<vmem>>) offsets(%dma_start3A_2102 : memref<100xi32, #tpu.memory_space<vmem>>) semaphore(%arg21 : memref<!tpu.dma_semaphore, #tpu.memory_space<semaphore_mem>>)
        %dma_start3A_2106 = arith.constant 7 : i32
        %dma_start3A_2107 = arith.constant 700 : i32
        %dma_start3A_2108 = arith.constant 0 : i32
        %dma_start3A_2109 = tpu.memref_slice %arg16[%dma_start3A_2107, %dma_start3A_2108] : memref<800x64xf32, #tpu.memory_space<vmem>> -> memref<100x64xf32, #tpu.memory_space<vmem>>
        %dma_start3A_2110 = arith.constant 0 : i32
        %dma_start3A_2111 = tpu.memref_slice %arg14[%dma_start3A_2106, %dma_start3A_2110] : memref<8x100xi32, #tpu.memory_space<vmem>> -> memref<1x100xi32, #tpu.memory_space<vmem>>
        %dma_start3A_2112 = tpu.memref_squeeze %dma_start3A_2111 : memref<1x100xi32, #tpu.memory_space<vmem>> -> memref<100xi32, #tpu.memory_space<vmem>>
        %dma_start3A_2113 = arith.constant 0 : i32
        %dma_start3A_2114 = arith.constant 0 : i32
        %dma_start3A_2115 = tpu.memref_slice %arg2[%dma_start3A_2113, %dma_start3A_2114] : memref<1000000x64xf32, #tpu.memory_space<hbm>> -> memref<1000000x64xf32, #tpu.memory_space<hbm>>
        tpu.enqueue_indirect_dma source(%dma_start3A_2115 : memref<1000000x64xf32, #tpu.memory_space<hbm>>) target(%dma_start3A_2109 : memref<100x64xf32, #tpu.memory_space<vmem>>) offsets(%dma_start3A_2112 : memref<100xi32, #tpu.memory_space<vmem>>) semaphore(%arg21 : memref<!tpu.dma_semaphore, #tpu.memory_space<semaphore_mem>>)
      } else {
      }
      %jit3A_1135 = arith.constant 4 : i32
      %eq3A_1136 = arith.constant 0 : i32
      %eq3A_1137 = arith.cmpi eq, %jit3A_1135, %eq3A_1136 : i32
      %jit3A_1138 = arith.constant 1 : i32
      %select_n3A_1139 = arith.select %eq3A_1137, %jit3A_1138, %jit3A_1135 : i32
      %rem3A_1140 = arith.remsi %add3A_1129, %select_n3A_1139 : i32
      %ne3A_1141 = arith.constant 0 : i32
      %ne3A_1142 = arith.cmpi ne, %rem3A_1140, %ne3A_1141 : i32
      %lt3A_1143 = arith.constant 0 : i32
      %lt3A_1144 = arith.cmpi slt, %rem3A_1140, %lt3A_1143 : i32
      %lt3A_1145 = arith.constant 0 : i32
      %lt3A_1146 = arith.cmpi slt, %select_n3A_1139, %lt3A_1145 : i32
      %ne3A_1147 = arith.xori %lt3A_1144, %lt3A_1146 : i1
      %and3A_1148 = arith.andi %ne3A_1147, %ne3A_1142 : i1
      %add3A_1149 = arith.addi %rem3A_1140, %select_n3A_1139 : i32
      %select_n3A_1150 = arith.select %and3A_1148, %add3A_1149, %rem3A_1140 : i32
      %eq3A_1151 = arith.constant 0 : i32
      %eq3A_1152 = arith.cmpi eq, %select_n3A_1150, %eq3A_1151 : i32
      %convert_element_type3A_1153 = arith.extui %eq3A_1152 : i1 to i32
      %cond3A_1154 = arith.constant 0 : i32
      %cond3A_1155 = arith.cmpi ne, %convert_element_type3A_1153, %cond3A_1154 : i32
      scf.if %cond3A_1155 {
        %dma_wait3A_2030 = arith.constant 0 : i32
        %dma_wait3A_2031 = arith.constant 0 : i32
        %dma_wait3A_2032 = tpu.memref_slice %arg2[%dma_wait3A_2030, %dma_wait3A_2031] : memref<1000000x64xf32, #tpu.memory_space<hbm>> -> memref<1000000x64xf32, #tpu.memory_space<hbm>>
        tpu.wait_indirect_dma semaphore(%arg20 : memref<!tpu.dma_semaphore, #tpu.memory_space<semaphore_mem>>) src(%dma_wait3A_2032 : memref<1000000x64xf32, #tpu.memory_space<hbm>>) dst(%arg11 : memref<16x64xf32, #tpu.memory_space<vmem>>)
        %dma_wait3A_2033 = arith.constant 0 : i32
        %dma_wait3A_2034 = arith.constant 0 : i32
        %dma_wait3A_2035 = tpu.memref_slice %arg3[%dma_wait3A_2033, %dma_wait3A_2034] : memref<1000x64xf32, #tpu.memory_space<hbm>> -> memref<1000x64xf32, #tpu.memory_space<hbm>>
        tpu.wait_indirect_dma semaphore(%arg20 : memref<!tpu.dma_semaphore, #tpu.memory_space<semaphore_mem>>) src(%dma_wait3A_2035 : memref<1000x64xf32, #tpu.memory_space<hbm>>) dst(%arg12 : memref<16x64xf32, #tpu.memory_space<vmem>>)
        %dma_wait3A_2036 = arith.constant 0 : i32
        %dma_wait3A_2037 = arith.constant 0 : i32
        %dma_wait3A_2038 = tpu.memref_slice %arg2[%dma_wait3A_2036, %dma_wait3A_2037] : memref<1000000x64xf32, #tpu.memory_space<hbm>> -> memref<1000000x64xf32, #tpu.memory_space<hbm>>
        tpu.wait_indirect_dma semaphore(%arg20 : memref<!tpu.dma_semaphore, #tpu.memory_space<semaphore_mem>>) src(%dma_wait3A_2038 : memref<1000000x64xf32, #tpu.memory_space<hbm>>) dst(%arg13 : memref<16x64xf32, #tpu.memory_space<vmem>>)
      } else {
      }
      %mul3A_1156 = arith.constant 4 : i32
      %mul3A_1157 = arith.muli %add3A_1129, %mul3A_1156 : i32
      %jit3A_1158 = arith.constant 4 : i32
      %eq3A_1159 = arith.constant 0 : i32
      %eq3A_1160 = arith.cmpi eq, %jit3A_1158, %eq3A_1159 : i32
      %jit3A_1161 = arith.constant 1 : i32
      %select_n3A_1162 = arith.select %eq3A_1160, %jit3A_1161, %jit3A_1158 : i32
      %rem3A_1163 = arith.remsi %add3A_1129, %select_n3A_1162 : i32
      %ne3A_1164 = arith.constant 0 : i32
      %ne3A_1165 = arith.cmpi ne, %rem3A_1163, %ne3A_1164 : i32
      %lt3A_1166 = arith.constant 0 : i32
      %lt3A_1167 = arith.cmpi slt, %rem3A_1163, %lt3A_1166 : i32
      %lt3A_1168 = arith.constant 0 : i32
      %lt3A_1169 = arith.cmpi slt, %select_n3A_1162, %lt3A_1168 : i32
      %ne3A_1170 = arith.xori %lt3A_1167, %lt3A_1169 : i1
      %and3A_1171 = arith.andi %ne3A_1170, %ne3A_1165 : i1
      %add3A_1172 = arith.addi %rem3A_1163, %select_n3A_1162 : i32
      %select_n3A_1173 = arith.select %and3A_1171, %add3A_1172, %rem3A_1163 : i32
      %mul3A_1174 = arith.constant 4 : i32
      %mul3A_1175 = arith.muli %select_n3A_1173, %mul3A_1174 : i32
      %broadcast_in_dim3A_1176 = arith.constant 0.000000e+00 : f32
      %broadcast_in_dim3A_1177 = vector.broadcast %broadcast_in_dim3A_1176 : f32 to vector<16xf32>
      %broadcast_in_dim3A_1178 = arith.constant 0.000000e+00 : f32
      %broadcast_in_dim3A_1179 = vector.broadcast %broadcast_in_dim3A_1178 : f32 to vector<16xf32>
      %add3A_1180 = arith.constant 0 : i32
      %add3A_1181 = arith.addi %mul3A_1175, %add3A_1180 : i32
      %get3A_1182 = arith.index_cast %add3A_1181 : i32 to index
      %get3A_1183 = arith.constant 0 : index
      %get3A_1184 = tpu.vector_load %arg11[%get3A_1182, %get3A_1183] {strides = array<i32>} : memref<16x64xf32, #tpu.memory_space<vmem>>, vector<16xf32>,
      %add3A_1185 = arith.constant 0 : i32
      %add3A_1186 = arith.addi %mul3A_1175, %add3A_1185 : i32
      %get3A_1187 = arith.index_cast %add3A_1186 : i32 to index
      %get3A_1188 = arith.constant 0 : index
      %get3A_1189 = tpu.vector_load %arg12[%get3A_1187, %get3A_1188] {strides = array<i32>} : memref<16x64xf32, #tpu.memory_space<vmem>>, vector<16xf32>,
      %mul3A_1190 = arith.mulf %get3A_1184, %get3A_1189 : vector<16xf32>
      %add3A_1191 = arith.constant 0 : i32
      %add3A_1192 = arith.addi %mul3A_1175, %add3A_1191 : i32
      %get3A_1193 = arith.index_cast %add3A_1192 : i32 to index
      %get3A_1194 = arith.constant 0 : index
      %get3A_1195 = tpu.vector_load %arg13[%get3A_1193, %get3A_1194] {strides = array<i32>} : memref<16x64xf32, #tpu.memory_space<vmem>>, vector<16xf32>,
      %mul3A_1196 = arith.mulf %mul3A_1190, %get3A_1195 : vector<16xf32>
      %add3A_1197 = arith.addf %broadcast_in_dim3A_1179, %mul3A_1196 : vector<16xf32>
      %swap3A_1198 = arith.constant 0 : i32
      %swap3A_1199 = arith.index_cast %swap3A_1198 : i32 to index
      %swap3A_1200 = arith.constant 0 : index
      %swap3A_1201 = tpu.vector_load %arg10[%swap3A_1199, %swap3A_1200] {strides = array<i32>} : memref<4x128xf32, #tpu.memory_space<vmem>>, vector<16xf32>,
      tpu.vector_store %arg10[%swap3A_1199, %swap3A_1200], %mul3A_1190 {strides = array<i32>} : memref<4x128xf32, #tpu.memory_space<vmem>>, vector<16xf32>,
      %swap3A_1202 = arith.constant 0 : i32
      %swap3A_1203 = arith.index_cast %swap3A_1202 : i32 to index
      %swap3A_1204 = arith.constant 64 : index
      %swap3A_1205 = tpu.vector_load %arg10[%swap3A_1203, %swap3A_1204] {strides = array<i32>} : memref<4x128xf32, #tpu.memory_space<vmem>>, vector<16xf32>,
      tpu.vector_store %arg10[%swap3A_1203, %swap3A_1204], %mul3A_1190 {strides = array<i32>} : memref<4x128xf32, #tpu.memory_space<vmem>>, vector<16xf32>,
      %add3A_1206 = arith.constant 0 : i32
      %add3A_1207 = arith.addi %mul3A_1175, %add3A_1206 : i32
      %get3A_1208 = arith.index_cast %add3A_1207 : i32 to index
      %get3A_1209 = arith.constant 16 : index
      %get3A_1210 = tpu.vector_load %arg11[%get3A_1208, %get3A_1209] {strides = array<i32>} : memref<16x64xf32, #tpu.memory_space<vmem>>, vector<16xf32>,
      %add3A_1211 = arith.constant 0 : i32
      %add3A_1212 = arith.addi %mul3A_1175, %add3A_1211 : i32
      %get3A_1213 = arith.index_cast %add3A_1212 : i32 to index
      %get3A_1214 = arith.constant 16 : index
      %get3A_1215 = tpu.vector_load %arg12[%get3A_1213, %get3A_1214] {strides = array<i32>} : memref<16x64xf32, #tpu.memory_space<vmem>>, vector<16xf32>,
      %mul3A_1216 = arith.mulf %get3A_1210, %get3A_1215 : vector<16xf32>
      %add3A_1217 = arith.constant 0 : i32
      %add3A_1218 = arith.addi %mul3A_1175, %add3A_1217 : i32
      %get3A_1219 = arith.index_cast %add3A_1218 : i32 to index
      %get3A_1220 = arith.constant 16 : index
      %get3A_1221 = tpu.vector_load %arg13[%get3A_1219, %get3A_1220] {strides = array<i32>} : memref<16x64xf32, #tpu.memory_space<vmem>>, vector<16xf32>,
      %mul3A_1222 = arith.mulf %mul3A_1216, %get3A_1221 : vector<16xf32>
      %add3A_1223 = arith.addf %add3A_1197, %mul3A_1222 : vector<16xf32>
      %swap3A_1224 = arith.constant 0 : i32
      %swap3A_1225 = arith.index_cast %swap3A_1224 : i32 to index
      %swap3A_1226 = arith.constant 16 : index
      %swap3A_1227 = tpu.vector_load %arg10[%swap3A_1225, %swap3A_1226] {strides = array<i32>} : memref<4x128xf32, #tpu.memory_space<vmem>>, vector<16xf32>,
      tpu.vector_store %arg10[%swap3A_1225, %swap3A_1226], %mul3A_1216 {strides = array<i32>} : memref<4x128xf32, #tpu.memory_space<vmem>>, vector<16xf32>,
      %swap3A_1228 = arith.constant 0 : i32
      %swap3A_1229 = arith.index_cast %swap3A_1228 : i32 to index
      %swap3A_1230 = arith.constant 80 : index
      %swap3A_1231 = tpu.vector_load %arg10[%swap3A_1229, %swap3A_1230] {strides = array<i32>} : memref<4x128xf32, #tpu.memory_space<vmem>>, vector<16xf32>,
      tpu.vector_store %arg10[%swap3A_1229, %swap3A_1230], %mul3A_1216 {strides = array<i32>} : memref<4x128xf32, #tpu.memory_space<vmem>>, vector<16xf32>,
      %add3A_1232 = arith.constant 0 : i32
      %add3A_1233 = arith.addi %mul3A_1175, %add3A_1232 : i32
      %get3A_1234 = arith.index_cast %add3A_1233 : i32 to index
      %get3A_1235 = arith.constant 32 : index
      %get3A_1236 = tpu.vector_load %arg11[%get3A_1234, %get3A_1235] {strides = array<i32>} : memref<16x64xf32, #tpu.memory_space<vmem>>, vector<16xf32>,
      %add3A_1237 = arith.constant 0 : i32
      %add3A_1238 = arith.addi %mul3A_1175, %add3A_1237 : i32
      %get3A_1239 = arith.index_cast %add3A_1238 : i32 to index
      %get3A_1240 = arith.constant 32 : index
      %get3A_1241 = tpu.vector_load %arg12[%get3A_1239, %get3A_1240] {strides = array<i32>} : memref<16x64xf32, #tpu.memory_space<vmem>>, vector<16xf32>,
      %mul3A_1242 = arith.mulf %get3A_1236, %get3A_1241 : vector<16xf32>
      %add3A_1243 = arith.constant 0 : i32
      %add3A_1244 = arith.addi %mul3A_1175, %add3A_1243 : i32
      %get3A_1245 = arith.index_cast %add3A_1244 : i32 to index
      %get3A_1246 = arith.constant 32 : index
      %get3A_1247 = tpu.vector_load %arg13[%get3A_1245, %get3A_1246] {strides = array<i32>} : memref<16x64xf32, #tpu.memory_space<vmem>>, vector<16xf32>,
      %mul3A_1248 = arith.mulf %mul3A_1242, %get3A_1247 : vector<16xf32>
      %add3A_1249 = arith.addf %add3A_1223, %mul3A_1248 : vector<16xf32>
      %swap3A_1250 = arith.constant 0 : i32
      %swap3A_1251 = arith.index_cast %swap3A_1250 : i32 to index
      %swap3A_1252 = arith.constant 32 : index
      %swap3A_1253 = tpu.vector_load %arg10[%swap3A_1251, %swap3A_1252] {strides = array<i32>} : memref<4x128xf32, #tpu.memory_space<vmem>>, vector<16xf32>,
      tpu.vector_store %arg10[%swap3A_1251, %swap3A_1252], %mul3A_1242 {strides = array<i32>} : memref<4x128xf32, #tpu.memory_space<vmem>>, vector<16xf32>,
      %swap3A_1254 = arith.constant 0 : i32
      %swap3A_1255 = arith.index_cast %swap3A_1254 : i32 to index
      %swap3A_1256 = arith.constant 96 : index
      %swap3A_1257 = tpu.vector_load %arg10[%swap3A_1255, %swap3A_1256] {strides = array<i32>} : memref<4x128xf32, #tpu.memory_space<vmem>>, vector<16xf32>,
      tpu.vector_store %arg10[%swap3A_1255, %swap3A_1256], %mul3A_1242 {strides = array<i32>} : memref<4x128xf32, #tpu.memory_space<vmem>>, vector<16xf32>,
      %add3A_1258 = arith.constant 0 : i32
      %add3A_1259 = arith.addi %mul3A_1175, %add3A_1258 : i32
      %get3A_1260 = arith.index_cast %add3A_1259 : i32 to index
      %get3A_1261 = arith.constant 48 : index
      %get3A_1262 = tpu.vector_load %arg11[%get3A_1260, %get3A_1261] {strides = array<i32>} : memref<16x64xf32, #tpu.memory_space<vmem>>, vector<16xf32>,
      %add3A_1263 = arith.constant 0 : i32
      %add3A_1264 = arith.addi %mul3A_1175, %add3A_1263 : i32
      %get3A_1265 = arith.index_cast %add3A_1264 : i32 to index
      %get3A_1266 = arith.constant 48 : index
      %get3A_1267 = tpu.vector_load %arg12[%get3A_1265, %get3A_1266] {strides = array<i32>} : memref<16x64xf32, #tpu.memory_space<vmem>>, vector<16xf32>,
      %mul3A_1268 = arith.mulf %get3A_1262, %get3A_1267 : vector<16xf32>
      %add3A_1269 = arith.constant 0 : i32
      %add3A_1270 = arith.addi %mul3A_1175, %add3A_1269 : i32
      %get3A_1271 = arith.index_cast %add3A_1270 : i32 to index
      %get3A_1272 = arith.constant 48 : index
      %get3A_1273 = tpu.vector_load %arg13[%get3A_1271, %get3A_1272] {strides = array<i32>} : memref<16x64xf32, #tpu.memory_space<vmem>>, vector<16xf32>,
      %mul3A_1274 = arith.mulf %mul3A_1268, %get3A_1273 : vector<16xf32>
      %add3A_1275 = arith.addf %add3A_1249, %mul3A_1274 : vector<16xf32>
      %swap3A_1276 = arith.constant 0 : i32
      %swap3A_1277 = arith.index_cast %swap3A_1276 : i32 to index
      %swap3A_1278 = arith.constant 48 : index
      %swap3A_1279 = tpu.vector_load %arg10[%swap3A_1277, %swap3A_1278] {strides = array<i32>} : memref<4x128xf32, #tpu.memory_space<vmem>>, vector<16xf32>,
      tpu.vector_store %arg10[%swap3A_1277, %swap3A_1278], %mul3A_1268 {strides = array<i32>} : memref<4x128xf32, #tpu.memory_space<vmem>>, vector<16xf32>,
      %swap3A_1280 = arith.constant 0 : i32
      %swap3A_1281 = arith.index_cast %swap3A_1280 : i32 to index
      %swap3A_1282 = arith.constant 112 : index
      %swap3A_1283 = tpu.vector_load %arg10[%swap3A_1281, %swap3A_1282] {strides = array<i32>} : memref<4x128xf32, #tpu.memory_space<vmem>>, vector<16xf32>,
      tpu.vector_store %arg10[%swap3A_1281, %swap3A_1282], %mul3A_1268 {strides = array<i32>} : memref<4x128xf32, #tpu.memory_space<vmem>>, vector<16xf32>,
      %eq3A_1284 = arith.constant 0 : i32
      %eq3A_1285 = vector.broadcast %eq3A_1284 : i32 to vector<16xi32>
      %eq3A_1286 = arith.cmpi eq, %iota3A, %eq3A_1285 : vector<16xi32>
      %reduce_sum3A_1287 = arith.constant true
      %reduce_sum3A_1288 = vector.broadcast %reduce_sum3A_1287 : i1 to vector<16xi1>
      %reduce_sum3A_1289 = tpu.scan <sum>, %add3A_1275 masked %reduce_sum3A_1288 : vector<16xf32>, vector<16xi1> -> vector<16xf32>
      %reduce_sum3A_1290 = vector.extract %reduce_sum3A_1289[15] : f32 from vector<16xf32>
      %broadcast_in_dim3A_1291 = vector.broadcast %reduce_sum3A_1290 : f32 to vector<16xf32>
      %select_n3A_1292 = arith.select %eq3A_1286, %broadcast_in_dim3A_1291, %broadcast_in_dim3A_1177 : vector<16xi1>, vector<16xf32>
      %broadcast_in_dim3A_1293 = arith.constant 0.000000e+00 : f32
      %broadcast_in_dim3A_1294 = vector.broadcast %broadcast_in_dim3A_1293 : f32 to vector<16xf32>
      %add3A_1295 = arith.constant 1 : i32
      %add3A_1296 = arith.addi %mul3A_1175, %add3A_1295 : i32
      %get3A_1297 = arith.index_cast %add3A_1296 : i32 to index
      %get3A_1298 = arith.constant 0 : index
      %get3A_1299 = tpu.vector_load %arg11[%get3A_1297, %get3A_1298] {strides = array<i32>} : memref<16x64xf32, #tpu.memory_space<vmem>>, vector<16xf32>,
      %add3A_1300 = arith.constant 1 : i32
      %add3A_1301 = arith.addi %mul3A_1175, %add3A_1300 : i32
      %get3A_1302 = arith.index_cast %add3A_1301 : i32 to index
      %get3A_1303 = arith.constant 0 : index
      %get3A_1304 = tpu.vector_load %arg12[%get3A_1302, %get3A_1303] {strides = array<i32>} : memref<16x64xf32, #tpu.memory_space<vmem>>, vector<16xf32>,
      %mul3A_1305 = arith.mulf %get3A_1299, %get3A_1304 : vector<16xf32>
      %add3A_1306 = arith.constant 1 : i32
      %add3A_1307 = arith.addi %mul3A_1175, %add3A_1306 : i32
      %get3A_1308 = arith.index_cast %add3A_1307 : i32 to index
      %get3A_1309 = arith.constant 0 : index
      %get3A_1310 = tpu.vector_load %arg13[%get3A_1308, %get3A_1309] {strides = array<i32>} : memref<16x64xf32, #tpu.memory_space<vmem>>, vector<16xf32>,
      %mul3A_1311 = arith.mulf %mul3A_1305, %get3A_1310 : vector<16xf32>
      %add3A_1312 = arith.addf %broadcast_in_dim3A_1294, %mul3A_1311 : vector<16xf32>
      %swap3A_1313 = arith.constant 1 : i32
      %swap3A_1314 = arith.index_cast %swap3A_1313 : i32 to index
      %swap3A_1315 = arith.constant 0 : index
      %swap3A_1316 = tpu.vector_load %arg10[%swap3A_1314, %swap3A_1315] {strides = array<i32>} : memref<4x128xf32, #tpu.memory_space<vmem>>, vector<16xf32>,
      tpu.vector_store %arg10[%swap3A_1314, %swap3A_1315], %mul3A_1305 {strides = array<i32>} : memref<4x128xf32, #tpu.memory_space<vmem>>, vector<16xf32>,
      %swap3A_1317 = arith.constant 1 : i32
      %swap3A_1318 = arith.index_cast %swap3A_1317 : i32 to index
      %swap3A_1319 = arith.constant 64 : index
      %swap3A_1320 = tpu.vector_load %arg10[%swap3A_1318, %swap3A_1319] {strides = array<i32>} : memref<4x128xf32, #tpu.memory_space<vmem>>, vector<16xf32>,
      tpu.vector_store %arg10[%swap3A_1318, %swap3A_1319], %mul3A_1305 {strides = array<i32>} : memref<4x128xf32, #tpu.memory_space<vmem>>, vector<16xf32>,
      %add3A_1321 = arith.constant 1 : i32
      %add3A_1322 = arith.addi %mul3A_1175, %add3A_1321 : i32
      %get3A_1323 = arith.index_cast %add3A_1322 : i32 to index
      %get3A_1324 = arith.constant 16 : index
      %get3A_1325 = tpu.vector_load %arg11[%get3A_1323, %get3A_1324] {strides = array<i32>} : memref<16x64xf32, #tpu.memory_space<vmem>>, vector<16xf32>,
      %add3A_1326 = arith.constant 1 : i32
      %add3A_1327 = arith.addi %mul3A_1175, %add3A_1326 : i32
      %get3A_1328 = arith.index_cast %add3A_1327 : i32 to index
      %get3A_1329 = arith.constant 16 : index
      %get3A_1330 = tpu.vector_load %arg12[%get3A_1328, %get3A_1329] {strides = array<i32>} : memref<16x64xf32, #tpu.memory_space<vmem>>, vector<16xf32>,
      %mul3A_1331 = arith.mulf %get3A_1325, %get3A_1330 : vector<16xf32>
      %add3A_1332 = arith.constant 1 : i32
      %add3A_1333 = arith.addi %mul3A_1175, %add3A_1332 : i32
      %get3A_1334 = arith.index_cast %add3A_1333 : i32 to index
      %get3A_1335 = arith.constant 16 : index
      %get3A_1336 = tpu.vector_load %arg13[%get3A_1334, %get3A_1335] {strides = array<i32>} : memref<16x64xf32, #tpu.memory_space<vmem>>, vector<16xf32>,
      %mul3A_1337 = arith.mulf %mul3A_1331, %get3A_1336 : vector<16xf32>
      %add3A_1338 = arith.addf %add3A_1312, %mul3A_1337 : vector<16xf32>
      %swap3A_1339 = arith.constant 1 : i32
      %swap3A_1340 = arith.index_cast %swap3A_1339 : i32 to index
      %swap3A_1341 = arith.constant 16 : index
      %swap3A_1342 = tpu.vector_load %arg10[%swap3A_1340, %swap3A_1341] {strides = array<i32>} : memref<4x128xf32, #tpu.memory_space<vmem>>, vector<16xf32>,
      tpu.vector_store %arg10[%swap3A_1340, %swap3A_1341], %mul3A_1331 {strides = array<i32>} : memref<4x128xf32, #tpu.memory_space<vmem>>, vector<16xf32>,
      %swap3A_1343 = arith.constant 1 : i32
      %swap3A_1344 = arith.index_cast %swap3A_1343 : i32 to index
      %swap3A_1345 = arith.constant 80 : index
      %swap3A_1346 = tpu.vector_load %arg10[%swap3A_1344, %swap3A_1345] {strides = array<i32>} : memref<4x128xf32, #tpu.memory_space<vmem>>, vector<16xf32>,
      tpu.vector_store %arg10[%swap3A_1344, %swap3A_1345], %mul3A_1331 {strides = array<i32>} : memref<4x128xf32, #tpu.memory_space<vmem>>, vector<16xf32>,
      %add3A_1347 = arith.constant 1 : i32
      %add3A_1348 = arith.addi %mul3A_1175, %add3A_1347 : i32
      %get3A_1349 = arith.index_cast %add3A_1348 : i32 to index
      %get3A_1350 = arith.constant 32 : index
      %get3A_1351 = tpu.vector_load %arg11[%get3A_1349, %get3A_1350] {strides = array<i32>} : memref<16x64xf32, #tpu.memory_space<vmem>>, vector<16xf32>,
      %add3A_1352 = arith.constant 1 : i32
      %add3A_1353 = arith.addi %mul3A_1175, %add3A_1352 : i32
      %get3A_1354 = arith.index_cast %add3A_1353 : i32 to index
      %get3A_1355 = arith.constant 32 : index
      %get3A_1356 = tpu.vector_load %arg12[%get3A_1354, %get3A_1355] {strides = array<i32>} : memref<16x64xf32, #tpu.memory_space<vmem>>, vector<16xf32>,
      %mul3A_1357 = arith.mulf %get3A_1351, %get3A_1356 : vector<16xf32>
      %add3A_1358 = arith.constant 1 : i32
      %add3A_1359 = arith.addi %mul3A_1175, %add3A_1358 : i32
      %get3A_1360 = arith.index_cast %add3A_1359 : i32 to index
      %get3A_1361 = arith.constant 32 : index
      %get3A_1362 = tpu.vector_load %arg13[%get3A_1360, %get3A_1361] {strides = array<i32>} : memref<16x64xf32, #tpu.memory_space<vmem>>, vector<16xf32>,
      %mul3A_1363 = arith.mulf %mul3A_1357, %get3A_1362 : vector<16xf32>
      %add3A_1364 = arith.addf %add3A_1338, %mul3A_1363 : vector<16xf32>
      %swap3A_1365 = arith.constant 1 : i32
      %swap3A_1366 = arith.index_cast %swap3A_1365 : i32 to index
      %swap3A_1367 = arith.constant 32 : index
      %swap3A_1368 = tpu.vector_load %arg10[%swap3A_1366, %swap3A_1367] {strides = array<i32>} : memref<4x128xf32, #tpu.memory_space<vmem>>, vector<16xf32>,
      tpu.vector_store %arg10[%swap3A_1366, %swap3A_1367], %mul3A_1357 {strides = array<i32>} : memref<4x128xf32, #tpu.memory_space<vmem>>, vector<16xf32>,
      %swap3A_1369 = arith.constant 1 : i32
      %swap3A_1370 = arith.index_cast %swap3A_1369 : i32 to index
      %swap3A_1371 = arith.constant 96 : index
      %swap3A_1372 = tpu.vector_load %arg10[%swap3A_1370, %swap3A_1371] {strides = array<i32>} : memref<4x128xf32, #tpu.memory_space<vmem>>, vector<16xf32>,
      tpu.vector_store %arg10[%swap3A_1370, %swap3A_1371], %mul3A_1357 {strides = array<i32>} : memref<4x128xf32, #tpu.memory_space<vmem>>, vector<16xf32>,
      %add3A_1373 = arith.constant 1 : i32
      %add3A_1374 = arith.addi %mul3A_1175, %add3A_1373 : i32
      %get3A_1375 = arith.index_cast %add3A_1374 : i32 to index
      %get3A_1376 = arith.constant 48 : index
      %get3A_1377 = tpu.vector_load %arg11[%get3A_1375, %get3A_1376] {strides = array<i32>} : memref<16x64xf32, #tpu.memory_space<vmem>>, vector<16xf32>,
      %add3A_1378 = arith.constant 1 : i32
      %add3A_1379 = arith.addi %mul3A_1175, %add3A_1378 : i32
      %get3A_1380 = arith.index_cast %add3A_1379 : i32 to index
      %get3A_1381 = arith.constant 48 : index
      %get3A_1382 = tpu.vector_load %arg12[%get3A_1380, %get3A_1381] {strides = array<i32>} : memref<16x64xf32, #tpu.memory_space<vmem>>, vector<16xf32>,
      %mul3A_1383 = arith.mulf %get3A_1377, %get3A_1382 : vector<16xf32>
      %add3A_1384 = arith.constant 1 : i32
      %add3A_1385 = arith.addi %mul3A_1175, %add3A_1384 : i32
      %get3A_1386 = arith.index_cast %add3A_1385 : i32 to index
      %get3A_1387 = arith.constant 48 : index
      %get3A_1388 = tpu.vector_load %arg13[%get3A_1386, %get3A_1387] {strides = array<i32>} : memref<16x64xf32, #tpu.memory_space<vmem>>, vector<16xf32>,
      %mul3A_1389 = arith.mulf %mul3A_1383, %get3A_1388 : vector<16xf32>
      %add3A_1390 = arith.addf %add3A_1364, %mul3A_1389 : vector<16xf32>
      %swap3A_1391 = arith.constant 1 : i32
      %swap3A_1392 = arith.index_cast %swap3A_1391 : i32 to index
      %swap3A_1393 = arith.constant 48 : index
      %swap3A_1394 = tpu.vector_load %arg10[%swap3A_1392, %swap3A_1393] {strides = array<i32>} : memref<4x128xf32, #tpu.memory_space<vmem>>, vector<16xf32>,
      tpu.vector_store %arg10[%swap3A_1392, %swap3A_1393], %mul3A_1383 {strides = array<i32>} : memref<4x128xf32, #tpu.memory_space<vmem>>, vector<16xf32>,
      %swap3A_1395 = arith.constant 1 : i32
      %swap3A_1396 = arith.index_cast %swap3A_1395 : i32 to index
      %swap3A_1397 = arith.constant 112 : index
      %swap3A_1398 = tpu.vector_load %arg10[%swap3A_1396, %swap3A_1397] {strides = array<i32>} : memref<4x128xf32, #tpu.memory_space<vmem>>, vector<16xf32>,
      tpu.vector_store %arg10[%swap3A_1396, %swap3A_1397], %mul3A_1383 {strides = array<i32>} : memref<4x128xf32, #tpu.memory_space<vmem>>, vector<16xf32>,
      %eq3A_1399 = arith.constant 1 : i32
      %eq3A_1400 = vector.broadcast %eq3A_1399 : i32 to vector<16xi32>
      %eq3A_1401 = arith.cmpi eq, %iota3A, %eq3A_1400 : vector<16xi32>
      %reduce_sum3A_1402 = arith.constant true
      %reduce_sum3A_1403 = vector.broadcast %reduce_sum3A_1402 : i1 to vector<16xi1>
      %reduce_sum3A_1404 = tpu.scan <sum>, %add3A_1390 masked %reduce_sum3A_1403 : vector<16xf32>, vector<16xi1> -> vector<16xf32>
      %reduce_sum3A_1405 = vector.extract %reduce_sum3A_1404[15] : f32 from vector<16xf32>
      %broadcast_in_dim3A_1406 = vector.broadcast %reduce_sum3A_1405 : f32 to vector<16xf32>
      %select_n3A_1407 = arith.select %eq3A_1401, %broadcast_in_dim3A_1406, %select_n3A_1292 : vector<16xi1>, vector<16xf32>
      %broadcast_in_dim3A_1408 = arith.constant 0.000000e+00 : f32
      %broadcast_in_dim3A_1409 = vector.broadcast %broadcast_in_dim3A_1408 : f32 to vector<16xf32>
      %add3A_1410 = arith.constant 2 : i32
      %add3A_1411 = arith.addi %mul3A_1175, %add3A_1410 : i32
      %get3A_1412 = arith.index_cast %add3A_1411 : i32 to index
      %get3A_1413 = arith.constant 0 : index
      %get3A_1414 = tpu.vector_load %arg11[%get3A_1412, %get3A_1413] {strides = array<i32>} : memref<16x64xf32, #tpu.memory_space<vmem>>, vector<16xf32>,
      %add3A_1415 = arith.constant 2 : i32
      %add3A_1416 = arith.addi %mul3A_1175, %add3A_1415 : i32
      %get3A_1417 = arith.index_cast %add3A_1416 : i32 to index
      %get3A_1418 = arith.constant 0 : index
      %get3A_1419 = tpu.vector_load %arg12[%get3A_1417, %get3A_1418] {strides = array<i32>} : memref<16x64xf32, #tpu.memory_space<vmem>>, vector<16xf32>,
      %mul3A_1420 = arith.mulf %get3A_1414, %get3A_1419 : vector<16xf32>
      %add3A_1421 = arith.constant 2 : i32
      %add3A_1422 = arith.addi %mul3A_1175, %add3A_1421 : i32
      %get3A_1423 = arith.index_cast %add3A_1422 : i32 to index
      %get3A_1424 = arith.constant 0 : index
      %get3A_1425 = tpu.vector_load %arg13[%get3A_1423, %get3A_1424] {strides = array<i32>} : memref<16x64xf32, #tpu.memory_space<vmem>>, vector<16xf32>,
      %mul3A_1426 = arith.mulf %mul3A_1420, %get3A_1425 : vector<16xf32>
      %add3A_1427 = arith.addf %broadcast_in_dim3A_1409, %mul3A_1426 : vector<16xf32>
      %swap3A_1428 = arith.constant 2 : i32
      %swap3A_1429 = arith.index_cast %swap3A_1428 : i32 to index
      %swap3A_1430 = arith.constant 0 : index
      %swap3A_1431 = tpu.vector_load %arg10[%swap3A_1429, %swap3A_1430] {strides = array<i32>} : memref<4x128xf32, #tpu.memory_space<vmem>>, vector<16xf32>,
      tpu.vector_store %arg10[%swap3A_1429, %swap3A_1430], %mul3A_1420 {strides = array<i32>} : memref<4x128xf32, #tpu.memory_space<vmem>>, vector<16xf32>,
      %swap3A_1432 = arith.constant 2 : i32
      %swap3A_1433 = arith.index_cast %swap3A_1432 : i32 to index
      %swap3A_1434 = arith.constant 64 : index
      %swap3A_1435 = tpu.vector_load %arg10[%swap3A_1433, %swap3A_1434] {strides = array<i32>} : memref<4x128xf32, #tpu.memory_space<vmem>>, vector<16xf32>,
      tpu.vector_store %arg10[%swap3A_1433, %swap3A_1434], %mul3A_1420 {strides = array<i32>} : memref<4x128xf32, #tpu.memory_space<vmem>>, vector<16xf32>,
      %add3A_1436 = arith.constant 2 : i32
      %add3A_1437 = arith.addi %mul3A_1175, %add3A_1436 : i32
      %get3A_1438 = arith.index_cast %add3A_1437 : i32 to index
      %get3A_1439 = arith.constant 16 : index
      %get3A_1440 = tpu.vector_load %arg11[%get3A_1438, %get3A_1439] {strides = array<i32>} : memref<16x64xf32, #tpu.memory_space<vmem>>, vector<16xf32>,
      %add3A_1441 = arith.constant 2 : i32
      %add3A_1442 = arith.addi %mul3A_1175, %add3A_1441 : i32
      %get3A_1443 = arith.index_cast %add3A_1442 : i32 to index
      %get3A_1444 = arith.constant 16 : index
      %get3A_1445 = tpu.vector_load %arg12[%get3A_1443, %get3A_1444] {strides = array<i32>} : memref<16x64xf32, #tpu.memory_space<vmem>>, vector<16xf32>,
      %mul3A_1446 = arith.mulf %get3A_1440, %get3A_1445 : vector<16xf32>
      %add3A_1447 = arith.constant 2 : i32
      %add3A_1448 = arith.addi %mul3A_1175, %add3A_1447 : i32
      %get3A_1449 = arith.index_cast %add3A_1448 : i32 to index
      %get3A_1450 = arith.constant 16 : index
      %get3A_1451 = tpu.vector_load %arg13[%get3A_1449, %get3A_1450] {strides = array<i32>} : memref<16x64xf32, #tpu.memory_space<vmem>>, vector<16xf32>,
      %mul3A_1452 = arith.mulf %mul3A_1446, %get3A_1451 : vector<16xf32>
      %add3A_1453 = arith.addf %add3A_1427, %mul3A_1452 : vector<16xf32>
      %swap3A_1454 = arith.constant 2 : i32
      %swap3A_1455 = arith.index_cast %swap3A_1454 : i32 to index
      %swap3A_1456 = arith.constant 16 : index
      %swap3A_1457 = tpu.vector_load %arg10[%swap3A_1455, %swap3A_1456] {strides = array<i32>} : memref<4x128xf32, #tpu.memory_space<vmem>>, vector<16xf32>,
      tpu.vector_store %arg10[%swap3A_1455, %swap3A_1456], %mul3A_1446 {strides = array<i32>} : memref<4x128xf32, #tpu.memory_space<vmem>>, vector<16xf32>,
      %swap3A_1458 = arith.constant 2 : i32
      %swap3A_1459 = arith.index_cast %swap3A_1458 : i32 to index
      %swap3A_1460 = arith.constant 80 : index
      %swap3A_1461 = tpu.vector_load %arg10[%swap3A_1459, %swap3A_1460] {strides = array<i32>} : memref<4x128xf32, #tpu.memory_space<vmem>>, vector<16xf32>,
      tpu.vector_store %arg10[%swap3A_1459, %swap3A_1460], %mul3A_1446 {strides = array<i32>} : memref<4x128xf32, #tpu.memory_space<vmem>>, vector<16xf32>,
      %add3A_1462 = arith.constant 2 : i32
      %add3A_1463 = arith.addi %mul3A_1175, %add3A_1462 : i32
      %get3A_1464 = arith.index_cast %add3A_1463 : i32 to index
      %get3A_1465 = arith.constant 32 : index
      %get3A_1466 = tpu.vector_load %arg11[%get3A_1464, %get3A_1465] {strides = array<i32>} : memref<16x64xf32, #tpu.memory_space<vmem>>, vector<16xf32>,
      %add3A_1467 = arith.constant 2 : i32
      %add3A_1468 = arith.addi %mul3A_1175, %add3A_1467 : i32
      %get3A_1469 = arith.index_cast %add3A_1468 : i32 to index
      %get3A_1470 = arith.constant 32 : index
      %get3A_1471 = tpu.vector_load %arg12[%get3A_1469, %get3A_1470] {strides = array<i32>} : memref<16x64xf32, #tpu.memory_space<vmem>>, vector<16xf32>,
      %mul3A_1472 = arith.mulf %get3A_1466, %get3A_1471 : vector<16xf32>
      %add3A_1473 = arith.constant 2 : i32
      %add3A_1474 = arith.addi %mul3A_1175, %add3A_1473 : i32
      %get3A_1475 = arith.index_cast %add3A_1474 : i32 to index
      %get3A_1476 = arith.constant 32 : index
      %get3A_1477 = tpu.vector_load %arg13[%get3A_1475, %get3A_1476] {strides = array<i32>} : memref<16x64xf32, #tpu.memory_space<vmem>>, vector<16xf32>,
      %mul3A_1478 = arith.mulf %mul3A_1472, %get3A_1477 : vector<16xf32>
      %add3A_1479 = arith.addf %add3A_1453, %mul3A_1478 : vector<16xf32>
      %swap3A_1480 = arith.constant 2 : i32
      %swap3A_1481 = arith.index_cast %swap3A_1480 : i32 to index
      %swap3A_1482 = arith.constant 32 : index
      %swap3A_1483 = tpu.vector_load %arg10[%swap3A_1481, %swap3A_1482] {strides = array<i32>} : memref<4x128xf32, #tpu.memory_space<vmem>>, vector<16xf32>,
      tpu.vector_store %arg10[%swap3A_1481, %swap3A_1482], %mul3A_1472 {strides = array<i32>} : memref<4x128xf32, #tpu.memory_space<vmem>>, vector<16xf32>,
      %swap3A_1484 = arith.constant 2 : i32
      %swap3A_1485 = arith.index_cast %swap3A_1484 : i32 to index
      %swap3A_1486 = arith.constant 96 : index
      %swap3A_1487 = tpu.vector_load %arg10[%swap3A_1485, %swap3A_1486] {strides = array<i32>} : memref<4x128xf32, #tpu.memory_space<vmem>>, vector<16xf32>,
      tpu.vector_store %arg10[%swap3A_1485, %swap3A_1486], %mul3A_1472 {strides = array<i32>} : memref<4x128xf32, #tpu.memory_space<vmem>>, vector<16xf32>,
      %add3A_1488 = arith.constant 2 : i32
      %add3A_1489 = arith.addi %mul3A_1175, %add3A_1488 : i32
      %get3A_1490 = arith.index_cast %add3A_1489 : i32 to index
      %get3A_1491 = arith.constant 48 : index
      %get3A_1492 = tpu.vector_load %arg11[%get3A_1490, %get3A_1491] {strides = array<i32>} : memref<16x64xf32, #tpu.memory_space<vmem>>, vector<16xf32>,
      %add3A_1493 = arith.constant 2 : i32
      %add3A_1494 = arith.addi %mul3A_1175, %add3A_1493 : i32
      %get3A_1495 = arith.index_cast %add3A_1494 : i32 to index
      %get3A_1496 = arith.constant 48 : index
      %get3A_1497 = tpu.vector_load %arg12[%get3A_1495, %get3A_1496] {strides = array<i32>} : memref<16x64xf32, #tpu.memory_space<vmem>>, vector<16xf32>,
      %mul3A_1498 = arith.mulf %get3A_1492, %get3A_1497 : vector<16xf32>
      %add3A_1499 = arith.constant 2 : i32
      %add3A_1500 = arith.addi %mul3A_1175, %add3A_1499 : i32
      %get3A_1501 = arith.index_cast %add3A_1500 : i32 to index
      %get3A_1502 = arith.constant 48 : index
      %get3A_1503 = tpu.vector_load %arg13[%get3A_1501, %get3A_1502] {strides = array<i32>} : memref<16x64xf32, #tpu.memory_space<vmem>>, vector<16xf32>,
      %mul3A_1504 = arith.mulf %mul3A_1498, %get3A_1503 : vector<16xf32>
      %add3A_1505 = arith.addf %add3A_1479, %mul3A_1504 : vector<16xf32>
      %swap3A_1506 = arith.constant 2 : i32
      %swap3A_1507 = arith.index_cast %swap3A_1506 : i32 to index
      %swap3A_1508 = arith.constant 48 : index
      %swap3A_1509 = tpu.vector_load %arg10[%swap3A_1507, %swap3A_1508] {strides = array<i32>} : memref<4x128xf32, #tpu.memory_space<vmem>>, vector<16xf32>,
      tpu.vector_store %arg10[%swap3A_1507, %swap3A_1508], %mul3A_1498 {strides = array<i32>} : memref<4x128xf32, #tpu.memory_space<vmem>>, vector<16xf32>,
      %swap3A_1510 = arith.constant 2 : i32
      %swap3A_1511 = arith.index_cast %swap3A_1510 : i32 to index
      %swap3A_1512 = arith.constant 112 : index
      %swap3A_1513 = tpu.vector_load %arg10[%swap3A_1511, %swap3A_1512] {strides = array<i32>} : memref<4x128xf32, #tpu.memory_space<vmem>>, vector<16xf32>,
      tpu.vector_store %arg10[%swap3A_1511, %swap3A_1512], %mul3A_1498 {strides = array<i32>} : memref<4x128xf32, #tpu.memory_space<vmem>>, vector<16xf32>,
      %eq3A_1514 = arith.constant 2 : i32
      %eq3A_1515 = vector.broadcast %eq3A_1514 : i32 to vector<16xi32>
      %eq3A_1516 = arith.cmpi eq, %iota3A, %eq3A_1515 : vector<16xi32>
      %reduce_sum3A_1517 = arith.constant true
      %reduce_sum3A_1518 = vector.broadcast %reduce_sum3A_1517 : i1 to vector<16xi1>
      %reduce_sum3A_1519 = tpu.scan <sum>, %add3A_1505 masked %reduce_sum3A_1518 : vector<16xf32>, vector<16xi1> -> vector<16xf32>
      %reduce_sum3A_1520 = vector.extract %reduce_sum3A_1519[15] : f32 from vector<16xf32>
      %broadcast_in_dim3A_1521 = vector.broadcast %reduce_sum3A_1520 : f32 to vector<16xf32>
      %select_n3A_1522 = arith.select %eq3A_1516, %broadcast_in_dim3A_1521, %select_n3A_1407 : vector<16xi1>, vector<16xf32>
      %broadcast_in_dim3A_1523 = arith.constant 0.000000e+00 : f32
      %broadcast_in_dim3A_1524 = vector.broadcast %broadcast_in_dim3A_1523 : f32 to vector<16xf32>
      %add3A_1525 = arith.constant 3 : i32
      %add3A_1526 = arith.addi %mul3A_1175, %add3A_1525 : i32
      %get3A_1527 = arith.index_cast %add3A_1526 : i32 to index
      %get3A_1528 = arith.constant 0 : index
      %get3A_1529 = tpu.vector_load %arg11[%get3A_1527, %get3A_1528] {strides = array<i32>} : memref<16x64xf32, #tpu.memory_space<vmem>>, vector<16xf32>,
      %add3A_1530 = arith.constant 3 : i32
      %add3A_1531 = arith.addi %mul3A_1175, %add3A_1530 : i32
      %get3A_1532 = arith.index_cast %add3A_1531 : i32 to index
      %get3A_1533 = arith.constant 0 : index
      %get3A_1534 = tpu.vector_load %arg12[%get3A_1532, %get3A_1533] {strides = array<i32>} : memref<16x64xf32, #tpu.memory_space<vmem>>, vector<16xf32>,
      %mul3A_1535 = arith.mulf %get3A_1529, %get3A_1534 : vector<16xf32>
      %add3A_1536 = arith.constant 3 : i32
      %add3A_1537 = arith.addi %mul3A_1175, %add3A_1536 : i32
      %get3A_1538 = arith.index_cast %add3A_1537 : i32 to index
      %get3A_1539 = arith.constant 0 : index
      %get3A_1540 = tpu.vector_load %arg13[%get3A_1538, %get3A_1539] {strides = array<i32>} : memref<16x64xf32, #tpu.memory_space<vmem>>, vector<16xf32>,
      %mul3A_1541 = arith.mulf %mul3A_1535, %get3A_1540 : vector<16xf32>
      %add3A_1542 = arith.addf %broadcast_in_dim3A_1524, %mul3A_1541 : vector<16xf32>
      %swap3A_1543 = arith.constant 3 : i32
      %swap3A_1544 = arith.index_cast %swap3A_1543 : i32 to index
      %swap3A_1545 = arith.constant 0 : index
      %swap3A_1546 = tpu.vector_load %arg10[%swap3A_1544, %swap3A_1545] {strides = array<i32>} : memref<4x128xf32, #tpu.memory_space<vmem>>, vector<16xf32>,
      tpu.vector_store %arg10[%swap3A_1544, %swap3A_1545], %mul3A_1535 {strides = array<i32>} : memref<4x128xf32, #tpu.memory_space<vmem>>, vector<16xf32>,
      %swap3A_1547 = arith.constant 3 : i32
      %swap3A_1548 = arith.index_cast %swap3A_1547 : i32 to index
      %swap3A_1549 = arith.constant 64 : index
      %swap3A_1550 = tpu.vector_load %arg10[%swap3A_1548, %swap3A_1549] {strides = array<i32>} : memref<4x128xf32, #tpu.memory_space<vmem>>, vector<16xf32>,
      tpu.vector_store %arg10[%swap3A_1548, %swap3A_1549], %mul3A_1535 {strides = array<i32>} : memref<4x128xf32, #tpu.memory_space<vmem>>, vector<16xf32>,
      %add3A_1551 = arith.constant 3 : i32
      %add3A_1552 = arith.addi %mul3A_1175, %add3A_1551 : i32
      %get3A_1553 = arith.index_cast %add3A_1552 : i32 to index
      %get3A_1554 = arith.constant 16 : index
      %get3A_1555 = tpu.vector_load %arg11[%get3A_1553, %get3A_1554] {strides = array<i32>} : memref<16x64xf32, #tpu.memory_space<vmem>>, vector<16xf32>,
      %add3A_1556 = arith.constant 3 : i32
      %add3A_1557 = arith.addi %mul3A_1175, %add3A_1556 : i32
      %get3A_1558 = arith.index_cast %add3A_1557 : i32 to index
      %get3A_1559 = arith.constant 16 : index
      %get3A_1560 = tpu.vector_load %arg12[%get3A_1558, %get3A_1559] {strides = array<i32>} : memref<16x64xf32, #tpu.memory_space<vmem>>, vector<16xf32>,
      %mul3A_1561 = arith.mulf %get3A_1555, %get3A_1560 : vector<16xf32>
      %add3A_1562 = arith.constant 3 : i32
      %add3A_1563 = arith.addi %mul3A_1175, %add3A_1562 : i32
      %get3A_1564 = arith.index_cast %add3A_1563 : i32 to index
      %get3A_1565 = arith.constant 16 : index
      %get3A_1566 = tpu.vector_load %arg13[%get3A_1564, %get3A_1565] {strides = array<i32>} : memref<16x64xf32, #tpu.memory_space<vmem>>, vector<16xf32>,
      %mul3A_1567 = arith.mulf %mul3A_1561, %get3A_1566 : vector<16xf32>
      %add3A_1568 = arith.addf %add3A_1542, %mul3A_1567 : vector<16xf32>
      %swap3A_1569 = arith.constant 3 : i32
      %swap3A_1570 = arith.index_cast %swap3A_1569 : i32 to index
      %swap3A_1571 = arith.constant 16 : index
      %swap3A_1572 = tpu.vector_load %arg10[%swap3A_1570, %swap3A_1571] {strides = array<i32>} : memref<4x128xf32, #tpu.memory_space<vmem>>, vector<16xf32>,
      tpu.vector_store %arg10[%swap3A_1570, %swap3A_1571], %mul3A_1561 {strides = array<i32>} : memref<4x128xf32, #tpu.memory_space<vmem>>, vector<16xf32>,
      %swap3A_1573 = arith.constant 3 : i32
      %swap3A_1574 = arith.index_cast %swap3A_1573 : i32 to index
      %swap3A_1575 = arith.constant 80 : index
      %swap3A_1576 = tpu.vector_load %arg10[%swap3A_1574, %swap3A_1575] {strides = array<i32>} : memref<4x128xf32, #tpu.memory_space<vmem>>, vector<16xf32>,
      tpu.vector_store %arg10[%swap3A_1574, %swap3A_1575], %mul3A_1561 {strides = array<i32>} : memref<4x128xf32, #tpu.memory_space<vmem>>, vector<16xf32>,
      %add3A_1577 = arith.constant 3 : i32
      %add3A_1578 = arith.addi %mul3A_1175, %add3A_1577 : i32
      %get3A_1579 = arith.index_cast %add3A_1578 : i32 to index
      %get3A_1580 = arith.constant 32 : index
      %get3A_1581 = tpu.vector_load %arg11[%get3A_1579, %get3A_1580] {strides = array<i32>} : memref<16x64xf32, #tpu.memory_space<vmem>>, vector<16xf32>,
      %add3A_1582 = arith.constant 3 : i32
      %add3A_1583 = arith.addi %mul3A_1175, %add3A_1582 : i32
      %get3A_1584 = arith.index_cast %add3A_1583 : i32 to index
      %get3A_1585 = arith.constant 32 : index
      %get3A_1586 = tpu.vector_load %arg12[%get3A_1584, %get3A_1585] {strides = array<i32>} : memref<16x64xf32, #tpu.memory_space<vmem>>, vector<16xf32>,
      %mul3A_1587 = arith.mulf %get3A_1581, %get3A_1586 : vector<16xf32>
      %add3A_1588 = arith.constant 3 : i32
      %add3A_1589 = arith.addi %mul3A_1175, %add3A_1588 : i32
      %get3A_1590 = arith.index_cast %add3A_1589 : i32 to index
      %get3A_1591 = arith.constant 32 : index
      %get3A_1592 = tpu.vector_load %arg13[%get3A_1590, %get3A_1591] {strides = array<i32>} : memref<16x64xf32, #tpu.memory_space<vmem>>, vector<16xf32>,
      %mul3A_1593 = arith.mulf %mul3A_1587, %get3A_1592 : vector<16xf32>
      %add3A_1594 = arith.addf %add3A_1568, %mul3A_1593 : vector<16xf32>
      %swap3A_1595 = arith.constant 3 : i32
      %swap3A_1596 = arith.index_cast %swap3A_1595 : i32 to index
      %swap3A_1597 = arith.constant 32 : index
      %swap3A_1598 = tpu.vector_load %arg10[%swap3A_1596, %swap3A_1597] {strides = array<i32>} : memref<4x128xf32, #tpu.memory_space<vmem>>, vector<16xf32>,
      tpu.vector_store %arg10[%swap3A_1596, %swap3A_1597], %mul3A_1587 {strides = array<i32>} : memref<4x128xf32, #tpu.memory_space<vmem>>, vector<16xf32>,
      %swap3A_1599 = arith.constant 3 : i32
      %swap3A_1600 = arith.index_cast %swap3A_1599 : i32 to index
      %swap3A_1601 = arith.constant 96 : index
      %swap3A_1602 = tpu.vector_load %arg10[%swap3A_1600, %swap3A_1601] {strides = array<i32>} : memref<4x128xf32, #tpu.memory_space<vmem>>, vector<16xf32>,
      tpu.vector_store %arg10[%swap3A_1600, %swap3A_1601], %mul3A_1587 {strides = array<i32>} : memref<4x128xf32, #tpu.memory_space<vmem>>, vector<16xf32>,
      %add3A_1603 = arith.constant 3 : i32
      %add3A_1604 = arith.addi %mul3A_1175, %add3A_1603 : i32
      %get3A_1605 = arith.index_cast %add3A_1604 : i32 to index
      %get3A_1606 = arith.constant 48 : index
      %get3A_1607 = tpu.vector_load %arg11[%get3A_1605, %get3A_1606] {strides = array<i32>} : memref<16x64xf32, #tpu.memory_space<vmem>>, vector<16xf32>,
      %add3A_1608 = arith.constant 3 : i32
      %add3A_1609 = arith.addi %mul3A_1175, %add3A_1608 : i32
      %get3A_1610 = arith.index_cast %add3A_1609 : i32 to index
      %get3A_1611 = arith.constant 48 : index
      %get3A_1612 = tpu.vector_load %arg12[%get3A_1610, %get3A_1611] {strides = array<i32>} : memref<16x64xf32, #tpu.memory_space<vmem>>, vector<16xf32>,
      %mul3A_1613 = arith.mulf %get3A_1607, %get3A_1612 : vector<16xf32>
      %add3A_1614 = arith.constant 3 : i32
      %add3A_1615 = arith.addi %mul3A_1175, %add3A_1614 : i32
      %get3A_1616 = arith.index_cast %add3A_1615 : i32 to index
      %get3A_1617 = arith.constant 48 : index
      %get3A_1618 = tpu.vector_load %arg13[%get3A_1616, %get3A_1617] {strides = array<i32>} : memref<16x64xf32, #tpu.memory_space<vmem>>, vector<16xf32>,
      %mul3A_1619 = arith.mulf %mul3A_1613, %get3A_1618 : vector<16xf32>
      %add3A_1620 = arith.addf %add3A_1594, %mul3A_1619 : vector<16xf32>
      %swap3A_1621 = arith.constant 3 : i32
      %swap3A_1622 = arith.index_cast %swap3A_1621 : i32 to index
      %swap3A_1623 = arith.constant 48 : index
      %swap3A_1624 = tpu.vector_load %arg10[%swap3A_1622, %swap3A_1623] {strides = array<i32>} : memref<4x128xf32, #tpu.memory_space<vmem>>, vector<16xf32>,
      tpu.vector_store %arg10[%swap3A_1622, %swap3A_1623], %mul3A_1613 {strides = array<i32>} : memref<4x128xf32, #tpu.memory_space<vmem>>, vector<16xf32>,
      %swap3A_1625 = arith.constant 3 : i32
      %swap3A_1626 = arith.index_cast %swap3A_1625 : i32 to index
      %swap3A_1627 = arith.constant 112 : index
      %swap3A_1628 = tpu.vector_load %arg10[%swap3A_1626, %swap3A_1627] {strides = array<i32>} : memref<4x128xf32, #tpu.memory_space<vmem>>, vector<16xf32>,
      tpu.vector_store %arg10[%swap3A_1626, %swap3A_1627], %mul3A_1613 {strides = array<i32>} : memref<4x128xf32, #tpu.memory_space<vmem>>, vector<16xf32>,
      %eq3A_1629 = arith.constant 3 : i32
      %eq3A_1630 = vector.broadcast %eq3A_1629 : i32 to vector<16xi32>
      %eq3A_1631 = arith.cmpi eq, %iota3A, %eq3A_1630 : vector<16xi32>
      %reduce_sum3A_1632 = arith.constant true
      %reduce_sum3A_1633 = vector.broadcast %reduce_sum3A_1632 : i1 to vector<16xi1>
      %reduce_sum3A_1634 = tpu.scan <sum>, %add3A_1620 masked %reduce_sum3A_1633 : vector<16xf32>, vector<16xi1> -> vector<16xf32>
      %reduce_sum3A_1635 = vector.extract %reduce_sum3A_1634[15] : f32 from vector<16xf32>
      %broadcast_in_dim3A_1636 = vector.broadcast %reduce_sum3A_1635 : f32 to vector<16xf32>
      %select_n3A_1637 = arith.select %eq3A_1631, %broadcast_in_dim3A_1636, %select_n3A_1522 : vector<16xi1>, vector<16xf32>
      %add3A_1638 = vector.broadcast %mul3A_1157 : i32 to vector<16xi32>
      %add3A_1639 = arith.addi %add3A_1638, %iota3A : vector<16xi32>
      %min3A_1640 = arith.constant 511 : i32
      %min3A_1641 = vector.broadcast %min3A_1640 : i32 to vector<16xi32>
      %min3A_1642 = arith.minsi %add3A_1639, %min3A_1641 : vector<16xi32>
      %lt3A_1643 = arith.constant 4 : i32
      %lt3A_1644 = vector.broadcast %lt3A_1643 : i32 to vector<16xi32>
      %lt3A_1645 = arith.cmpi slt, %iota3A, %lt3A_1644 : vector<16xi32>
      tpu.vector_store_idx %arg9[%min3A_1642], %select_n3A_1637 masked %lt3A_1645 : memref<512xf32, #tpu.memory_space<vmem>>[vector<16xi32>], vector<16xf32>, vector<16xi1>
      %jit3A_1646 = arith.constant 4 : i32
      %eq3A_1647 = arith.constant 0 : i32
      %eq3A_1648 = arith.cmpi eq, %jit3A_1646, %eq3A_1647 : i32
      %jit3A_1649 = arith.constant 1 : i32
      %select_n3A_1650 = arith.select %eq3A_1648, %jit3A_1649, %jit3A_1646 : i32
      %rem3A_1651 = arith.remsi %add3A_1129, %select_n3A_1650 : i32
      %ne3A_1652 = arith.constant 0 : i32
      %ne3A_1653 = arith.cmpi ne, %rem3A_1651, %ne3A_1652 : i32
      %lt3A_1654 = arith.constant 0 : i32
      %lt3A_1655 = arith.cmpi slt, %rem3A_1651, %lt3A_1654 : i32
      %lt3A_1656 = arith.constant 0 : i32
      %lt3A_1657 = arith.cmpi slt, %select_n3A_1650, %lt3A_1656 : i32
      %ne3A_1658 = arith.xori %lt3A_1655, %lt3A_1657 : i1
      %and3A_1659 = arith.andi %ne3A_1658, %ne3A_1653 : i1
      %add3A_1660 = arith.addi %rem3A_1651, %select_n3A_1650 : i32
      %select_n3A_1661 = arith.select %and3A_1659, %add3A_1660, %rem3A_1651 : i32
      %eq3A_1662 = arith.constant 3 : i32
      %eq3A_1663 = arith.cmpi eq, %select_n3A_1661, %eq3A_1662 : i32
      %convert_element_type3A_1664 = arith.extui %eq3A_1663 : i1 to i32
      %cond3A_1665 = arith.constant 0 : i32
      %cond3A_1666 = arith.cmpi ne, %convert_element_type3A_1664, %cond3A_1665 : i32
      scf.if %cond3A_1666 {
        %add3A_2030 = arith.constant 1 : i32
        %add3A_2031 = arith.addi %add3A_1129, %add3A_2030 : i32
        %mul3A_2032 = arith.constant 4 : i32
        %mul3A_2033 = arith.muli %add3A_2031, %mul3A_2032 : i32
        %add3A_2034 = vector.broadcast %mul3A_2033 : i32 to vector<16xi32>
        %add3A_2035 = arith.addi %add3A_2034, %iota3A : vector<16xi32>
        %min3A_2036 = arith.constant 511 : i32
        %min3A_2037 = vector.broadcast %min3A_2036 : i32 to vector<16xi32>
        %min3A_2038 = arith.minsi %add3A_2035, %min3A_2037 : vector<16xi32>
        %broadcast_in_dim3A_2039 = arith.constant 0 : i32
        %broadcast_in_dim3A_2040 = vector.broadcast %broadcast_in_dim3A_2039 : i32 to vector<16xi32>
        %gather3A_2041 = tpu.vector_load_idx %arg8[%min3A_2038, %broadcast_in_dim3A_2040] : memref<512x3xi32, #tpu.memory_space<vmem>>[vector<16xi32>, vector<16xi32>], vector<16xi32>,
        %broadcast_in_dim3A_2042 = arith.constant 1 : i32
        %broadcast_in_dim3A_2043 = vector.broadcast %broadcast_in_dim3A_2042 : i32 to vector<16xi32>
        %gather3A_2044 = tpu.vector_load_idx %arg8[%min3A_2038, %broadcast_in_dim3A_2043] : memref<512x3xi32, #tpu.memory_space<vmem>>[vector<16xi32>, vector<16xi32>], vector<16xi32>,
        %broadcast_in_dim3A_2045 = arith.constant 2 : i32
        %broadcast_in_dim3A_2046 = vector.broadcast %broadcast_in_dim3A_2045 : i32 to vector<16xi32>
        %gather3A_2047 = tpu.vector_load_idx %arg8[%min3A_2038, %broadcast_in_dim3A_2046] : memref<512x3xi32, #tpu.memory_space<vmem>>[vector<16xi32>, vector<16xi32>], vector<16xi32>,
        %dma_start3A_2048 = arith.constant 0 : i32
        %dma_start3A_2049 = arith.constant 0 : i32
        %dma_start3A_2050 = tpu.memref_slice %arg2[%dma_start3A_2048, %dma_start3A_2049] : memref<1000000x64xf32, #tpu.memory_space<hbm>> -> memref<1000000x64xf32, #tpu.memory_space<hbm>>
        tpu.enqueue_indirect_dma source(%dma_start3A_2050 : memref<1000000x64xf32, #tpu.memory_space<hbm>>) target(%arg11 : memref<16x64xf32, #tpu.memory_space<vmem>>) offsets(%gather3A_2041 : vector<16xi32>) semaphore(%arg20 : memref<!tpu.dma_semaphore, #tpu.memory_space<semaphore_mem>>)
        %dma_start3A_2051 = arith.constant 0 : i32
        %dma_start3A_2052 = arith.constant 0 : i32
        %dma_start3A_2053 = tpu.memref_slice %arg3[%dma_start3A_2051, %dma_start3A_2052] : memref<1000x64xf32, #tpu.memory_space<hbm>> -> memref<1000x64xf32, #tpu.memory_space<hbm>>
        tpu.enqueue_indirect_dma source(%dma_start3A_2053 : memref<1000x64xf32, #tpu.memory_space<hbm>>) target(%arg12 : memref<16x64xf32, #tpu.memory_space<vmem>>) offsets(%gather3A_2044 : vector<16xi32>) semaphore(%arg20 : memref<!tpu.dma_semaphore, #tpu.memory_space<semaphore_mem>>)
        %dma_start3A_2054 = arith.constant 0 : i32
        %dma_start3A_2055 = arith.constant 0 : i32
        %dma_start3A_2056 = tpu.memref_slice %arg2[%dma_start3A_2054, %dma_start3A_2055] : memref<1000000x64xf32, #tpu.memory_space<hbm>> -> memref<1000000x64xf32, #tpu.memory_space<hbm>>
        tpu.enqueue_indirect_dma source(%dma_start3A_2056 : memref<1000000x64xf32, #tpu.memory_space<hbm>>) target(%arg13 : memref<16x64xf32, #tpu.memory_space<vmem>>) offsets(%gather3A_2047 : vector<16xi32>) semaphore(%arg20 : memref<!tpu.dma_semaphore, #tpu.memory_space<semaphore_mem>>)
      } else {
      }
      %dma_wait3A_1667 = arith.constant 0 : i32
      %dma_wait3A_1668 = arith.constant 0 : i32
      %dma_wait3A_1669 = arith.constant 0 : i32
      %dma_wait3A_1670 = tpu.memref_slice %arg17[%dma_wait3A_1668, %dma_wait3A_1669] : memref<800x64xf32, #tpu.memory_space<vmem>> -> memref<100x64xf32, #tpu.memory_space<vmem>>
      %dma_wait3A_1671 = arith.constant 0 : i32
      %dma_wait3A_1672 = tpu.memref_slice %arg15[%dma_wait3A_1667, %dma_wait3A_1671] : memref<8x100xi32, #tpu.memory_space<vmem>> -> memref<1x100xi32, #tpu.memory_space<vmem>>
      %dma_wait3A_1673 = tpu.memref_squeeze %dma_wait3A_1672 : memref<1x100xi32, #tpu.memory_space<vmem>> -> memref<100xi32, #tpu.memory_space<vmem>>
      %dma_wait3A_1674 = arith.constant 0 : i32
      %dma_wait3A_1675 = arith.constant 0 : i32
      %dma_wait3A_1676 = tpu.memref_slice %arg2[%dma_wait3A_1674, %dma_wait3A_1675] : memref<1000000x64xf32, #tpu.memory_space<hbm>> -> memref<1000000x64xf32, #tpu.memory_space<hbm>>
      tpu.wait_indirect_dma semaphore(%arg22 : memref<!tpu.dma_semaphore, #tpu.memory_space<semaphore_mem>>) src(%dma_wait3A_1676 : memref<1000000x64xf32, #tpu.memory_space<hbm>>) dst(%dma_wait3A_1670 : memref<100x64xf32, #tpu.memory_space<vmem>>)
      %dma_wait3A_1677 = arith.constant 1 : i32
      %dma_wait3A_1678 = arith.constant 100 : i32
      %dma_wait3A_1679 = arith.constant 0 : i32
      %dma_wait3A_1680 = tpu.memref_slice %arg17[%dma_wait3A_1678, %dma_wait3A_1679] : memref<800x64xf32, #tpu.memory_space<vmem>> -> memref<100x64xf32, #tpu.memory_space<vmem>>
      %dma_wait3A_1681 = arith.constant 0 : i32
      %dma_wait3A_1682 = tpu.memref_slice %arg15[%dma_wait3A_1677, %dma_wait3A_1681] : memref<8x100xi32, #tpu.memory_space<vmem>> -> memref<1x100xi32, #tpu.memory_space<vmem>>
      %dma_wait3A_1683 = tpu.memref_squeeze %dma_wait3A_1682 : memref<1x100xi32, #tpu.memory_space<vmem>> -> memref<100xi32, #tpu.memory_space<vmem>>
      %dma_wait3A_1684 = arith.constant 0 : i32
      %dma_wait3A_1685 = arith.constant 0 : i32
      %dma_wait3A_1686 = tpu.memref_slice %arg2[%dma_wait3A_1684, %dma_wait3A_1685] : memref<1000000x64xf32, #tpu.memory_space<hbm>> -> memref<1000000x64xf32, #tpu.memory_space<hbm>>
      tpu.wait_indirect_dma semaphore(%arg22 : memref<!tpu.dma_semaphore, #tpu.memory_space<semaphore_mem>>) src(%dma_wait3A_1686 : memref<1000000x64xf32, #tpu.memory_space<hbm>>) dst(%dma_wait3A_1680 : memref<100x64xf32, #tpu.memory_space<vmem>>)
      %dma_wait3A_1687 = arith.constant 2 : i32
      %dma_wait3A_1688 = arith.constant 200 : i32
      %dma_wait3A_1689 = arith.constant 0 : i32
      %dma_wait3A_1690 = tpu.memref_slice %arg17[%dma_wait3A_1688, %dma_wait3A_1689] : memref<800x64xf32, #tpu.memory_space<vmem>> -> memref<100x64xf32, #tpu.memory_space<vmem>>
      %dma_wait3A_1691 = arith.constant 0 : i32
      %dma_wait3A_1692 = tpu.memref_slice %arg15[%dma_wait3A_1687, %dma_wait3A_1691] : memref<8x100xi32, #tpu.memory_space<vmem>> -> memref<1x100xi32, #tpu.memory_space<vmem>>
      %dma_wait3A_1693 = tpu.memref_squeeze %dma_wait3A_1692 : memref<1x100xi32, #tpu.memory_space<vmem>> -> memref<100xi32, #tpu.memory_space<vmem>>
      %dma_wait3A_1694 = arith.constant 0 : i32
      %dma_wait3A_1695 = arith.constant 0 : i32
      %dma_wait3A_1696 = tpu.memref_slice %arg2[%dma_wait3A_1694, %dma_wait3A_1695] : memref<1000000x64xf32, #tpu.memory_space<hbm>> -> memref<1000000x64xf32, #tpu.memory_space<hbm>>
      tpu.wait_indirect_dma semaphore(%arg22 : memref<!tpu.dma_semaphore, #tpu.memory_space<semaphore_mem>>) src(%dma_wait3A_1696 : memref<1000000x64xf32, #tpu.memory_space<hbm>>) dst(%dma_wait3A_1690 : memref<100x64xf32, #tpu.memory_space<vmem>>)
      %dma_wait3A_1697 = arith.constant 3 : i32
      %dma_wait3A_1698 = arith.constant 300 : i32
      %dma_wait3A_1699 = arith.constant 0 : i32
      %dma_wait3A_1700 = tpu.memref_slice %arg17[%dma_wait3A_1698, %dma_wait3A_1699] : memref<800x64xf32, #tpu.memory_space<vmem>> -> memref<100x64xf32, #tpu.memory_space<vmem>>
      %dma_wait3A_1701 = arith.constant 0 : i32
      %dma_wait3A_1702 = tpu.memref_slice %arg15[%dma_wait3A_1697, %dma_wait3A_1701] : memref<8x100xi32, #tpu.memory_space<vmem>> -> memref<1x100xi32, #tpu.memory_space<vmem>>
      %dma_wait3A_1703 = tpu.memref_squeeze %dma_wait3A_1702 : memref<1x100xi32, #tpu.memory_space<vmem>> -> memref<100xi32, #tpu.memory_space<vmem>>
      %dma_wait3A_1704 = arith.constant 0 : i32
      %dma_wait3A_1705 = arith.constant 0 : i32
      %dma_wait3A_1706 = tpu.memref_slice %arg2[%dma_wait3A_1704, %dma_wait3A_1705] : memref<1000000x64xf32, #tpu.memory_space<hbm>> -> memref<1000000x64xf32, #tpu.memory_space<hbm>>
      tpu.wait_indirect_dma semaphore(%arg22 : memref<!tpu.dma_semaphore, #tpu.memory_space<semaphore_mem>>) src(%dma_wait3A_1706 : memref<1000000x64xf32, #tpu.memory_space<hbm>>) dst(%dma_wait3A_1700 : memref<100x64xf32, #tpu.memory_space<vmem>>)
      %dma_wait3A_1707 = arith.constant 4 : i32
      %dma_wait3A_1708 = arith.constant 400 : i32
      %dma_wait3A_1709 = arith.constant 0 : i32
      %dma_wait3A_1710 = tpu.memref_slice %arg17[%dma_wait3A_1708, %dma_wait3A_1709] : memref<800x64xf32, #tpu.memory_space<vmem>> -> memref<100x64xf32, #tpu.memory_space<vmem>>
      %dma_wait3A_1711 = arith.constant 0 : i32
      %dma_wait3A_1712 = tpu.memref_slice %arg15[%dma_wait3A_1707, %dma_wait3A_1711] : memref<8x100xi32, #tpu.memory_space<vmem>> -> memref<1x100xi32, #tpu.memory_space<vmem>>
      %dma_wait3A_1713 = tpu.memref_squeeze %dma_wait3A_1712 : memref<1x100xi32, #tpu.memory_space<vmem>> -> memref<100xi32, #tpu.memory_space<vmem>>
      %dma_wait3A_1714 = arith.constant 0 : i32
      %dma_wait3A_1715 = arith.constant 0 : i32
      %dma_wait3A_1716 = tpu.memref_slice %arg2[%dma_wait3A_1714, %dma_wait3A_1715] : memref<1000000x64xf32, #tpu.memory_space<hbm>> -> memref<1000000x64xf32, #tpu.memory_space<hbm>>
      tpu.wait_indirect_dma semaphore(%arg22 : memref<!tpu.dma_semaphore, #tpu.memory_space<semaphore_mem>>) src(%dma_wait3A_1716 : memref<1000000x64xf32, #tpu.memory_space<hbm>>) dst(%dma_wait3A_1710 : memref<100x64xf32, #tpu.memory_space<vmem>>)
      %dma_wait3A_1717 = arith.constant 5 : i32
      %dma_wait3A_1718 = arith.constant 500 : i32
      %dma_wait3A_1719 = arith.constant 0 : i32
      %dma_wait3A_1720 = tpu.memref_slice %arg17[%dma_wait3A_1718, %dma_wait3A_1719] : memref<800x64xf32, #tpu.memory_space<vmem>> -> memref<100x64xf32, #tpu.memory_space<vmem>>
      %dma_wait3A_1721 = arith.constant 0 : i32
      %dma_wait3A_1722 = tpu.memref_slice %arg15[%dma_wait3A_1717, %dma_wait3A_1721] : memref<8x100xi32, #tpu.memory_space<vmem>> -> memref<1x100xi32, #tpu.memory_space<vmem>>
      %dma_wait3A_1723 = tpu.memref_squeeze %dma_wait3A_1722 : memref<1x100xi32, #tpu.memory_space<vmem>> -> memref<100xi32, #tpu.memory_space<vmem>>
      %dma_wait3A_1724 = arith.constant 0 : i32
      %dma_wait3A_1725 = arith.constant 0 : i32
      %dma_wait3A_1726 = tpu.memref_slice %arg2[%dma_wait3A_1724, %dma_wait3A_1725] : memref<1000000x64xf32, #tpu.memory_space<hbm>> -> memref<1000000x64xf32, #tpu.memory_space<hbm>>
      tpu.wait_indirect_dma semaphore(%arg22 : memref<!tpu.dma_semaphore, #tpu.memory_space<semaphore_mem>>) src(%dma_wait3A_1726 : memref<1000000x64xf32, #tpu.memory_space<hbm>>) dst(%dma_wait3A_1720 : memref<100x64xf32, #tpu.memory_space<vmem>>)
      %dma_wait3A_1727 = arith.constant 6 : i32
      %dma_wait3A_1728 = arith.constant 600 : i32
      %dma_wait3A_1729 = arith.constant 0 : i32
      %dma_wait3A_1730 = tpu.memref_slice %arg17[%dma_wait3A_1728, %dma_wait3A_1729] : memref<800x64xf32, #tpu.memory_space<vmem>> -> memref<100x64xf32, #tpu.memory_space<vmem>>
      %dma_wait3A_1731 = arith.constant 0 : i32
      %dma_wait3A_1732 = tpu.memref_slice %arg15[%dma_wait3A_1727, %dma_wait3A_1731] : memref<8x100xi32, #tpu.memory_space<vmem>> -> memref<1x100xi32, #tpu.memory_space<vmem>>
      %dma_wait3A_1733 = tpu.memref_squeeze %dma_wait3A_1732 : memref<1x100xi32, #tpu.memory_space<vmem>> -> memref<100xi32, #tpu.memory_space<vmem>>
      %dma_wait3A_1734 = arith.constant 0 : i32
      %dma_wait3A_1735 = arith.constant 0 : i32
      %dma_wait3A_1736 = tpu.memref_slice %arg2[%dma_wait3A_1734, %dma_wait3A_1735] : memref<1000000x64xf32, #tpu.memory_space<hbm>> -> memref<1000000x64xf32, #tpu.memory_space<hbm>>
      tpu.wait_indirect_dma semaphore(%arg22 : memref<!tpu.dma_semaphore, #tpu.memory_space<semaphore_mem>>) src(%dma_wait3A_1736 : memref<1000000x64xf32, #tpu.memory_space<hbm>>) dst(%dma_wait3A_1730 : memref<100x64xf32, #tpu.memory_space<vmem>>)
      %dma_wait3A_1737 = arith.constant 7 : i32
      %dma_wait3A_1738 = arith.constant 700 : i32
      %dma_wait3A_1739 = arith.constant 0 : i32
      %dma_wait3A_1740 = tpu.memref_slice %arg17[%dma_wait3A_1738, %dma_wait3A_1739] : memref<800x64xf32, #tpu.memory_space<vmem>> -> memref<100x64xf32, #tpu.memory_space<vmem>>
      %dma_wait3A_1741 = arith.constant 0 : i32
      %dma_wait3A_1742 = tpu.memref_slice %arg15[%dma_wait3A_1737, %dma_wait3A_1741] : memref<8x100xi32, #tpu.memory_space<vmem>> -> memref<1x100xi32, #tpu.memory_space<vmem>>
      %dma_wait3A_1743 = tpu.memref_squeeze %dma_wait3A_1742 : memref<1x100xi32, #tpu.memory_space<vmem>> -> memref<100xi32, #tpu.memory_space<vmem>>
      %dma_wait3A_1744 = arith.constant 0 : i32
      %dma_wait3A_1745 = arith.constant 0 : i32
      %dma_wait3A_1746 = tpu.memref_slice %arg2[%dma_wait3A_1744, %dma_wait3A_1745] : memref<1000000x64xf32, #tpu.memory_space<hbm>> -> memref<1000000x64xf32, #tpu.memory_space<hbm>>
      tpu.wait_indirect_dma semaphore(%arg22 : memref<!tpu.dma_semaphore, #tpu.memory_space<semaphore_mem>>) src(%dma_wait3A_1746 : memref<1000000x64xf32, #tpu.memory_space<hbm>>) dst(%dma_wait3A_1740 : memref<100x64xf32, #tpu.memory_space<vmem>>)
      %add3A_1747 = arith.constant 2 : i32
      %add3A_1748 = arith.addi %add3A_1129, %add3A_1747 : i32
      %min3A_1749 = arith.constant 127 : i32
      %min3A_1750 = arith.minsi %add3A_1748, %min3A_1749 : i32
      %mul3A_1751 = arith.constant 4 : i32
      %mul3A_1752 = arith.muli %min3A_1750, %mul3A_1751 : i32
      %add3A_1753 = arith.addi %mul3A_2, %mul3A_1752 : i32
      %mul3A_1754 = arith.constant 2 : i32
      %mul3A_1755 = arith.muli %add3A_1753, %mul3A_1754 : i32
      %dma_start3A_1756 = arith.constant 0 : i32
      %dma_start3A_1757 = tpu.memref_slice %arg5[%mul3A_1755, %dma_start3A_1756] : memref<32768x100xi32, #tpu.memory_space<hbm>> -> memref<8x100xi32, #tpu.memory_space<hbm>>
      %dma_start3A_1758 = arith.constant 0 : i32
      %dma_start3A_1759 = tpu.memref_slice %arg5[%mul3A_1755, %dma_start3A_1758] : memref<32768x100xi32, #tpu.memory_space<hbm>> -> memref<8x100xi32, #tpu.memory_space<hbm>>
      tpu.enqueue_dma source(%dma_start3A_1759 : memref<8x100xi32, #tpu.memory_space<hbm>>) target(%arg15 : memref<8x100xi32, #tpu.memory_space<vmem>>) target_semaphore(%arg26 : memref<!tpu.dma_semaphore, #tpu.memory_space<semaphore_mem>>)
      %gt3A_1760 = arith.constant 0 : i32
      %gt3A_1761 = arith.cmpi sgt, %scan3A_156, %gt3A_1760 : i32
      %convert_element_type3A_1762 = arith.extui %gt3A_1761 : i1 to i32
      %cond3A_1763 = arith.constant 0 : i32
      %cond3A_1764 = arith.cmpi ne, %convert_element_type3A_1762, %cond3A_1763 : i32
      scf.if %cond3A_1764 {
        %dma_wait3A_2030 = arith.constant 0 : i32
        %dma_wait3A_2031 = tpu.memref_slice %arg7[%dma_wait3A_2030] : memref<3276800xf32, #tpu.memory_space<hbm>> -> memref<800xf32, #tpu.memory_space<hbm>>
        %dma_wait3A_2032 = arith.constant 0 : i32
        %dma_wait3A_2033 = tpu.memref_slice %arg7[%dma_wait3A_2032] : memref<3276800xf32, #tpu.memory_space<hbm>> -> memref<800xf32, #tpu.memory_space<hbm>>
        tpu.wait_dma2 semaphore(%arg24 : memref<!tpu.dma_semaphore, #tpu.memory_space<semaphore_mem>>) src(%arg19 : memref<800xf32, #tpu.memory_space<vmem>>) dst(%dma_wait3A_2033 : memref<800xf32, #tpu.memory_space<hbm>>)
      } else {
      }
      %broadcast_in_dim3A_1765 = arith.constant 0.000000e+00 : f32
      %broadcast_in_dim3A_1766 = vector.broadcast %broadcast_in_dim3A_1765 : f32 to vector<16xf32>
      %add3A_1767 = arith.constant 0 : i32
      %add3A_1768 = vector.broadcast %add3A_1767 : i32 to vector<16xi32>
      %add3A_1769 = arith.addi %add3A_1768, %iota3A : vector<16xi32>
      %add3A_1770 = arith.constant 16 : i32
      %add3A_1771 = vector.broadcast %add3A_1770 : i32 to vector<16xi32>
      %add3A_1772 = arith.addi %add3A_1771, %iota3A : vector<16xi32>
      %add3A_1773 = arith.constant 32 : i32
      %add3A_1774 = vector.broadcast %add3A_1773 : i32 to vector<16xi32>
      %add3A_1775 = arith.addi %add3A_1774, %iota3A : vector<16xi32>
      %add3A_1776 = arith.constant 48 : i32
      %add3A_1777 = vector.broadcast %add3A_1776 : i32 to vector<16xi32>
      %add3A_1778 = arith.addi %add3A_1777, %iota3A : vector<16xi32>
      %parallel_loop3A_1779 = arith.constant 0 : i32
      %parallel_loop3A_1780 = arith.constant 64 : i32
      %parallel_loop3A_1781 = arith.constant 1 : i32
      %parallel_loop3A_1782:5 = scf.for %parallel_loop3A_2030 = %parallel_loop3A_1779 to %parallel_loop3A_1780 step %parallel_loop3A_1781 iter_args(%parallel_loop3A_2031 = %broadcast_in_dim3A_1766, %parallel_loop3A_2032 = %broadcast_in_dim3A_1766, %parallel_loop3A_2033 = %broadcast_in_dim3A_1766, %parallel_loop3A_2034 = %broadcast_in_dim3A_1766, %parallel_loop3A_2035 = %iota3A) -> (vector<16xf32>, vector<16xf32>, vector<16xf32>, vector<16xf32>, vector<16xi32>)  : i32 {
        %parallel_loop3A_2036 = arith.constant 0 : i32
        %parallel_loop3A_2037 = arith.index_cast %parallel_loop3A_2036 : i32 to index
        %parallel_loop3A_2038 = arith.index_cast %parallel_loop3A_2030 : i32 to index
        %parallel_loop3A_2039 = tpu.vector_load %arg10[%parallel_loop3A_2037, %parallel_loop3A_2038] {strides = array<i32>} : memref<4x128xf32, #tpu.memory_space<vmem>>, vector<16xf32>,
        %parallel_loop3A_2040 = tpu.vector_load_idx %arg17[%add3A_1769, %parallel_loop3A_2035] : memref<800x64xf32, #tpu.memory_space<vmem>>[vector<16xi32>, vector<16xi32>], vector<16xf32>,
        %parallel_loop3A_2041 = arith.mulf %parallel_loop3A_2039, %parallel_loop3A_2040 : vector<16xf32>
        %parallel_loop3A_2042 = arith.addf %parallel_loop3A_2031, %parallel_loop3A_2041 : vector<16xf32>
        %parallel_loop3A_2043 = tpu.vector_load_idx %arg17[%add3A_1772, %parallel_loop3A_2035] : memref<800x64xf32, #tpu.memory_space<vmem>>[vector<16xi32>, vector<16xi32>], vector<16xf32>,
        %parallel_loop3A_2044 = arith.mulf %parallel_loop3A_2039, %parallel_loop3A_2043 : vector<16xf32>
        %parallel_loop3A_2045 = arith.addf %parallel_loop3A_2032, %parallel_loop3A_2044 : vector<16xf32>
        %parallel_loop3A_2046 = tpu.vector_load_idx %arg17[%add3A_1775, %parallel_loop3A_2035] : memref<800x64xf32, #tpu.memory_space<vmem>>[vector<16xi32>, vector<16xi32>], vector<16xf32>,
        %parallel_loop3A_2047 = arith.mulf %parallel_loop3A_2039, %parallel_loop3A_2046 : vector<16xf32>
        %parallel_loop3A_2048 = arith.addf %parallel_loop3A_2033, %parallel_loop3A_2047 : vector<16xf32>
        %parallel_loop3A_2049 = tpu.vector_load_idx %arg17[%add3A_1778, %parallel_loop3A_2035] : memref<800x64xf32, #tpu.memory_space<vmem>>[vector<16xi32>, vector<16xi32>], vector<16xf32>,
        %parallel_loop3A_2050 = arith.mulf %parallel_loop3A_2039, %parallel_loop3A_2049 : vector<16xf32>
        %parallel_loop3A_2051 = arith.addf %parallel_loop3A_2034, %parallel_loop3A_2050 : vector<16xf32>
        %parallel_loop3A_2052 = arith.constant 1 : i32
        %parallel_loop3A_2053 = vector.broadcast %parallel_loop3A_2052 : i32 to vector<16xi32>
        %parallel_loop3A_2054 = arith.addi %parallel_loop3A_2035, %parallel_loop3A_2053 : vector<16xi32>
        %parallel_loop3A_2055 = arith.constant 63 : i32
        %parallel_loop3A_2056 = vector.broadcast %parallel_loop3A_2055 : i32 to vector<16xi32>
        %parallel_loop3A_2057 = arith.andi %parallel_loop3A_2054, %parallel_loop3A_2056 : vector<16xi32>
        scf.yield %parallel_loop3A_2042, %parallel_loop3A_2045, %parallel_loop3A_2048, %parallel_loop3A_2051, %parallel_loop3A_2057 : vector<16xf32>, vector<16xf32>, vector<16xf32>, vector<16xf32>, vector<16xi32>
      } {sc.loop_unroll_factor = 1 : i64, sc.parallel_access}
      tpu.vector_store_idx %arg19[%add3A_1769], %parallel_loop3A_1782#0 : memref<800xf32, #tpu.memory_space<vmem>>[vector<16xi32>], vector<16xf32>,
      tpu.vector_store_idx %arg19[%add3A_1772], %parallel_loop3A_1782#1 : memref<800xf32, #tpu.memory_space<vmem>>[vector<16xi32>], vector<16xf32>,
      tpu.vector_store_idx %arg19[%add3A_1775], %parallel_loop3A_1782#2 : memref<800xf32, #tpu.memory_space<vmem>>[vector<16xi32>], vector<16xf32>,
      tpu.vector_store_idx %arg19[%add3A_1778], %parallel_loop3A_1782#3 : memref<800xf32, #tpu.memory_space<vmem>>[vector<16xi32>], vector<16xf32>,
      %add3A_1783 = arith.constant 64 : i32
      %add3A_1784 = vector.broadcast %add3A_1783 : i32 to vector<16xi32>
      %add3A_1785 = arith.addi %add3A_1784, %iota3A : vector<16xi32>
      %add3A_1786 = arith.constant 80 : i32
      %add3A_1787 = vector.broadcast %add3A_1786 : i32 to vector<16xi32>
      %add3A_1788 = arith.addi %add3A_1787, %iota3A : vector<16xi32>
      %add3A_1789 = arith.constant 96 : i32
      %add3A_1790 = vector.broadcast %add3A_1789 : i32 to vector<16xi32>
      %add3A_1791 = arith.addi %add3A_1790, %iota3A : vector<16xi32>
      %add3A_1792 = arith.constant 112 : i32
      %add3A_1793 = vector.broadcast %add3A_1792 : i32 to vector<16xi32>
      %add3A_1794 = arith.addi %add3A_1793, %iota3A : vector<16xi32>
      %parallel_loop3A_1795 = arith.constant 0 : i32
      %parallel_loop3A_1796 = arith.constant 64 : i32
      %parallel_loop3A_1797 = arith.constant 1 : i32
      %parallel_loop3A_1798:5 = scf.for %parallel_loop3A_2030 = %parallel_loop3A_1795 to %parallel_loop3A_1796 step %parallel_loop3A_1797 iter_args(%parallel_loop3A_2031 = %broadcast_in_dim3A_1766, %parallel_loop3A_2032 = %broadcast_in_dim3A_1766, %parallel_loop3A_2033 = %broadcast_in_dim3A_1766, %parallel_loop3A_2034 = %broadcast_in_dim3A_1766, %parallel_loop3A_2035 = %iota3A) -> (vector<16xf32>, vector<16xf32>, vector<16xf32>, vector<16xf32>, vector<16xi32>)  : i32 {
        %parallel_loop3A_2036 = arith.constant 0 : i32
        %parallel_loop3A_2037 = arith.index_cast %parallel_loop3A_2036 : i32 to index
        %parallel_loop3A_2038 = arith.index_cast %parallel_loop3A_2030 : i32 to index
        %parallel_loop3A_2039 = tpu.vector_load %arg10[%parallel_loop3A_2037, %parallel_loop3A_2038] {strides = array<i32>} : memref<4x128xf32, #tpu.memory_space<vmem>>, vector<16xf32>,
        %parallel_loop3A_2040 = tpu.vector_load_idx %arg17[%add3A_1785, %parallel_loop3A_2035] : memref<800x64xf32, #tpu.memory_space<vmem>>[vector<16xi32>, vector<16xi32>], vector<16xf32>,
        %parallel_loop3A_2041 = arith.mulf %parallel_loop3A_2039, %parallel_loop3A_2040 : vector<16xf32>
        %parallel_loop3A_2042 = arith.addf %parallel_loop3A_2031, %parallel_loop3A_2041 : vector<16xf32>
        %parallel_loop3A_2043 = tpu.vector_load_idx %arg17[%add3A_1788, %parallel_loop3A_2035] : memref<800x64xf32, #tpu.memory_space<vmem>>[vector<16xi32>, vector<16xi32>], vector<16xf32>,
        %parallel_loop3A_2044 = arith.mulf %parallel_loop3A_2039, %parallel_loop3A_2043 : vector<16xf32>
        %parallel_loop3A_2045 = arith.addf %parallel_loop3A_2032, %parallel_loop3A_2044 : vector<16xf32>
        %parallel_loop3A_2046 = tpu.vector_load_idx %arg17[%add3A_1791, %parallel_loop3A_2035] : memref<800x64xf32, #tpu.memory_space<vmem>>[vector<16xi32>, vector<16xi32>], vector<16xf32>,
        %parallel_loop3A_2047 = arith.mulf %parallel_loop3A_2039, %parallel_loop3A_2046 : vector<16xf32>
        %parallel_loop3A_2048 = arith.addf %parallel_loop3A_2033, %parallel_loop3A_2047 : vector<16xf32>
        %parallel_loop3A_2049 = tpu.vector_load_idx %arg17[%add3A_1794, %parallel_loop3A_2035] : memref<800x64xf32, #tpu.memory_space<vmem>>[vector<16xi32>, vector<16xi32>], vector<16xf32>,
        %parallel_loop3A_2050 = arith.mulf %parallel_loop3A_2039, %parallel_loop3A_2049 : vector<16xf32>
        %parallel_loop3A_2051 = arith.addf %parallel_loop3A_2034, %parallel_loop3A_2050 : vector<16xf32>
        %parallel_loop3A_2052 = arith.constant 1 : i32
        %parallel_loop3A_2053 = vector.broadcast %parallel_loop3A_2052 : i32 to vector<16xi32>
        %parallel_loop3A_2054 = arith.addi %parallel_loop3A_2035, %parallel_loop3A_2053 : vector<16xi32>
        %parallel_loop3A_2055 = arith.constant 63 : i32
        %parallel_loop3A_2056 = vector.broadcast %parallel_loop3A_2055 : i32 to vector<16xi32>
        %parallel_loop3A_2057 = arith.andi %parallel_loop3A_2054, %parallel_loop3A_2056 : vector<16xi32>
        scf.yield %parallel_loop3A_2042, %parallel_loop3A_2045, %parallel_loop3A_2048, %parallel_loop3A_2051, %parallel_loop3A_2057 : vector<16xf32>, vector<16xf32>, vector<16xf32>, vector<16xf32>, vector<16xi32>
      } {sc.loop_unroll_factor = 1 : i64, sc.parallel_access}
      tpu.vector_store_idx %arg19[%add3A_1785], %parallel_loop3A_1798#0 : memref<800xf32, #tpu.memory_space<vmem>>[vector<16xi32>], vector<16xf32>,
      tpu.vector_store_idx %arg19[%add3A_1788], %parallel_loop3A_1798#1 : memref<800xf32, #tpu.memory_space<vmem>>[vector<16xi32>], vector<16xf32>,
      tpu.vector_store_idx %arg19[%add3A_1791], %parallel_loop3A_1798#2 : memref<800xf32, #tpu.memory_space<vmem>>[vector<16xi32>], vector<16xf32>,
      tpu.vector_store_idx %arg19[%add3A_1794], %parallel_loop3A_1798#3 : memref<800xf32, #tpu.memory_space<vmem>>[vector<16xi32>], vector<16xf32>,
      %add3A_1799 = arith.constant 128 : i32
      %add3A_1800 = vector.broadcast %add3A_1799 : i32 to vector<16xi32>
      %add3A_1801 = arith.addi %add3A_1800, %iota3A : vector<16xi32>
      %add3A_1802 = arith.constant 144 : i32
      %add3A_1803 = vector.broadcast %add3A_1802 : i32 to vector<16xi32>
      %add3A_1804 = arith.addi %add3A_1803, %iota3A : vector<16xi32>
      %add3A_1805 = arith.constant 160 : i32
      %add3A_1806 = vector.broadcast %add3A_1805 : i32 to vector<16xi32>
      %add3A_1807 = arith.addi %add3A_1806, %iota3A : vector<16xi32>
      %add3A_1808 = arith.constant 176 : i32
      %add3A_1809 = vector.broadcast %add3A_1808 : i32 to vector<16xi32>
      %add3A_1810 = arith.addi %add3A_1809, %iota3A : vector<16xi32>
      %parallel_loop3A_1811 = arith.constant 0 : i32
      %parallel_loop3A_1812 = arith.constant 64 : i32
      %parallel_loop3A_1813 = arith.constant 1 : i32
      %parallel_loop3A_1814:5 = scf.for %parallel_loop3A_2030 = %parallel_loop3A_1811 to %parallel_loop3A_1812 step %parallel_loop3A_1813 iter_args(%parallel_loop3A_2031 = %broadcast_in_dim3A_1766, %parallel_loop3A_2032 = %broadcast_in_dim3A_1766, %parallel_loop3A_2033 = %broadcast_in_dim3A_1766, %parallel_loop3A_2034 = %broadcast_in_dim3A_1766, %parallel_loop3A_2035 = %iota3A) -> (vector<16xf32>, vector<16xf32>, vector<16xf32>, vector<16xf32>, vector<16xi32>)  : i32 {
        %parallel_loop3A_2036 = arith.constant 0 : i32
        %parallel_loop3A_2037 = arith.index_cast %parallel_loop3A_2036 : i32 to index
        %parallel_loop3A_2038 = arith.index_cast %parallel_loop3A_2030 : i32 to index
        %parallel_loop3A_2039 = tpu.vector_load %arg10[%parallel_loop3A_2037, %parallel_loop3A_2038] {strides = array<i32>} : memref<4x128xf32, #tpu.memory_space<vmem>>, vector<16xf32>,
        %parallel_loop3A_2040 = tpu.vector_load_idx %arg17[%add3A_1801, %parallel_loop3A_2035] : memref<800x64xf32, #tpu.memory_space<vmem>>[vector<16xi32>, vector<16xi32>], vector<16xf32>,
        %parallel_loop3A_2041 = arith.mulf %parallel_loop3A_2039, %parallel_loop3A_2040 : vector<16xf32>
        %parallel_loop3A_2042 = arith.addf %parallel_loop3A_2031, %parallel_loop3A_2041 : vector<16xf32>
        %parallel_loop3A_2043 = tpu.vector_load_idx %arg17[%add3A_1804, %parallel_loop3A_2035] : memref<800x64xf32, #tpu.memory_space<vmem>>[vector<16xi32>, vector<16xi32>], vector<16xf32>,
        %parallel_loop3A_2044 = arith.mulf %parallel_loop3A_2039, %parallel_loop3A_2043 : vector<16xf32>
        %parallel_loop3A_2045 = arith.addf %parallel_loop3A_2032, %parallel_loop3A_2044 : vector<16xf32>
        %parallel_loop3A_2046 = tpu.vector_load_idx %arg17[%add3A_1807, %parallel_loop3A_2035] : memref<800x64xf32, #tpu.memory_space<vmem>>[vector<16xi32>, vector<16xi32>], vector<16xf32>,
        %parallel_loop3A_2047 = arith.mulf %parallel_loop3A_2039, %parallel_loop3A_2046 : vector<16xf32>
        %parallel_loop3A_2048 = arith.addf %parallel_loop3A_2033, %parallel_loop3A_2047 : vector<16xf32>
        %parallel_loop3A_2049 = tpu.vector_load_idx %arg17[%add3A_1810, %parallel_loop3A_2035] : memref<800x64xf32, #tpu.memory_space<vmem>>[vector<16xi32>, vector<16xi32>], vector<16xf32>,
        %parallel_loop3A_2050 = arith.mulf %parallel_loop3A_2039, %parallel_loop3A_2049 : vector<16xf32>
        %parallel_loop3A_2051 = arith.addf %parallel_loop3A_2034, %parallel_loop3A_2050 : vector<16xf32>
        %parallel_loop3A_2052 = arith.constant 1 : i32
        %parallel_loop3A_2053 = vector.broadcast %parallel_loop3A_2052 : i32 to vector<16xi32>
        %parallel_loop3A_2054 = arith.addi %parallel_loop3A_2035, %parallel_loop3A_2053 : vector<16xi32>
        %parallel_loop3A_2055 = arith.constant 63 : i32
        %parallel_loop3A_2056 = vector.broadcast %parallel_loop3A_2055 : i32 to vector<16xi32>
        %parallel_loop3A_2057 = arith.andi %parallel_loop3A_2054, %parallel_loop3A_2056 : vector<16xi32>
        scf.yield %parallel_loop3A_2042, %parallel_loop3A_2045, %parallel_loop3A_2048, %parallel_loop3A_2051, %parallel_loop3A_2057 : vector<16xf32>, vector<16xf32>, vector<16xf32>, vector<16xf32>, vector<16xi32>
      } {sc.loop_unroll_factor = 1 : i64, sc.parallel_access}
      tpu.vector_store_idx %arg19[%add3A_1801], %parallel_loop3A_1814#0 : memref<800xf32, #tpu.memory_space<vmem>>[vector<16xi32>], vector<16xf32>,
      tpu.vector_store_idx %arg19[%add3A_1804], %parallel_loop3A_1814#1 : memref<800xf32, #tpu.memory_space<vmem>>[vector<16xi32>], vector<16xf32>,
      tpu.vector_store_idx %arg19[%add3A_1807], %parallel_loop3A_1814#2 : memref<800xf32, #tpu.memory_space<vmem>>[vector<16xi32>], vector<16xf32>,
      tpu.vector_store_idx %arg19[%add3A_1810], %parallel_loop3A_1814#3 : memref<800xf32, #tpu.memory_space<vmem>>[vector<16xi32>], vector<16xf32>,
      %add3A_1815 = arith.constant 192 : i32
      %add3A_1816 = vector.broadcast %add3A_1815 : i32 to vector<16xi32>
      %add3A_1817 = arith.addi %add3A_1816, %iota3A : vector<16xi32>
      %min3A_1818 = arith.constant 799 : i32
      %min3A_1819 = vector.broadcast %min3A_1818 : i32 to vector<16xi32>
      %min3A_1820 = arith.minsi %add3A_1817, %min3A_1819 : vector<16xi32>
      %add3A_1821 = arith.constant 192 : i32
      %add3A_1822 = vector.broadcast %add3A_1821 : i32 to vector<16xi32>
      %add3A_1823 = arith.addi %add3A_1822, %iota3A : vector<16xi32>
      %lt3A_1824 = arith.constant 200 : i32
      %lt3A_1825 = vector.broadcast %lt3A_1824 : i32 to vector<16xi32>
      %lt3A_1826 = arith.cmpi slt, %add3A_1823, %lt3A_1825 : vector<16xi32>
      %parallel_loop3A_1827 = arith.constant 0 : i32
      %parallel_loop3A_1828 = arith.constant 64 : i32
      %parallel_loop3A_1829 = arith.constant 1 : i32
      %parallel_loop3A_1830:2 = scf.for %parallel_loop3A_2030 = %parallel_loop3A_1827 to %parallel_loop3A_1828 step %parallel_loop3A_1829 iter_args(%parallel_loop3A_2031 = %broadcast_in_dim3A_1766, %parallel_loop3A_2032 = %iota3A) -> (vector<16xf32>, vector<16xi32>)  : i32 {
        %parallel_loop3A_2033 = arith.constant 0 : i32
        %parallel_loop3A_2034 = arith.index_cast %parallel_loop3A_2033 : i32 to index
        %parallel_loop3A_2035 = arith.index_cast %parallel_loop3A_2030 : i32 to index
        %parallel_loop3A_2036 = tpu.vector_load %arg10[%parallel_loop3A_2034, %parallel_loop3A_2035] {strides = array<i32>} : memref<4x128xf32, #tpu.memory_space<vmem>>, vector<16xf32>,
        %parallel_loop3A_2037 = tpu.vector_load_idx %arg17[%min3A_1820, %parallel_loop3A_2032] : memref<800x64xf32, #tpu.memory_space<vmem>>[vector<16xi32>, vector<16xi32>], vector<16xf32>,
        %parallel_loop3A_2038 = arith.mulf %parallel_loop3A_2036, %parallel_loop3A_2037 : vector<16xf32>
        %parallel_loop3A_2039 = arith.addf %parallel_loop3A_2031, %parallel_loop3A_2038 : vector<16xf32>
        %parallel_loop3A_2040 = arith.constant 1 : i32
        %parallel_loop3A_2041 = vector.broadcast %parallel_loop3A_2040 : i32 to vector<16xi32>
        %parallel_loop3A_2042 = arith.addi %parallel_loop3A_2032, %parallel_loop3A_2041 : vector<16xi32>
        %parallel_loop3A_2043 = arith.constant 63 : i32
        %parallel_loop3A_2044 = vector.broadcast %parallel_loop3A_2043 : i32 to vector<16xi32>
        %parallel_loop3A_2045 = arith.andi %parallel_loop3A_2042, %parallel_loop3A_2044 : vector<16xi32>
        scf.yield %parallel_loop3A_2039, %parallel_loop3A_2045 : vector<16xf32>, vector<16xi32>
      } {sc.loop_unroll_factor = 1 : i64, sc.parallel_access}
      tpu.vector_store_idx %arg19[%min3A_1820], %parallel_loop3A_1830#0 masked %lt3A_1826 : memref<800xf32, #tpu.memory_space<vmem>>[vector<16xi32>], vector<16xf32>, vector<16xi1>
      %add3A_1831 = arith.constant 200 : i32
      %add3A_1832 = vector.broadcast %add3A_1831 : i32 to vector<16xi32>
      %add3A_1833 = arith.addi %add3A_1832, %iota3A : vector<16xi32>
      %add3A_1834 = arith.constant 216 : i32
      %add3A_1835 = vector.broadcast %add3A_1834 : i32 to vector<16xi32>
      %add3A_1836 = arith.addi %add3A_1835, %iota3A : vector<16xi32>
      %add3A_1837 = arith.constant 232 : i32
      %add3A_1838 = vector.broadcast %add3A_1837 : i32 to vector<16xi32>
      %add3A_1839 = arith.addi %add3A_1838, %iota3A : vector<16xi32>
      %add3A_1840 = arith.constant 248 : i32
      %add3A_1841 = vector.broadcast %add3A_1840 : i32 to vector<16xi32>
      %add3A_1842 = arith.addi %add3A_1841, %iota3A : vector<16xi32>
      %parallel_loop3A_1843 = arith.constant 0 : i32
      %parallel_loop3A_1844 = arith.constant 64 : i32
      %parallel_loop3A_1845 = arith.constant 1 : i32
      %parallel_loop3A_1846:5 = scf.for %parallel_loop3A_2030 = %parallel_loop3A_1843 to %parallel_loop3A_1844 step %parallel_loop3A_1845 iter_args(%parallel_loop3A_2031 = %broadcast_in_dim3A_1766, %parallel_loop3A_2032 = %broadcast_in_dim3A_1766, %parallel_loop3A_2033 = %broadcast_in_dim3A_1766, %parallel_loop3A_2034 = %broadcast_in_dim3A_1766, %parallel_loop3A_2035 = %iota3A) -> (vector<16xf32>, vector<16xf32>, vector<16xf32>, vector<16xf32>, vector<16xi32>)  : i32 {
        %parallel_loop3A_2036 = arith.constant 1 : i32
        %parallel_loop3A_2037 = arith.index_cast %parallel_loop3A_2036 : i32 to index
        %parallel_loop3A_2038 = arith.index_cast %parallel_loop3A_2030 : i32 to index
        %parallel_loop3A_2039 = tpu.vector_load %arg10[%parallel_loop3A_2037, %parallel_loop3A_2038] {strides = array<i32>} : memref<4x128xf32, #tpu.memory_space<vmem>>, vector<16xf32>,
        %parallel_loop3A_2040 = tpu.vector_load_idx %arg17[%add3A_1833, %parallel_loop3A_2035] : memref<800x64xf32, #tpu.memory_space<vmem>>[vector<16xi32>, vector<16xi32>], vector<16xf32>,
        %parallel_loop3A_2041 = arith.mulf %parallel_loop3A_2039, %parallel_loop3A_2040 : vector<16xf32>
        %parallel_loop3A_2042 = arith.addf %parallel_loop3A_2031, %parallel_loop3A_2041 : vector<16xf32>
        %parallel_loop3A_2043 = tpu.vector_load_idx %arg17[%add3A_1836, %parallel_loop3A_2035] : memref<800x64xf32, #tpu.memory_space<vmem>>[vector<16xi32>, vector<16xi32>], vector<16xf32>,
        %parallel_loop3A_2044 = arith.mulf %parallel_loop3A_2039, %parallel_loop3A_2043 : vector<16xf32>
        %parallel_loop3A_2045 = arith.addf %parallel_loop3A_2032, %parallel_loop3A_2044 : vector<16xf32>
        %parallel_loop3A_2046 = tpu.vector_load_idx %arg17[%add3A_1839, %parallel_loop3A_2035] : memref<800x64xf32, #tpu.memory_space<vmem>>[vector<16xi32>, vector<16xi32>], vector<16xf32>,
        %parallel_loop3A_2047 = arith.mulf %parallel_loop3A_2039, %parallel_loop3A_2046 : vector<16xf32>
        %parallel_loop3A_2048 = arith.addf %parallel_loop3A_2033, %parallel_loop3A_2047 : vector<16xf32>
        %parallel_loop3A_2049 = tpu.vector_load_idx %arg17[%add3A_1842, %parallel_loop3A_2035] : memref<800x64xf32, #tpu.memory_space<vmem>>[vector<16xi32>, vector<16xi32>], vector<16xf32>,
        %parallel_loop3A_2050 = arith.mulf %parallel_loop3A_2039, %parallel_loop3A_2049 : vector<16xf32>
        %parallel_loop3A_2051 = arith.addf %parallel_loop3A_2034, %parallel_loop3A_2050 : vector<16xf32>
        %parallel_loop3A_2052 = arith.constant 1 : i32
        %parallel_loop3A_2053 = vector.broadcast %parallel_loop3A_2052 : i32 to vector<16xi32>
        %parallel_loop3A_2054 = arith.addi %parallel_loop3A_2035, %parallel_loop3A_2053 : vector<16xi32>
        %parallel_loop3A_2055 = arith.constant 63 : i32
        %parallel_loop3A_2056 = vector.broadcast %parallel_loop3A_2055 : i32 to vector<16xi32>
        %parallel_loop3A_2057 = arith.andi %parallel_loop3A_2054, %parallel_loop3A_2056 : vector<16xi32>
        scf.yield %parallel_loop3A_2042, %parallel_loop3A_2045, %parallel_loop3A_2048, %parallel_loop3A_2051, %parallel_loop3A_2057 : vector<16xf32>, vector<16xf32>, vector<16xf32>, vector<16xf32>, vector<16xi32>
      } {sc.loop_unroll_factor = 1 : i64, sc.parallel_access}
      tpu.vector_store_idx %arg19[%add3A_1833], %parallel_loop3A_1846#0 : memref<800xf32, #tpu.memory_space<vmem>>[vector<16xi32>], vector<16xf32>,
      tpu.vector_store_idx %arg19[%add3A_1836], %parallel_loop3A_1846#1 : memref<800xf32, #tpu.memory_space<vmem>>[vector<16xi32>], vector<16xf32>,
      tpu.vector_store_idx %arg19[%add3A_1839], %parallel_loop3A_1846#2 : memref<800xf32, #tpu.memory_space<vmem>>[vector<16xi32>], vector<16xf32>,
      tpu.vector_store_idx %arg19[%add3A_1842], %parallel_loop3A_1846#3 : memref<800xf32, #tpu.memory_space<vmem>>[vector<16xi32>], vector<16xf32>,
      %add3A_1847 = arith.constant 264 : i32
      %add3A_1848 = vector.broadcast %add3A_1847 : i32 to vector<16xi32>
      %add3A_1849 = arith.addi %add3A_1848, %iota3A : vector<16xi32>
      %add3A_1850 = arith.constant 280 : i32
      %add3A_1851 = vector.broadcast %add3A_1850 : i32 to vector<16xi32>
      %add3A_1852 = arith.addi %add3A_1851, %iota3A : vector<16xi32>
      %add3A_1853 = arith.constant 296 : i32
      %add3A_1854 = vector.broadcast %add3A_1853 : i32 to vector<16xi32>
      %add3A_1855 = arith.addi %add3A_1854, %iota3A : vector<16xi32>
      %add3A_1856 = arith.constant 312 : i32
      %add3A_1857 = vector.broadcast %add3A_1856 : i32 to vector<16xi32>
      %add3A_1858 = arith.addi %add3A_1857, %iota3A : vector<16xi32>
      %parallel_loop3A_1859 = arith.constant 0 : i32
      %parallel_loop3A_1860 = arith.constant 64 : i32
      %parallel_loop3A_1861 = arith.constant 1 : i32
      %parallel_loop3A_1862:5 = scf.for %parallel_loop3A_2030 = %parallel_loop3A_1859 to %parallel_loop3A_1860 step %parallel_loop3A_1861 iter_args(%parallel_loop3A_2031 = %broadcast_in_dim3A_1766, %parallel_loop3A_2032 = %broadcast_in_dim3A_1766, %parallel_loop3A_2033 = %broadcast_in_dim3A_1766, %parallel_loop3A_2034 = %broadcast_in_dim3A_1766, %parallel_loop3A_2035 = %iota3A) -> (vector<16xf32>, vector<16xf32>, vector<16xf32>, vector<16xf32>, vector<16xi32>)  : i32 {
        %parallel_loop3A_2036 = arith.constant 1 : i32
        %parallel_loop3A_2037 = arith.index_cast %parallel_loop3A_2036 : i32 to index
        %parallel_loop3A_2038 = arith.index_cast %parallel_loop3A_2030 : i32 to index
        %parallel_loop3A_2039 = tpu.vector_load %arg10[%parallel_loop3A_2037, %parallel_loop3A_2038] {strides = array<i32>} : memref<4x128xf32, #tpu.memory_space<vmem>>, vector<16xf32>,
        %parallel_loop3A_2040 = tpu.vector_load_idx %arg17[%add3A_1849, %parallel_loop3A_2035] : memref<800x64xf32, #tpu.memory_space<vmem>>[vector<16xi32>, vector<16xi32>], vector<16xf32>,
        %parallel_loop3A_2041 = arith.mulf %parallel_loop3A_2039, %parallel_loop3A_2040 : vector<16xf32>
        %parallel_loop3A_2042 = arith.addf %parallel_loop3A_2031, %parallel_loop3A_2041 : vector<16xf32>
        %parallel_loop3A_2043 = tpu.vector_load_idx %arg17[%add3A_1852, %parallel_loop3A_2035] : memref<800x64xf32, #tpu.memory_space<vmem>>[vector<16xi32>, vector<16xi32>], vector<16xf32>,
        %parallel_loop3A_2044 = arith.mulf %parallel_loop3A_2039, %parallel_loop3A_2043 : vector<16xf32>
        %parallel_loop3A_2045 = arith.addf %parallel_loop3A_2032, %parallel_loop3A_2044 : vector<16xf32>
        %parallel_loop3A_2046 = tpu.vector_load_idx %arg17[%add3A_1855, %parallel_loop3A_2035] : memref<800x64xf32, #tpu.memory_space<vmem>>[vector<16xi32>, vector<16xi32>], vector<16xf32>,
        %parallel_loop3A_2047 = arith.mulf %parallel_loop3A_2039, %parallel_loop3A_2046 : vector<16xf32>
        %parallel_loop3A_2048 = arith.addf %parallel_loop3A_2033, %parallel_loop3A_2047 : vector<16xf32>
        %parallel_loop3A_2049 = tpu.vector_load_idx %arg17[%add3A_1858, %parallel_loop3A_2035] : memref<800x64xf32, #tpu.memory_space<vmem>>[vector<16xi32>, vector<16xi32>], vector<16xf32>,
        %parallel_loop3A_2050 = arith.mulf %parallel_loop3A_2039, %parallel_loop3A_2049 : vector<16xf32>
        %parallel_loop3A_2051 = arith.addf %parallel_loop3A_2034, %parallel_loop3A_2050 : vector<16xf32>
        %parallel_loop3A_2052 = arith.constant 1 : i32
        %parallel_loop3A_2053 = vector.broadcast %parallel_loop3A_2052 : i32 to vector<16xi32>
        %parallel_loop3A_2054 = arith.addi %parallel_loop3A_2035, %parallel_loop3A_2053 : vector<16xi32>
        %parallel_loop3A_2055 = arith.constant 63 : i32
        %parallel_loop3A_2056 = vector.broadcast %parallel_loop3A_2055 : i32 to vector<16xi32>
        %parallel_loop3A_2057 = arith.andi %parallel_loop3A_2054, %parallel_loop3A_2056 : vector<16xi32>
        scf.yield %parallel_loop3A_2042, %parallel_loop3A_2045, %parallel_loop3A_2048, %parallel_loop3A_2051, %parallel_loop3A_2057 : vector<16xf32>, vector<16xf32>, vector<16xf32>, vector<16xf32>, vector<16xi32>
      } {sc.loop_unroll_factor = 1 : i64, sc.parallel_access}
      tpu.vector_store_idx %arg19[%add3A_1849], %parallel_loop3A_1862#0 : memref<800xf32, #tpu.memory_space<vmem>>[vector<16xi32>], vector<16xf32>,
      tpu.vector_store_idx %arg19[%add3A_1852], %parallel_loop3A_1862#1 : memref<800xf32, #tpu.memory_space<vmem>>[vector<16xi32>], vector<16xf32>,
      tpu.vector_store_idx %arg19[%add3A_1855], %parallel_loop3A_1862#2 : memref<800xf32, #tpu.memory_space<vmem>>[vector<16xi32>], vector<16xf32>,
      tpu.vector_store_idx %arg19[%add3A_1858], %parallel_loop3A_1862#3 : memref<800xf32, #tpu.memory_space<vmem>>[vector<16xi32>], vector<16xf32>,
      %add3A_1863 = arith.constant 328 : i32
      %add3A_1864 = vector.broadcast %add3A_1863 : i32 to vector<16xi32>
      %add3A_1865 = arith.addi %add3A_1864, %iota3A : vector<16xi32>
      %add3A_1866 = arith.constant 344 : i32
      %add3A_1867 = vector.broadcast %add3A_1866 : i32 to vector<16xi32>
      %add3A_1868 = arith.addi %add3A_1867, %iota3A : vector<16xi32>
      %add3A_1869 = arith.constant 360 : i32
      %add3A_1870 = vector.broadcast %add3A_1869 : i32 to vector<16xi32>
      %add3A_1871 = arith.addi %add3A_1870, %iota3A : vector<16xi32>
      %add3A_1872 = arith.constant 376 : i32
      %add3A_1873 = vector.broadcast %add3A_1872 : i32 to vector<16xi32>
      %add3A_1874 = arith.addi %add3A_1873, %iota3A : vector<16xi32>
      %parallel_loop3A_1875 = arith.constant 0 : i32
      %parallel_loop3A_1876 = arith.constant 64 : i32
      %parallel_loop3A_1877 = arith.constant 1 : i32
      %parallel_loop3A_1878:5 = scf.for %parallel_loop3A_2030 = %parallel_loop3A_1875 to %parallel_loop3A_1876 step %parallel_loop3A_1877 iter_args(%parallel_loop3A_2031 = %broadcast_in_dim3A_1766, %parallel_loop3A_2032 = %broadcast_in_dim3A_1766, %parallel_loop3A_2033 = %broadcast_in_dim3A_1766, %parallel_loop3A_2034 = %broadcast_in_dim3A_1766, %parallel_loop3A_2035 = %iota3A) -> (vector<16xf32>, vector<16xf32>, vector<16xf32>, vector<16xf32>, vector<16xi32>)  : i32 {
        %parallel_loop3A_2036 = arith.constant 1 : i32
        %parallel_loop3A_2037 = arith.index_cast %parallel_loop3A_2036 : i32 to index
        %parallel_loop3A_2038 = arith.index_cast %parallel_loop3A_2030 : i32 to index
        %parallel_loop3A_2039 = tpu.vector_load %arg10[%parallel_loop3A_2037, %parallel_loop3A_2038] {strides = array<i32>} : memref<4x128xf32, #tpu.memory_space<vmem>>, vector<16xf32>,
        %parallel_loop3A_2040 = tpu.vector_load_idx %arg17[%add3A_1865, %parallel_loop3A_2035] : memref<800x64xf32, #tpu.memory_space<vmem>>[vector<16xi32>, vector<16xi32>], vector<16xf32>,
        %parallel_loop3A_2041 = arith.mulf %parallel_loop3A_2039, %parallel_loop3A_2040 : vector<16xf32>
        %parallel_loop3A_2042 = arith.addf %parallel_loop3A_2031, %parallel_loop3A_2041 : vector<16xf32>
        %parallel_loop3A_2043 = tpu.vector_load_idx %arg17[%add3A_1868, %parallel_loop3A_2035] : memref<800x64xf32, #tpu.memory_space<vmem>>[vector<16xi32>, vector<16xi32>], vector<16xf32>,
        %parallel_loop3A_2044 = arith.mulf %parallel_loop3A_2039, %parallel_loop3A_2043 : vector<16xf32>
        %parallel_loop3A_2045 = arith.addf %parallel_loop3A_2032, %parallel_loop3A_2044 : vector<16xf32>
        %parallel_loop3A_2046 = tpu.vector_load_idx %arg17[%add3A_1871, %parallel_loop3A_2035] : memref<800x64xf32, #tpu.memory_space<vmem>>[vector<16xi32>, vector<16xi32>], vector<16xf32>,
        %parallel_loop3A_2047 = arith.mulf %parallel_loop3A_2039, %parallel_loop3A_2046 : vector<16xf32>
        %parallel_loop3A_2048 = arith.addf %parallel_loop3A_2033, %parallel_loop3A_2047 : vector<16xf32>
        %parallel_loop3A_2049 = tpu.vector_load_idx %arg17[%add3A_1874, %parallel_loop3A_2035] : memref<800x64xf32, #tpu.memory_space<vmem>>[vector<16xi32>, vector<16xi32>], vector<16xf32>,
        %parallel_loop3A_2050 = arith.mulf %parallel_loop3A_2039, %parallel_loop3A_2049 : vector<16xf32>
        %parallel_loop3A_2051 = arith.addf %parallel_loop3A_2034, %parallel_loop3A_2050 : vector<16xf32>
        %parallel_loop3A_2052 = arith.constant 1 : i32
        %parallel_loop3A_2053 = vector.broadcast %parallel_loop3A_2052 : i32 to vector<16xi32>
        %parallel_loop3A_2054 = arith.addi %parallel_loop3A_2035, %parallel_loop3A_2053 : vector<16xi32>
        %parallel_loop3A_2055 = arith.constant 63 : i32
        %parallel_loop3A_2056 = vector.broadcast %parallel_loop3A_2055 : i32 to vector<16xi32>
        %parallel_loop3A_2057 = arith.andi %parallel_loop3A_2054, %parallel_loop3A_2056 : vector<16xi32>
        scf.yield %parallel_loop3A_2042, %parallel_loop3A_2045, %parallel_loop3A_2048, %parallel_loop3A_2051, %parallel_loop3A_2057 : vector<16xf32>, vector<16xf32>, vector<16xf32>, vector<16xf32>, vector<16xi32>
      } {sc.loop_unroll_factor = 1 : i64, sc.parallel_access}
      tpu.vector_store_idx %arg19[%add3A_1865], %parallel_loop3A_1878#0 : memref<800xf32, #tpu.memory_space<vmem>>[vector<16xi32>], vector<16xf32>,
      tpu.vector_store_idx %arg19[%add3A_1868], %parallel_loop3A_1878#1 : memref<800xf32, #tpu.memory_space<vmem>>[vector<16xi32>], vector<16xf32>,
      tpu.vector_store_idx %arg19[%add3A_1871], %parallel_loop3A_1878#2 : memref<800xf32, #tpu.memory_space<vmem>>[vector<16xi32>], vector<16xf32>,
      tpu.vector_store_idx %arg19[%add3A_1874], %parallel_loop3A_1878#3 : memref<800xf32, #tpu.memory_space<vmem>>[vector<16xi32>], vector<16xf32>,
      %add3A_1879 = arith.constant 392 : i32
      %add3A_1880 = vector.broadcast %add3A_1879 : i32 to vector<16xi32>
      %add3A_1881 = arith.addi %add3A_1880, %iota3A : vector<16xi32>
      %min3A_1882 = arith.constant 799 : i32
      %min3A_1883 = vector.broadcast %min3A_1882 : i32 to vector<16xi32>
      %min3A_1884 = arith.minsi %add3A_1881, %min3A_1883 : vector<16xi32>
      %add3A_1885 = arith.constant 392 : i32
      %add3A_1886 = vector.broadcast %add3A_1885 : i32 to vector<16xi32>
      %add3A_1887 = arith.addi %add3A_1886, %iota3A : vector<16xi32>
      %lt3A_1888 = arith.constant 400 : i32
      %lt3A_1889 = vector.broadcast %lt3A_1888 : i32 to vector<16xi32>
      %lt3A_1890 = arith.cmpi slt, %add3A_1887, %lt3A_1889 : vector<16xi32>
      %parallel_loop3A_1891 = arith.constant 0 : i32
      %parallel_loop3A_1892 = arith.constant 64 : i32
      %parallel_loop3A_1893 = arith.constant 1 : i32
      %parallel_loop3A_1894:2 = scf.for %parallel_loop3A_2030 = %parallel_loop3A_1891 to %parallel_loop3A_1892 step %parallel_loop3A_1893 iter_args(%parallel_loop3A_2031 = %broadcast_in_dim3A_1766, %parallel_loop3A_2032 = %iota3A) -> (vector<16xf32>, vector<16xi32>)  : i32 {
        %parallel_loop3A_2033 = arith.constant 1 : i32
        %parallel_loop3A_2034 = arith.index_cast %parallel_loop3A_2033 : i32 to index
        %parallel_loop3A_2035 = arith.index_cast %parallel_loop3A_2030 : i32 to index
        %parallel_loop3A_2036 = tpu.vector_load %arg10[%parallel_loop3A_2034, %parallel_loop3A_2035] {strides = array<i32>} : memref<4x128xf32, #tpu.memory_space<vmem>>, vector<16xf32>,
        %parallel_loop3A_2037 = tpu.vector_load_idx %arg17[%min3A_1884, %parallel_loop3A_2032] : memref<800x64xf32, #tpu.memory_space<vmem>>[vector<16xi32>, vector<16xi32>], vector<16xf32>,
        %parallel_loop3A_2038 = arith.mulf %parallel_loop3A_2036, %parallel_loop3A_2037 : vector<16xf32>
        %parallel_loop3A_2039 = arith.addf %parallel_loop3A_2031, %parallel_loop3A_2038 : vector<16xf32>
        %parallel_loop3A_2040 = arith.constant 1 : i32
        %parallel_loop3A_2041 = vector.broadcast %parallel_loop3A_2040 : i32 to vector<16xi32>
        %parallel_loop3A_2042 = arith.addi %parallel_loop3A_2032, %parallel_loop3A_2041 : vector<16xi32>
        %parallel_loop3A_2043 = arith.constant 63 : i32
        %parallel_loop3A_2044 = vector.broadcast %parallel_loop3A_2043 : i32 to vector<16xi32>
        %parallel_loop3A_2045 = arith.andi %parallel_loop3A_2042, %parallel_loop3A_2044 : vector<16xi32>
        scf.yield %parallel_loop3A_2039, %parallel_loop3A_2045 : vector<16xf32>, vector<16xi32>
      } {sc.loop_unroll_factor = 1 : i64, sc.parallel_access}
      tpu.vector_store_idx %arg19[%min3A_1884], %parallel_loop3A_1894#0 masked %lt3A_1890 : memref<800xf32, #tpu.memory_space<vmem>>[vector<16xi32>], vector<16xf32>, vector<16xi1>
      %add3A_1895 = arith.constant 400 : i32
      %add3A_1896 = vector.broadcast %add3A_1895 : i32 to vector<16xi32>
      %add3A_1897 = arith.addi %add3A_1896, %iota3A : vector<16xi32>
      %add3A_1898 = arith.constant 416 : i32
      %add3A_1899 = vector.broadcast %add3A_1898 : i32 to vector<16xi32>
      %add3A_1900 = arith.addi %add3A_1899, %iota3A : vector<16xi32>
      %add3A_1901 = arith.constant 432 : i32
      %add3A_1902 = vector.broadcast %add3A_1901 : i32 to vector<16xi32>
      %add3A_1903 = arith.addi %add3A_1902, %iota3A : vector<16xi32>
      %add3A_1904 = arith.constant 448 : i32
      %add3A_1905 = vector.broadcast %add3A_1904 : i32 to vector<16xi32>
      %add3A_1906 = arith.addi %add3A_1905, %iota3A : vector<16xi32>
      %parallel_loop3A_1907 = arith.constant 0 : i32
      %parallel_loop3A_1908 = arith.constant 64 : i32
      %parallel_loop3A_1909 = arith.constant 1 : i32
      %parallel_loop3A_1910:5 = scf.for %parallel_loop3A_2030 = %parallel_loop3A_1907 to %parallel_loop3A_1908 step %parallel_loop3A_1909 iter_args(%parallel_loop3A_2031 = %broadcast_in_dim3A_1766, %parallel_loop3A_2032 = %broadcast_in_dim3A_1766, %parallel_loop3A_2033 = %broadcast_in_dim3A_1766, %parallel_loop3A_2034 = %broadcast_in_dim3A_1766, %parallel_loop3A_2035 = %iota3A) -> (vector<16xf32>, vector<16xf32>, vector<16xf32>, vector<16xf32>, vector<16xi32>)  : i32 {
        %parallel_loop3A_2036 = arith.constant 2 : i32
        %parallel_loop3A_2037 = arith.index_cast %parallel_loop3A_2036 : i32 to index
        %parallel_loop3A_2038 = arith.index_cast %parallel_loop3A_2030 : i32 to index
        %parallel_loop3A_2039 = tpu.vector_load %arg10[%parallel_loop3A_2037, %parallel_loop3A_2038] {strides = array<i32>} : memref<4x128xf32, #tpu.memory_space<vmem>>, vector<16xf32>,
        %parallel_loop3A_2040 = tpu.vector_load_idx %arg17[%add3A_1897, %parallel_loop3A_2035] : memref<800x64xf32, #tpu.memory_space<vmem>>[vector<16xi32>, vector<16xi32>], vector<16xf32>,
        %parallel_loop3A_2041 = arith.mulf %parallel_loop3A_2039, %parallel_loop3A_2040 : vector<16xf32>
        %parallel_loop3A_2042 = arith.addf %parallel_loop3A_2031, %parallel_loop3A_2041 : vector<16xf32>
        %parallel_loop3A_2043 = tpu.vector_load_idx %arg17[%add3A_1900, %parallel_loop3A_2035] : memref<800x64xf32, #tpu.memory_space<vmem>>[vector<16xi32>, vector<16xi32>], vector<16xf32>,
        %parallel_loop3A_2044 = arith.mulf %parallel_loop3A_2039, %parallel_loop3A_2043 : vector<16xf32>
        %parallel_loop3A_2045 = arith.addf %parallel_loop3A_2032, %parallel_loop3A_2044 : vector<16xf32>
        %parallel_loop3A_2046 = tpu.vector_load_idx %arg17[%add3A_1903, %parallel_loop3A_2035] : memref<800x64xf32, #tpu.memory_space<vmem>>[vector<16xi32>, vector<16xi32>], vector<16xf32>,
        %parallel_loop3A_2047 = arith.mulf %parallel_loop3A_2039, %parallel_loop3A_2046 : vector<16xf32>
        %parallel_loop3A_2048 = arith.addf %parallel_loop3A_2033, %parallel_loop3A_2047 : vector<16xf32>
        %parallel_loop3A_2049 = tpu.vector_load_idx %arg17[%add3A_1906, %parallel_loop3A_2035] : memref<800x64xf32, #tpu.memory_space<vmem>>[vector<16xi32>, vector<16xi32>], vector<16xf32>,
        %parallel_loop3A_2050 = arith.mulf %parallel_loop3A_2039, %parallel_loop3A_2049 : vector<16xf32>
        %parallel_loop3A_2051 = arith.addf %parallel_loop3A_2034, %parallel_loop3A_2050 : vector<16xf32>
        %parallel_loop3A_2052 = arith.constant 1 : i32
        %parallel_loop3A_2053 = vector.broadcast %parallel_loop3A_2052 : i32 to vector<16xi32>
        %parallel_loop3A_2054 = arith.addi %parallel_loop3A_2035, %parallel_loop3A_2053 : vector<16xi32>
        %parallel_loop3A_2055 = arith.constant 63 : i32
        %parallel_loop3A_2056 = vector.broadcast %parallel_loop3A_2055 : i32 to vector<16xi32>
        %parallel_loop3A_2057 = arith.andi %parallel_loop3A_2054, %parallel_loop3A_2056 : vector<16xi32>
        scf.yield %parallel_loop3A_2042, %parallel_loop3A_2045, %parallel_loop3A_2048, %parallel_loop3A_2051, %parallel_loop3A_2057 : vector<16xf32>, vector<16xf32>, vector<16xf32>, vector<16xf32>, vector<16xi32>
      } {sc.loop_unroll_factor = 1 : i64, sc.parallel_access}
      tpu.vector_store_idx %arg19[%add3A_1897], %parallel_loop3A_1910#0 : memref<800xf32, #tpu.memory_space<vmem>>[vector<16xi32>], vector<16xf32>,
      tpu.vector_store_idx %arg19[%add3A_1900], %parallel_loop3A_1910#1 : memref<800xf32, #tpu.memory_space<vmem>>[vector<16xi32>], vector<16xf32>,
      tpu.vector_store_idx %arg19[%add3A_1903], %parallel_loop3A_1910#2 : memref<800xf32, #tpu.memory_space<vmem>>[vector<16xi32>], vector<16xf32>,
      tpu.vector_store_idx %arg19[%add3A_1906], %parallel_loop3A_1910#3 : memref<800xf32, #tpu.memory_space<vmem>>[vector<16xi32>], vector<16xf32>,
      %add3A_1911 = arith.constant 464 : i32
      %add3A_1912 = vector.broadcast %add3A_1911 : i32 to vector<16xi32>
      %add3A_1913 = arith.addi %add3A_1912, %iota3A : vector<16xi32>
      %add3A_1914 = arith.constant 480 : i32
      %add3A_1915 = vector.broadcast %add3A_1914 : i32 to vector<16xi32>
      %add3A_1916 = arith.addi %add3A_1915, %iota3A : vector<16xi32>
      %add3A_1917 = arith.constant 496 : i32
      %add3A_1918 = vector.broadcast %add3A_1917 : i32 to vector<16xi32>
      %add3A_1919 = arith.addi %add3A_1918, %iota3A : vector<16xi32>
      %add3A_1920 = arith.constant 512 : i32
      %add3A_1921 = vector.broadcast %add3A_1920 : i32 to vector<16xi32>
      %add3A_1922 = arith.addi %add3A_1921, %iota3A : vector<16xi32>
      %parallel_loop3A_1923 = arith.constant 0 : i32
      %parallel_loop3A_1924 = arith.constant 64 : i32
      %parallel_loop3A_1925 = arith.constant 1 : i32
      %parallel_loop3A_1926:5 = scf.for %parallel_loop3A_2030 = %parallel_loop3A_1923 to %parallel_loop3A_1924 step %parallel_loop3A_1925 iter_args(%parallel_loop3A_2031 = %broadcast_in_dim3A_1766, %parallel_loop3A_2032 = %broadcast_in_dim3A_1766, %parallel_loop3A_2033 = %broadcast_in_dim3A_1766, %parallel_loop3A_2034 = %broadcast_in_dim3A_1766, %parallel_loop3A_2035 = %iota3A) -> (vector<16xf32>, vector<16xf32>, vector<16xf32>, vector<16xf32>, vector<16xi32>)  : i32 {
        %parallel_loop3A_2036 = arith.constant 2 : i32
        %parallel_loop3A_2037 = arith.index_cast %parallel_loop3A_2036 : i32 to index
        %parallel_loop3A_2038 = arith.index_cast %parallel_loop3A_2030 : i32 to index
        %parallel_loop3A_2039 = tpu.vector_load %arg10[%parallel_loop3A_2037, %parallel_loop3A_2038] {strides = array<i32>} : memref<4x128xf32, #tpu.memory_space<vmem>>, vector<16xf32>,
        %parallel_loop3A_2040 = tpu.vector_load_idx %arg17[%add3A_1913, %parallel_loop3A_2035] : memref<800x64xf32, #tpu.memory_space<vmem>>[vector<16xi32>, vector<16xi32>], vector<16xf32>,
        %parallel_loop3A_2041 = arith.mulf %parallel_loop3A_2039, %parallel_loop3A_2040 : vector<16xf32>
        %parallel_loop3A_2042 = arith.addf %parallel_loop3A_2031, %parallel_loop3A_2041 : vector<16xf32>
        %parallel_loop3A_2043 = tpu.vector_load_idx %arg17[%add3A_1916, %parallel_loop3A_2035] : memref<800x64xf32, #tpu.memory_space<vmem>>[vector<16xi32>, vector<16xi32>], vector<16xf32>,
        %parallel_loop3A_2044 = arith.mulf %parallel_loop3A_2039, %parallel_loop3A_2043 : vector<16xf32>
        %parallel_loop3A_2045 = arith.addf %parallel_loop3A_2032, %parallel_loop3A_2044 : vector<16xf32>
        %parallel_loop3A_2046 = tpu.vector_load_idx %arg17[%add3A_1919, %parallel_loop3A_2035] : memref<800x64xf32, #tpu.memory_space<vmem>>[vector<16xi32>, vector<16xi32>], vector<16xf32>,
        %parallel_loop3A_2047 = arith.mulf %parallel_loop3A_2039, %parallel_loop3A_2046 : vector<16xf32>
        %parallel_loop3A_2048 = arith.addf %parallel_loop3A_2033, %parallel_loop3A_2047 : vector<16xf32>
        %parallel_loop3A_2049 = tpu.vector_load_idx %arg17[%add3A_1922, %parallel_loop3A_2035] : memref<800x64xf32, #tpu.memory_space<vmem>>[vector<16xi32>, vector<16xi32>], vector<16xf32>,
        %parallel_loop3A_2050 = arith.mulf %parallel_loop3A_2039, %parallel_loop3A_2049 : vector<16xf32>
        %parallel_loop3A_2051 = arith.addf %parallel_loop3A_2034, %parallel_loop3A_2050 : vector<16xf32>
        %parallel_loop3A_2052 = arith.constant 1 : i32
        %parallel_loop3A_2053 = vector.broadcast %parallel_loop3A_2052 : i32 to vector<16xi32>
        %parallel_loop3A_2054 = arith.addi %parallel_loop3A_2035, %parallel_loop3A_2053 : vector<16xi32>
        %parallel_loop3A_2055 = arith.constant 63 : i32
        %parallel_loop3A_2056 = vector.broadcast %parallel_loop3A_2055 : i32 to vector<16xi32>
        %parallel_loop3A_2057 = arith.andi %parallel_loop3A_2054, %parallel_loop3A_2056 : vector<16xi32>
        scf.yield %parallel_loop3A_2042, %parallel_loop3A_2045, %parallel_loop3A_2048, %parallel_loop3A_2051, %parallel_loop3A_2057 : vector<16xf32>, vector<16xf32>, vector<16xf32>, vector<16xf32>, vector<16xi32>
      } {sc.loop_unroll_factor = 1 : i64, sc.parallel_access}
      tpu.vector_store_idx %arg19[%add3A_1913], %parallel_loop3A_1926#0 : memref<800xf32, #tpu.memory_space<vmem>>[vector<16xi32>], vector<16xf32>,
      tpu.vector_store_idx %arg19[%add3A_1916], %parallel_loop3A_1926#1 : memref<800xf32, #tpu.memory_space<vmem>>[vector<16xi32>], vector<16xf32>,
      tpu.vector_store_idx %arg19[%add3A_1919], %parallel_loop3A_1926#2 : memref<800xf32, #tpu.memory_space<vmem>>[vector<16xi32>], vector<16xf32>,
      tpu.vector_store_idx %arg19[%add3A_1922], %parallel_loop3A_1926#3 : memref<800xf32, #tpu.memory_space<vmem>>[vector<16xi32>], vector<16xf32>,
      %add3A_1927 = arith.constant 528 : i32
      %add3A_1928 = vector.broadcast %add3A_1927 : i32 to vector<16xi32>
      %add3A_1929 = arith.addi %add3A_1928, %iota3A : vector<16xi32>
      %add3A_1930 = arith.constant 544 : i32
      %add3A_1931 = vector.broadcast %add3A_1930 : i32 to vector<16xi32>
      %add3A_1932 = arith.addi %add3A_1931, %iota3A : vector<16xi32>
      %add3A_1933 = arith.constant 560 : i32
      %add3A_1934 = vector.broadcast %add3A_1933 : i32 to vector<16xi32>
      %add3A_1935 = arith.addi %add3A_1934, %iota3A : vector<16xi32>
      %add3A_1936 = arith.constant 576 : i32
      %add3A_1937 = vector.broadcast %add3A_1936 : i32 to vector<16xi32>
      %add3A_1938 = arith.addi %add3A_1937, %iota3A : vector<16xi32>
      %parallel_loop3A_1939 = arith.constant 0 : i32
      %parallel_loop3A_1940 = arith.constant 64 : i32
      %parallel_loop3A_1941 = arith.constant 1 : i32
      %parallel_loop3A_1942:5 = scf.for %parallel_loop3A_2030 = %parallel_loop3A_1939 to %parallel_loop3A_1940 step %parallel_loop3A_1941 iter_args(%parallel_loop3A_2031 = %broadcast_in_dim3A_1766, %parallel_loop3A_2032 = %broadcast_in_dim3A_1766, %parallel_loop3A_2033 = %broadcast_in_dim3A_1766, %parallel_loop3A_2034 = %broadcast_in_dim3A_1766, %parallel_loop3A_2035 = %iota3A) -> (vector<16xf32>, vector<16xf32>, vector<16xf32>, vector<16xf32>, vector<16xi32>)  : i32 {
        %parallel_loop3A_2036 = arith.constant 2 : i32
        %parallel_loop3A_2037 = arith.index_cast %parallel_loop3A_2036 : i32 to index
        %parallel_loop3A_2038 = arith.index_cast %parallel_loop3A_2030 : i32 to index
        %parallel_loop3A_2039 = tpu.vector_load %arg10[%parallel_loop3A_2037, %parallel_loop3A_2038] {strides = array<i32>} : memref<4x128xf32, #tpu.memory_space<vmem>>, vector<16xf32>,
        %parallel_loop3A_2040 = tpu.vector_load_idx %arg17[%add3A_1929, %parallel_loop3A_2035] : memref<800x64xf32, #tpu.memory_space<vmem>>[vector<16xi32>, vector<16xi32>], vector<16xf32>,
        %parallel_loop3A_2041 = arith.mulf %parallel_loop3A_2039, %parallel_loop3A_2040 : vector<16xf32>
        %parallel_loop3A_2042 = arith.addf %parallel_loop3A_2031, %parallel_loop3A_2041 : vector<16xf32>
        %parallel_loop3A_2043 = tpu.vector_load_idx %arg17[%add3A_1932, %parallel_loop3A_2035] : memref<800x64xf32, #tpu.memory_space<vmem>>[vector<16xi32>, vector<16xi32>], vector<16xf32>,
        %parallel_loop3A_2044 = arith.mulf %parallel_loop3A_2039, %parallel_loop3A_2043 : vector<16xf32>
        %parallel_loop3A_2045 = arith.addf %parallel_loop3A_2032, %parallel_loop3A_2044 : vector<16xf32>
        %parallel_loop3A_2046 = tpu.vector_load_idx %arg17[%add3A_1935, %parallel_loop3A_2035] : memref<800x64xf32, #tpu.memory_space<vmem>>[vector<16xi32>, vector<16xi32>], vector<16xf32>,
        %parallel_loop3A_2047 = arith.mulf %parallel_loop3A_2039, %parallel_loop3A_2046 : vector<16xf32>
        %parallel_loop3A_2048 = arith.addf %parallel_loop3A_2033, %parallel_loop3A_2047 : vector<16xf32>
        %parallel_loop3A_2049 = tpu.vector_load_idx %arg17[%add3A_1938, %parallel_loop3A_2035] : memref<800x64xf32, #tpu.memory_space<vmem>>[vector<16xi32>, vector<16xi32>], vector<16xf32>,
        %parallel_loop3A_2050 = arith.mulf %parallel_loop3A_2039, %parallel_loop3A_2049 : vector<16xf32>
        %parallel_loop3A_2051 = arith.addf %parallel_loop3A_2034, %parallel_loop3A_2050 : vector<16xf32>
        %parallel_loop3A_2052 = arith.constant 1 : i32
        %parallel_loop3A_2053 = vector.broadcast %parallel_loop3A_2052 : i32 to vector<16xi32>
        %parallel_loop3A_2054 = arith.addi %parallel_loop3A_2035, %parallel_loop3A_2053 : vector<16xi32>
        %parallel_loop3A_2055 = arith.constant 63 : i32
        %parallel_loop3A_2056 = vector.broadcast %parallel_loop3A_2055 : i32 to vector<16xi32>
        %parallel_loop3A_2057 = arith.andi %parallel_loop3A_2054, %parallel_loop3A_2056 : vector<16xi32>
        scf.yield %parallel_loop3A_2042, %parallel_loop3A_2045, %parallel_loop3A_2048, %parallel_loop3A_2051, %parallel_loop3A_2057 : vector<16xf32>, vector<16xf32>, vector<16xf32>, vector<16xf32>, vector<16xi32>
      } {sc.loop_unroll_factor = 1 : i64, sc.parallel_access}
      tpu.vector_store_idx %arg19[%add3A_1929], %parallel_loop3A_1942#0 : memref<800xf32, #tpu.memory_space<vmem>>[vector<16xi32>], vector<16xf32>,
      tpu.vector_store_idx %arg19[%add3A_1932], %parallel_loop3A_1942#1 : memref<800xf32, #tpu.memory_space<vmem>>[vector<16xi32>], vector<16xf32>,
      tpu.vector_store_idx %arg19[%add3A_1935], %parallel_loop3A_1942#2 : memref<800xf32, #tpu.memory_space<vmem>>[vector<16xi32>], vector<16xf32>,
      tpu.vector_store_idx %arg19[%add3A_1938], %parallel_loop3A_1942#3 : memref<800xf32, #tpu.memory_space<vmem>>[vector<16xi32>], vector<16xf32>,
      %add3A_1943 = arith.constant 592 : i32
      %add3A_1944 = vector.broadcast %add3A_1943 : i32 to vector<16xi32>
      %add3A_1945 = arith.addi %add3A_1944, %iota3A : vector<16xi32>
      %min3A_1946 = arith.constant 799 : i32
      %min3A_1947 = vector.broadcast %min3A_1946 : i32 to vector<16xi32>
      %min3A_1948 = arith.minsi %add3A_1945, %min3A_1947 : vector<16xi32>
      %add3A_1949 = arith.constant 592 : i32
      %add3A_1950 = vector.broadcast %add3A_1949 : i32 to vector<16xi32>
      %add3A_1951 = arith.addi %add3A_1950, %iota3A : vector<16xi32>
      %lt3A_1952 = arith.constant 600 : i32
      %lt3A_1953 = vector.broadcast %lt3A_1952 : i32 to vector<16xi32>
      %lt3A_1954 = arith.cmpi slt, %add3A_1951, %lt3A_1953 : vector<16xi32>
      %parallel_loop3A_1955 = arith.constant 0 : i32
      %parallel_loop3A_1956 = arith.constant 64 : i32
      %parallel_loop3A_1957 = arith.constant 1 : i32
      %parallel_loop3A_1958:2 = scf.for %parallel_loop3A_2030 = %parallel_loop3A_1955 to %parallel_loop3A_1956 step %parallel_loop3A_1957 iter_args(%parallel_loop3A_2031 = %broadcast_in_dim3A_1766, %parallel_loop3A_2032 = %iota3A) -> (vector<16xf32>, vector<16xi32>)  : i32 {
        %parallel_loop3A_2033 = arith.constant 2 : i32
        %parallel_loop3A_2034 = arith.index_cast %parallel_loop3A_2033 : i32 to index
        %parallel_loop3A_2035 = arith.index_cast %parallel_loop3A_2030 : i32 to index
        %parallel_loop3A_2036 = tpu.vector_load %arg10[%parallel_loop3A_2034, %parallel_loop3A_2035] {strides = array<i32>} : memref<4x128xf32, #tpu.memory_space<vmem>>, vector<16xf32>,
        %parallel_loop3A_2037 = tpu.vector_load_idx %arg17[%min3A_1948, %parallel_loop3A_2032] : memref<800x64xf32, #tpu.memory_space<vmem>>[vector<16xi32>, vector<16xi32>], vector<16xf32>,
        %parallel_loop3A_2038 = arith.mulf %parallel_loop3A_2036, %parallel_loop3A_2037 : vector<16xf32>
        %parallel_loop3A_2039 = arith.addf %parallel_loop3A_2031, %parallel_loop3A_2038 : vector<16xf32>
        %parallel_loop3A_2040 = arith.constant 1 : i32
        %parallel_loop3A_2041 = vector.broadcast %parallel_loop3A_2040 : i32 to vector<16xi32>
        %parallel_loop3A_2042 = arith.addi %parallel_loop3A_2032, %parallel_loop3A_2041 : vector<16xi32>
        %parallel_loop3A_2043 = arith.constant 63 : i32
        %parallel_loop3A_2044 = vector.broadcast %parallel_loop3A_2043 : i32 to vector<16xi32>
        %parallel_loop3A_2045 = arith.andi %parallel_loop3A_2042, %parallel_loop3A_2044 : vector<16xi32>
        scf.yield %parallel_loop3A_2039, %parallel_loop3A_2045 : vector<16xf32>, vector<16xi32>
      } {sc.loop_unroll_factor = 1 : i64, sc.parallel_access}
      tpu.vector_store_idx %arg19[%min3A_1948], %parallel_loop3A_1958#0 masked %lt3A_1954 : memref<800xf32, #tpu.memory_space<vmem>>[vector<16xi32>], vector<16xf32>, vector<16xi1>
      %add3A_1959 = arith.constant 600 : i32
      %add3A_1960 = vector.broadcast %add3A_1959 : i32 to vector<16xi32>
      %add3A_1961 = arith.addi %add3A_1960, %iota3A : vector<16xi32>
      %add3A_1962 = arith.constant 616 : i32
      %add3A_1963 = vector.broadcast %add3A_1962 : i32 to vector<16xi32>
      %add3A_1964 = arith.addi %add3A_1963, %iota3A : vector<16xi32>
      %add3A_1965 = arith.constant 632 : i32
      %add3A_1966 = vector.broadcast %add3A_1965 : i32 to vector<16xi32>
      %add3A_1967 = arith.addi %add3A_1966, %iota3A : vector<16xi32>
      %add3A_1968 = arith.constant 648 : i32
      %add3A_1969 = vector.broadcast %add3A_1968 : i32 to vector<16xi32>
      %add3A_1970 = arith.addi %add3A_1969, %iota3A : vector<16xi32>
      %parallel_loop3A_1971 = arith.constant 0 : i32
      %parallel_loop3A_1972 = arith.constant 64 : i32
      %parallel_loop3A_1973 = arith.constant 1 : i32
      %parallel_loop3A_1974:5 = scf.for %parallel_loop3A_2030 = %parallel_loop3A_1971 to %parallel_loop3A_1972 step %parallel_loop3A_1973 iter_args(%parallel_loop3A_2031 = %broadcast_in_dim3A_1766, %parallel_loop3A_2032 = %broadcast_in_dim3A_1766, %parallel_loop3A_2033 = %broadcast_in_dim3A_1766, %parallel_loop3A_2034 = %broadcast_in_dim3A_1766, %parallel_loop3A_2035 = %iota3A) -> (vector<16xf32>, vector<16xf32>, vector<16xf32>, vector<16xf32>, vector<16xi32>)  : i32 {
        %parallel_loop3A_2036 = arith.constant 3 : i32
        %parallel_loop3A_2037 = arith.index_cast %parallel_loop3A_2036 : i32 to index
        %parallel_loop3A_2038 = arith.index_cast %parallel_loop3A_2030 : i32 to index
        %parallel_loop3A_2039 = tpu.vector_load %arg10[%parallel_loop3A_2037, %parallel_loop3A_2038] {strides = array<i32>} : memref<4x128xf32, #tpu.memory_space<vmem>>, vector<16xf32>,
        %parallel_loop3A_2040 = tpu.vector_load_idx %arg17[%add3A_1961, %parallel_loop3A_2035] : memref<800x64xf32, #tpu.memory_space<vmem>>[vector<16xi32>, vector<16xi32>], vector<16xf32>,
        %parallel_loop3A_2041 = arith.mulf %parallel_loop3A_2039, %parallel_loop3A_2040 : vector<16xf32>
        %parallel_loop3A_2042 = arith.addf %parallel_loop3A_2031, %parallel_loop3A_2041 : vector<16xf32>
        %parallel_loop3A_2043 = tpu.vector_load_idx %arg17[%add3A_1964, %parallel_loop3A_2035] : memref<800x64xf32, #tpu.memory_space<vmem>>[vector<16xi32>, vector<16xi32>], vector<16xf32>,
        %parallel_loop3A_2044 = arith.mulf %parallel_loop3A_2039, %parallel_loop3A_2043 : vector<16xf32>
        %parallel_loop3A_2045 = arith.addf %parallel_loop3A_2032, %parallel_loop3A_2044 : vector<16xf32>
        %parallel_loop3A_2046 = tpu.vector_load_idx %arg17[%add3A_1967, %parallel_loop3A_2035] : memref<800x64xf32, #tpu.memory_space<vmem>>[vector<16xi32>, vector<16xi32>], vector<16xf32>,
        %parallel_loop3A_2047 = arith.mulf %parallel_loop3A_2039, %parallel_loop3A_2046 : vector<16xf32>
        %parallel_loop3A_2048 = arith.addf %parallel_loop3A_2033, %parallel_loop3A_2047 : vector<16xf32>
        %parallel_loop3A_2049 = tpu.vector_load_idx %arg17[%add3A_1970, %parallel_loop3A_2035] : memref<800x64xf32, #tpu.memory_space<vmem>>[vector<16xi32>, vector<16xi32>], vector<16xf32>,
        %parallel_loop3A_2050 = arith.mulf %parallel_loop3A_2039, %parallel_loop3A_2049 : vector<16xf32>
        %parallel_loop3A_2051 = arith.addf %parallel_loop3A_2034, %parallel_loop3A_2050 : vector<16xf32>
        %parallel_loop3A_2052 = arith.constant 1 : i32
        %parallel_loop3A_2053 = vector.broadcast %parallel_loop3A_2052 : i32 to vector<16xi32>
        %parallel_loop3A_2054 = arith.addi %parallel_loop3A_2035, %parallel_loop3A_2053 : vector<16xi32>
        %parallel_loop3A_2055 = arith.constant 63 : i32
        %parallel_loop3A_2056 = vector.broadcast %parallel_loop3A_2055 : i32 to vector<16xi32>
        %parallel_loop3A_2057 = arith.andi %parallel_loop3A_2054, %parallel_loop3A_2056 : vector<16xi32>
        scf.yield %parallel_loop3A_2042, %parallel_loop3A_2045, %parallel_loop3A_2048, %parallel_loop3A_2051, %parallel_loop3A_2057 : vector<16xf32>, vector<16xf32>, vector<16xf32>, vector<16xf32>, vector<16xi32>
      } {sc.loop_unroll_factor = 1 : i64, sc.parallel_access}
      tpu.vector_store_idx %arg19[%add3A_1961], %parallel_loop3A_1974#0 : memref<800xf32, #tpu.memory_space<vmem>>[vector<16xi32>], vector<16xf32>,
      tpu.vector_store_idx %arg19[%add3A_1964], %parallel_loop3A_1974#1 : memref<800xf32, #tpu.memory_space<vmem>>[vector<16xi32>], vector<16xf32>,
      tpu.vector_store_idx %arg19[%add3A_1967], %parallel_loop3A_1974#2 : memref<800xf32, #tpu.memory_space<vmem>>[vector<16xi32>], vector<16xf32>,
      tpu.vector_store_idx %arg19[%add3A_1970], %parallel_loop3A_1974#3 : memref<800xf32, #tpu.memory_space<vmem>>[vector<16xi32>], vector<16xf32>,
      %add3A_1975 = arith.constant 664 : i32
      %add3A_1976 = vector.broadcast %add3A_1975 : i32 to vector<16xi32>
      %add3A_1977 = arith.addi %add3A_1976, %iota3A : vector<16xi32>
      %add3A_1978 = arith.constant 680 : i32
      %add3A_1979 = vector.broadcast %add3A_1978 : i32 to vector<16xi32>
      %add3A_1980 = arith.addi %add3A_1979, %iota3A : vector<16xi32>
      %add3A_1981 = arith.constant 696 : i32
      %add3A_1982 = vector.broadcast %add3A_1981 : i32 to vector<16xi32>
      %add3A_1983 = arith.addi %add3A_1982, %iota3A : vector<16xi32>
      %add3A_1984 = arith.constant 712 : i32
      %add3A_1985 = vector.broadcast %add3A_1984 : i32 to vector<16xi32>
      %add3A_1986 = arith.addi %add3A_1985, %iota3A : vector<16xi32>
      %parallel_loop3A_1987 = arith.constant 0 : i32
      %parallel_loop3A_1988 = arith.constant 64 : i32
      %parallel_loop3A_1989 = arith.constant 1 : i32
      %parallel_loop3A_1990:5 = scf.for %parallel_loop3A_2030 = %parallel_loop3A_1987 to %parallel_loop3A_1988 step %parallel_loop3A_1989 iter_args(%parallel_loop3A_2031 = %broadcast_in_dim3A_1766, %parallel_loop3A_2032 = %broadcast_in_dim3A_1766, %parallel_loop3A_2033 = %broadcast_in_dim3A_1766, %parallel_loop3A_2034 = %broadcast_in_dim3A_1766, %parallel_loop3A_2035 = %iota3A) -> (vector<16xf32>, vector<16xf32>, vector<16xf32>, vector<16xf32>, vector<16xi32>)  : i32 {
        %parallel_loop3A_2036 = arith.constant 3 : i32
        %parallel_loop3A_2037 = arith.index_cast %parallel_loop3A_2036 : i32 to index
        %parallel_loop3A_2038 = arith.index_cast %parallel_loop3A_2030 : i32 to index
        %parallel_loop3A_2039 = tpu.vector_load %arg10[%parallel_loop3A_2037, %parallel_loop3A_2038] {strides = array<i32>} : memref<4x128xf32, #tpu.memory_space<vmem>>, vector<16xf32>,
        %parallel_loop3A_2040 = tpu.vector_load_idx %arg17[%add3A_1977, %parallel_loop3A_2035] : memref<800x64xf32, #tpu.memory_space<vmem>>[vector<16xi32>, vector<16xi32>], vector<16xf32>,
        %parallel_loop3A_2041 = arith.mulf %parallel_loop3A_2039, %parallel_loop3A_2040 : vector<16xf32>
        %parallel_loop3A_2042 = arith.addf %parallel_loop3A_2031, %parallel_loop3A_2041 : vector<16xf32>
        %parallel_loop3A_2043 = tpu.vector_load_idx %arg17[%add3A_1980, %parallel_loop3A_2035] : memref<800x64xf32, #tpu.memory_space<vmem>>[vector<16xi32>, vector<16xi32>], vector<16xf32>,
        %parallel_loop3A_2044 = arith.mulf %parallel_loop3A_2039, %parallel_loop3A_2043 : vector<16xf32>
        %parallel_loop3A_2045 = arith.addf %parallel_loop3A_2032, %parallel_loop3A_2044 : vector<16xf32>
        %parallel_loop3A_2046 = tpu.vector_load_idx %arg17[%add3A_1983, %parallel_loop3A_2035] : memref<800x64xf32, #tpu.memory_space<vmem>>[vector<16xi32>, vector<16xi32>], vector<16xf32>,
        %parallel_loop3A_2047 = arith.mulf %parallel_loop3A_2039, %parallel_loop3A_2046 : vector<16xf32>
        %parallel_loop3A_2048 = arith.addf %parallel_loop3A_2033, %parallel_loop3A_2047 : vector<16xf32>
        %parallel_loop3A_2049 = tpu.vector_load_idx %arg17[%add3A_1986, %parallel_loop3A_2035] : memref<800x64xf32, #tpu.memory_space<vmem>>[vector<16xi32>, vector<16xi32>], vector<16xf32>,
        %parallel_loop3A_2050 = arith.mulf %parallel_loop3A_2039, %parallel_loop3A_2049 : vector<16xf32>
        %parallel_loop3A_2051 = arith.addf %parallel_loop3A_2034, %parallel_loop3A_2050 : vector<16xf32>
        %parallel_loop3A_2052 = arith.constant 1 : i32
        %parallel_loop3A_2053 = vector.broadcast %parallel_loop3A_2052 : i32 to vector<16xi32>
        %parallel_loop3A_2054 = arith.addi %parallel_loop3A_2035, %parallel_loop3A_2053 : vector<16xi32>
        %parallel_loop3A_2055 = arith.constant 63 : i32
        %parallel_loop3A_2056 = vector.broadcast %parallel_loop3A_2055 : i32 to vector<16xi32>
        %parallel_loop3A_2057 = arith.andi %parallel_loop3A_2054, %parallel_loop3A_2056 : vector<16xi32>
        scf.yield %parallel_loop3A_2042, %parallel_loop3A_2045, %parallel_loop3A_2048, %parallel_loop3A_2051, %parallel_loop3A_2057 : vector<16xf32>, vector<16xf32>, vector<16xf32>, vector<16xf32>, vector<16xi32>
      } {sc.loop_unroll_factor = 1 : i64, sc.parallel_access}
      tpu.vector_store_idx %arg19[%add3A_1977], %parallel_loop3A_1990#0 : memref<800xf32, #tpu.memory_space<vmem>>[vector<16xi32>], vector<16xf32>,
      tpu.vector_store_idx %arg19[%add3A_1980], %parallel_loop3A_1990#1 : memref<800xf32, #tpu.memory_space<vmem>>[vector<16xi32>], vector<16xf32>,
      tpu.vector_store_idx %arg19[%add3A_1983], %parallel_loop3A_1990#2 : memref<800xf32, #tpu.memory_space<vmem>>[vector<16xi32>], vector<16xf32>,
      tpu.vector_store_idx %arg19[%add3A_1986], %parallel_loop3A_1990#3 : memref<800xf32, #tpu.memory_space<vmem>>[vector<16xi32>], vector<16xf32>,
      %add3A_1991 = arith.constant 728 : i32
      %add3A_1992 = vector.broadcast %add3A_1991 : i32 to vector<16xi32>
      %add3A_1993 = arith.addi %add3A_1992, %iota3A : vector<16xi32>
      %add3A_1994 = arith.constant 744 : i32
      %add3A_1995 = vector.broadcast %add3A_1994 : i32 to vector<16xi32>
      %add3A_1996 = arith.addi %add3A_1995, %iota3A : vector<16xi32>
      %add3A_1997 = arith.constant 760 : i32
      %add3A_1998 = vector.broadcast %add3A_1997 : i32 to vector<16xi32>
      %add3A_1999 = arith.addi %add3A_1998, %iota3A : vector<16xi32>
      %add3A_2000 = arith.constant 776 : i32
      %add3A_2001 = vector.broadcast %add3A_2000 : i32 to vector<16xi32>
      %add3A_2002 = arith.addi %add3A_2001, %iota3A : vector<16xi32>
      %parallel_loop3A_2003 = arith.constant 0 : i32
      %parallel_loop3A_2004 = arith.constant 64 : i32
      %parallel_loop3A_2005 = arith.constant 1 : i32
      %parallel_loop3A_2006:5 = scf.for %parallel_loop3A_2030 = %parallel_loop3A_2003 to %parallel_loop3A_2004 step %parallel_loop3A_2005 iter_args(%parallel_loop3A_2031 = %broadcast_in_dim3A_1766, %parallel_loop3A_2032 = %broadcast_in_dim3A_1766, %parallel_loop3A_2033 = %broadcast_in_dim3A_1766, %parallel_loop3A_2034 = %broadcast_in_dim3A_1766, %parallel_loop3A_2035 = %iota3A) -> (vector<16xf32>, vector<16xf32>, vector<16xf32>, vector<16xf32>, vector<16xi32>)  : i32 {
        %parallel_loop3A_2036 = arith.constant 3 : i32
        %parallel_loop3A_2037 = arith.index_cast %parallel_loop3A_2036 : i32 to index
        %parallel_loop3A_2038 = arith.index_cast %parallel_loop3A_2030 : i32 to index
        %parallel_loop3A_2039 = tpu.vector_load %arg10[%parallel_loop3A_2037, %parallel_loop3A_2038] {strides = array<i32>} : memref<4x128xf32, #tpu.memory_space<vmem>>, vector<16xf32>,
        %parallel_loop3A_2040 = tpu.vector_load_idx %arg17[%add3A_1993, %parallel_loop3A_2035] : memref<800x64xf32, #tpu.memory_space<vmem>>[vector<16xi32>, vector<16xi32>], vector<16xf32>,
        %parallel_loop3A_2041 = arith.mulf %parallel_loop3A_2039, %parallel_loop3A_2040 : vector<16xf32>
        %parallel_loop3A_2042 = arith.addf %parallel_loop3A_2031, %parallel_loop3A_2041 : vector<16xf32>
        %parallel_loop3A_2043 = tpu.vector_load_idx %arg17[%add3A_1996, %parallel_loop3A_2035] : memref<800x64xf32, #tpu.memory_space<vmem>>[vector<16xi32>, vector<16xi32>], vector<16xf32>,
        %parallel_loop3A_2044 = arith.mulf %parallel_loop3A_2039, %parallel_loop3A_2043 : vector<16xf32>
        %parallel_loop3A_2045 = arith.addf %parallel_loop3A_2032, %parallel_loop3A_2044 : vector<16xf32>
        %parallel_loop3A_2046 = tpu.vector_load_idx %arg17[%add3A_1999, %parallel_loop3A_2035] : memref<800x64xf32, #tpu.memory_space<vmem>>[vector<16xi32>, vector<16xi32>], vector<16xf32>,
        %parallel_loop3A_2047 = arith.mulf %parallel_loop3A_2039, %parallel_loop3A_2046 : vector<16xf32>
        %parallel_loop3A_2048 = arith.addf %parallel_loop3A_2033, %parallel_loop3A_2047 : vector<16xf32>
        %parallel_loop3A_2049 = tpu.vector_load_idx %arg17[%add3A_2002, %parallel_loop3A_2035] : memref<800x64xf32, #tpu.memory_space<vmem>>[vector<16xi32>, vector<16xi32>], vector<16xf32>,
        %parallel_loop3A_2050 = arith.mulf %parallel_loop3A_2039, %parallel_loop3A_2049 : vector<16xf32>
        %parallel_loop3A_2051 = arith.addf %parallel_loop3A_2034, %parallel_loop3A_2050 : vector<16xf32>
        %parallel_loop3A_2052 = arith.constant 1 : i32
        %parallel_loop3A_2053 = vector.broadcast %parallel_loop3A_2052 : i32 to vector<16xi32>
        %parallel_loop3A_2054 = arith.addi %parallel_loop3A_2035, %parallel_loop3A_2053 : vector<16xi32>
        %parallel_loop3A_2055 = arith.constant 63 : i32
        %parallel_loop3A_2056 = vector.broadcast %parallel_loop3A_2055 : i32 to vector<16xi32>
        %parallel_loop3A_2057 = arith.andi %parallel_loop3A_2054, %parallel_loop3A_2056 : vector<16xi32>
        scf.yield %parallel_loop3A_2042, %parallel_loop3A_2045, %parallel_loop3A_2048, %parallel_loop3A_2051, %parallel_loop3A_2057 : vector<16xf32>, vector<16xf32>, vector<16xf32>, vector<16xf32>, vector<16xi32>
      } {sc.loop_unroll_factor = 1 : i64, sc.parallel_access}
      tpu.vector_store_idx %arg19[%add3A_1993], %parallel_loop3A_2006#0 : memref<800xf32, #tpu.memory_space<vmem>>[vector<16xi32>], vector<16xf32>,
      tpu.vector_store_idx %arg19[%add3A_1996], %parallel_loop3A_2006#1 : memref<800xf32, #tpu.memory_space<vmem>>[vector<16xi32>], vector<16xf32>,
      tpu.vector_store_idx %arg19[%add3A_1999], %parallel_loop3A_2006#2 : memref<800xf32, #tpu.memory_space<vmem>>[vector<16xi32>], vector<16xf32>,
      tpu.vector_store_idx %arg19[%add3A_2002], %parallel_loop3A_2006#3 : memref<800xf32, #tpu.memory_space<vmem>>[vector<16xi32>], vector<16xf32>,
      %add3A_2007 = arith.constant 792 : i32
      %add3A_2008 = vector.broadcast %add3A_2007 : i32 to vector<16xi32>
      %add3A_2009 = arith.addi %add3A_2008, %iota3A : vector<16xi32>
      %min3A_2010 = arith.constant 799 : i32
      %min3A_2011 = vector.broadcast %min3A_2010 : i32 to vector<16xi32>
      %min3A_2012 = arith.minsi %add3A_2009, %min3A_2011 : vector<16xi32>
      %add3A_2013 = arith.constant 792 : i32
      %add3A_2014 = vector.broadcast %add3A_2013 : i32 to vector<16xi32>
      %add3A_2015 = arith.addi %add3A_2014, %iota3A : vector<16xi32>
      %lt3A_2016 = arith.constant 800 : i32
      %lt3A_2017 = vector.broadcast %lt3A_2016 : i32 to vector<16xi32>
      %lt3A_2018 = arith.cmpi slt, %add3A_2015, %lt3A_2017 : vector<16xi32>
      %parallel_loop3A_2019 = arith.constant 0 : i32
      %parallel_loop3A_2020 = arith.constant 64 : i32
      %parallel_loop3A_2021 = arith.constant 1 : i32
      %parallel_loop3A_2022:2 = scf.for %parallel_loop3A_2030 = %parallel_loop3A_2019 to %parallel_loop3A_2020 step %parallel_loop3A_2021 iter_args(%parallel_loop3A_2031 = %broadcast_in_dim3A_1766, %parallel_loop3A_2032 = %iota3A) -> (vector<16xf32>, vector<16xi32>)  : i32 {
        %parallel_loop3A_2033 = arith.constant 3 : i32
        %parallel_loop3A_2034 = arith.index_cast %parallel_loop3A_2033 : i32 to index
        %parallel_loop3A_2035 = arith.index_cast %parallel_loop3A_2030 : i32 to index
        %parallel_loop3A_2036 = tpu.vector_load %arg10[%parallel_loop3A_2034, %parallel_loop3A_2035] {strides = array<i32>} : memref<4x128xf32, #tpu.memory_space<vmem>>, vector<16xf32>,
        %parallel_loop3A_2037 = tpu.vector_load_idx %arg17[%min3A_2012, %parallel_loop3A_2032] : memref<800x64xf32, #tpu.memory_space<vmem>>[vector<16xi32>, vector<16xi32>], vector<16xf32>,
        %parallel_loop3A_2038 = arith.mulf %parallel_loop3A_2036, %parallel_loop3A_2037 : vector<16xf32>
        %parallel_loop3A_2039 = arith.addf %parallel_loop3A_2031, %parallel_loop3A_2038 : vector<16xf32>
        %parallel_loop3A_2040 = arith.constant 1 : i32
        %parallel_loop3A_2041 = vector.broadcast %parallel_loop3A_2040 : i32 to vector<16xi32>
        %parallel_loop3A_2042 = arith.addi %parallel_loop3A_2032, %parallel_loop3A_2041 : vector<16xi32>
        %parallel_loop3A_2043 = arith.constant 63 : i32
        %parallel_loop3A_2044 = vector.broadcast %parallel_loop3A_2043 : i32 to vector<16xi32>
        %parallel_loop3A_2045 = arith.andi %parallel_loop3A_2042, %parallel_loop3A_2044 : vector<16xi32>
        scf.yield %parallel_loop3A_2039, %parallel_loop3A_2045 : vector<16xf32>, vector<16xi32>
      } {sc.loop_unroll_factor = 1 : i64, sc.parallel_access}
      tpu.vector_store_idx %arg19[%min3A_2012], %parallel_loop3A_2022#0 masked %lt3A_2018 : memref<800xf32, #tpu.memory_space<vmem>>[vector<16xi32>], vector<16xf32>, vector<16xi1>
      %mul3A_2023 = arith.constant 4 : i32
      %mul3A_2024 = arith.muli %add3A_1129, %mul3A_2023 : i32
      %add3A_2025 = arith.addi %mul3A_2, %mul3A_2024 : i32
      %mul3A_2026 = arith.constant 200 : i32
      %mul3A_2027 = arith.muli %add3A_2025, %mul3A_2026 : i32
      %dma_start3A_2028 = tpu.memref_slice %arg7[%mul3A_2027] : memref<3276800xf32, #tpu.memory_space<hbm>> -> memref<800xf32, #tpu.memory_space<hbm>>
      %dma_start3A_2029 = tpu.memref_slice %arg7[%mul3A_2027] : memref<3276800xf32, #tpu.memory_space<hbm>> -> memref<800xf32, #tpu.memory_space<hbm>>
      tpu.enqueue_dma source(%arg19 : memref<800xf32, #tpu.memory_space<vmem>>) target(%dma_start3A_2029 : memref<800xf32, #tpu.memory_space<hbm>>) target_semaphore(%arg24 : memref<!tpu.dma_semaphore, #tpu.memory_space<semaphore_mem>>)
    }
    %scan3A_127 = arith.constant 64 : i32
    %dma_wait3A = arith.constant 0 : i32
    %dma_wait3A_128 = tpu.memref_slice %arg7[%dma_wait3A] : memref<3276800xf32, #tpu.memory_space<hbm>> -> memref<800xf32, #tpu.memory_space<hbm>>
    %dma_wait3A_129 = arith.constant 0 : i32
    %dma_wait3A_130 = tpu.memref_slice %arg7[%dma_wait3A_129] : memref<3276800xf32, #tpu.memory_space<hbm>> -> memref<800xf32, #tpu.memory_space<hbm>>
    tpu.wait_dma2 semaphore(%arg23 : memref<!tpu.dma_semaphore, #tpu.memory_space<semaphore_mem>>) src(%arg18 : memref<800xf32, #tpu.memory_space<vmem>>) dst(%dma_wait3A_130 : memref<800xf32, #tpu.memory_space<hbm>>)
    %dma_wait3A_131 = arith.constant 0 : i32
    %dma_wait3A_132 = tpu.memref_slice %arg7[%dma_wait3A_131] : memref<3276800xf32, #tpu.memory_space<hbm>> -> memref<800xf32, #tpu.memory_space<hbm>>
    %dma_wait3A_133 = arith.constant 0 : i32
    %dma_wait3A_134 = tpu.memref_slice %arg7[%dma_wait3A_133] : memref<3276800xf32, #tpu.memory_space<hbm>> -> memref<800xf32, #tpu.memory_space<hbm>>
    tpu.wait_dma2 semaphore(%arg24 : memref<!tpu.dma_semaphore, #tpu.memory_space<semaphore_mem>>) src(%arg19 : memref<800xf32, #tpu.memory_space<vmem>>) dst(%dma_wait3A_134 : memref<800xf32, #tpu.memory_space<hbm>>)
    %dma_wait3A_135 = arith.constant 0 : i32
    %dma_wait3A_136 = arith.constant 0 : i32
    %dma_wait3A_137 = tpu.memref_slice %arg5[%dma_wait3A_135, %dma_wait3A_136] : memref<32768x100xi32, #tpu.memory_space<hbm>> -> memref<8x100xi32, #tpu.memory_space<hbm>>
    %dma_wait3A_138 = arith.constant 0 : i32
    %dma_wait3A_139 = arith.constant 0 : i32
    %dma_wait3A_140 = tpu.memref_slice %arg5[%dma_wait3A_138, %dma_wait3A_139] : memref<32768x100xi32, #tpu.memory_space<hbm>> -> memref<8x100xi32, #tpu.memory_space<hbm>>
    tpu.wait_dma2 semaphore(%arg25 : memref<!tpu.dma_semaphore, #tpu.memory_space<semaphore_mem>>) src(%dma_wait3A_140 : memref<8x100xi32, #tpu.memory_space<hbm>>) dst(%arg14 : memref<8x100xi32, #tpu.memory_space<vmem>>)
    %dma_wait3A_141 = arith.constant 0 : i32
    %dma_wait3A_142 = arith.constant 0 : i32
    %dma_wait3A_143 = tpu.memref_slice %arg5[%dma_wait3A_141, %dma_wait3A_142] : memref<32768x100xi32, #tpu.memory_space<hbm>> -> memref<8x100xi32, #tpu.memory_space<hbm>>
    %dma_wait3A_144 = arith.constant 0 : i32
    %dma_wait3A_145 = arith.constant 0 : i32
    %dma_wait3A_146 = tpu.memref_slice %arg5[%dma_wait3A_144, %dma_wait3A_145] : memref<32768x100xi32, #tpu.memory_space<hbm>> -> memref<8x100xi32, #tpu.memory_space<hbm>>
    tpu.wait_dma2 semaphore(%arg26 : memref<!tpu.dma_semaphore, #tpu.memory_space<semaphore_mem>>) src(%dma_wait3A_146 : memref<8x100xi32, #tpu.memory_space<hbm>>) dst(%arg15 : memref<8x100xi32, #tpu.memory_space<vmem>>)
    %dma_wait3A_147 = arith.constant 0 : i32
    %dma_wait3A_148 = arith.constant 0 : i32
    %dma_wait3A_149 = tpu.memref_slice %arg2[%dma_wait3A_147, %dma_wait3A_148] : memref<1000000x64xf32, #tpu.memory_space<hbm>> -> memref<1000000x64xf32, #tpu.memory_space<hbm>>
    tpu.wait_indirect_dma semaphore(%arg20 : memref<!tpu.dma_semaphore, #tpu.memory_space<semaphore_mem>>) src(%dma_wait3A_149 : memref<1000000x64xf32, #tpu.memory_space<hbm>>) dst(%arg11 : memref<16x64xf32, #tpu.memory_space<vmem>>)
    %dma_wait3A_150 = arith.constant 0 : i32
    %dma_wait3A_151 = arith.constant 0 : i32
    %dma_wait3A_152 = tpu.memref_slice %arg3[%dma_wait3A_150, %dma_wait3A_151] : memref<1000x64xf32, #tpu.memory_space<hbm>> -> memref<1000x64xf32, #tpu.memory_space<hbm>>
    tpu.wait_indirect_dma semaphore(%arg20 : memref<!tpu.dma_semaphore, #tpu.memory_space<semaphore_mem>>) src(%dma_wait3A_152 : memref<1000x64xf32, #tpu.memory_space<hbm>>) dst(%arg12 : memref<16x64xf32, #tpu.memory_space<vmem>>)
    %dma_wait3A_153 = arith.constant 0 : i32
    %dma_wait3A_154 = arith.constant 0 : i32
    %dma_wait3A_155 = tpu.memref_slice %arg2[%dma_wait3A_153, %dma_wait3A_154] : memref<1000000x64xf32, #tpu.memory_space<hbm>> -> memref<1000000x64xf32, #tpu.memory_space<hbm>>
    tpu.wait_indirect_dma semaphore(%arg20 : memref<!tpu.dma_semaphore, #tpu.memory_space<semaphore_mem>>) src(%dma_wait3A_155 : memref<1000000x64xf32, #tpu.memory_space<hbm>>) dst(%arg13 : memref<16x64xf32, #tpu.memory_space<vmem>>)
    "tpu.region"() ({
      %run_scoped3A = tpu.sem_alloc : memref<!tpu.dma_semaphore, #tpu.memory_space<semaphore_mem>>
      %dma_start3A_156 = tpu.memref_slice %arg6[%mul3A_2] : memref<16384xf32, #tpu.memory_space<hbm>> -> memref<512xf32, #tpu.memory_space<hbm>>
      %dma_start3A_157 = tpu.memref_slice %arg6[%mul3A_2] : memref<16384xf32, #tpu.memory_space<hbm>> -> memref<512xf32, #tpu.memory_space<hbm>>
      tpu.enqueue_dma source(%arg9 : memref<512xf32, #tpu.memory_space<vmem>>) target(%dma_start3A_157 : memref<512xf32, #tpu.memory_space<hbm>>) target_semaphore(%run_scoped3A : memref<!tpu.dma_semaphore, #tpu.memory_space<semaphore_mem>>)
      %dma_wait3A_158 = tpu.memref_slice %arg6[%mul3A_2] : memref<16384xf32, #tpu.memory_space<hbm>> -> memref<512xf32, #tpu.memory_space<hbm>>
      %dma_wait3A_159 = tpu.memref_slice %arg6[%mul3A_2] : memref<16384xf32, #tpu.memory_space<hbm>> -> memref<512xf32, #tpu.memory_space<hbm>>
      tpu.wait_dma2 semaphore(%run_scoped3A : memref<!tpu.dma_semaphore, #tpu.memory_space<semaphore_mem>>) src(%arg9 : memref<512xf32, #tpu.memory_space<vmem>>) dst(%dma_wait3A_159 : memref<512xf32, #tpu.memory_space<hbm>>)
      tpu.yield
    }) : () -> ()
    return
  }
}

</mosaic_0001>

<sc_bundles>
// kernel: kernel.3.cloned.1.call-start
scs
__scs_entry_jumppad:
0x0: {  	(pc) =	sbr.rel $0x88, $3  }
0x1: {  	(tag) =	ssettag $0x0;
	lr =	simm.s32 $0x1  }
0x2: {  	[smem:$0x3F9D] =	sst lr;
	_ =	strace $0xD0000000  }
0x3: {  	_ = 	snop  }
0x4: {  	_ = 	snop  }
0x5: {  	_ = 	snop  }
0x6: {  	_ = 	snop  }
0x7: {  	_ = 	snop  }
__scs_overlays_trampoline_lowered:
0x8: {  	[smem:$0x3FAC] =	sst s0  }
0x9: {  	[smem:$0x3FAD] =	sst s1  }
0xa: {  	[smem:$0x3FAE] =	sst s2  }
0xb: {  	[smem:$0x3FAF] =	sst s3  }
0xc: {  	[smem:$0x3FB0] =	sst s4  }
0xd: {  	[smem:$0x3FB1] =	sst s5  }
0xe: {  	[smem:$0x3FB2] =	sst s6  }
0xf: {  	[smem:$0x3FB3] =	sst s7  }
0x10: {  	[smem:$0x3FB4] =	sst s8  }
0x11: {  	[smem:$0x3FB5] =	sst s9;
	s0 =	simm.s32 @!p0 $0x0  }
0x12: {  	s1 =	sld [smem:$0x3F9B];
	s0 =	simm.s32 @p0 $0x1  }
0x13: {  	[smem:$0x3FB6] =	sst s0;
	s0 =	simm.s32 @!p1 $0x0  }
0x14: {  	s2 =	sld [smem:$0x3F9A];
	s0 =	simm.s32 @p1 $0x1  }
0x15: {  	[smem:$0x3FB7] =	sst s0;
	s0 =	simm.s32 @!p2 $0x0  }
0x16: {  	s3 =	sld [smem:$0x3FDB];
	s0 =	simm.s32 @p2 $0x1  }
0x17: {  	s4 =	simm.s32 $0x1BF5;
	[smem:$0x3FB9] =	sst s0  }
0x18: {  	s0 =	sld [smem:$0x3F9C];
	_ =	swait.ge [sflag:s4], $0x0  }
0x19: {  	s7 =	sld [smem:$0x3F9D]  }
0x1a: {  	s8 =	sadd.s32 $0xFFFFE003, lr  }
0x1b: {  	s9 =	sadd.s32 $0xFFFFFEF7, lr;
	s5 =	simm.s32 $0xFFFFFFFF;
	p2 =	slt.u32 s8, $0xFFFFF086  }
0x1c: {  	p1 =	slt.u32 s9, $0xF7A;
	s5 =	simm.s32 @!p2 $0x0  }
0x1d: {  	s5 =	simm.s32 @p1 $0x1;
	p0 =	seq.s32 s7, s2  }
0x1e: {  	s7 =	smul.u32 @!p0 $0xF7A, s2;
	p2 =	seq.s32 @!p0 s5, $0x0  }
0x1f: {  	s9 =	smul.u32 $0xF7A, s1;
	s8 =	simm.s32 @!p0 $0x1BF5;
	p2 =	por !p2, p0  }
0x20: {  	[sflag:s8] =	ssyncset.s32 @!p0 $0xFFFFF086;
	s6 =	sadd.s32 @!p0 s3, s7;
	s7 =	simm.s32 @!p0 $0x108  }
0x21: {  	s3 =	sadd.s32 s3, s9;
	s6 =	sadd.s32 @!p0 $0x88, s6;
	s7 =	simm.s32 @p2 $0x1082  }
0x22: {  	[simem:s7], [sflag:s8] =	dma.local @!p0 [hbm:s6], $0xF7A  }
0x23: {  	s9 =	sor.u32 $0xD0000000, s2;
	s6 =	simm.s32 $0x108;
	_ =	swait.ge @!p0 [sflag:s8], $0x0  }
0x24: {  	s3 =	sadd.s32 $0x88, s3;
	s6 =	simm.s32 @!p1 $0x1082;
	[sflag:s4] =	ssyncset.s32 $0xFFFFF086  }
0x25: {  	[simem:s6], [sflag:s4] =	dma.local [hbm:s3], $0xF7A  }
0x26: {  	[smem:$0x3F9D] =	sst s1;
	(tag) =	ssettag s2;
	_ =	strace s9  }
0x27: {  	s1 =	sld [smem:$0x3FAD]  }
0x28: {  	s2 =	sld [smem:$0x3FAE]  }
0x29: {  	s4 =	sld [smem:$0x3FB0]  }
0x2a: {  	p0 =	seq.s32 s5, $0x0;
	s5 =	sld [smem:$0x3FB1]  }
0x2b: {  	s6 =	sld [smem:$0x3FB2]  }
0x2c: {  	s7 =	sld [smem:$0x3FB3]  }
0x2d: {  	s3 =	simm.s32 $0x108;
	s8 =	sld [smem:$0x3FB4]  }
0x2e: {  	s3 =	simm.s32 @!p0 $0x1082;
	s9 =	sld [smem:$0x3FB5]  }
0x2f: {  	lr =	sadd.s32 s0, s3;
	s0 =	sld [smem:$0x3FAC]  }
0x30: {  	s3 =	sld [smem:$0x3FAF]  }
0x31: {  	[smem:$0x3FB8] =	sst s10  }
0x32: {  	s10 =	sld [smem:$0x3FB6];
	_ =	sdelay $0x3  }
0x33: {  	p0 =	seq.s32 s10, $0x1;
	s10 =	sld [smem:$0x3FB8];
	_ =	sdelay $0x3  }
0x34: {  	[smem:$0x3FB8] =	sst s10  }
0x35: {  	s10 =	sld [smem:$0x3FB7];
	_ =	sdelay $0x3  }
0x36: {  	p1 =	seq.s32 s10, $0x1;
	s10 =	sld [smem:$0x3FB8];
	_ =	sdelay $0x3  }
0x37: {  	[smem:$0x3FB8] =	sst s10  }
0x38: {  	s10 =	sld [smem:$0x3FB9]  }
0x39: {  	_ = 	snop;
	(pc) =	sbr.ind lr, $3  }
0x3a: {  	_ = 	snop  }
0x3b: {  	_ = 	snop  }
0x3c: {  	p2 =	seq.s32 s10, $0x1;
	s10 =	sld [smem:$0x3FB8]  }
0x3d: {  	_ =	shalt  }
0x3e: {  	_ =	shalt  }
0x3f: {  	_ =	shalt  }
0x40: {  	_ =	shalt  }
0x41: {  	_ =	shalt  }
0x42: {  	_ =	shalt  }
0x43: {  	_ =	shalt  }
0x44: {  	_ =	shalt  }
0x45: {  	_ =	shalt  }
0x46: {  	_ =	shalt  }
0x47: {  	_ =	shalt  }
0x48: {  	_ =	shalt  }
0x49: {  	_ =	shalt  }
0x4a: {  	_ =	shalt  }
0x4b: {  	_ =	shalt  }
0x4c: {  	_ =	shalt  }
0x4d: {  	_ =	shalt  }
0x4e: {  	_ =	shalt  }
0x4f: {  	_ =	shalt  }
0x50: {  	_ =	shalt  }
0x51: {  	_ =	shalt  }
0x52: {  	_ =	shalt  }
0x53: {  	_ =	shalt  }
0x54: {  	_ =	shalt  }
0x55: {  	_ =	shalt  }
0x56: {  	_ =	shalt  }
0x57: {  	_ =	shalt  }
0x58: {  	_ =	shalt  }
0x59: {  	_ =	shalt  }
0x5a: {  	_ =	shalt  }
0x5b: {  	_ =	shalt  }
0x5c: {  	_ =	shalt  }
0x5d: {  	_ =	shalt  }
0x5e: {  	_ =	shalt  }
0x5f: {  	_ =	shalt  }
0x60: {  	_ =	shalt  }
0x61: {  	_ =	shalt  }
0x62: {  	_ =	shalt  }
0x63: {  	_ =	shalt  }
0x64: {  	_ =	shalt  }
0x65: {  	_ =	shalt  }
0x66: {  	_ =	shalt  }
0x67: {  	_ =	shalt  }
0x68: {  	_ =	shalt  }
0x69: {  	_ =	shalt  }
0x6a: {  	_ =	shalt  }
0x6b: {  	_ =	shalt  }
0x6c: {  	_ =	shalt  }
0x6d: {  	_ =	shalt  }
0x6e: {  	_ =	shalt  }
0x6f: {  	_ =	shalt  }
0x70: {  	_ =	shalt  }
0x71: {  	_ =	shalt  }
0x72: {  	_ =	shalt  }
0x73: {  	_ =	shalt  }
0x74: {  	_ =	shalt  }
0x75: {  	_ =	shalt  }
0x76: {  	_ =	shalt  }
0x77: {  	_ =	shalt  }
0x78: {  	_ =	shalt  }
0x79: {  	_ =	shalt  }
0x7a: {  	_ =	shalt  }
0x7b: {  	_ =	shalt  }
0x7c: {  	_ =	shalt  }
0x7d: {  	_ =	shalt  }
0x7e: {  	_ =	shalt  }
0x7f: {  	_ =	shalt  }
0x80: {  	_ =	shalt  }
0x81: {  	_ =	shalt  }
0x82: {  	_ =	shalt  }
0x83: {  	_ =	shalt  }
0x84: {  	_ =	shalt  }
0x85: {  	_ =	shalt  }
0x86: {  	_ =	shalt  }
0x87: {  	_ =	shalt  }
.Lfunc_end0:
.L_simem_size_0:
called_computation_lowered:
.L_overlay_start_0:
0x88: {  	s2 =	sld [smem:$0x3FD9]  }
0x89: {  	s3 =	sld [smem:$0x3FFE];
	_ =	sdelay $0x1  }
0x8a: {  	s1 =	srdreg.scid  }
0x8b: {  	s0 =	sand.u32 $0x1, s1  }
0x8c: {  	s14 =	sshll.u32 s0, $0xA;
	s2 =	sadd.s32 s3, s2  }
0x8d: {  	s2 =	sadd.s32 s2, s14  }
0x8e: {  	[smem:$0x3FC4] =	sst s2  }
0x8f: {  	_ = 	snop  }
0x90: {  	s2 =	sld [smem:$0x3FD0];
	_ =	sdelay $0x2  }
0x91: {  	s15 =	simm.s32 $0xA;
	s4 =	simm.s32 $0x10  }
0x92: {  	[smem:s4], [sflag:s15] =	dma.local [hbm:s2], $0x1  }
0x93: {  	_ =	swait.eq [sflag:s15], $0x1  }
0x94: {  	[sflag:s15] =	ssyncset.done $0x0  }
0x95: {  	s16 =	sld [smem:$0x10];
	[sflag:s15] =	ssyncadd.s32 $0xFFFFFFFF  }
0x96: {  	s17 =	sld [smem:$0x11];
	(tm) =	ssettm $0x1  }
0x97: {  	s18 =	sld [smem:$0x3FFB];
	_ =	sdelay $0x3  }
0x98: {  	_ =	strace s18  }
0x99: {  	s4 =	sld [smem:$0x3FFC];
	_ =	sdelay $0x3  }
0x9a: {  	_ =	strace s4  }
0x9b: {  	s4 =	sld [smem:$0x3FFD];
	_ =	sdelay $0x3  }
0x9c: {  	_ =	strace s4  }
0x9d: {  	_ =	strace $0x8FFFFFFF  }
0x9e: {  	s19 =	sld [smem:$0x3FDB];
	_ =	sdelay $0x1  }
0x9f: {  	s5 =	simm.s32 $_scs_section_size  }
0xa0: {  	s6 =	simm.s32 $_size__tile_overlayer_lowered;
	s7 =	simm.s32 $_tile_overlayer_lowered  }
0xa1: {  	s22 =	simm.s32 $0x1BFF;
	s21 =	sshll.u32 s7, $0x1;
	s4 =	sadd.s32 s5, s19  }
0xa2: {  	s8 =	simm.s32 $0x0;
	s20 =	sshll.u32 s6, $0x1;
	s6 =	sadd.s32 s21, s4  }
0xa3: {  	[timem:s8], [sflag:s22] =	dma.local [hbm:s6], s20  }
0xa4: {  	_ =	swait.ge [sflag:s22], s20  }
0xa5: {  	s5 =	ssub.s32 $0x0, s20;
	[sflag:s22] =	ssyncset.done $0x0  }
0xa6: {  	[sflag:s22] =	ssyncadd.s32 s5;
	_ =	sdelay $0x1  }
0xa7: {  	s23 =	simm.s32 $0x1B8B  }
0xa8: {  	_ =	swait.ge [sflag:s23], $0x1  }
0xa9: {  	[sflag:s23] =	ssyncset.done $0x0  }
0xaa: {  	s25 =	simm.s32 $0x1B8E;
	s24 =	sld [smem:$0x3FFE];
	[sflag:s23] =	ssyncadd.s32 $0xFFFFFFFF  }
0xab: {  	s26 =	simm.s32 $execute0_lowered;
	[smem:$0x3FD2] =	sst s25  }
0xac: {  	s6 =	sshll.u32 s26, $0x1;
	_ =	strace $0x80000046;
	[dreg:$0x1] =	wrdreg $0xFFFFFFFF  }
0xad: {  	s28 =	simm.s32 $_size_execute0_lowered;
	s4 =	sadd.s32 s4, s6;
	[dreg:$0x0] =	wrdreg $0x0  }
0xae: {  	s6 =	sshll.u32 s28, $0x1;
	[dreg:$0x2] =	wrdreg s4  }
0xaf: {  	[dreg:$0x3] =	wrdreg s6  }
0xb0: {  	[dreg:$0x4] =	wrdreg $0xC0  }
0xb1: {  	_ =	task [dreg:s8], $0x5FFFF  }
0xb2: {  	[dreg:$0x1] =	wrdreg $0xFFFFFFFF  }
0xb3: {  	[dreg:$0x0] =	wrdreg $0x60  }
0xb4: {  	[dreg:$0x2] =	wrdreg s24  }
0xb5: {  	[dreg:$0x3] =	wrdreg s16  }
0xb6: {  	[dreg:$0x4] =	wrdreg s17  }
0xb7: {  	[dreg:$0x5] =	wrdreg $0x9  }
0xb8: {  	_ =	task.clear_ibuf [dreg:s8], $0x6FFFF;
	_ =	strace $0x90000046  }
0xb9: {  	s29 =	simm.s32 $0x9;
	_ =	strace $0x80000048  }
0xba: {  	_ =	swait.ge [sflag:s29], $0x1  }
0xbb: {  	[sflag:s29] =	ssyncadd.s32 $0xFFFFFFFF  }
0xbc: {  	_ =	strace $0x90000048  }
0xbd: {  	_ =	sfence  }
0xbe: {  	s30 =	sld [smem:$0x0];
	_ =	sdelay $0x2  }
0xbf: {  	s31 =	sshll.u32 s1, $0xD;
	s1 =	sshrl.u32 s1, $0x2  }
0xc0: {  	s3 =	sand.u32 $0x4000, s31;
	s1 =	sadd.s32 s1, s30  }
0xc1: {  	s0 =	sor.u32 s3, s0;
	s1 =	sshll.u32 s1, $0x11  }
0xc2: {  	s0 =	sor.u32 s1, s0  }
0xc3: {  	s0 =	sadd.s32 $0x8F2B, s0  }
0xc4: {  	[sflag:s0] =	ssyncadd.remote.s32 $0x1  }
0xc5: {  	_ =	sfence.sel $0xFFFF  }
0xc6: {  	[dreg:$0x0] =	wrdreg $0xFFFFFFFF;
	(pc) =	sbr.abs _section_cstart, $3  }
0xc7: {  	[dreg:$0x1] =	wrdreg $0xFFFFFFFF  }
0xc8: {  	_ =	task.clear_ibuf [dreg:s8], $0x2FFFF;
	_ =	strace $0x9FFFFFFF  }
0xc9: {  	(tm) =	ssettm $0x7FFFFFFF  }
tec
execute0_lowered:
.L_overlay_start_1:
0x0: {  	(tag) =	ssettag $0x1  }
0x1: {  	s0 =	rddreg [dreg:$0x0];
	v12 =	vlaneseq.u32  }
0x2: {  	s2 =	rddreg [dreg:$0x1];
	s3 =	simm.s32 $0x0;
	v0 =	vmul.u32 $0x8, v12  }
0x3: {  	[smem:$0x7FF] =	sst s3  }
0x4: {  	s1 =	rddreg [dreg:$0x2];
	v4 =	vmul.u32 $0x40, v12;
	_ =	strace $0x80000047;
	v1 =	vor.u32 $0x1, v0;
	[tilespmem:$0x1FEF0] =	vst v0  }
0x5: {  	v0 =	vor.u32 $0x2, v0;
	[tilespmem:$0x1FEE0] =	vst v1  }
0x6: {  	v13 =	vor.u32 $0x400, v4;
	[tilespmem:$0x1FF00] =	vst v0  }
0x7: {  	s4 =	srdreg.scid;
	v47 =	vor.u32 $0x800, v4;
	[tilespmem:$0x1FF20] =	vst v13  }
0x8: {  	s16 =	simm.s32 $0x2000;
	s17 =	simm.s32 $0x64;
	vm0 =	vmmov $0xffff;
	s18 =	simm.s32 $0x2680;
	vm1 =	vmmov $0x1;
	v48 =	vor.u32 $0xC00, v4;
	[tilespmem:$0x1FF30] =	vst v47  }
0x9: {  	s5 =	stileid.u32;
	vm2 =	vcmask $0x310;
	vm3 =	vcmask $0x710;
	s22 =	simm.s32 $0x2340;
	s24 =	simm.s32 $0xEE80;
	v16 =	vor.u32 $0x1000, v4;
	[tilespmem:$0x1FF40] =	vst v48  }
0xa: {  	s23 =	simm.s32 $0x7;
	v61 =	vimm.s32 $0xC7C0;
	vm5 =	vcmask $0x300;
	s13 =	simm.s32 $0x19D80;
	s14 =	simm.s32 $0x1000;
	v41 =	vor.u32 $0x1400, v4;
	[tilespmem:$0x1FF50] =	vst v16  }
0xb: {  	v62 =	vimm.s32 $0x31F;
	vm6 =	vcmask $0x704;
	s15 =	simm.s32 $0x1B680;
	s25 =	simm.s32 $0x3;
	s26 =	simm.s32 $0x1B9A0;
	v42 =	vor.u32 $0x1800, v4;
	[tilespmem:$0x1FF60] =	vst v41  }
0xc: {  	s7 =	sand.u32 $0x1, s4;
	s6 =	sshll.u32 s5, $0x1;
	s4 =	sadd.s32 $0xF43200, s0;
	v43 =	vor.u32 $0x1C00, v4;
	v17 =	vor.u32 $0x2000, v4;
	v44 =	vor.u32 $0x2400, v4;
	[tilespmem:$0x1FF70] =	vst v42  }
0xd: {  	s19 =	simm.s32 $0x0;
	s5 =	sadd.s32 $0x6CE00, s0;
	s8 =	sor.u32 s7, s6;
	v14 =	vor.u32 $0x2800, v4;
	v15 =	vor.u32 $0x2C00, v4;
	v18 =	vor.u32 $0x3000, v4;
	[tilespmem:$0x1FF80] =	vst v43  }
0xe: {  	s9 =	ssub.s32 $0x2, s7;
	s6 =	sshll.u32 s8, $0x9;
	s10 =	smul.u32 $0x3400, s8;
	v45 =	vadd.s32 $0x3200, v4;
	v46 =	vadd.s32 $0x3600, v4;
	v1 =	vsel vm5, $0x318, v62;
	[tilespmem:$0x1FF90] =	vst v17  }
0xf: {  	s7 =	sadd.s32 $0xE00, s0;
	s29 =	sshrl.u32 s9, $0x1;
	s11 =	sadd.s32 s6, s0;
	v0 =	vsel vm5, $0xC600, v61;
	vm5 =	vcmask $0xB08;
	[tilespmem:$0x1FFA0] =	vst v44;
	v1 =	vsel vm6, $0x319, v1  }
0x10: {  	s0 =	ssub.s32 s9, s29;
	[tilespmem:$0x1FFB0] =	vst v14;
	s30 =	sadd.s32 $0x68E00, s11;
	s31 =	sadd.s32 s7, s10;
	v0 =	vsel vm6, $0xC640, v0;
	vm6 =	vcmask $0xF0C;
	v1 =	vsel vm5, $0x31A, v1  }
0x11: {  	[tilespmem:$0x1FFC0] =	vst v15;
	s11 =	sshll.u32 s8, $0xA;
	s8 =	sshll.u32 s8, $0x6;
	[dreg:$0x4] =	wrdreg s30;
	v0 =	vsel vm5, $0xC680, v0;
	vm5 =	vcmask $0x1310;
	v1 =	vsel vm6, $0x31B, v1  }
0x12: {  	[tilespmem:$0x1FFD0] =	vst v18;
	s0 =	smax.u32 s0, $0x1;
	s10 =	simm.s32 $0x2618;
	[dreg:$0x5] =	wrdreg s31;
	v0 =	vsel vm6, $0xC6C0, v0;
	vm6 =	vcmask $0x1714;
	v1 =	vsel vm5, $0x31C, v1  }
0x13: {  	[tilespmem:$0x1FFE0] =	vst v45;
	s9 =	sadd.s32 $0x68, s31;
	s12 =	sor.u32 $0x18, s11;
	[dreg:$0x8] =	wrdreg s0;
	v0 =	vsel vm5, $0xC700, v0;
	vm5 =	vcmask $0x1B18;
	v1 =	vsel vm6, $0x31D, v1  }
0x14: {  	vm4 =	vcmask $0xB10;
	[tilespmem:$0x1FFF0] =	vst v46;
	s2 =	sadd.s32 s2, s8;
	s8 =	simm.s32 $0x18480;
	[dreg:$0x6] =	wrdreg s9;
	v0 =	vsel vm6, $0xC740, v0;
	v63 =	vsel vm5, $0x31E, v1  }
0x15: {  	v19 =	vadd.s32 $0x3A00, v4;
	v20 =	vadd.s32 $0x3E00, v4;
	[dreg:$0x7] =	wrdreg s2;
	s2 =	simm.s32 $0x8;
	s9 =	simm.s32 $0x2;
	v21 =	vsel vm5, $0xC780, v0;
	[tilespmem:$0x1FF10] =	vst v63  }
.LBB2_1:
0x16: {  	[dreg:$0x9] =	wrdreg s19  }
0x17: {  	s0 =	rddreg [dreg:$0x4]  }
0x18: {  	[tilespmem:s3], [sflag:$0x8] =	stream.linear.gather [hbm4b:s0+s3], $0x1000, $0x38;
	[tilespmem:$0x1BCC0] =	vst v63  }
0x19: {  	_ =	swait.ge [sflag:s2], $0x1000  }
0x1a: {  	[sflag:s2] =	ssyncset.done $0x0  }
0x1b: {  	s31 =	rddreg [dreg:$0x5];
	[sflag:s2] =	ssyncadd.s32 $0xFFFFF000  }
0x1c: {  	[tilespmem:s16], [sflag:$0x8] =	stream.linear.gather [hbm4b:s31+s3], $0x340, $0x38;
	[tilespmem:$0x1BCC0] =	vst v63  }
0x1d: {  	_ =	swait.ge [sflag:s2], $0x340  }
0x1e: {  	[sflag:s2] =	ssyncset.done $0x0  }
0x1f: {  	[sflag:s2] =	ssyncadd.s32 $0xFFFFFCC0  }
0x20: {  	[tilespmem:s18], [sflag:$0x2] =	stream.indirect.gather [hbm4b:s4+s17], $0x40, s16, s17, $0xb8;
	[tilespmem:$0x1BCC0] =	vst v63  }
0x21: {  	s19 =	simm.s32 $0x2068;
	s20 =	simm.s32 $0x3F80  }
0x22: {  	[tilespmem:s20], [sflag:$0x2] =	stream.indirect.gather [hbm4b:s4+s17], $0x40, s19, s17, $0xb8;
	[tilespmem:$0x1BCC0] =	vst v63  }
0x23: {  	s21 =	simm.s32 $0x20D0;
	s29 =	simm.s32 $0x5880  }
0x24: {  	[tilespmem:s29], [sflag:$0x2] =	stream.indirect.gather [hbm4b:s4+s17], $0x40, s21, s17, $0xb8;
	[tilespmem:$0x1BCC0] =	vst v63  }
0x25: {  	s30 =	simm.s32 $0x2138;
	s31 =	simm.s32 $0x7180  }
0x26: {  	[tilespmem:s31], [sflag:$0x2] =	stream.indirect.gather [hbm4b:s4+s17], $0x40, s30, s17, $0xb8;
	[tilespmem:$0x1BCC0] =	vst v63  }
0x27: {  	v0 =	vld [tilespmem:$0x1FEF0];
	s19 =	simm.s32 $0x21A0;
	s20 =	simm.s32 $0x8A80  }
0x28: {  	[tilespmem:s20], [sflag:$0x2] =	stream.indirect.gather [hbm4b:s4+s17], $0x40, s19, s17, $0xb8;
	[tilespmem:$0x1BCC0] =	vst v63  }
0x29: {  	v1 =	vld [tilespmem:$0x1FEE0];
	s21 =	simm.s32 $0x2208;
	s29 =	simm.s32 $0xA380  }
0x2a: {  	[tilespmem:s29], [sflag:$0x2] =	stream.indirect.gather [hbm4b:s4+s17], $0x40, s21, s17, $0xb8;
	[tilespmem:$0x1BCC0] =	vst v63  }
0x2b: {  	v2 =	vld [tilespmem:$0x1FF00];
	s30 =	simm.s32 $0x2270;
	s31 =	simm.s32 $0xBC80  }
0x2c: {  	[tilespmem:s31], [sflag:$0x2] =	stream.indirect.gather [hbm4b:s4+s17], $0x40, s30, s17, $0xb8;
	[tilespmem:$0x1BCC0] =	vst v63  }
0x2d: {  	s19 =	simm.s32 $0x22D8;
	s20 =	simm.s32 $0xD580  }
0x2e: {  	[tilespmem:s20], [sflag:$0x2] =	stream.indirect.gather [hbm4b:s4+s17], $0x40, s19, s17, $0xb8;
	[tilespmem:$0x1BCC0] =	vst v63  }
0x2f: {  	v0 =	vld.idx.msk [tilespmem:v0+s3+$0x0], $0xffff;
	_ =	sdelay $0x1  }
0x30: {  	v1 =	vld.idx.msk [tilespmem:v1+s3+$0x0], $0xffff;
	_ =	sdelay $0x1  }
0x31: {  	v2 =	vld.idx.msk [tilespmem:v2+s3+$0x0], $0xffff;
	_ =	sdelay $0x2  }
0x32: {  	s21 =	simm.s32 $0x1400  }
0x33: {  	[tilespmem:s21], [sflag:$0x1] =	stream.indirect_vreg.gather [hbm4b:s4+s3], $0x40, v0, vm0, $0xb8;
	[tilespmem:$0x1BCC0] =	vst v63  }
0x34: {  	s29 =	simm.s32 $0x1800  }
0x35: {  	[tilespmem:s29], [sflag:$0x1] =	stream.indirect_vreg.gather [hbm4b:s5+s3], $0x40, v1, vm0, $0xb8;
	[tilespmem:$0x1BCC0] =	vst v63  }
0x36: {  	s30 =	simm.s32 $0x1C00  }
0x37: {  	[tilespmem:s30], [sflag:$0x1] =	stream.indirect_vreg.gather [hbm4b:s4+s3], $0x40, v2, vm0, $0xb8;
	[tilespmem:$0x1BCC0] =	vst v63  }
0x38: {  	s28 =	simm.s32 $0x0;
	s31 =	rddreg [dreg:$0x6]  }
0x39: {  	[tilespmem:s22], [sflag:$0x7] =	stream.linear.gather [hbm4b:s31+s3], $0x340, $0x38;
	[tilespmem:$0x1BCC0] =	vst v63  }
.LBB2_2:
0x3a: {  	_ =	swait.ge [sflag:s23], $0x340  }
0x3b: {  	[sflag:s23] =	ssyncset.done $0x0  }
0x3c: {  	[sflag:s23] =	ssyncadd.s32 $0xFFFFFCC0  }
0x3d: {  	[tilespmem:s24], [sflag:$0x3] =	stream.indirect.gather [hbm4b:s4+s17], $0x40, s22, s17, $0xb8;
	[tilespmem:$0x1BCC0] =	vst v63  }
0x3e: {  	s0 =	simm.s32 $0x23A8;
	s2 =	simm.s32 $0x10780  }
0x3f: {  	[tilespmem:s2], [sflag:$0x3] =	stream.indirect.gather [hbm4b:s4+s17], $0x40, s0, s17, $0xb8;
	[tilespmem:$0x1BCC0] =	vst v63  }
0x40: {  	s20 =	simm.s32 $0x2410;
	s21 =	simm.s32 $0x12080  }
0x41: {  	[tilespmem:s21], [sflag:$0x3] =	stream.indirect.gather [hbm4b:s4+s17], $0x40, s20, s17, $0xb8;
	[tilespmem:$0x1BCC0] =	vst v63  }
0x42: {  	s19 =	simm.s32 $0x13980;
	s2 =	simm.s32 $0x2478  }
0x43: {  	[tilespmem:s19], [sflag:$0x3] =	stream.indirect.gather [hbm4b:s4+s17], $0x40, s2, s17, $0xb8;
	[tilespmem:$0x1BCC0] =	vst v63  }
0x44: {  	s29 =	sshll.u32 s28, $0x1;
	s20 =	simm.s32 $0x24E0;
	s21 =	simm.s32 $0x15280  }
0x45: {  	[tilespmem:s21], [sflag:$0x3] =	stream.indirect.gather [hbm4b:s4+s17], $0x40, s20, s17, $0xb8;
	[tilespmem:$0x1BCC0] =	vst v63  }
0x46: {  	s2 =	simm.s32 $0x2548;
	s19 =	simm.s32 $0x16B80;
	s21 =	sand.u32 $0x2, s29  }
0x47: {  	[tilespmem:s19], [sflag:$0x3] =	stream.indirect.gather [hbm4b:s4+s17], $0x40, s2, s17, $0xb8;
	[tilespmem:$0x1BCC0] =	vst v63  }
0x48: {  	s20 =	simm.s32 $0x25B0;
	p0 =	sne.s32 s21, $0x0  }
0x49: {  	[tilespmem:s8], [sflag:$0x3] =	stream.indirect.gather [hbm4b:s4+s17], $0x40, s20, s17, $0xb8;
	[tilespmem:$0x1BCC0] =	vst v63  }
0x4a: {  	s2 =	simm.s32 @!p0 $0x1  }
0x4b: {  	[tilespmem:s13], [sflag:$0x3] =	stream.indirect.gather [hbm4b:s4+s17], $0x40, s10, s17, $0xb8;
	[tilespmem:$0x1BCC0] =	vst v63  }
0x4c: {  	_ =	swait.ge @!p0 [sflag:s2], $0x400  }
0x4d: {  	[sflag:s2] =	ssyncset.done @!p0 $0x0  }
0x4e: {  	[sflag:s2] =	ssyncadd.s32 @!p0 $0xFFFFFC00  }
0x4f: {  	_ =	swait.ge @!p0 [sflag:s2], $0x400  }
0x50: {  	[sflag:s2] =	ssyncset.done @!p0 $0x0  }
0x51: {  	[sflag:s2] =	ssyncadd.s32 @!p0 $0xFFFFFC00  }
0x52: {  	_ =	swait.ge @!p0 [sflag:s2], $0x400  }
0x53: {  	[sflag:s2] =	ssyncset.done @!p0 $0x0  }
0x54: {  	s0 =	sshll.u32 s21, $0x8;
	[sflag:s2] =	ssyncadd.s32 @!p0 $0xFFFFFC00  }
0x55: {  	v0 =	vld [tilespmem:s0+$0x1400]  }
0x56: {  	v1 =	vld [tilespmem:s0+$0x1800];
	_ =	sdelay $0x4  }
0x57: {  	v0 =	vmul.f32 v1, v0;
	_ =	sdelay $0x1  }
0x58: {  	v1 =	vld [tilespmem:s0+$0x1C00];
	[tilespmem:$0x1200] =	vst v0  }
0x59: {  	[tilespmem:$0x1240] =	vst v0  }
0x5a: {  	v2 =	vld [tilespmem:s0+$0x1410]  }
0x5b: {  	v3 =	vld [tilespmem:s0+$0x1810];
	_ =	sdelay $0x4  }
0x5c: {  	v2 =	vmul.f32 v3, v2;
	_ =	sdelay $0x1  }
0x5d: {  	v3 =	vld [tilespmem:s0+$0x1C10];
	[tilespmem:$0x1210] =	vst v2  }
0x5e: {  	[tilespmem:$0x1250] =	vst v2  }
0x5f: {  	v5 =	vld [tilespmem:s0+$0x1420]  }
0x60: {  	v6 =	vld [tilespmem:s0+$0x1820];
	_ =	sdelay $0x4  }
0x61: {  	v5 =	vmul.f32 v6, v5;
	_ =	sdelay $0x1  }
0x62: {  	v6 =	vld [tilespmem:s0+$0x1C20];
	[tilespmem:$0x1220] =	vst v5  }
0x63: {  	[tilespmem:$0x1260] =	vst v5  }
0x64: {  	v7 =	vld [tilespmem:s0+$0x1430]  }
0x65: {  	v8 =	vld [tilespmem:s0+$0x1830];
	_ =	sdelay $0x4  }
0x66: {  	v7 =	vmul.f32 v8, v7;
	_ =	sdelay $0x1  }
0x67: {  	v8 =	vld [tilespmem:s0+$0x1C30];
	[tilespmem:$0x1230] =	vst v7  }
0x68: {  	[tilespmem:$0x1270] =	vst v7  }
0x69: {  	v9 =	vld [tilespmem:s0+$0x1440]  }
0x6a: {  	v10 =	vld [tilespmem:s0+$0x1840];
	_ =	sdelay $0x4  }
0x6b: {  	v9 =	vmul.f32 v10, v9;
	_ =	sdelay $0x1  }
0x6c: {  	v10 =	vld [tilespmem:s0+$0x1C40];
	[tilespmem:$0x1280] =	vst v9  }
0x6d: {  	[tilespmem:$0x12C0] =	vst v9  }
0x6e: {  	v11 =	vld [tilespmem:s0+$0x1450]  }
0x6f: {  	v22 =	vld [tilespmem:s0+$0x1850];
	_ =	sdelay $0x4  }
0x70: {  	v11 =	vmul.f32 v22, v11;
	_ =	sdelay $0x1  }
0x71: {  	v22 =	vld [tilespmem:s0+$0x1C50];
	[tilespmem:$0x1290] =	vst v11  }
0x72: {  	[tilespmem:$0x12D0] =	vst v11  }
0x73: {  	v23 =	vld [tilespmem:s0+$0x1460]  }
0x74: {  	v24 =	vld [tilespmem:s0+$0x1860];
	_ =	sdelay $0x4  }
0x75: {  	v23 =	vmul.f32 v24, v23;
	_ =	sdelay $0x1  }
0x76: {  	v24 =	vld [tilespmem:s0+$0x1C60];
	[tilespmem:$0x12A0] =	vst v23  }
0x77: {  	[tilespmem:$0x12E0] =	vst v23  }
0x78: {  	v25 =	vld [tilespmem:s0+$0x1470]  }
0x79: {  	v26 =	vld [tilespmem:s0+$0x1870];
	_ =	sdelay $0x4  }
0x7a: {  	v25 =	vmul.f32 v26, v25;
	_ =	sdelay $0x1  }
0x7b: {  	v26 =	vld [tilespmem:s0+$0x1C70];
	[tilespmem:$0x12B0] =	vst v25  }
0x7c: {  	[tilespmem:$0x12F0] =	vst v25  }
0x7d: {  	v27 =	vld [tilespmem:s0+$0x1480]  }
0x7e: {  	v28 =	vld [tilespmem:s0+$0x1880];
	_ =	sdelay $0x4  }
0x7f: {  	v27 =	vmul.f32 v28, v27;
	_ =	sdelay $0x1  }
0x80: {  	v28 =	vld [tilespmem:s0+$0x1C80];
	[tilespmem:$0x1300] =	vst v27  }
0x81: {  	[tilespmem:$0x1340] =	vst v27  }
0x82: {  	v29 =	vld [tilespmem:s0+$0x1490]  }
0x83: {  	v30 =	vld [tilespmem:s0+$0x1890];
	_ =	sdelay $0x4  }
0x84: {  	v29 =	vmul.f32 v30, v29;
	_ =	sdelay $0x1  }
0x85: {  	v30 =	vld [tilespmem:s0+$0x1C90];
	[tilespmem:$0x1310] =	vst v29  }
0x86: {  	[tilespmem:$0x1350] =	vst v29  }
0x87: {  	v31 =	vld [tilespmem:s0+$0x14A0]  }
0x88: {  	v32 =	vld [tilespmem:s0+$0x18A0];
	_ =	sdelay $0x4  }
0x89: {  	v31 =	vmul.f32 v32, v31;
	_ =	sdelay $0x1  }
0x8a: {  	v60 =	vld [tilespmem:s0+$0x1CA0];
	[tilespmem:$0x1320] =	vst v31  }
0x8b: {  	[tilespmem:$0x1360] =	vst v31  }
0x8c: {  	v33 =	vld [tilespmem:s0+$0x14B0]  }
0x8d: {  	v34 =	vld [tilespmem:s0+$0x18B0];
	_ =	sdelay $0x4  }
0x8e: {  	v33 =	vmul.f32 v34, v33;
	_ =	sdelay $0x1  }
0x8f: {  	v61 =	vld [tilespmem:s0+$0x1CB0];
	[tilespmem:$0x1330] =	vst v33  }
0x90: {  	[tilespmem:$0x1370] =	vst v33  }
0x91: {  	v35 =	vld [tilespmem:s0+$0x14C0]  }
0x92: {  	v36 =	vld [tilespmem:s0+$0x18C0];
	_ =	sdelay $0x4  }
0x93: {  	v35 =	vmul.f32 v36, v35;
	_ =	sdelay $0x1  }
0x94: {  	v62 =	vld [tilespmem:s0+$0x1CC0];
	[tilespmem:$0x1380] =	vst v35  }
0x95: {  	[tilespmem:$0x13C0] =	vst v35  }
0x96: {  	v37 =	vld [tilespmem:s0+$0x14D0]  }
0x97: {  	v38 =	vld [tilespmem:s0+$0x18D0];
	_ =	sdelay $0x4  }
0x98: {  	v37 =	vmul.f32 v38, v37;
	_ =	sdelay $0x1  }
0x99: {  	v63 =	vld [tilespmem:s0+$0x1CD0];
	[tilespmem:$0x1390] =	vst v37  }
0x9a: {  	[tilespmem:$0x13D0] =	vst v37  }
0x9b: {  	v39 =	vld [tilespmem:s0+$0x14E0]  }
0x9c: {  	v40 =	vld [tilespmem:s0+$0x18E0];
	_ =	sdelay $0x3  }
0x9d: {  	v0 =	vmul.f32 v1, v0  }
0x9e: {  	v1 =	vmul.f32 v40, v39  }
0x9f: {  	v0 =	vadd.f32 $0.0e+00, v0;
	v2 =	vmul.f32 v3, v2  }
0xa0: {  	v9 =	vmul.f32 v10, v9;
	v3 =	vld [tilespmem:s0+$0x1CE0];
	[tilespmem:$0x13A0] =	vst v1  }
0xa1: {  	v0 =	vadd.f32 v2, v0;
	v2 =	vmul.f32 v6, v5;
	[tilespmem:$0x13E0] =	vst v1  }
0xa2: {  	v5 =	vadd.f32 $0.0e+00, v9;
	v6 =	vmul.f32 v22, v11;
	v9 =	vld [tilespmem:s0+$0x14F0]  }
0xa3: {  	v0 =	vadd.f32 v2, v0;
	v2 =	vmul.f32 v28, v27;
	v10 =	vld [tilespmem:s0+$0x18F0]  }
0xa4: {  	v5 =	vadd.f32 v6, v5;
	v6 =	vmul.f32 v24, v23;
	v11 =	vmul.f32 v62, v35  }
0xa5: {  	v7 =	vmul.f32 v8, v7;
	v2 =	vadd.f32 $0.0e+00, v2;
	v8 =	vmul.f32 v30, v29;
	v22 =	vld [tilespmem:s0+$0x1CF0]  }
0xa6: {  	v5 =	vadd.f32 v6, v5;
	v6 =	vadd.f32 $0.0e+00, v11;
	v11 =	vmul.f32 v63, v37  }
0xa7: {  	v23 =	vmul.f32 v26, v25;
	v2 =	vadd.f32 v8, v2;
	v8 =	vmul.f32 v60, v31  }
0xa8: {  	v6 =	vadd.f32 v11, v6;
	v1 =	vmul.f32 v3, v1;
	v3 =	vmul.f32 v10, v9  }
0xa9: {  	v0 =	vadd.f32 v7, v0;
	v2 =	vadd.f32 v8, v2;
	v7 =	vmul.f32 v61, v33  }
0xaa: {  	v5 =	vadd.f32 v23, v5;
	v1 =	vadd.f32 v1, v6;
	v6 =	vmul.f32 v22, v3  }
0xab: {  	(xrf2) =	vadd.scan.msk.f32 $0xffff, v0;
	v0 =	vadd.f32 v7, v2  }
0xac: {  	(xrf2) =	vadd.scan.msk.f32 $0xffff, v5;
	v1 =	vadd.f32 v6, v1  }
0xad: {  	(xrf2) =	vadd.scan.msk.f32 $0xffff, v0  }
0xae: {  	(xrf2) =	vadd.scan.msk.f32 $0xffff, v1;
	_ =	sdelay $0x6  }
0xaf: {  	s31 =	sshll.u32 s28, $0x3;
	v0, _, _ =	vpop (xrf2)  }
0xb0: {  	v2 =	vadd.s32 s31, v12;
	v0 =	vbroadcast v0, $0xF;
	v1, _, _ =	vpop (xrf2)  }
0xb1: {  	v2 =	vmin.u32 v2, $0x1FF;
	v5, _, _ =	vpop (xrf2);
	v1 =	vbroadcast v1, $0xF  }
0xb2: {  	v0 =	vnsel vm1, $0x0, v0;
	v5 =	vbroadcast v5, $0xF;
	v6, _, _ =	vpop (xrf2)  }
0xb3: {  	v0 =	vsel vm2, v0, v1;
	v1 =	vbroadcast v6, $0xF  }
0xb4: {  	[tilespmem:$0x13B0] =	vst v3;
	v0 =	vsel vm3, v0, v5  }
0xb5: {  	[tilespmem:$0x13F0] =	vst v3;
	v0 =	vsel vm4, v0, v1  }
0xb6: {  	[tilespmem:v2+s14+$0x0] =	vst.idx.msk $0xf, v0  }
0xb7: {  	_ =	swait.ge [sflag:s9], $0x1900  }
0xb8: {  	[sflag:s9] =	ssyncset.done $0x0  }
0xb9: {  	[sflag:s9] =	ssyncadd.s32 $0xFFFFE700  }
0xba: {  	_ =	swait.ge [sflag:s9], $0x1900  }
0xbb: {  	[sflag:s9] =	ssyncset.done $0x0  }
0xbc: {  	[sflag:s9] =	ssyncadd.s32 $0xFFFFE700  }
0xbd: {  	_ =	swait.ge [sflag:s9], $0x1900  }
0xbe: {  	[sflag:s9] =	ssyncset.done $0x0  }
0xbf: {  	[sflag:s9] =	ssyncadd.s32 $0xFFFFE700  }
0xc0: {  	_ =	swait.ge [sflag:s9], $0x1900  }
0xc1: {  	[sflag:s9] =	ssyncset.done $0x0  }
0xc2: {  	[sflag:s9] =	ssyncadd.s32 $0xFFFFE700  }
0xc3: {  	_ =	swait.ge [sflag:s9], $0x1900  }
0xc4: {  	[sflag:s9] =	ssyncset.done $0x0  }
0xc5: {  	[sflag:s9] =	ssyncadd.s32 $0xFFFFE700  }
0xc6: {  	_ =	swait.ge [sflag:s9], $0x1900  }
0xc7: {  	[sflag:s9] =	ssyncset.done $0x0  }
0xc8: {  	s30 =	sadd.s32 $0x2, s29;
	[sflag:s9] =	ssyncadd.s32 $0xFFFFE700  }
0xc9: {  	s19 =	smin.u32 s30, $0x7F;
	_ =	swait.ge [sflag:s9], $0x1900  }
0xca: {  	s0 =	sshll.u32 s19, $0x3;
	[sflag:s9] =	ssyncset.done $0x0  }
0xcb: {  	s0 =	sor.u32 s11, s0;
	[sflag:s9] =	ssyncadd.s32 $0xFFFFE700  }
0xcc: {  	s0 =	smul.u32 $0xD, s0;
	_ =	swait.ge [sflag:s9], $0x1900  }
0xcd: {  	[sflag:s9] =	ssyncset.done $0x0  }
0xce: {  	p0 =	seq.s32 s28, $0x0;
	s0 =	sadd.s32 s7, s0;
	v0 =	vlaneseq.u32;
	[sflag:s9] =	ssyncadd.s32 $0xFFFFE700  }
0xcf: {  	v1 =	vor.u32 v48, v0;
	[tilespmem:s16], [sflag:$0x6] =	stream.linear.gather [hbm4b:s0+s3], $0x340, $0x38;
	[tilespmem:$0x1BCC0] =	vst v63  }
0xd0: {  	s0 =	simm.s32 @!p0 $0x4  }
0xd1: {  	v2 =	vor.u32 v47, v0;
	_ =	swait.ge @!p0 [sflag:s0], $0x320  }
0xd2: {  	v5 =	vor.u32 v4, v0;
	v3 =	vadd.s32 $0x1, v0;
	[sflag:s0] =	ssyncset.done @!p0 $0x0  }
0xd3: {  	v0 =	vor.u32 v13, v0;
	v6 =	vand.u32 $0x3F, v3;
	[sflag:s0] =	ssyncadd.s32 @!p0 $0xFFFFFCE0  }
0xd4: {  	s20 =	simm.s32 $0x0;
	v7 =	vor.u32 v48, v6;
	v1 =	vld.idx.msk [tilespmem:v1+s18+$0x0], $0xffff  }
0xd5: {  	v3 =	vld [tilespmem:s20+$0x1200]  }
0xd6: {  	v11 =	vor.u32 v47, v6;
	v9 =	vld.idx.msk [tilespmem:v2+s18+$0x0], $0xffff  }
0xd7: {  	v29 =	vor.u32 v4, v6;
	v24 =	vld.idx.msk [tilespmem:v5+s18+$0x0], $0xffff;
	v2 =	vadd.s32 $0x1, v6  }
0xd8: {  	v23 =	vimm.f32 $0.0e+00;
	v28 =	vor.u32 v13, v6;
	v25 =	vld.idx.msk [tilespmem:v0+s18+$0x0], $0xffff;
	v5 =	vand.u32 $0x3F, v2  }
0xd9: {  	s21 =	simm.s32 $0x1;
	v31 =	vimm.f32 $0.0e+00;
	v0 =	vimm.f32 $0.0e+00;
	v2 =	vld.idx.msk [tilespmem:v7+s18+$0x0], $0xffff;
	v7 =	vor.u32 v47, v5  }
0xda: {  	v26 =	vld [tilespmem:s21+$0x1200];
	v27 =	vor.u32 v48, v5;
	v10 =	vor.u32 v4, v5;
	v6 =	vmul.f32 v1, v3  }
0xdb: {  	s2 =	simm.s32 $0x8;
	s0 =	simm.s32 $0xC;
	v30 =	vld.idx.msk [tilespmem:v11+s18+$0x0], $0xffff;
	v8 =	vor.u32 v13, v5;
	v9 =	vmul.f32 v9, v3;
	v1 =	vimm.f32 $0.0e+00  }
.LBB2_3:
0xdc: {  	p1 =	sne.s32 s0, $0xFC;
	v11 =	vmul.f32 v24, v3;
	v24 =	vld.idx.msk [tilespmem:v29+s18+$0x0], $0xffff;
	v23 =	vadd.f32 v6, v23;
	v22 =	vmovc v7;
	v29 =	vmov v10;
	s19 =	smov.u32 s0;
	s0 =	sadd.s32 $0x4, s0  }
.Ltmp0:
0xdd: {  	v7 =	vmul.f32 v25, v3;
	v25 =	vld.idx.msk [tilespmem:v28+s18+$0x0], $0xffff;
	v0 =	vadd.f32 v9, v0;
	v28 =	vmov v8;
	(pc) =	sbr.rel @p1 .LBB2_3-.Ltmp0, $4  }
0xde: {  	v5 =	vadd.s32 $0x1, v5;
	v31 =	vadd.f32 v11, v31  }
0xdf: {  	s20 =	sshra.s32 s2, $0x2;
	v5 =	vand.u32 $0x3F, v5;
	s2 =	smov.u32 s19;
	v1 =	vadd.f32 v7, v1;
	v6 =	vmul.f32 v2, v26;
	v2 =	vld.idx.msk [tilespmem:v27+s18+$0x0], $0xffff;
	v3 =	vmovc v26  }
0xe0: {  	v7 =	vor.u32 v47, v5;
	v27 =	vor.u32 v48, v5;
	v26 =	vld [tilespmem:s20+$0x1200]  }
0xe1: {  	v10 =	vor.u32 v4, v5;
	v8 =	vor.u32 v13, v5;
	v9 =	vmul.f32 v30, v3;
	v30 =	vld.idx.msk [tilespmem:v22+s18+$0x0], $0xffff  }
0xe2: {  	_ =	sdelay $0x3  }
0xe3: {  	v5 =	vld.idx.msk [tilespmem:v29+s18+$0x0], $0xffff  }
0xe4: {  	v11 =	vld.idx.msk [tilespmem:v28+s18+$0x0], $0xffff  }
0xe5: {  	s0 =	sshra.s32 s2, $0x2;
	v10 =	vld.idx.msk [tilespmem:v10+s18+$0x0], $0xffff  }
0xe6: {  	v24 =	vmul.f32 v24, v3;
	v22 =	vld [tilespmem:s0+$0x1200]  }
0xe7: {  	v6 =	vadd.f32 v6, v23;
	v3 =	vmul.f32 v25, v3;
	v8 =	vld.idx.msk [tilespmem:v8+s18+$0x0], $0xffff;
	v2 =	vmul.f32 v2, v26  }
0xe8: {  	v7 =	vld.idx.msk [tilespmem:v7+s18+$0x0], $0xffff;
	v0 =	vadd.f32 v9, v0;
	v9 =	vadd.f32 v24, v31;
	v23 =	vmul.f32 v30, v26  }
0xe9: {  	v24 =	vld.idx.msk [tilespmem:v27+s18+$0x0], $0xffff;
	v1 =	vadd.f32 v3, v1;
	v3 =	vmul.f32 v5, v26;
	v2 =	vadd.f32 v2, v6  }
0xea: {  	v5 =	vmul.f32 v11, v26;
	v6 =	vlaneseq.u32;
	v0 =	vadd.f32 v23, v0  }
0xeb: {  	v3 =	vadd.f32 v3, v9;
	v9 =	vmul.f32 v10, v22;
	v10 =	vor.u32 $0x10, v6  }
0xec: {  	v1 =	vadd.f32 v5, v1;
	v5 =	vmul.f32 v8, v22;
	v8 =	vor.u32 $0x20, v6  }
0xed: {  	v7 =	vmul.f32 v7, v22;
	v3 =	vadd.f32 v9, v3;
	v9 =	vor.u32 $0x30, v6  }
0xee: {  	v11 =	vmul.f32 v24, v22;
	v1 =	vadd.f32 v5, v1;
	v5 =	vor.u32 v43, v6  }
0xef: {  	v0 =	vadd.f32 v7, v0;
	[tilespmem:v6+s15+$0x0] =	vst.idx.msk $0xffff, v3  }
0xf0: {  	v2 =	vadd.f32 v11, v2;
	[tilespmem:v10+s15+$0x0] =	vst.idx.msk $0xffff, v1;
	v1 =	vor.u32 v42, v6  }
0xf1: {  	[tilespmem:v8+s15+$0x0] =	vst.idx.msk $0xffff, v0;
	v0 =	vor.u32 v16, v6  }
0xf2: {  	v3 =	vor.u32 v41, v6;
	[tilespmem:v9+s15+$0x0] =	vst.idx.msk $0xffff, v2;
	v2 =	vadd.s32 $0x1, v6  }
0xf3: {  	s20 =	simm.s32 $0x0;
	v5 =	vld.idx.msk [tilespmem:v5+s18+$0x0], $0xffff;
	v2 =	vand.u32 $0x3F, v2  }
0xf4: {  	v27 =	vld [tilespmem:s20+$0x1200];
	v6 =	vor.u32 v43, v2  }
0xf5: {  	v10 =	vor.u32 v42, v2;
	v1 =	vld.idx.msk [tilespmem:v1+s18+$0x0], $0xffff  }
0xf6: {  	v30 =	vor.u32 v16, v2;
	v24 =	vld.idx.msk [tilespmem:v0+s18+$0x0], $0xffff;
	v0 =	vadd.s32 $0x1, v2  }
0xf7: {  	s21 =	simm.s32 $0x1;
	v23 =	vimm.f32 $0.0e+00;
	v28 =	vor.u32 v41, v2;
	v2 =	vld.idx.msk [tilespmem:v3+s18+$0x0], $0xffff;
	v22 =	vand.u32 $0x3F, v0  }
0xf8: {  	v25 =	vld [tilespmem:s21+$0x1200];
	v0 =	vimm.f32 $0.0e+00;
	v31 =	vor.u32 v42, v22;
	v3 =	vor.u32 v43, v22  }
0xf9: {  	v9 =	vor.u32 v16, v22;
	v7 =	vor.u32 v41, v22;
	v26 =	vld.idx.msk [tilespmem:v6+s18+$0x0], $0xffff;
	v6 =	vmul.f32 v5, v27  }
0xfa: {  	s2 =	simm.s32 $0x8;
	s0 =	simm.s32 $0xC;
	v29 =	vld.idx.msk [tilespmem:v10+s18+$0x0], $0xffff;
	v5 =	vimm.f32 $0.0e+00;
	v8 =	vmul.f32 v1, v27;
	v1 =	vimm.f32 $0.0e+00  }
.LBB2_5:
0xfb: {  	p1 =	sne.s32 s0, $0xFC;
	v10 =	vmul.f32 v24, v27;
	v24 =	vld.idx.msk [tilespmem:v30+s18+$0x0], $0xffff;
	v23 =	vadd.f32 v6, v23;
	v11 =	vmovc v31;
	v30 =	vmov v9;
	s19 =	smov.u32 s0;
	s0 =	sadd.s32 $0x4, s0  }
.Ltmp1:
0xfc: {  	v9 =	vmul.f32 v2, v27;
	v2 =	vld.idx.msk [tilespmem:v28+s18+$0x0], $0xffff;
	v5 =	vadd.f32 v8, v5;
	v28 =	vmov v7;
	(pc) =	sbr.rel @p1 .LBB2_5-.Ltmp1, $4  }
0xfd: {  	v6 =	vadd.s32 $0x1, v22;
	v0 =	vadd.f32 v10, v0  }
0xfe: {  	s20 =	sshra.s32 s2, $0x2;
	v22 =	vand.u32 $0x3F, v6;
	s2 =	smov.u32 s19;
	v1 =	vadd.f32 v9, v1;
	v6 =	vmul.f32 v26, v25;
	v26 =	vld.idx.msk [tilespmem:v3+s18+$0x0], $0xffff;
	v27 =	vmovc v25  }
0xff: {  	v31 =	vor.u32 v42, v22;
	v3 =	vor.u32 v43, v22;
	v25 =	vld [tilespmem:s20+$0x1200]  }
0x100: {  	v9 =	vor.u32 v16, v22;
	v7 =	vor.u32 v41, v22;
	v8 =	vmul.f32 v29, v27;
	v29 =	vld.idx.msk [tilespmem:v11+s18+$0x0], $0xffff  }
0x101: {  	_ =	sdelay $0x3  }
0x102: {  	v10 =	vld.idx.msk [tilespmem:v30+s18+$0x0], $0xffff  }
0x103: {  	v11 =	vld.idx.msk [tilespmem:v28+s18+$0x0], $0xffff  }
0x104: {  	s0 =	sshra.s32 s2, $0x2;
	v9 =	vld.idx.msk [tilespmem:v9+s18+$0x0], $0xffff  }
0x105: {  	v24 =	vmul.f32 v24, v27;
	v2 =	vmul.f32 v2, v27;
	v22 =	vld [tilespmem:s0+$0x1200]  }
0x106: {  	v6 =	vadd.f32 v6, v23;
	v7 =	vld.idx.msk [tilespmem:v7+s18+$0x0], $0xffff;
	v5 =	vadd.f32 v8, v5;
	v8 =	vmul.f32 v26, v25  }
0x107: {  	v0 =	vadd.f32 v24, v0;
	v1 =	vadd.f32 v2, v1;
	v2 =	vld.idx.msk [tilespmem:v31+s18+$0x0], $0xffff;
	v23 =	vmul.f32 v29, v25  }
0x108: {  	v3 =	vld.idx.msk [tilespmem:v3+s18+$0x0], $0xffff;
	v10 =	vmul.f32 v10, v25;
	v6 =	vadd.f32 v8, v6;
	v8 =	vlaneseq.u32  }
0x109: {  	v11 =	vmul.f32 v11, v25;
	v5 =	vadd.f32 v23, v5;
	v23 =	vor.u32 $0x40, v8  }
0x10a: {  	v9 =	vmul.f32 v9, v22;
	v0 =	vadd.f32 v10, v0;
	v10 =	vor.u32 $0x50, v8  }
0x10b: {  	v7 =	vmul.f32 v7, v22;
	v1 =	vadd.f32 v11, v1;
	v11 =	vor.u32 $0x60, v8  }
0x10c: {  	v2 =	vmul.f32 v2, v22;
	v0 =	vadd.f32 v9, v0;
	v9 =	vor.u32 $0x70, v8  }
0x10d: {  	v3 =	vmul.f32 v3, v22;
	v1 =	vadd.f32 v7, v1;
	v7 =	vor.u32 v15, v8  }
0x10e: {  	v2 =	vadd.f32 v2, v5;
	[tilespmem:v23+s15+$0x0] =	vst.idx.msk $0xffff, v0  }
0x10f: {  	v0 =	vadd.f32 v3, v6;
	[tilespmem:v10+s15+$0x0] =	vst.idx.msk $0xffff, v1  }
0x110: {  	v1 =	vor.u32 v14, v8;
	[tilespmem:v11+s15+$0x0] =	vst.idx.msk $0xffff, v2  }
0x111: {  	v2 =	vadd.s32 $0x1, v8;
	[tilespmem:v9+s15+$0x0] =	vst.idx.msk $0xffff, v0;
	v0 =	vor.u32 v17, v8  }
0x112: {  	s20 =	simm.s32 $0x0;
	v3 =	vor.u32 v44, v8;
	v2 =	vand.u32 $0x3F, v2;
	v5 =	vld.idx.msk [tilespmem:v7+s18+$0x0], $0xffff  }
0x113: {  	v6 =	vor.u32 v15, v2;
	v27 =	vld [tilespmem:s20+$0x1200];
	_ =	sdelay $0x1  }
0x114: {  	v10 =	vor.u32 v14, v2;
	v1 =	vld.idx.msk [tilespmem:v1+s18+$0x0], $0xffff  }
0x115: {  	v30 =	vor.u32 v17, v2;
	v24 =	vld.idx.msk [tilespmem:v0+s18+$0x0], $0xffff;
	v0 =	vadd.s32 $0x1, v2  }
0x116: {  	v23 =	vimm.f32 $0.0e+00;
	v28 =	vor.u32 v44, v2;
	v2 =	vld.idx.msk [tilespmem:v3+s18+$0x0], $0xffff;
	v22 =	vand.u32 $0x3F, v0  }
0x117: {  	s21 =	simm.s32 $0x1;
	v26 =	vld.idx.msk [tilespmem:v6+s18+$0x0], $0xffff;
	v6 =	vmul.f32 v5, v27;
	v5 =	vimm.f32 $0.0e+00;
	v0 =	vimm.f32 $0.0e+00  }
0x118: {  	v25 =	vld [tilespmem:s21+$0x1200];
	v31 =	vor.u32 v14, v22;
	v3 =	vor.u32 v15, v22;
	v9 =	vor.u32 v17, v22  }
0x119: {  	s2 =	simm.s32 $0x8;
	s0 =	simm.s32 $0xC;
	v29 =	vld.idx.msk [tilespmem:v10+s18+$0x0], $0xffff;
	v7 =	vor.u32 v44, v22;
	v8 =	vmul.f32 v1, v27;
	v1 =	vimm.f32 $0.0e+00  }
.LBB2_7:
0x11a: {  	p1 =	sne.s32 s0, $0xFC;
	v10 =	vmul.f32 v24, v27;
	v24 =	vld.idx.msk [tilespmem:v30+s18+$0x0], $0xffff;
	v23 =	vadd.f32 v6, v23;
	v11 =	vmovc v31;
	v30 =	vmov v9;
	s19 =	smov.u32 s0;
	s0 =	sadd.s32 $0x4, s0  }
.Ltmp2:
0x11b: {  	v9 =	vmul.f32 v2, v27;
	v2 =	vld.idx.msk [tilespmem:v28+s18+$0x0], $0xffff;
	v5 =	vadd.f32 v8, v5;
	v28 =	vmov v7;
	(pc) =	sbr.rel @p1 .LBB2_7-.Ltmp2, $4  }
0x11c: {  	v6 =	vadd.s32 $0x1, v22;
	v0 =	vadd.f32 v10, v0  }
0x11d: {  	s20 =	sshra.s32 s2, $0x2;
	v22 =	vand.u32 $0x3F, v6;
	s2 =	smov.u32 s19;
	v1 =	vadd.f32 v9, v1;
	v6 =	vmul.f32 v26, v25;
	v26 =	vld.idx.msk [tilespmem:v3+s18+$0x0], $0xffff;
	v27 =	vmovc v25  }
0x11e: {  	v31 =	vor.u32 v14, v22;
	v3 =	vor.u32 v15, v22;
	v25 =	vld [tilespmem:s20+$0x1200]  }
0x11f: {  	v9 =	vor.u32 v17, v22;
	v7 =	vor.u32 v44, v22;
	v8 =	vmul.f32 v29, v27;
	v29 =	vld.idx.msk [tilespmem:v11+s18+$0x0], $0xffff  }
0x120: {  	_ =	sdelay $0x3  }
0x121: {  	v10 =	vld.idx.msk [tilespmem:v30+s18+$0x0], $0xffff  }
0x122: {  	v11 =	vld.idx.msk [tilespmem:v28+s18+$0x0], $0xffff  }
0x123: {  	s0 =	sshra.s32 s2, $0x2;
	v9 =	vld.idx.msk [tilespmem:v9+s18+$0x0], $0xffff  }
0x124: {  	v24 =	vmul.f32 v24, v27;
	v2 =	vmul.f32 v2, v27;
	v22 =	vld [tilespmem:s0+$0x1200]  }
0x125: {  	v6 =	vadd.f32 v6, v23;
	v7 =	vld.idx.msk [tilespmem:v7+s18+$0x0], $0xffff;
	v60 =	vlaneseq.u32;
	v5 =	vadd.f32 v8, v5  }
0x126: {  	v61 =	vor.u32 $0x90, v60;
	v1 =	vadd.f32 v2, v1;
	v2 =	vld.idx.msk [tilespmem:v31+s18+$0x0], $0xffff;
	v23 =	vmul.f32 v29, v25  }
0x127: {  	v3 =	vld.idx.msk [tilespmem:v3+s18+$0x0], $0xffff;
	v62 =	vor.u32 $0xA0, v60;
	v0 =	vadd.f32 v24, v0;
	v10 =	vmul.f32 v10, v25  }
0x128: {  	v11 =	vmul.f32 v11, v25;
	v5 =	vadd.f32 v23, v5;
	v23 =	vor.u32 $0x80, v60  }
0x129: {  	v59 =	vmul.f32 v26, v25;
	v9 =	vmul.f32 v9, v22;
	v0 =	vadd.f32 v10, v0  }
0x12a: {  	v63 =	vor.u32 $0xB0, v60;
	v7 =	vmul.f32 v7, v22;
	v1 =	vadd.f32 v11, v1  }
0x12b: {  	v6 =	vadd.f32 v59, v6;
	v2 =	vmul.f32 v2, v22;
	v0 =	vadd.f32 v9, v0  }
0x12c: {  	v3 =	vmul.f32 v3, v22;
	v1 =	vadd.f32 v7, v1;
	v7 =	vor.u32 v18, v60  }
0x12d: {  	v2 =	vadd.f32 v2, v5;
	[tilespmem:v23+s15+$0x0] =	vst.idx.msk $0xffff, v0  }
0x12e: {  	v0 =	vadd.f32 v3, v6;
	[tilespmem:v61+s15+$0x0] =	vst.idx.msk $0xffff, v1  }
0x12f: {  	[tilespmem:v62+s15+$0x0] =	vst.idx.msk $0xffff, v2  }
0x130: {  	v1 =	vadd.s32 $0x1, v60;
	[tilespmem:v63+s15+$0x0] =	vst.idx.msk $0xffff, v0  }
0x131: {  	s20 =	simm.s32 $0x0;
	v5 =	vand.u32 $0x3F, v1;
	v0 =	vld.idx.msk [tilespmem:v7+s18+$0x0], $0xffff  }
0x132: {  	s2 =	simm.s32 $0x4;
	s19 =	simm.s32 $0xC;
	s0 =	simm.s32 $0x8;
	v1 =	vimm.f32 $0.0e+00;
	v3 =	vor.u32 v18, v5;
	v2 =	vld [tilespmem:s20+$0x1200]  }
.LBB2_9:
0x133: {  	_ = 	snop  }
0x134: {  	p1 =	sne.s32 s19, $0xFC  }
.Ltmp3:
0x135: {  	_ = 	snop;
	(pc) =	sbr.rel @p1 .LBB2_9-.Ltmp3, $4  }
0x136: {  	_ = 	snop  }
0x137: {  	v5 =	vadd.s32 $0x1, v5;
	v6 =	vmul.f32 v0, v2  }
0x138: {  	s20 =	smov.u32 s19;
	s21 =	sshra.s32 s2, $0x2;
	v5 =	vand.u32 $0x3F, v5;
	v0 =	vld.idx.msk [tilespmem:v3+s18+$0x0], $0xffff  }
0x139: {  	s19 =	sadd.s32 $0x4, s19;
	s2 =	smov.u32 s0;
	s0 =	smov.u32 s20;
	v3 =	vor.u32 v18, v5;
	v2 =	vld [tilespmem:s21+$0x1200];
	v1 =	vadd.f32 v6, v1  }
0x13a: {  	v5 =	vadd.s32 $0x1, v5  }
0x13b: {  	v5 =	vand.u32 $0x3F, v5  }
0x13c: {  	v5 =	vor.u32 v18, v5;
	_ =	sdelay $0x1  }
0x13d: {  	s2 =	sshra.s32 s2, $0x2;
	v3 =	vld.idx.msk [tilespmem:v3+s18+$0x0], $0xffff  }
0x13e: {  	s0 =	sshra.s32 s0, $0x2;
	v6 =	vld [tilespmem:s2+$0x1200]  }
0x13f: {  	v7 =	vld [tilespmem:s0+$0x1200]  }
0x140: {  	v5 =	vld.idx.msk [tilespmem:v5+s18+$0x0], $0xffff  }
0x141: {  	v0 =	vmul.f32 v0, v2;
	_ =	sdelay $0x1  }
0x142: {  	v2 =	vlaneseq.u32;
	v0 =	vadd.f32 v0, v1;
	v1 =	vmul.f32 v3, v6  }
0x143: {  	v3 =	vor.u32 $0xC0, v2  }
0x144: {  	v0 =	vadd.f32 v1, v0;
	v1 =	vmul.f32 v5, v7;
	v5 =	vor.u32 v20, v2;
	_ =	sdelay $0x1  }
0x145: {  	v0 =	vadd.f32 v1, v0  }
0x146: {  	v1 =	vor.u32 v19, v2  }
0x147: {  	s20 =	simm.s32 $0x0;
	[tilespmem:v3+s15+$0x0] =	vst.idx.msk $0xff, v0;
	v0 =	vor.u32 v45, v2;
	v3 =	vadd.s32 $0x1, v2  }
0x148: {  	s0 =	sand.u32 $0x3F, s20;
	v2 =	vor.u32 v46, v2;
	v5 =	vld.idx.msk [tilespmem:v5+s18+$0x0], $0xffff;
	v3 =	vand.u32 $0x3F, v3  }
0x149: {  	v27 =	vld [tilespmem:s0+$0x1280];
	v6 =	vor.u32 v20, v3;
	_ =	sdelay $0x1  }
0x14a: {  	v10 =	vor.u32 v19, v3;
	v1 =	vld.idx.msk [tilespmem:v1+s18+$0x0], $0xffff  }
0x14b: {  	v30 =	vor.u32 v45, v3;
	v24 =	vld.idx.msk [tilespmem:v0+s18+$0x0], $0xffff;
	v0 =	vadd.s32 $0x1, v3  }
0x14c: {  	v23 =	vimm.f32 $0.0e+00;
	s21 =	simm.s32 $0x1;
	v28 =	vor.u32 v46, v3;
	v2 =	vld.idx.msk [tilespmem:v2+s18+$0x0], $0xffff;
	v22 =	vand.u32 $0x3F, v0  }
0x14d: {  	s0 =	sand.u32 $0x3F, s21;
	v0 =	vimm.f32 $0.0e+00;
	v26 =	vld.idx.msk [tilespmem:v6+s18+$0x0], $0xffff;
	v6 =	vmul.f32 v5, v27;
	v31 =	vor.u32 v19, v22  }
0x14e: {  	v25 =	vld [tilespmem:s0+$0x1280];
	v3 =	vor.u32 v20, v22;
	v9 =	vor.u32 v45, v22;
	v7 =	vor.u32 v46, v22  }
0x14f: {  	s2 =	simm.s32 $0x2;
	s0 =	simm.s32 $0x3;
	v29 =	vld.idx.msk [tilespmem:v10+s18+$0x0], $0xffff;
	v5 =	vimm.f32 $0.0e+00;
	v8 =	vmul.f32 v1, v27;
	v1 =	vimm.f32 $0.0e+00  }
.LBB2_11:
0x150: {  	p1 =	sne.s32 s0, $0x3F;
	v10 =	vmul.f32 v24, v27;
	v24 =	vld.idx.msk [tilespmem:v30+s18+$0x0], $0xffff;
	v23 =	vadd.f32 v6, v23;
	v11 =	vmovc v31;
	v30 =	vmov v9;
	s19 =	smov.u32 s0;
	s0 =	sadd.s32 $0x1, s0  }
.Ltmp4:
0x151: {  	v9 =	vmul.f32 v2, v27;
	v2 =	vld.idx.msk [tilespmem:v28+s18+$0x0], $0xffff;
	v5 =	vadd.f32 v8, v5;
	v28 =	vmov v7;
	(pc) =	sbr.rel @p1 .LBB2_11-.Ltmp4, $4  }
0x152: {  	v6 =	vadd.s32 $0x1, v22;
	v0 =	vadd.f32 v10, v0  }
0x153: {  	s20 =	sand.u32 $0x3F, s2;
	v22 =	vand.u32 $0x3F, v6;
	s2 =	smov.u32 s19;
	v1 =	vadd.f32 v9, v1;
	v6 =	vmul.f32 v26, v25;
	v26 =	vld.idx.msk [tilespmem:v3+s18+$0x0], $0xffff;
	v27 =	vmovc v25  }
0x154: {  	v31 =	vor.u32 v19, v22;
	v3 =	vor.u32 v20, v22;
	v25 =	vld [tilespmem:s20+$0x1280]  }
0x155: {  	v9 =	vor.u32 v45, v22;
	v7 =	vor.u32 v46, v22;
	v8 =	vmul.f32 v29, v27;
	v29 =	vld.idx.msk [tilespmem:v11+s18+$0x0], $0xffff  }
0x156: {  	_ =	sdelay $0x3  }
0x157: {  	v10 =	vld.idx.msk [tilespmem:v30+s18+$0x0], $0xffff  }
0x158: {  	v11 =	vld.idx.msk [tilespmem:v28+s18+$0x0], $0xffff  }
0x159: {  	s0 =	sand.u32 $0x3F, s2;
	v9 =	vld.idx.msk [tilespmem:v9+s18+$0x0], $0xffff  }
0x15a: {  	v24 =	vmul.f32 v24, v27;
	v2 =	vmul.f32 v2, v27;
	v22 =	vld [tilespmem:s0+$0x1280]  }
0x15b: {  	v6 =	vadd.f32 v6, v23;
	v7 =	vld.idx.msk [tilespmem:v7+s18+$0x0], $0xffff;
	v5 =	vadd.f32 v8, v5;
	v8 =	vmul.f32 v26, v25  }
0x15c: {  	v0 =	vadd.f32 v24, v0;
	v1 =	vadd.f32 v2, v1;
	v2 =	vld.idx.msk [tilespmem:v31+s18+$0x0], $0xffff;
	v23 =	vmul.f32 v29, v25  }
0x15d: {  	v3 =	vld.idx.msk [tilespmem:v3+s18+$0x0], $0xffff;
	v10 =	vmul.f32 v10, v25;
	v6 =	vadd.f32 v8, v6;
	v8 =	vlaneseq.u32  }
0x15e: {  	v11 =	vmul.f32 v11, v25;
	v5 =	vadd.f32 v23, v5;
	v24 =	vadd.s32 $0xC8, v8  }
0x15f: {  	v9 =	vmul.f32 v9, v22;
	v60 =	vadd.s32 $0xD8, v8;
	v0 =	vadd.f32 v10, v0  }
0x160: {  	v7 =	vmul.f32 v7, v22;
	v61 =	vadd.s32 $0xE8, v8;
	v1 =	vadd.f32 v11, v1  }
0x161: {  	v62 =	vadd.s32 $0xF8, v8;
	v2 =	vmul.f32 v2, v22;
	v0 =	vadd.f32 v9, v0  }
0x162: {  	v3 =	vmul.f32 v3, v22;
	v23 =	vadd.s32 $0x4200, v4;
	v1 =	vadd.f32 v7, v1  }
0x163: {  	v2 =	vadd.f32 v2, v5;
	[tilespmem:v24+s15+$0x0] =	vst.idx.msk $0xffff, v0;
	v0 =	vor.u32 v23, v8  }
0x164: {  	v3 =	vadd.f32 v3, v6;
	[tilespmem:v60+s15+$0x0] =	vst.idx.msk $0xffff, v1  }
0x165: {  	s20 =	simm.s32 $0x0;
	v24 =	vadd.s32 $0x4600, v4;
	[tilespmem:v61+s15+$0x0] =	vst.idx.msk $0xffff, v2  }
0x166: {  	s0 =	sand.u32 $0x3F, s20;
	v25 =	vadd.s32 $0x4A00, v4;
	v1 =	vor.u32 v24, v8;
	[tilespmem:v62+s15+$0x0] =	vst.idx.msk $0xffff, v3  }
0x167: {  	v2 =	vor.u32 v25, v8;
	v27 =	vld [tilespmem:s0+$0x1280]  }
0x168: {  	v26 =	vadd.s32 $0x4E00, v4;
	v0 =	vld.idx.msk [tilespmem:v0+s18+$0x0], $0xffff  }
0x169: {  	v5 =	vadd.s32 $0x1, v8;
	v3 =	vor.u32 v26, v8  }
0x16a: {  	v5 =	vand.u32 $0x3F, v5  }
0x16b: {  	v7 =	vor.u32 v23, v5;
	v6 =	vld.idx.msk [tilespmem:v1+s18+$0x0], $0xffff  }
0x16c: {  	v8 =	vor.u32 v24, v5;
	v2 =	vld.idx.msk [tilespmem:v2+s18+$0x0], $0xffff  }
0x16d: {  	s21 =	simm.s32 $0x1;
	v63 =	vmul.f32 v0, v27;
	v0 =	vor.u32 v25, v5  }
0x16e: {  	s0 =	sand.u32 $0x3F, s21;
	v1 =	vor.u32 v26, v5;
	v30 =	vld.idx.msk [tilespmem:v3+s18+$0x0], $0xffff  }
0x16f: {  	v33 =	vimm.f32 $0.0e+00;
	v31 =	vld [tilespmem:s0+$0x1280];
	v3 =	vadd.s32 $0x1, v5  }
0x170: {  	v29 =	vimm.f32 $0.0e+00;
	v32 =	vld.idx.msk [tilespmem:v7+s18+$0x0], $0xffff;
	v3 =	vand.u32 $0x3F, v3;
	v5 =	vmul.f32 v6, v27  }
0x171: {  	s2 =	simm.s32 $0x2;
	s19 =	simm.s32 $0x4;
	s0 =	simm.s32 $0x3;
	v34 =	vld.idx.msk [tilespmem:v8+s18+$0x0], $0xffff;
	v28 =	vadd.f32 v63, v29;
	v6 =	vmul.f32 v2, v27;
	v2 =	vimm.f32 $0.0e+00  }
.LBB2_13:
0x172: {  	p1 =	sne.s32 s19, $0x3F;
	v7 =	vor.u32 v23, v3;
	v8 =	vor.u32 v24, v3;
	v9 =	vld.idx.msk [tilespmem:v0+s18+$0x0], $0xffff;
	v0 =	vor.u32 v25, v3  }
0x173: {  	v29 =	vadd.f32 v5, v29;
	v5 =	vmul.f32 v30, v27;
	v30 =	vld.idx.msk [tilespmem:v1+s18+$0x0], $0xffff;
	v1 =	vor.u32 v26, v3  }
.Ltmp5:
0x174: {  	v2 =	vadd.f32 v6, v2;
	v27 =	vmov v31;
	(pc) =	sbr.rel @p1 .LBB2_13-.Ltmp5, $4  }
0x175: {  	s20 =	sand.u32 $0x3F, s2;
	s2 =	smov.u32 s0;
	s0 =	smov.u32 s19;
	v33 =	vadd.f32 v5, v33  }
0x176: {  	v6 =	vmul.f32 v32, v27;
	v31 =	vld [tilespmem:s20+$0x1280]  }
0x177: {  	v3 =	vadd.s32 $0x1, v3;
	v5 =	vmul.f32 v34, v27;
	v32 =	vld.idx.msk [tilespmem:v7+s18+$0x0], $0xffff  }
0x178: {  	s19 =	sadd.s32 $0x1, s19;
	v3 =	vand.u32 $0x3F, v3;
	v28 =	vadd.f32 v6, v28;
	v6 =	vmul.f32 v9, v27;
	v34 =	vld.idx.msk [tilespmem:v8+s18+$0x0], $0xffff  }
0x179: {  	_ =	sdelay $0x2  }
0x17a: {  	v7 =	vor.u32 v23, v3  }
0x17b: {  	v8 =	vor.u32 v24, v3;
	v0 =	vld.idx.msk [tilespmem:v0+s18+$0x0], $0xffff  }
0x17c: {  	v9 =	vor.u32 v25, v3;
	v10 =	vor.u32 v26, v3;
	v1 =	vld.idx.msk [tilespmem:v1+s18+$0x0], $0xffff;
	s2 =	sand.u32 $0x3F, s2;
	v3 =	vadd.s32 $0x1, v3  }
0x17d: {  	s0 =	sand.u32 $0x3F, s0;
	v11 =	vld [tilespmem:s2+$0x1280];
	v3 =	vand.u32 $0x3F, v3  }
0x17e: {  	v27 =	vmul.f32 v30, v27;
	v30 =	vld [tilespmem:s0+$0x1280];
	v22 =	vor.u32 v23, v3  }
0x17f: {  	v35 =	vor.u32 v24, v3;
	v7 =	vld.idx.msk [tilespmem:v7+s18+$0x0], $0xffff  }
0x180: {  	v36 =	vor.u32 v25, v3;
	v8 =	vld.idx.msk [tilespmem:v8+s18+$0x0], $0xffff  }
0x181: {  	v5 =	vadd.f32 v5, v29;
	v3 =	vor.u32 v26, v3;
	v9 =	vld.idx.msk [tilespmem:v9+s18+$0x0], $0xffff  }
0x182: {  	v60 =	vlaneseq.u32;
	v2 =	vadd.f32 v6, v2;
	v6 =	vmul.f32 v32, v31;
	v10 =	vld.idx.msk [tilespmem:v10+s18+$0x0], $0xffff  }
0x183: {  	v27 =	vadd.f32 v27, v33;
	v29 =	vmul.f32 v34, v31;
	v0 =	vmul.f32 v0, v31;
	v22 =	vld.idx.msk [tilespmem:v22+s18+$0x0], $0xffff  }
0x184: {  	v1 =	vmul.f32 v1, v31;
	v6 =	vadd.f32 v6, v28;
	v28 =	vld.idx.msk [tilespmem:v35+s18+$0x0], $0xffff;
	v7 =	vmul.f32 v7, v11  }
0x185: {  	v5 =	vadd.f32 v29, v5;
	v0 =	vadd.f32 v0, v2;
	v2 =	vmul.f32 v8, v11;
	v8 =	vld.idx.msk [tilespmem:v36+s18+$0x0], $0xffff  }
0x186: {  	v61 =	vadd.s32 $0x108, v60;
	v3 =	vld.idx.msk [tilespmem:v3+s18+$0x0], $0xffff;
	v6 =	vadd.f32 v7, v6;
	v7 =	vmul.f32 v9, v11  }
0x187: {  	v1 =	vadd.f32 v1, v27;
	v2 =	vadd.f32 v2, v5;
	v5 =	vmul.f32 v10, v11  }
0x188: {  	v62 =	vadd.s32 $0x118, v60;
	v0 =	vadd.f32 v7, v0;
	v7 =	vmul.f32 v22, v30  }
0x189: {  	v1 =	vadd.f32 v5, v1;
	v5 =	vmul.f32 v28, v30;
	v22 =	vadd.s32 $0x128, v60  }
0x18a: {  	v6 =	vadd.f32 v7, v6;
	v7 =	vmul.f32 v8, v30;
	v8 =	vadd.s32 $0x138, v60  }
0x18b: {  	v27 =	vadd.s32 $0x5200, v4;
	v3 =	vmul.f32 v3, v30;
	v2 =	vadd.f32 v5, v2  }
0x18c: {  	v5 =	vor.u32 v27, v60;
	v0 =	vadd.f32 v7, v0;
	[tilespmem:v61+s15+$0x0] =	vst.idx.msk $0xffff, v6  }
0x18d: {  	v28 =	vadd.s32 $0x5600, v4;
	v1 =	vadd.f32 v3, v1;
	[tilespmem:v62+s15+$0x0] =	vst.idx.msk $0xffff, v2  }
0x18e: {  	s20 =	simm.s32 $0x0;
	v29 =	vadd.s32 $0x5A00, v4;
	[tilespmem:v22+s15+$0x0] =	vst.idx.msk $0xffff, v0;
	v0 =	vor.u32 v28, v60  }
0x18f: {  	s0 =	sand.u32 $0x3F, s20;
	[tilespmem:v8+s15+$0x0] =	vst.idx.msk $0xffff, v1;
	v1 =	vor.u32 v29, v60  }
0x190: {  	v30 =	vadd.s32 $0x5E00, v4;
	v31 =	vld [tilespmem:s0+$0x1280]  }
0x191: {  	v2 =	vor.u32 v30, v60;
	v3 =	vld.idx.msk [tilespmem:v5+s18+$0x0], $0xffff;
	v5 =	vadd.s32 $0x1, v60  }
0x192: {  	v5 =	vand.u32 $0x3F, v5  }
0x193: {  	v7 =	vor.u32 v27, v5;
	v6 =	vld.idx.msk [tilespmem:v0+s18+$0x0], $0xffff  }
0x194: {  	v8 =	vor.u32 v28, v5;
	v63 =	vld.idx.msk [tilespmem:v1+s18+$0x0], $0xffff  }
0x195: {  	s21 =	simm.s32 $0x1;
	v0 =	vor.u32 v29, v5  }
0x196: {  	s0 =	sand.u32 $0x3F, s21;
	v35 =	vld.idx.msk [tilespmem:v2+s18+$0x0], $0xffff;
	v1 =	vor.u32 v30, v5;
	v2 =	vmul.f32 v3, v31  }
0x197: {  	v34 =	vimm.f32 $0.0e+00;
	v33 =	vld [tilespmem:s0+$0x1280];
	v3 =	vadd.s32 $0x1, v5  }
0x198: {  	v38 =	vimm.f32 $0.0e+00;
	v3 =	vand.u32 $0x3F, v3;
	v36 =	vld.idx.msk [tilespmem:v7+s18+$0x0], $0xffff;
	v32 =	vadd.f32 v2, v34  }
0x199: {  	s19 =	simm.s32 $0x4;
	s2 =	simm.s32 $0x2;
	s0 =	simm.s32 $0x3;
	v37 =	vld.idx.msk [tilespmem:v8+s18+$0x0], $0xffff;
	v2 =	vimm.f32 $0.0e+00;
	v5 =	vmul.f32 v6, v31;
	v6 =	vmul.f32 v63, v31  }
.LBB2_15:
0x19a: {  	p1 =	sne.s32 s19, $0x3F;
	v7 =	vor.u32 v27, v3;
	v8 =	vor.u32 v28, v3;
	v9 =	vld.idx.msk [tilespmem:v0+s18+$0x0], $0xffff;
	v0 =	vor.u32 v29, v3  }
0x19b: {  	v34 =	vadd.f32 v5, v34;
	v5 =	vmul.f32 v35, v31;
	v35 =	vld.idx.msk [tilespmem:v1+s18+$0x0], $0xffff;
	v1 =	vor.u32 v30, v3  }
.Ltmp6:
0x19c: {  	v2 =	vadd.f32 v6, v2;
	v31 =	vmov v33;
	(pc) =	sbr.rel @p1 .LBB2_15-.Ltmp6, $4  }
0x19d: {  	s20 =	sand.u32 $0x3F, s2;
	s2 =	smov.u32 s0;
	s0 =	smov.u32 s19;
	v38 =	vadd.f32 v5, v38  }
0x19e: {  	v6 =	vmul.f32 v36, v31;
	v33 =	vld [tilespmem:s20+$0x1280]  }
0x19f: {  	v3 =	vadd.s32 $0x1, v3;
	v5 =	vmul.f32 v37, v31;
	v36 =	vld.idx.msk [tilespmem:v7+s18+$0x0], $0xffff  }
0x1a0: {  	s19 =	sadd.s32 $0x1, s19;
	v3 =	vand.u32 $0x3F, v3;
	v32 =	vadd.f32 v6, v32;
	v6 =	vmul.f32 v9, v31;
	v37 =	vld.idx.msk [tilespmem:v8+s18+$0x0], $0xffff  }
0x1a1: {  	_ =	sdelay $0x1  }
0x1a2: {  	v7 =	vor.u32 v27, v3  }
0x1a3: {  	v8 =	vor.u32 v28, v3  }
0x1a4: {  	v9 =	vor.u32 v29, v3;
	v0 =	vld.idx.msk [tilespmem:v0+s18+$0x0], $0xffff;
	v10 =	vor.u32 v30, v3;
	v3 =	vadd.s32 $0x1, v3  }
0x1a5: {  	v1 =	vld.idx.msk [tilespmem:v1+s18+$0x0], $0xffff;
	s2 =	sand.u32 $0x3F, s2;
	v3 =	vand.u32 $0x3F, v3  }
0x1a6: {  	v11 =	vld [tilespmem:s2+$0x1280];
	v22 =	vor.u32 v27, v3  }
0x1a7: {  	s0 =	sand.u32 $0x3F, s0;
	v7 =	vld.idx.msk [tilespmem:v7+s18+$0x0], $0xffff  }
0x1a8: {  	v57 =	vld [tilespmem:s0+$0x1280];
	v39 =	vor.u32 v28, v3  }
0x1a9: {  	v5 =	vadd.f32 v5, v34;
	v56 =	vor.u32 v29, v3;
	v8 =	vld.idx.msk [tilespmem:v8+s18+$0x0], $0xffff  }
0x1aa: {  	v2 =	vadd.f32 v6, v2;
	v3 =	vor.u32 v30, v3;
	v6 =	vmul.f32 v36, v33;
	v9 =	vld.idx.msk [tilespmem:v9+s18+$0x0], $0xffff  }
0x1ab: {  	v31 =	vmul.f32 v35, v31;
	v59 =	vlaneseq.u32;
	v0 =	vmul.f32 v0, v33;
	v22 =	vld.idx.msk [tilespmem:v22+s18+$0x0], $0xffff  }
0x1ac: {  	v61 =	vadd.s32 $0x158, v59;
	v10 =	vld.idx.msk [tilespmem:v10+s18+$0x0], $0xffff;
	v6 =	vadd.f32 v6, v32;
	v7 =	vmul.f32 v7, v11  }
0x1ad: {  	v62 =	vadd.s32 $0x168, v59;
	v58 =	vmul.f32 v37, v33;
	v0 =	vadd.f32 v0, v2;
	v2 =	vld.idx.msk [tilespmem:v39+s18+$0x0], $0xffff  }
0x1ae: {  	v63 =	vadd.s32 $0x178, v59;
	v31 =	vadd.f32 v31, v38;
	v6 =	vadd.f32 v7, v6;
	v7 =	vld.idx.msk [tilespmem:v56+s18+$0x0], $0xffff  }
0x1af: {  	v1 =	vmul.f32 v1, v33;
	v5 =	vadd.f32 v58, v5;
	v3 =	vld.idx.msk [tilespmem:v3+s18+$0x0], $0xffff;
	v8 =	vmul.f32 v8, v11  }
0x1b0: {  	v9 =	vmul.f32 v9, v11;
	v60 =	vmul.f32 v22, v57;
	v22 =	vadd.s32 $0x148, v59  }
0x1b1: {  	v38 =	vadd.s32 $0x6200, v4;
	v1 =	vadd.f32 v1, v31;
	v10 =	vmul.f32 v10, v11  }
0x1b2: {  	v5 =	vadd.f32 v8, v5;
	v0 =	vadd.f32 v9, v0;
	v2 =	vmul.f32 v2, v57  }
0x1b3: {  	v1 =	vadd.f32 v10, v1;
	v6 =	vadd.f32 v60, v6;
	v7 =	vmul.f32 v7, v57  }
0x1b4: {  	v3 =	vmul.f32 v3, v57;
	v2 =	vadd.f32 v2, v5;
	v5 =	vor.u32 v38, v59  }
0x1b5: {  	[tilespmem:v22+s15+$0x0] =	vst.idx.msk $0xffff, v6;
	v0 =	vadd.f32 v7, v0  }
0x1b6: {  	v1 =	vadd.f32 v3, v1;
	[tilespmem:v61+s15+$0x0] =	vst.idx.msk $0xffff, v2  }
0x1b7: {  	[tilespmem:v62+s15+$0x0] =	vst.idx.msk $0xffff, v0  }
0x1b8: {  	s21 =	simm.s32 $0x0;
	[tilespmem:v63+s15+$0x0] =	vst.idx.msk $0xffff, v1;
	v1 =	vadd.s32 $0x1, v59  }
0x1b9: {  	s20 =	sand.u32 $0x3F, s21;
	v0 =	vld.idx.msk [tilespmem:v5+s18+$0x0], $0xffff;
	v2 =	vand.u32 $0x3F, v1  }
0x1ba: {  	v3 =	vld [tilespmem:s20+$0x1280];
	v5 =	vor.u32 v38, v2  }
0x1bb: {  	s19 =	simm.s32 $0x3;
	s2 =	simm.s32 $0x1;
	s0 =	simm.s32 $0x2;
	v1 =	vimm.f32 $0.0e+00  }
.LBB2_17:
0x1bc: {  	p1 =	sne.s32 s19, $0x3F  }
.Ltmp7:
0x1bd: {  	s20 =	smov.u32 s19;
	s19 =	sadd.s32 $0x1, s19;
	(pc) =	sbr.rel @p1 .LBB2_17-.Ltmp7, $4  }
0x1be: {  	v2 =	vadd.s32 $0x1, v2  }
0x1bf: {  	s21 =	sand.u32 $0x3F, s2;
	s2 =	smov.u32 s0;
	v2 =	vand.u32 $0x3F, v2;
	s0 =	smov.u32 s20;
	v6 =	vmul.f32 v0, v3;
	v0 =	vld.idx.msk [tilespmem:v5+s18+$0x0], $0xffff  }
0x1c0: {  	v5 =	vor.u32 v38, v2;
	v3 =	vld [tilespmem:s21+$0x1280]  }
0x1c1: {  	v1 =	vadd.f32 v6, v1  }
0x1c2: {  	v2 =	vadd.s32 $0x1, v2  }
0x1c3: {  	v2 =	vand.u32 $0x3F, v2  }
0x1c4: {  	v2 =	vor.u32 v38, v2;
	_ =	sdelay $0x1  }
0x1c5: {  	s2 =	sand.u32 $0x3F, s2;
	v5 =	vld.idx.msk [tilespmem:v5+s18+$0x0], $0xffff  }
0x1c6: {  	s0 =	sand.u32 $0x3F, s0;
	v6 =	vld [tilespmem:s2+$0x1280]  }
0x1c7: {  	v7 =	vld [tilespmem:s0+$0x1280]  }
0x1c8: {  	v2 =	vld.idx.msk [tilespmem:v2+s18+$0x0], $0xffff  }
0x1c9: {  	v0 =	vmul.f32 v0, v3;
	_ =	sdelay $0x1  }
0x1ca: {  	v3 =	vlaneseq.u32;
	v0 =	vadd.f32 v0, v1;
	v1 =	vmul.f32 v5, v6  }
0x1cb: {  	v5 =	vadd.s32 $0x188, v3  }
0x1cc: {  	v0 =	vadd.f32 v1, v0;
	v1 =	vmul.f32 v2, v7  }
0x1cd: {  	v31 =	vor.u32 $0x6400, v4  }
0x1ce: {  	v32 =	vor.u32 $0x6800, v4;
	v2 =	vor.u32 v31, v3;
	v0 =	vadd.f32 v1, v0  }
0x1cf: {  	v33 =	vor.u32 $0x6C00, v4;
	v1 =	vor.u32 v32, v3  }
0x1d0: {  	s20 =	simm.s32 $0x0;
	[tilespmem:v5+s15+$0x0] =	vst.idx.msk $0xff, v0;
	v0 =	vor.u32 v33, v3  }
0x1d1: {  	v34 =	vor.u32 $0x7000, v4;
	s0 =	sand.u32 $0x3F, s20  }
0x1d2: {  	v5 =	vor.u32 v34, v3;
	v3 =	vadd.s32 $0x1, v3;
	v35 =	vld [tilespmem:s0+$0x1300]  }
0x1d3: {  	v2 =	vld.idx.msk [tilespmem:v2+s18+$0x0], $0xffff;
	v3 =	vand.u32 $0x3F, v3  }
0x1d4: {  	v7 =	vor.u32 v31, v3;
	v6 =	vld.idx.msk [tilespmem:v1+s18+$0x0], $0xffff  }
0x1d5: {  	v8 =	vor.u32 v32, v3;
	v9 =	vld.idx.msk [tilespmem:v0+s18+$0x0], $0xffff  }
0x1d6: {  	s21 =	simm.s32 $0x1;
	v0 =	vor.u32 v33, v3  }
0x1d7: {  	s0 =	sand.u32 $0x3F, s21;
	v1 =	vor.u32 v34, v3;
	v39 =	vld.idx.msk [tilespmem:v5+s18+$0x0], $0xffff  }
0x1d8: {  	v37 =	vimm.f32 $0.0e+00;
	v40 =	vld [tilespmem:s0+$0x1300];
	v3 =	vadd.s32 $0x1, v3;
	v2 =	vmul.f32 v2, v35  }
0x1d9: {  	v42 =	vimm.f32 $0.0e+00;
	v3 =	vand.u32 $0x3F, v3;
	v41 =	vld.idx.msk [tilespmem:v7+s18+$0x0], $0xffff;
	v5 =	vmul.f32 v6, v35  }
0x1da: {  	s19 =	simm.s32 $0x4;
	s2 =	simm.s32 $0x2;
	s0 =	simm.s32 $0x3;
	v43 =	vld.idx.msk [tilespmem:v8+s18+$0x0], $0xffff;
	v36 =	vadd.f32 v2, v37;
	v2 =	vimm.f32 $0.0e+00;
	v6 =	vmul.f32 v9, v35  }
.LBB2_19:
0x1db: {  	p1 =	sne.s32 s19, $0x3F;
	v7 =	vor.u32 v31, v3;
	v8 =	vor.u32 v32, v3;
	v9 =	vld.idx.msk [tilespmem:v0+s18+$0x0], $0xffff;
	v0 =	vor.u32 v33, v3  }
0x1dc: {  	v37 =	vadd.f32 v5, v37;
	v5 =	vmul.f32 v39, v35;
	v39 =	vld.idx.msk [tilespmem:v1+s18+$0x0], $0xffff;
	v1 =	vor.u32 v34, v3  }
.Ltmp8:
0x1dd: {  	v2 =	vadd.f32 v6, v2;
	v35 =	vmov v40;
	(pc) =	sbr.rel @p1 .LBB2_19-.Ltmp8, $4  }
0x1de: {  	s20 =	sand.u32 $0x3F, s2;
	s2 =	smov.u32 s0;
	s0 =	smov.u32 s19;
	v42 =	vadd.f32 v5, v42  }
0x1df: {  	v6 =	vmul.f32 v41, v35;
	v40 =	vld [tilespmem:s20+$0x1300]  }
0x1e0: {  	v3 =	vadd.s32 $0x1, v3;
	v5 =	vmul.f32 v43, v35;
	v41 =	vld.idx.msk [tilespmem:v7+s18+$0x0], $0xffff  }
0x1e1: {  	s19 =	sadd.s32 $0x1, s19;
	v3 =	vand.u32 $0x3F, v3;
	v36 =	vadd.f32 v6, v36;
	v6 =	vmul.f32 v9, v35;
	v43 =	vld.idx.msk [tilespmem:v8+s18+$0x0], $0xffff  }
0x1e2: {  	_ =	sdelay $0x2  }
0x1e3: {  	v7 =	vor.u32 v31, v3  }
0x1e4: {  	v8 =	vor.u32 v32, v3;
	v0 =	vld.idx.msk [tilespmem:v0+s18+$0x0], $0xffff  }
0x1e5: {  	v9 =	vor.u32 v33, v3;
	v10 =	vor.u32 v34, v3;
	v1 =	vld.idx.msk [tilespmem:v1+s18+$0x0], $0xffff;
	s2 =	sand.u32 $0x3F, s2;
	v3 =	vadd.s32 $0x1, v3  }
0x1e6: {  	s0 =	sand.u32 $0x3F, s0;
	v11 =	vld [tilespmem:s2+$0x1300];
	v3 =	vand.u32 $0x3F, v3  }
0x1e7: {  	v58 =	vld [tilespmem:s0+$0x1300];
	v22 =	vor.u32 v31, v3  }
0x1e8: {  	v44 =	vor.u32 v32, v3;
	v7 =	vld.idx.msk [tilespmem:v7+s18+$0x0], $0xffff  }
0x1e9: {  	v45 =	vor.u32 v33, v3;
	v8 =	vld.idx.msk [tilespmem:v8+s18+$0x0], $0xffff  }
0x1ea: {  	v5 =	vadd.f32 v5, v37;
	v35 =	vmul.f32 v39, v35;
	v3 =	vor.u32 v34, v3;
	v9 =	vld.idx.msk [tilespmem:v9+s18+$0x0], $0xffff  }
0x1eb: {  	v60 =	vlaneseq.u32;
	v2 =	vadd.f32 v6, v2;
	v6 =	vmul.f32 v41, v40;
	v10 =	vld.idx.msk [tilespmem:v10+s18+$0x0], $0xffff  }
0x1ec: {  	v35 =	vadd.f32 v35, v42;
	v57 =	vmul.f32 v43, v40;
	v0 =	vmul.f32 v0, v40;
	v22 =	vld.idx.msk [tilespmem:v22+s18+$0x0], $0xffff  }
0x1ed: {  	v1 =	vmul.f32 v1, v40;
	v6 =	vadd.f32 v6, v36;
	v59 =	vld.idx.msk [tilespmem:v44+s18+$0x0], $0xffff;
	v7 =	vmul.f32 v7, v11  }
0x1ee: {  	v5 =	vadd.f32 v57, v5;
	v0 =	vadd.f32 v0, v2;
	v2 =	vmul.f32 v8, v11;
	v8 =	vld.idx.msk [tilespmem:v45+s18+$0x0], $0xffff  }
0x1ef: {  	v61 =	vor.u32 $0x190, v60;
	v3 =	vld.idx.msk [tilespmem:v3+s18+$0x0], $0xffff;
	v6 =	vadd.f32 v7, v6;
	v7 =	vmul.f32 v9, v11  }
0x1f0: {  	v1 =	vadd.f32 v1, v35;
	v2 =	vadd.f32 v2, v5;
	v5 =	vmul.f32 v10, v11  }
0x1f1: {  	v62 =	vor.u32 $0x1A0, v60;
	v0 =	vadd.f32 v7, v0;
	v7 =	vmul.f32 v22, v58  }
0x1f2: {  	v1 =	vadd.f32 v5, v1;
	v5 =	vmul.f32 v59, v58;
	v22 =	vor.u32 $0x1B0, v60  }
0x1f3: {  	v6 =	vadd.f32 v7, v6;
	v7 =	vmul.f32 v8, v58;
	v8 =	vor.u32 $0x1C0, v60  }
0x1f4: {  	v35 =	vor.u32 $0x7400, v4;
	v3 =	vmul.f32 v3, v58;
	v2 =	vadd.f32 v5, v2  }
0x1f5: {  	v5 =	vor.u32 v35, v60;
	v0 =	vadd.f32 v7, v0;
	[tilespmem:v61+s15+$0x0] =	vst.idx.msk $0xffff, v6  }
0x1f6: {  	v36 =	vor.u32 $0x7800, v4;
	v1 =	vadd.f32 v3, v1;
	[tilespmem:v62+s15+$0x0] =	vst.idx.msk $0xffff, v2  }
0x1f7: {  	s20 =	simm.s32 $0x0;
	v37 =	vor.u32 $0x7C00, v4;
	[tilespmem:v22+s15+$0x0] =	vst.idx.msk $0xffff, v0;
	v0 =	vor.u32 v36, v60  }
0x1f8: {  	s0 =	sand.u32 $0x3F, s20;
	[tilespmem:v8+s15+$0x0] =	vst.idx.msk $0xffff, v1;
	v1 =	vor.u32 v37, v60  }
0x1f9: {  	v39 =	vor.u32 $0x8000, v4;
	v40 =	vld [tilespmem:s0+$0x1300]  }
0x1fa: {  	v2 =	vor.u32 v39, v60;
	v3 =	vld.idx.msk [tilespmem:v5+s18+$0x0], $0xffff;
	v5 =	vadd.s32 $0x1, v60  }
0x1fb: {  	v5 =	vand.u32 $0x3F, v5  }
0x1fc: {  	v7 =	vor.u32 v35, v5;
	v6 =	vld.idx.msk [tilespmem:v0+s18+$0x0], $0xffff  }
0x1fd: {  	v8 =	vor.u32 v36, v5;
	v63 =	vld.idx.msk [tilespmem:v1+s18+$0x0], $0xffff  }
0x1fe: {  	s21 =	simm.s32 $0x1;
	v0 =	vor.u32 v37, v5  }
0x1ff: {  	s0 =	sand.u32 $0x3F, s21;
	v43 =	vld.idx.msk [tilespmem:v2+s18+$0x0], $0xffff;
	v1 =	vor.u32 v39, v5;
	v2 =	vmul.f32 v3, v40  }
0x200: {  	v42 =	vimm.f32 $0.0e+00;
	v44 =	vld [tilespmem:s0+$0x1300];
	v3 =	vadd.s32 $0x1, v5  }
0x201: {  	v46 =	vimm.f32 $0.0e+00;
	v3 =	vand.u32 $0x3F, v3;
	v45 =	vld.idx.msk [tilespmem:v7+s18+$0x0], $0xffff;
	v41 =	vadd.f32 v2, v42  }
0x202: {  	s19 =	simm.s32 $0x4;
	s2 =	simm.s32 $0x2;
	s0 =	simm.s32 $0x3;
	v47 =	vld.idx.msk [tilespmem:v8+s18+$0x0], $0xffff;
	v2 =	vimm.f32 $0.0e+00;
	v5 =	vmul.f32 v6, v40;
	v6 =	vmul.f32 v63, v40  }
.LBB2_21:
0x203: {  	p1 =	sne.s32 s19, $0x3F;
	v7 =	vor.u32 v35, v3;
	v8 =	vor.u32 v36, v3;
	v9 =	vld.idx.msk [tilespmem:v0+s18+$0x0], $0xffff;
	v0 =	vor.u32 v37, v3  }
0x204: {  	v42 =	vadd.f32 v5, v42;
	v5 =	vmul.f32 v43, v40;
	v43 =	vld.idx.msk [tilespmem:v1+s18+$0x0], $0xffff;
	v1 =	vor.u32 v39, v3  }
.Ltmp9:
0x205: {  	v2 =	vadd.f32 v6, v2;
	v40 =	vmov v44;
	(pc) =	sbr.rel @p1 .LBB2_21-.Ltmp9, $4  }
0x206: {  	s20 =	sand.u32 $0x3F, s2;
	s2 =	smov.u32 s0;
	s0 =	smov.u32 s19;
	v46 =	vadd.f32 v5, v46  }
0x207: {  	v6 =	vmul.f32 v45, v40;
	v44 =	vld [tilespmem:s20+$0x1300]  }
0x208: {  	v3 =	vadd.s32 $0x1, v3;
	v5 =	vmul.f32 v47, v40;
	v45 =	vld.idx.msk [tilespmem:v7+s18+$0x0], $0xffff  }
0x209: {  	s19 =	sadd.s32 $0x1, s19;
	v3 =	vand.u32 $0x3F, v3;
	v41 =	vadd.f32 v6, v41;
	v6 =	vmul.f32 v9, v40;
	v47 =	vld.idx.msk [tilespmem:v8+s18+$0x0], $0xffff  }
0x20a: {  	_ =	sdelay $0x2  }
0x20b: {  	v7 =	vor.u32 v35, v3  }
0x20c: {  	v8 =	vor.u32 v36, v3;
	v0 =	vld.idx.msk [tilespmem:v0+s18+$0x0], $0xffff  }
0x20d: {  	v9 =	vor.u32 v37, v3;
	v10 =	vor.u32 v39, v3;
	v1 =	vld.idx.msk [tilespmem:v1+s18+$0x0], $0xffff;
	s2 =	sand.u32 $0x3F, s2;
	v3 =	vadd.s32 $0x1, v3  }
0x20e: {  	s0 =	sand.u32 $0x3F, s0;
	v11 =	vld [tilespmem:s2+$0x1300];
	v3 =	vand.u32 $0x3F, v3  }
0x20f: {  	v58 =	vld [tilespmem:s0+$0x1300];
	v22 =	vor.u32 v35, v3  }
0x210: {  	v48 =	vor.u32 v36, v3;
	v7 =	vld.idx.msk [tilespmem:v7+s18+$0x0], $0xffff  }
0x211: {  	v49 =	vor.u32 v37, v3;
	v8 =	vld.idx.msk [tilespmem:v8+s18+$0x0], $0xffff  }
0x212: {  	v5 =	vadd.f32 v5, v42;
	v40 =	vmul.f32 v43, v40;
	v3 =	vor.u32 v39, v3;
	v9 =	vld.idx.msk [tilespmem:v9+s18+$0x0], $0xffff  }
0x213: {  	v60 =	vlaneseq.u32;
	v2 =	vadd.f32 v6, v2;
	v6 =	vmul.f32 v45, v44;
	v10 =	vld.idx.msk [tilespmem:v10+s18+$0x0], $0xffff  }
0x214: {  	v40 =	vadd.f32 v40, v46;
	v57 =	vmul.f32 v47, v44;
	v0 =	vmul.f32 v0, v44;
	v22 =	vld.idx.msk [tilespmem:v22+s18+$0x0], $0xffff  }
0x215: {  	v1 =	vmul.f32 v1, v44;
	v6 =	vadd.f32 v6, v41;
	v59 =	vld.idx.msk [tilespmem:v48+s18+$0x0], $0xffff;
	v7 =	vmul.f32 v7, v11  }
0x216: {  	v5 =	vadd.f32 v57, v5;
	v0 =	vadd.f32 v0, v2;
	v2 =	vmul.f32 v8, v11;
	v8 =	vld.idx.msk [tilespmem:v49+s18+$0x0], $0xffff  }
0x217: {  	v61 =	vor.u32 $0x1D0, v60;
	v3 =	vld.idx.msk [tilespmem:v3+s18+$0x0], $0xffff;
	v6 =	vadd.f32 v7, v6;
	v7 =	vmul.f32 v9, v11  }
0x218: {  	v1 =	vadd.f32 v1, v40;
	v2 =	vadd.f32 v2, v5;
	v5 =	vmul.f32 v10, v11  }
0x219: {  	v62 =	vor.u32 $0x1E0, v60;
	v0 =	vadd.f32 v7, v0;
	v7 =	vmul.f32 v22, v58  }
0x21a: {  	v1 =	vadd.f32 v5, v1;
	v5 =	vmul.f32 v59, v58;
	v22 =	vor.u32 $0x1F0, v60  }
0x21b: {  	v6 =	vadd.f32 v7, v6;
	v7 =	vmul.f32 v8, v58;
	v8 =	vor.u32 $0x200, v60  }
0x21c: {  	v40 =	vor.u32 $0x8400, v4;
	v3 =	vmul.f32 v3, v58;
	v2 =	vadd.f32 v5, v2  }
0x21d: {  	v5 =	vor.u32 v40, v60;
	v0 =	vadd.f32 v7, v0;
	[tilespmem:v61+s15+$0x0] =	vst.idx.msk $0xffff, v6  }
0x21e: {  	v41 =	vor.u32 $0x8800, v4;
	v1 =	vadd.f32 v3, v1;
	[tilespmem:v62+s15+$0x0] =	vst.idx.msk $0xffff, v2  }
0x21f: {  	s20 =	simm.s32 $0x0;
	v42 =	vor.u32 $0x8C00, v4;
	[tilespmem:v22+s15+$0x0] =	vst.idx.msk $0xffff, v0;
	v0 =	vor.u32 v41, v60  }
0x220: {  	s0 =	sand.u32 $0x3F, s20;
	[tilespmem:v8+s15+$0x0] =	vst.idx.msk $0xffff, v1;
	v1 =	vor.u32 v42, v60  }
0x221: {  	v43 =	vor.u32 $0x9000, v4;
	v44 =	vld [tilespmem:s0+$0x1300]  }
0x222: {  	v2 =	vor.u32 v43, v60;
	v3 =	vld.idx.msk [tilespmem:v5+s18+$0x0], $0xffff;
	v5 =	vadd.s32 $0x1, v60  }
0x223: {  	v5 =	vand.u32 $0x3F, v5  }
0x224: {  	v7 =	vor.u32 v40, v5;
	v6 =	vld.idx.msk [tilespmem:v0+s18+$0x0], $0xffff  }
0x225: {  	v8 =	vor.u32 v41, v5;
	v63 =	vld.idx.msk [tilespmem:v1+s18+$0x0], $0xffff  }
0x226: {  	s21 =	simm.s32 $0x1;
	v0 =	vor.u32 v42, v5  }
0x227: {  	s0 =	sand.u32 $0x3F, s21;
	v48 =	vld.idx.msk [tilespmem:v2+s18+$0x0], $0xffff;
	v1 =	vor.u32 v43, v5;
	v2 =	vmul.f32 v3, v44  }
0x228: {  	v47 =	vimm.f32 $0.0e+00;
	v46 =	vld [tilespmem:s0+$0x1300];
	v3 =	vadd.s32 $0x1, v5  }
0x229: {  	v51 =	vimm.f32 $0.0e+00;
	v3 =	vand.u32 $0x3F, v3;
	v49 =	vld.idx.msk [tilespmem:v7+s18+$0x0], $0xffff;
	v45 =	vadd.f32 v2, v47  }
0x22a: {  	s19 =	simm.s32 $0x4;
	s2 =	simm.s32 $0x2;
	s0 =	simm.s32 $0x3;
	v50 =	vld.idx.msk [tilespmem:v8+s18+$0x0], $0xffff;
	v2 =	vimm.f32 $0.0e+00;
	v5 =	vmul.f32 v6, v44;
	v6 =	vmul.f32 v63, v44  }
.LBB2_23:
0x22b: {  	p1 =	sne.s32 s19, $0x3F;
	v7 =	vor.u32 v40, v3;
	v8 =	vor.u32 v41, v3;
	v9 =	vld.idx.msk [tilespmem:v0+s18+$0x0], $0xffff;
	v0 =	vor.u32 v42, v3  }
0x22c: {  	v47 =	vadd.f32 v5, v47;
	v5 =	vmul.f32 v48, v44;
	v48 =	vld.idx.msk [tilespmem:v1+s18+$0x0], $0xffff;
	v1 =	vor.u32 v43, v3  }
.Ltmp10:
0x22d: {  	v2 =	vadd.f32 v6, v2;
	v44 =	vmov v46;
	(pc) =	sbr.rel @p1 .LBB2_23-.Ltmp10, $4  }
0x22e: {  	s20 =	sand.u32 $0x3F, s2;
	s2 =	smov.u32 s0;
	s0 =	smov.u32 s19;
	v51 =	vadd.f32 v5, v51  }
0x22f: {  	v6 =	vmul.f32 v49, v44;
	v46 =	vld [tilespmem:s20+$0x1300]  }
0x230: {  	v3 =	vadd.s32 $0x1, v3;
	v5 =	vmul.f32 v50, v44;
	v49 =	vld.idx.msk [tilespmem:v7+s18+$0x0], $0xffff  }
0x231: {  	s19 =	sadd.s32 $0x1, s19;
	v3 =	vand.u32 $0x3F, v3;
	v45 =	vadd.f32 v6, v45;
	v6 =	vmul.f32 v9, v44;
	v50 =	vld.idx.msk [tilespmem:v8+s18+$0x0], $0xffff  }
0x232: {  	_ =	sdelay $0x1  }
0x233: {  	v7 =	vor.u32 v40, v3  }
0x234: {  	v8 =	vor.u32 v41, v3  }
0x235: {  	v9 =	vor.u32 v42, v3;
	v0 =	vld.idx.msk [tilespmem:v0+s18+$0x0], $0xffff;
	v10 =	vor.u32 v43, v3;
	v3 =	vadd.s32 $0x1, v3  }
0x236: {  	v1 =	vld.idx.msk [tilespmem:v1+s18+$0x0], $0xffff;
	s2 =	sand.u32 $0x3F, s2;
	v3 =	vand.u32 $0x3F, v3  }
0x237: {  	v11 =	vld [tilespmem:s2+$0x1300];
	v22 =	vor.u32 v40, v3  }
0x238: {  	s0 =	sand.u32 $0x3F, s0;
	v7 =	vld.idx.msk [tilespmem:v7+s18+$0x0], $0xffff  }
0x239: {  	v57 =	vld [tilespmem:s0+$0x1300];
	v52 =	vor.u32 v41, v3  }
0x23a: {  	v5 =	vadd.f32 v5, v47;
	v56 =	vor.u32 v42, v3;
	v8 =	vld.idx.msk [tilespmem:v8+s18+$0x0], $0xffff  }
0x23b: {  	v2 =	vadd.f32 v6, v2;
	v3 =	vor.u32 v43, v3;
	v6 =	vmul.f32 v49, v46;
	v9 =	vld.idx.msk [tilespmem:v9+s18+$0x0], $0xffff  }
0x23c: {  	v44 =	vmul.f32 v48, v44;
	v59 =	vlaneseq.u32;
	v0 =	vmul.f32 v0, v46;
	v22 =	vld.idx.msk [tilespmem:v22+s18+$0x0], $0xffff  }
0x23d: {  	v61 =	vor.u32 $0x220, v59;
	v10 =	vld.idx.msk [tilespmem:v10+s18+$0x0], $0xffff;
	v6 =	vadd.f32 v6, v45;
	v7 =	vmul.f32 v7, v11  }
0x23e: {  	v62 =	vor.u32 $0x230, v59;
	v58 =	vmul.f32 v50, v46;
	v0 =	vadd.f32 v0, v2;
	v2 =	vld.idx.msk [tilespmem:v52+s18+$0x0], $0xffff  }
0x23f: {  	v63 =	vor.u32 $0x240, v59;
	v44 =	vadd.f32 v44, v51;
	v6 =	vadd.f32 v7, v6;
	v7 =	vld.idx.msk [tilespmem:v56+s18+$0x0], $0xffff  }
0x240: {  	v1 =	vmul.f32 v1, v46;
	v5 =	vadd.f32 v58, v5;
	v3 =	vld.idx.msk [tilespmem:v3+s18+$0x0], $0xffff;
	v8 =	vmul.f32 v8, v11  }
0x241: {  	v9 =	vmul.f32 v9, v11;
	v60 =	vmul.f32 v22, v57;
	v22 =	vor.u32 $0x210, v59  }
0x242: {  	v51 =	vor.u32 $0x9400, v4;
	v1 =	vadd.f32 v1, v44;
	v10 =	vmul.f32 v10, v11  }
0x243: {  	v5 =	vadd.f32 v8, v5;
	v0 =	vadd.f32 v9, v0;
	v2 =	vmul.f32 v2, v57  }
0x244: {  	v1 =	vadd.f32 v10, v1;
	v6 =	vadd.f32 v60, v6;
	v7 =	vmul.f32 v7, v57  }
0x245: {  	v3 =	vmul.f32 v3, v57;
	v2 =	vadd.f32 v2, v5;
	v5 =	vor.u32 v51, v59  }
0x246: {  	[tilespmem:v22+s15+$0x0] =	vst.idx.msk $0xffff, v6;
	v0 =	vadd.f32 v7, v0  }
0x247: {  	v1 =	vadd.f32 v3, v1;
	[tilespmem:v61+s15+$0x0] =	vst.idx.msk $0xffff, v2  }
0x248: {  	[tilespmem:v62+s15+$0x0] =	vst.idx.msk $0xffff, v0  }
0x249: {  	s21 =	simm.s32 $0x0;
	[tilespmem:v63+s15+$0x0] =	vst.idx.msk $0xffff, v1;
	v1 =	vadd.s32 $0x1, v59  }
0x24a: {  	s20 =	sand.u32 $0x3F, s21;
	v0 =	vld.idx.msk [tilespmem:v5+s18+$0x0], $0xffff;
	v2 =	vand.u32 $0x3F, v1  }
0x24b: {  	v3 =	vld [tilespmem:s20+$0x1300];
	v5 =	vor.u32 v51, v2  }
0x24c: {  	s19 =	simm.s32 $0x3;
	s2 =	simm.s32 $0x1;
	s0 =	simm.s32 $0x2;
	v1 =	vimm.f32 $0.0e+00  }
.LBB2_25:
0x24d: {  	p1 =	sne.s32 s19, $0x3F  }
.Ltmp11:
0x24e: {  	s20 =	smov.u32 s19;
	s19 =	sadd.s32 $0x1, s19;
	(pc) =	sbr.rel @p1 .LBB2_25-.Ltmp11, $4  }
0x24f: {  	v2 =	vadd.s32 $0x1, v2  }
0x250: {  	s21 =	sand.u32 $0x3F, s2;
	s2 =	smov.u32 s0;
	v2 =	vand.u32 $0x3F, v2;
	s0 =	smov.u32 s20;
	v6 =	vmul.f32 v0, v3;
	v0 =	vld.idx.msk [tilespmem:v5+s18+$0x0], $0xffff  }
0x251: {  	v5 =	vor.u32 v51, v2;
	v3 =	vld [tilespmem:s21+$0x1300]  }
0x252: {  	v1 =	vadd.f32 v6, v1  }
0x253: {  	v2 =	vadd.s32 $0x1, v2  }
0x254: {  	v2 =	vand.u32 $0x3F, v2  }
0x255: {  	v2 =	vor.u32 v51, v2;
	_ =	sdelay $0x1  }
0x256: {  	s2 =	sand.u32 $0x3F, s2;
	v5 =	vld.idx.msk [tilespmem:v5+s18+$0x0], $0xffff  }
0x257: {  	s0 =	sand.u32 $0x3F, s0;
	v6 =	vld [tilespmem:s2+$0x1300]  }
0x258: {  	v7 =	vld [tilespmem:s0+$0x1300]  }
0x259: {  	v2 =	vld.idx.msk [tilespmem:v2+s18+$0x0], $0xffff  }
0x25a: {  	v0 =	vmul.f32 v0, v3;
	_ =	sdelay $0x1  }
0x25b: {  	v3 =	vlaneseq.u32;
	v0 =	vadd.f32 v0, v1;
	v1 =	vmul.f32 v5, v6  }
0x25c: {  	v5 =	vor.u32 $0x250, v3  }
0x25d: {  	v0 =	vadd.f32 v1, v0;
	v1 =	vmul.f32 v2, v7  }
0x25e: {  	v44 =	vadd.s32 $0x9600, v4  }
0x25f: {  	v45 =	vadd.s32 $0x9A00, v4;
	v2 =	vor.u32 v44, v3;
	v0 =	vadd.f32 v1, v0  }
0x260: {  	v46 =	vadd.s32 $0x9E00, v4;
	v1 =	vor.u32 v45, v3  }
0x261: {  	s20 =	simm.s32 $0x0;
	[tilespmem:v5+s15+$0x0] =	vst.idx.msk $0xff, v0;
	v0 =	vor.u32 v46, v3  }
0x262: {  	v47 =	vadd.s32 $0xA200, v4;
	s0 =	sand.u32 $0x3F, s20  }
0x263: {  	v5 =	vor.u32 v47, v3;
	v3 =	vadd.s32 $0x1, v3;
	v48 =	vld [tilespmem:s0+$0x1380]  }
0x264: {  	v2 =	vld.idx.msk [tilespmem:v2+s18+$0x0], $0xffff;
	v3 =	vand.u32 $0x3F, v3  }
0x265: {  	v7 =	vor.u32 v44, v3;
	v6 =	vld.idx.msk [tilespmem:v1+s18+$0x0], $0xffff  }
0x266: {  	v8 =	vor.u32 v45, v3;
	v9 =	vld.idx.msk [tilespmem:v0+s18+$0x0], $0xffff  }
0x267: {  	s21 =	simm.s32 $0x1;
	v0 =	vor.u32 v46, v3  }
0x268: {  	s0 =	sand.u32 $0x3F, s21;
	v1 =	vor.u32 v47, v3;
	v52 =	vld.idx.msk [tilespmem:v5+s18+$0x0], $0xffff  }
0x269: {  	v50 =	vimm.f32 $0.0e+00;
	v53 =	vld [tilespmem:s0+$0x1380];
	v3 =	vadd.s32 $0x1, v3;
	v2 =	vmul.f32 v2, v48  }
0x26a: {  	v55 =	vimm.f32 $0.0e+00;
	v3 =	vand.u32 $0x3F, v3;
	v54 =	vld.idx.msk [tilespmem:v7+s18+$0x0], $0xffff;
	v5 =	vmul.f32 v6, v48  }
0x26b: {  	s19 =	simm.s32 $0x4;
	s2 =	simm.s32 $0x2;
	s0 =	simm.s32 $0x3;
	v56 =	vld.idx.msk [tilespmem:v8+s18+$0x0], $0xffff;
	v49 =	vadd.f32 v2, v50;
	v2 =	vimm.f32 $0.0e+00;
	v6 =	vmul.f32 v9, v48  }
.LBB2_27:
0x26c: {  	p1 =	sne.s32 s19, $0x3F;
	v7 =	vor.u32 v44, v3;
	v8 =	vor.u32 v45, v3;
	v9 =	vld.idx.msk [tilespmem:v0+s18+$0x0], $0xffff;
	v0 =	vor.u32 v46, v3  }
0x26d: {  	v50 =	vadd.f32 v5, v50;
	v5 =	vmul.f32 v52, v48;
	v52 =	vld.idx.msk [tilespmem:v1+s18+$0x0], $0xffff;
	v1 =	vor.u32 v47, v3  }
.Ltmp12:
0x26e: {  	v2 =	vadd.f32 v6, v2;
	v48 =	vmov v53;
	(pc) =	sbr.rel @p1 .LBB2_27-.Ltmp12, $4  }
0x26f: {  	s20 =	sand.u32 $0x3F, s2;
	s2 =	smov.u32 s0;
	s0 =	smov.u32 s19;
	v55 =	vadd.f32 v5, v55  }
0x270: {  	v6 =	vmul.f32 v54, v48;
	v53 =	vld [tilespmem:s20+$0x1380]  }
0x271: {  	v3 =	vadd.s32 $0x1, v3;
	v5 =	vmul.f32 v56, v48;
	v54 =	vld.idx.msk [tilespmem:v7+s18+$0x0], $0xffff  }
0x272: {  	s19 =	sadd.s32 $0x1, s19;
	v3 =	vand.u32 $0x3F, v3;
	v49 =	vadd.f32 v6, v49;
	v6 =	vmul.f32 v9, v48;
	v56 =	vld.idx.msk [tilespmem:v8+s18+$0x0], $0xffff  }
0x273: {  	_ =	sdelay $0x2  }
0x274: {  	v7 =	vor.u32 v44, v3  }
0x275: {  	v8 =	vor.u32 v45, v3;
	v0 =	vld.idx.msk [tilespmem:v0+s18+$0x0], $0xffff  }
0x276: {  	v9 =	vor.u32 v46, v3;
	v10 =	vor.u32 v47, v3;
	v1 =	vld.idx.msk [tilespmem:v1+s18+$0x0], $0xffff;
	s2 =	sand.u32 $0x3F, s2;
	v3 =	vadd.s32 $0x1, v3  }
0x277: {  	s0 =	sand.u32 $0x3F, s0;
	v11 =	vld [tilespmem:s2+$0x1380];
	v3 =	vand.u32 $0x3F, v3  }
0x278: {  	v59 =	vld [tilespmem:s0+$0x1380];
	v22 =	vor.u32 v44, v3  }
0x279: {  	v57 =	vor.u32 v45, v3;
	v7 =	vld.idx.msk [tilespmem:v7+s18+$0x0], $0xffff  }
0x27a: {  	v58 =	vor.u32 v46, v3;
	v8 =	vld.idx.msk [tilespmem:v8+s18+$0x0], $0xffff  }
0x27b: {  	v5 =	vadd.f32 v5, v50;
	v48 =	vmul.f32 v52, v48;
	v3 =	vor.u32 v47, v3;
	v9 =	vld.idx.msk [tilespmem:v9+s18+$0x0], $0xffff  }
0x27c: {  	v61 =	vlaneseq.u32;
	v2 =	vadd.f32 v6, v2;
	v6 =	vmul.f32 v54, v53;
	v10 =	vld.idx.msk [tilespmem:v10+s18+$0x0], $0xffff  }
0x27d: {  	v48 =	vadd.f32 v48, v55;
	v56 =	vmul.f32 v56, v53;
	v0 =	vmul.f32 v0, v53;
	v22 =	vld.idx.msk [tilespmem:v22+s18+$0x0], $0xffff  }
0x27e: {  	v1 =	vmul.f32 v1, v53;
	v6 =	vadd.f32 v6, v49;
	v60 =	vld.idx.msk [tilespmem:v57+s18+$0x0], $0xffff;
	v7 =	vmul.f32 v7, v11  }
0x27f: {  	v5 =	vadd.f32 v56, v5;
	v0 =	vadd.f32 v0, v2;
	v2 =	vmul.f32 v8, v11;
	v8 =	vld.idx.msk [tilespmem:v58+s18+$0x0], $0xffff  }
0x280: {  	v62 =	vadd.s32 $0x258, v61;
	v3 =	vld.idx.msk [tilespmem:v3+s18+$0x0], $0xffff;
	v6 =	vadd.f32 v7, v6;
	v7 =	vmul.f32 v9, v11  }
0x281: {  	v1 =	vadd.f32 v1, v48;
	v2 =	vadd.f32 v2, v5;
	v5 =	vmul.f32 v10, v11  }
0x282: {  	v63 =	vadd.s32 $0x268, v61;
	v0 =	vadd.f32 v7, v0;
	v7 =	vmul.f32 v22, v59  }
0x283: {  	v1 =	vadd.f32 v5, v1;
	v5 =	vmul.f32 v60, v59;
	v22 =	vadd.s32 $0x278, v61  }
0x284: {  	v6 =	vadd.f32 v7, v6;
	v7 =	vmul.f32 v8, v59;
	v8 =	vadd.s32 $0x288, v61  }
0x285: {  	v48 =	vadd.s32 $0xA600, v4;
	v3 =	vmul.f32 v3, v59;
	v2 =	vadd.f32 v5, v2  }
0x286: {  	v5 =	vor.u32 v48, v61;
	v0 =	vadd.f32 v7, v0;
	[tilespmem:v62+s15+$0x0] =	vst.idx.msk $0xffff, v6  }
0x287: {  	v49 =	vadd.s32 $0xAA00, v4;
	v1 =	vadd.f32 v3, v1;
	[tilespmem:v63+s15+$0x0] =	vst.idx.msk $0xffff, v2  }
0x288: {  	s20 =	simm.s32 $0x0;
	v50 =	vadd.s32 $0xAE00, v4;
	[tilespmem:v22+s15+$0x0] =	vst.idx.msk $0xffff, v0;
	v0 =	vor.u32 v49, v61  }
0x289: {  	s0 =	sand.u32 $0x3F, s20;
	[tilespmem:v8+s15+$0x0] =	vst.idx.msk $0xffff, v1;
	v1 =	vor.u32 v50, v61  }
0x28a: {  	v52 =	vadd.s32 $0xB200, v4;
	v53 =	vld [tilespmem:s0+$0x1380]  }
0x28b: {  	v2 =	vor.u32 v52, v61;
	v3 =	vld.idx.msk [tilespmem:v5+s18+$0x0], $0xffff;
	v5 =	vadd.s32 $0x1, v61  }
0x28c: {  	v5 =	vand.u32 $0x3F, v5  }
0x28d: {  	v7 =	vor.u32 v48, v5;
	v6 =	vld.idx.msk [tilespmem:v0+s18+$0x0], $0xffff  }
0x28e: {  	v8 =	vor.u32 v49, v5;
	v9 =	vld.idx.msk [tilespmem:v1+s18+$0x0], $0xffff  }
0x28f: {  	s21 =	simm.s32 $0x1;
	v0 =	vor.u32 v50, v5  }
0x290: {  	s0 =	sand.u32 $0x3F, s21;
	v56 =	vld.idx.msk [tilespmem:v2+s18+$0x0], $0xffff;
	v1 =	vor.u32 v52, v5;
	v2 =	vmul.f32 v3, v53  }
0x291: {  	v55 =	vimm.f32 $0.0e+00;
	v57 =	vld [tilespmem:s0+$0x1380];
	v3 =	vadd.s32 $0x1, v5  }
0x292: {  	v59 =	vimm.f32 $0.0e+00;
	v3 =	vand.u32 $0x3F, v3;
	v58 =	vld.idx.msk [tilespmem:v7+s18+$0x0], $0xffff;
	v54 =	vadd.f32 v2, v55  }
0x293: {  	s19 =	simm.s32 $0x4;
	s2 =	simm.s32 $0x2;
	s0 =	simm.s32 $0x3;
	v60 =	vld.idx.msk [tilespmem:v8+s18+$0x0], $0xffff;
	v2 =	vimm.f32 $0.0e+00;
	v5 =	vmul.f32 v6, v53;
	v6 =	vmul.f32 v9, v53  }
.LBB2_29:
0x294: {  	p1 =	sne.s32 s19, $0x3F;
	v7 =	vor.u32 v48, v3;
	v8 =	vor.u32 v49, v3;
	v9 =	vld.idx.msk [tilespmem:v0+s18+$0x0], $0xffff;
	v0 =	vor.u32 v50, v3  }
0x295: {  	v55 =	vadd.f32 v5, v55;
	v5 =	vmul.f32 v56, v53;
	v56 =	vld.idx.msk [tilespmem:v1+s18+$0x0], $0xffff;
	v1 =	vor.u32 v52, v3  }
.Ltmp13:
0x296: {  	v2 =	vadd.f32 v6, v2;
	v53 =	vmov v57;
	(pc) =	sbr.rel @p1 .LBB2_29-.Ltmp13, $4  }
0x297: {  	s20 =	sand.u32 $0x3F, s2;
	s2 =	smov.u32 s0;
	s0 =	smov.u32 s19;
	v59 =	vadd.f32 v5, v59  }
0x298: {  	v6 =	vmul.f32 v58, v53;
	v57 =	vld [tilespmem:s20+$0x1380]  }
0x299: {  	v3 =	vadd.s32 $0x1, v3;
	v5 =	vmul.f32 v60, v53;
	v58 =	vld.idx.msk [tilespmem:v7+s18+$0x0], $0xffff  }
0x29a: {  	s19 =	sadd.s32 $0x1, s19;
	v3 =	vand.u32 $0x3F, v3;
	v54 =	vadd.f32 v6, v54;
	v6 =	vmul.f32 v9, v53;
	v60 =	vld.idx.msk [tilespmem:v8+s18+$0x0], $0xffff  }
0x29b: {  	_ =	sdelay $0x2  }
0x29c: {  	v7 =	vor.u32 v48, v3  }
0x29d: {  	v8 =	vor.u32 v49, v3;
	v0 =	vld.idx.msk [tilespmem:v0+s18+$0x0], $0xffff  }
0x29e: {  	v9 =	vor.u32 v50, v3;
	v10 =	vor.u32 v52, v3;
	v1 =	vld.idx.msk [tilespmem:v1+s18+$0x0], $0xffff;
	s2 =	sand.u32 $0x3F, s2;
	v3 =	vadd.s32 $0x1, v3  }
0x29f: {  	s0 =	sand.u32 $0x3F, s0;
	v11 =	vld [tilespmem:s2+$0x1380];
	v3 =	vand.u32 $0x3F, v3  }
0x2a0: {  	v53 =	vmul.f32 v56, v53;
	v56 =	vld [tilespmem:s0+$0x1380];
	v22 =	vor.u32 v48, v3  }
0x2a1: {  	v61 =	vor.u32 v49, v3;
	v7 =	vld.idx.msk [tilespmem:v7+s18+$0x0], $0xffff  }
0x2a2: {  	v62 =	vor.u32 v50, v3;
	v8 =	vld.idx.msk [tilespmem:v8+s18+$0x0], $0xffff  }
0x2a3: {  	v5 =	vadd.f32 v5, v55;
	v3 =	vor.u32 v52, v3;
	v9 =	vld.idx.msk [tilespmem:v9+s18+$0x0], $0xffff  }
0x2a4: {  	v2 =	vadd.f32 v6, v2;
	v6 =	vmul.f32 v58, v57;
	v63 =	vmul.f32 v60, v57;
	v10 =	vld.idx.msk [tilespmem:v10+s18+$0x0], $0xffff  }
0x2a5: {  	v53 =	vadd.f32 v53, v59;
	v0 =	vmul.f32 v0, v57;
	v1 =	vmul.f32 v1, v57;
	v22 =	vld.idx.msk [tilespmem:v22+s18+$0x0], $0xffff  }
0x2a6: {  	v6 =	vadd.f32 v6, v54;
	v5 =	vadd.f32 v63, v5;
	v60 =	vld.idx.msk [tilespmem:v61+s18+$0x0], $0xffff;
	v7 =	vmul.f32 v7, v11  }
0x2a7: {  	v0 =	vadd.f32 v0, v2;
	v1 =	vadd.f32 v1, v53;
	v2 =	vmul.f32 v8, v11;
	v8 =	vld.idx.msk [tilespmem:v62+s18+$0x0], $0xffff  }
0x2a8: {  	v3 =	vld.idx.msk [tilespmem:v3+s18+$0x0], $0xffff;
	v61 =	vlaneseq.u32;
	v6 =	vadd.f32 v7, v6;
	v7 =	vmul.f32 v9, v11  }
0x2a9: {  	v62 =	vadd.s32 $0x298, v61;
	v2 =	vadd.f32 v2, v5;
	v5 =	vmul.f32 v10, v11  }
0x2aa: {  	v63 =	vadd.s32 $0x2A8, v61;
	v0 =	vadd.f32 v7, v0;
	v7 =	vmul.f32 v22, v56  }
0x2ab: {  	v1 =	vadd.f32 v5, v1;
	v5 =	vmul.f32 v60, v56;
	v22 =	vadd.s32 $0x2B8, v61  }
0x2ac: {  	v6 =	vadd.f32 v7, v6;
	v7 =	vmul.f32 v8, v56;
	v8 =	vadd.s32 $0x2C8, v61  }
0x2ad: {  	v53 =	vadd.s32 $0xB600, v4;
	v3 =	vmul.f32 v3, v56;
	v2 =	vadd.f32 v5, v2  }
0x2ae: {  	v5 =	vor.u32 v53, v61;
	v0 =	vadd.f32 v7, v0;
	[tilespmem:v62+s15+$0x0] =	vst.idx.msk $0xffff, v6  }
0x2af: {  	v54 =	vadd.s32 $0xBA00, v4;
	v1 =	vadd.f32 v3, v1;
	[tilespmem:v63+s15+$0x0] =	vst.idx.msk $0xffff, v2  }
0x2b0: {  	v55 =	vadd.s32 $0xBE00, v4;
	[tilespmem:v22+s15+$0x0] =	vst.idx.msk $0xffff, v0;
	v0 =	vor.u32 v54, v61  }
0x2b1: {  	[tilespmem:v8+s15+$0x0] =	vst.idx.msk $0xffff, v1;
	v1 =	vor.u32 v55, v61  }
0x2b2: {  	s20 =	simm.s32 $0x0;
	v56 =	vadd.s32 $0xC200, v4  }
0x2b3: {  	s0 =	sand.u32 $0x3F, s20;
	v2 =	vor.u32 v56, v61;
	v3 =	vld.idx.msk [tilespmem:v5+s18+$0x0], $0xffff;
	v5 =	vadd.s32 $0x1, v61  }
0x2b4: {  	v57 =	vld [tilespmem:s0+$0x1380];
	v5 =	vand.u32 $0x3F, v5  }
0x2b5: {  	v7 =	vor.u32 v53, v5;
	v6 =	vld.idx.msk [tilespmem:v0+s18+$0x0], $0xffff  }
0x2b6: {  	v8 =	vor.u32 v54, v5;
	v9 =	vld.idx.msk [tilespmem:v1+s18+$0x0], $0xffff  }
0x2b7: {  	s21 =	simm.s32 $0x1;
	v0 =	vor.u32 v55, v5  }
0x2b8: {  	s0 =	sand.u32 $0x3F, s21;
	v60 =	vld.idx.msk [tilespmem:v2+s18+$0x0], $0xffff;
	v1 =	vor.u32 v56, v5  }
0x2b9: {  	v59 =	vimm.f32 $0.0e+00;
	v61 =	vld [tilespmem:s0+$0x1380];
	v2 =	vmul.f32 v3, v57;
	v3 =	vadd.s32 $0x1, v5  }
0x2ba: {  	v63 =	vimm.f32 $0.0e+00;
	v5 =	vand.u32 $0x3F, v3;
	v3 =	vimm.f32 $0.0e+00;
	v62 =	vld.idx.msk [tilespmem:v7+s18+$0x0], $0xffff  }
0x2bb: {  	s19 =	simm.s32 $0x4;
	s2 =	simm.s32 $0x2;
	s0 =	simm.s32 $0x3;
	v58 =	vadd.f32 v2, v59;
	v2 =	vld.idx.msk [tilespmem:v8+s18+$0x0], $0xffff;
	v6 =	vmul.f32 v6, v57;
	v7 =	vmul.f32 v9, v57  }
.LBB2_31:
0x2bc: {  	p1 =	sne.s32 s19, $0x3F;
	v8 =	vor.u32 v53, v5;
	v9 =	vor.u32 v54, v5;
	v10 =	vld.idx.msk [tilespmem:v0+s18+$0x0], $0xffff;
	v0 =	vor.u32 v55, v5  }
0x2bd: {  	v59 =	vadd.f32 v6, v59;
	v6 =	vmul.f32 v60, v57;
	v60 =	vld.idx.msk [tilespmem:v1+s18+$0x0], $0xffff;
	v1 =	vor.u32 v56, v5  }
.Ltmp14:
0x2be: {  	v3 =	vadd.f32 v7, v3;
	v57 =	vmov v61;
	(pc) =	sbr.rel @p1 .LBB2_31-.Ltmp14, $4  }
0x2bf: {  	s20 =	sand.u32 $0x3F, s2;
	s2 =	smov.u32 s0;
	s0 =	smov.u32 s19;
	v63 =	vadd.f32 v6, v63  }
0x2c0: {  	v7 =	vmul.f32 v62, v57;
	v61 =	vld [tilespmem:s20+$0x1380]  }
0x2c1: {  	v5 =	vadd.s32 $0x1, v5;
	v6 =	vmul.f32 v2, v57;
	v62 =	vld.idx.msk [tilespmem:v8+s18+$0x0], $0xffff  }
0x2c2: {  	s19 =	sadd.s32 $0x1, s19;
	v5 =	vand.u32 $0x3F, v5;
	v58 =	vadd.f32 v7, v58;
	v7 =	vmul.f32 v10, v57;
	v2 =	vld.idx.msk [tilespmem:v9+s18+$0x0], $0xffff  }
0x2c3: {  	_ =	sdelay $0x2  }
0x2c4: {  	v8 =	vor.u32 v53, v5  }
0x2c5: {  	v9 =	vor.u32 v54, v5;
	v12 =	vld.idx.msk [tilespmem:v0+s18+$0x0], $0xffff  }
0x2c6: {  	v10 =	vor.u32 v55, v5;
	v11 =	vor.u32 v56, v5;
	v15 =	vld.idx.msk [tilespmem:v1+s18+$0x0], $0xffff;
	s2 =	sand.u32 $0x3F, s2;
	v5 =	vadd.s32 $0x1, v5  }
0x2c7: {  	s0 =	sand.u32 $0x3F, s0;
	v22 =	vld [tilespmem:s2+$0x1380];
	v5 =	vand.u32 $0x3F, v5  }
0x2c8: {  	v6 =	vadd.f32 v6, v59;
	v59 =	vld [tilespmem:s0+$0x1380];
	v0 =	vor.u32 v53, v5  }
0x2c9: {  	v1 =	vor.u32 v54, v5;
	v8 =	vld.idx.msk [tilespmem:v8+s18+$0x0], $0xffff  }
0x2ca: {  	v14 =	vld.idx.msk [tilespmem:v9+s18+$0x0], $0xffff;
	v9 =	vor.u32 v55, v5  }
0x2cb: {  	v57 =	vmul.f32 v60, v57;
	v10 =	vld.idx.msk [tilespmem:v10+s18+$0x0], $0xffff;
	v5 =	vor.u32 v56, v5  }
0x2cc: {  	v3 =	vadd.f32 v7, v3;
	v7 =	vmul.f32 v62, v61;
	v2 =	vmul.f32 v2, v61;
	v11 =	vld.idx.msk [tilespmem:v11+s18+$0x0], $0xffff  }
0x2cd: {  	v57 =	vadd.f32 v57, v63;
	v60 =	vmul.f32 v12, v61;
	v61 =	vmul.f32 v15, v61;
	v0 =	vld.idx.msk [tilespmem:v0+s18+$0x0], $0xffff  }
0x2ce: {  	v7 =	vadd.f32 v7, v58;
	v2 =	vadd.f32 v2, v6;
	v1 =	vld.idx.msk [tilespmem:v1+s18+$0x0], $0xffff;
	v6 =	vmul.f32 v8, v22  }
0x2cf: {  	v3 =	vadd.f32 v60, v3;
	v63 =	vadd.f32 v61, v57;
	v61 =	vlaneseq.u32;
	v9 =	vld.idx.msk [tilespmem:v9+s18+$0x0], $0xffff  }
0x2d0: {  	v62 =	vadd.s32 $0x2F8, v61;
	v5 =	vld.idx.msk [tilespmem:v5+s18+$0x0], $0xffff;
	v6 =	vadd.f32 v6, v7;
	v7 =	vmul.f32 v10, v22  }
0x2d1: {  	v60 =	vmul.f32 v14, v22;
	v11 =	vmul.f32 v11, v22;
	v22 =	vadd.s32 $0x2D8, v61  }
0x2d2: {  	v0 =	vmul.f32 v0, v59;
	v3 =	vadd.f32 v7, v3;
	v7 =	vadd.s32 $0x2E8, v61  }
0x2d3: {  	v2 =	vadd.f32 v60, v2;
	v8 =	vadd.f32 v11, v63;
	v1 =	vmul.f32 v1, v59  }
0x2d4: {  	v63 =	vadd.s32 $0x308, v61;
	v0 =	vadd.f32 v0, v6;
	v6 =	vmul.f32 v9, v59  }
0x2d5: {  	v1 =	vadd.f32 v1, v2;
	v2 =	vmul.f32 v5, v59;
	v5 =	vor.u32 v21, v61  }
0x2d6: {  	v3 =	vadd.f32 v6, v3;
	[tilespmem:v22+s15+$0x0] =	vst.idx.msk $0xffff, v0  }
0x2d7: {  	v0 =	vadd.f32 v2, v8;
	[tilespmem:v7+s15+$0x0] =	vst.idx.msk $0xffff, v1  }
0x2d8: {  	[tilespmem:v62+s15+$0x0] =	vst.idx.msk $0xffff, v3  }
0x2d9: {  	s21 =	simm.s32 $0x0;
	v1 =	vadd.s32 $0x1, v61;
	[tilespmem:v63+s15+$0x0] =	vst.idx.msk $0xffff, v0  }
0x2da: {  	s20 =	sand.u32 $0x3F, s21;
	v0 =	vld.idx.msk [tilespmem:v5+s18+$0x0], $0xffff;
	v5 =	vand.u32 $0x3F, v1  }
0x2db: {  	s19 =	simm.s32 $0x3;
	s2 =	simm.s32 $0x1;
	s0 =	simm.s32 $0x2;
	v1 =	vimm.f32 $0.0e+00;
	v2 =	vld [tilespmem:s20+$0x1380];
	v3 =	vor.u32 v21, v5  }
.LBB2_33:
0x2dc: {  	_ = 	snop  }
0x2dd: {  	p1 =	sne.s32 s19, $0x3F  }
.Ltmp15:
0x2de: {  	_ = 	snop;
	(pc) =	sbr.rel @p1 .LBB2_33-.Ltmp15, $4  }
0x2df: {  	_ = 	snop  }
0x2e0: {  	v5 =	vadd.s32 $0x1, v5;
	v6 =	vmul.f32 v0, v2  }
0x2e1: {  	s20 =	smov.u32 s19;
	s21 =	sand.u32 $0x3F, s2;
	v5 =	vand.u32 $0x3F, v5;
	v0 =	vld.idx.msk [tilespmem:v3+s18+$0x0], $0xffff  }
0x2e2: {  	s19 =	sadd.s32 $0x1, s19;
	s2 =	smov.u32 s0;
	s0 =	smov.u32 s20;
	v3 =	vor.u32 v21, v5;
	v2 =	vld [tilespmem:s21+$0x1380];
	v1 =	vadd.f32 v6, v1  }
0x2e3: {  	v5 =	vadd.s32 $0x1, v5  }
0x2e4: {  	v5 =	vand.u32 $0x3F, v5  }
0x2e5: {  	v5 =	vor.u32 v21, v5;
	_ =	sdelay $0x1  }
0x2e6: {  	s2 =	sand.u32 $0x3F, s2;
	v3 =	vld.idx.msk [tilespmem:v3+s18+$0x0], $0xffff  }
0x2e7: {  	s0 =	sand.u32 $0x3F, s0;
	v6 =	vld [tilespmem:s2+$0x1380]  }
0x2e8: {  	v7 =	vld [tilespmem:s0+$0x1380]  }
0x2e9: {  	v5 =	vld.idx.msk [tilespmem:v5+s18+$0x0], $0xffff  }
0x2ea: {  	v0 =	vmul.f32 v0, v2;
	_ =	sdelay $0x1  }
0x2eb: {  	v0 =	vadd.f32 v0, v1;
	v1 =	vmul.f32 v3, v6;
	_ =	sdelay $0x1  }
0x2ec: {  	v0 =	vadd.f32 v1, v0;
	v1 =	vmul.f32 v5, v7;
	_ =	sdelay $0x1  }
0x2ed: {  	v0 =	vadd.f32 v1, v0;
	v1 =	vld [tilespmem:$0x1FF10];
	_ =	sdelay $0x4  }
0x2ee: {  	s2 =	sadd.s32 s6, s31  }
0x2ef: {  	s0 =	smul.u32 $0x19, s2;
	_ =	sdelay $0x1  }
0x2f0: {  	p1 =	seq.s32 s28, $0x3F;
	s0 =	sadd.s32 s1, s0;
	[tilespmem:v1+s15+$0x0] =	vst.idx.msk $0xff, v0  }
0x2f1: {  	[hbm4b:s0+s3] =	stream.linear.scatter [tilespmem:s15], [sflag:$0x4], $0x320, $0x38;
	[tilespmem:$0x1BCC0] =	vst v63  }
0x2f2: {  	s0 =	simm.s32 @!p1 $0x6  }
0x2f3: {  	_ =	swait.ge @!p1 [sflag:s0], $0x340  }
0x2f4: {  	s19 =	simm.s32 @!p1 $0x2680;
	[sflag:s0] =	ssyncset.done @!p1 $0x0  }
0x2f5: {  	s2 =	simm.s32 @!p1 $0x2000;
	[sflag:s0] =	ssyncadd.s32 @!p1 $0xFFFFFCC0;
	s0 =	simm.s32 @!p1 $0x64  }
0x2f6: {  	[tilespmem:s19], [sflag:$0x2] =	stream.indirect.gather @!p1 [hbm4b:s4+s0], $0x40, s2, s0, $0xb8;
	[tilespmem:$0x1BCC0] =	vst v63  }
0x2f7: {  	s2 =	simm.s32 @!p1 $0x2068;
	s19 =	simm.s32 @!p1 $0x3F80  }
0x2f8: {  	[tilespmem:s19], [sflag:$0x2] =	stream.indirect.gather @!p1 [hbm4b:s4+s0], $0x40, s2, s0, $0xb8;
	[tilespmem:$0x1BCC0] =	vst v63  }
0x2f9: {  	s2 =	simm.s32 @!p1 $0x20D0;
	s19 =	simm.s32 @!p1 $0x5880  }
0x2fa: {  	[tilespmem:s19], [sflag:$0x2] =	stream.indirect.gather @!p1 [hbm4b:s4+s0], $0x40, s2, s0, $0xb8;
	[tilespmem:$0x1BCC0] =	vst v63  }
0x2fb: {  	s2 =	simm.s32 @!p1 $0x2138;
	s19 =	simm.s32 @!p1 $0x7180  }
0x2fc: {  	[tilespmem:s19], [sflag:$0x2] =	stream.indirect.gather @!p1 [hbm4b:s4+s0], $0x40, s2, s0, $0xb8;
	[tilespmem:$0x1BCC0] =	vst v63  }
0x2fd: {  	s2 =	simm.s32 @!p1 $0x21A0;
	s19 =	simm.s32 @!p1 $0x8A80  }
0x2fe: {  	[tilespmem:s19], [sflag:$0x2] =	stream.indirect.gather @!p1 [hbm4b:s4+s0], $0x40, s2, s0, $0xb8;
	[tilespmem:$0x1BCC0] =	vst v63  }
0x2ff: {  	s2 =	simm.s32 @!p1 $0x2208;
	s19 =	simm.s32 @!p1 $0xA380  }
0x300: {  	[tilespmem:s19], [sflag:$0x2] =	stream.indirect.gather @!p1 [hbm4b:s4+s0], $0x40, s2, s0, $0xb8;
	[tilespmem:$0x1BCC0] =	vst v63  }
0x301: {  	s2 =	simm.s32 @!p1 $0x2270;
	s19 =	simm.s32 @!p1 $0xBC80  }
0x302: {  	[tilespmem:s19], [sflag:$0x2] =	stream.indirect.gather @!p1 [hbm4b:s4+s0], $0x40, s2, s0, $0xb8;
	[tilespmem:$0x1BCC0] =	vst v63  }
0x303: {  	s31 =	sor.u32 $0x1, s29;
	s2 =	simm.s32 @!p1 $0x22D8;
	s19 =	simm.s32 @!p1 $0xD580  }
0x304: {  	[tilespmem:s19], [sflag:$0x2] =	stream.indirect.gather @!p1 [hbm4b:s4+s0], $0x40, s2, s0, $0xb8;
	[tilespmem:$0x1BCC0] =	vst v63  }
0x305: {  	s19 =	sand.u32 $0x3, s31  }
0x306: {  	s20 =	sshll.u32 s19, $0x8  }
0x307: {  	v0 =	vld [tilespmem:s20+$0x1400]  }
0x308: {  	v1 =	vld [tilespmem:s20+$0x1800];
	_ =	sdelay $0x4  }
0x309: {  	v1 =	vmul.f32 v1, v0;
	_ =	sdelay $0x1  }
0x30a: {  	v17 =	vld [tilespmem:s20+$0x1C00];
	[tilespmem:$0x1200] =	vst v1  }
0x30b: {  	[tilespmem:$0x1240] =	vst v1  }
0x30c: {  	v2 =	vld [tilespmem:s20+$0x1410]  }
0x30d: {  	v3 =	vld [tilespmem:s20+$0x1810];
	_ =	sdelay $0x4  }
0x30e: {  	v14 =	vmul.f32 v3, v2;
	_ =	sdelay $0x1  }
0x30f: {  	v2 =	vld [tilespmem:s20+$0x1C10];
	[tilespmem:$0x1210] =	vst v14  }
0x310: {  	[tilespmem:$0x1250] =	vst v14  }
0x311: {  	v5 =	vld [tilespmem:s20+$0x1420]  }
0x312: {  	v6 =	vld [tilespmem:s20+$0x1820];
	_ =	sdelay $0x4  }
0x313: {  	v12 =	vmul.f32 v6, v5  }
0x314: {  	[tilespmem:$0x1FE70] =	vst v2  }
0x315: {  	v2 =	vld [tilespmem:s20+$0x1C20];
	[tilespmem:$0x1220] =	vst v12  }
0x316: {  	[tilespmem:$0x1260] =	vst v12  }
0x317: {  	v7 =	vld [tilespmem:s20+$0x1430]  }
0x318: {  	v8 =	vld [tilespmem:s20+$0x1830];
	_ =	sdelay $0x4  }
0x319: {  	v15 =	vmul.f32 v8, v7;
	_ =	sdelay $0x1  }
0x31a: {  	v16 =	vld [tilespmem:s20+$0x1C30];
	[tilespmem:$0x1230] =	vst v15  }
0x31b: {  	[tilespmem:$0x1270] =	vst v15  }
0x31c: {  	v9 =	vld [tilespmem:s20+$0x1440]  }
0x31d: {  	v10 =	vld [tilespmem:s20+$0x1840];
	_ =	sdelay $0x4  }
0x31e: {  	v9 =	vmul.f32 v10, v9;
	_ =	sdelay $0x1  }
0x31f: {  	v10 =	vld [tilespmem:s20+$0x1C40];
	[tilespmem:$0x1280] =	vst v9  }
0x320: {  	[tilespmem:$0x12C0] =	vst v9  }
0x321: {  	v11 =	vld [tilespmem:s20+$0x1450]  }
0x322: {  	v22 =	vld [tilespmem:s20+$0x1850];
	_ =	sdelay $0x4  }
0x323: {  	v11 =	vmul.f32 v22, v11;
	_ =	sdelay $0x1  }
0x324: {  	v0 =	vld [tilespmem:s20+$0x1C50];
	[tilespmem:$0x1290] =	vst v11  }
0x325: {  	[tilespmem:$0x12D0] =	vst v11  }
0x326: {  	v57 =	vld [tilespmem:s20+$0x1460]  }
0x327: {  	v58 =	vld [tilespmem:s20+$0x1860];
	_ =	sdelay $0x4  }
0x328: {  	v57 =	vmul.f32 v58, v57  }
0x329: {  	[tilespmem:$0x1FE90] =	vst v0  }
0x32a: {  	v0 =	vld [tilespmem:s20+$0x1C60];
	[tilespmem:$0x12A0] =	vst v57  }
0x32b: {  	[tilespmem:$0x12E0] =	vst v57  }
0x32c: {  	v59 =	vld [tilespmem:s20+$0x1470]  }
0x32d: {  	v60 =	vld [tilespmem:s20+$0x1870];
	_ =	sdelay $0x4  }
0x32e: {  	v59 =	vmul.f32 v60, v59  }
0x32f: {  	[tilespmem:$0x1FEA0] =	vst v0  }
0x330: {  	v0 =	vld [tilespmem:s20+$0x1C70];
	[tilespmem:$0x12B0] =	vst v59  }
0x331: {  	[tilespmem:$0x12F0] =	vst v59  }
0x332: {  	v61 =	vld [tilespmem:s20+$0x1480]  }
0x333: {  	v62 =	vld [tilespmem:s20+$0x1880];
	_ =	sdelay $0x4  }
0x334: {  	v61 =	vmul.f32 v62, v61;
	_ =	sdelay $0x1  }
0x335: {  	v62 =	vld [tilespmem:s20+$0x1C80];
	[tilespmem:$0x1300] =	vst v61  }
0x336: {  	[tilespmem:$0x1340] =	vst v61  }
0x337: {  	v63 =	vld [tilespmem:s20+$0x1490]  }
0x338: {  	v8 =	vld [tilespmem:s20+$0x1890];
	_ =	sdelay $0x4  }
0x339: {  	v8 =	vmul.f32 v8, v63;
	_ =	sdelay $0x1  }
0x33a: {  	v63 =	vld [tilespmem:s20+$0x1C90];
	[tilespmem:$0x1310] =	vst v8  }
0x33b: {  	[tilespmem:$0x1350] =	vst v8  }
0x33c: {  	[tilespmem:$0x1FEB0] =	vst v0;
	v0 =	vld [tilespmem:s20+$0x14A0]  }
0x33d: {  	v3 =	vld [tilespmem:s20+$0x18A0];
	_ =	sdelay $0x4  }
0x33e: {  	v7 =	vmul.f32 v3, v0;
	v0 =	vld [tilespmem:s20+$0x1CA0];
	_ =	sdelay $0x1  }
0x33f: {  	[tilespmem:$0x1320] =	vst v7  }
0x340: {  	[tilespmem:$0x1360] =	vst v7  }
0x341: {  	v6 =	vld [tilespmem:s20+$0x18B0]  }
0x342: {  	[tilespmem:$0x1FEC0] =	vst v0;
	v0 =	vld [tilespmem:s20+$0x14B0];
	_ =	sdelay $0x4  }
0x343: {  	v6 =	vmul.f32 v6, v0;
	v0 =	vld [tilespmem:s20+$0x1CB0];
	_ =	sdelay $0x1  }
0x344: {  	[tilespmem:$0x1330] =	vst v6  }
0x345: {  	[tilespmem:$0x1370] =	vst v6  }
0x346: {  	v58 =	vld [tilespmem:s20+$0x18C0]  }
0x347: {  	[tilespmem:$0x1FED0] =	vst v0;
	v0 =	vld [tilespmem:s20+$0x14C0];
	_ =	sdelay $0x4  }
0x348: {  	[tilespmem:$0x1FE80] =	vst v2;
	v2 =	vmul.f32 v58, v0;
	_ =	sdelay $0x1  }
0x349: {  	v60 =	vld [tilespmem:s20+$0x1CC0];
	[tilespmem:$0x1380] =	vst v2  }
0x34a: {  	[tilespmem:$0x13C0] =	vst v2  }
0x34b: {  	v0 =	vld [tilespmem:s20+$0x14D0]  }
0x34c: {  	v22 =	vld [tilespmem:s20+$0x18D0];
	_ =	sdelay $0x4  }
0x34d: {  	v3 =	vmul.f32 v22, v0;
	_ =	sdelay $0x1  }
0x34e: {  	v58 =	vld [tilespmem:s20+$0x1CD0];
	[tilespmem:$0x1390] =	vst v3  }
0x34f: {  	[tilespmem:$0x13D0] =	vst v3  }
0x350: {  	v5 =	vld [tilespmem:s20+$0x14E0]  }
0x351: {  	v0 =	vld [tilespmem:s20+$0x18E0];
	_ =	sdelay $0x4  }
0x352: {  	v0 =	vmul.f32 v0, v5;
	v5 =	vld [tilespmem:$0x1FE70];
	_ =	sdelay $0x2  }
0x353: {  	v1 =	vmul.f32 v17, v1;
	_ =	sdelay $0x1  }
0x354: {  	v1 =	vadd.f32 $0.0e+00, v1;
	v5 =	vmul.f32 v5, v14;
	_ =	sdelay $0x1  }
0x355: {  	v1 =	vadd.f32 v5, v1;
	v5 =	vld [tilespmem:$0x1FE80]  }
0x356: {  	v9 =	vmul.f32 v10, v9;
	v10 =	vld [tilespmem:$0x1FE90];
	_ =	sdelay $0x3  }
0x357: {  	v5 =	vmul.f32 v5, v12  }
0x358: {  	v9 =	vadd.f32 $0.0e+00, v9;
	v11 =	vmul.f32 v10, v11  }
0x359: {  	v1 =	vadd.f32 v5, v1;
	v5 =	vmul.f32 v62, v61  }
0x35a: {  	v9 =	vadd.f32 v11, v9;
	v11 =	vld [tilespmem:$0x1FEA0]  }
0x35b: {  	v8 =	vmul.f32 v63, v8;
	v5 =	vadd.f32 $0.0e+00, v5;
	_ =	sdelay $0x1  }
0x35c: {  	v5 =	vadd.f32 v8, v5;
	v8 =	vld [tilespmem:$0x1FEC0];
	_ =	sdelay $0x1  }
0x35d: {  	v11 =	vmul.f32 v11, v57  }
0x35e: {  	v22 =	vld [tilespmem:s20+$0x1CE0];
	[tilespmem:$0x13A0] =	vst v0  }
0x35f: {  	v9 =	vadd.f32 v11, v9;
	v11 =	vld [tilespmem:$0x1FEB0];
	[tilespmem:$0x13E0] =	vst v0  }
0x360: {  	v10 =	vld [tilespmem:s20+$0x14F0];
	v7 =	vmul.f32 v8, v7  }
0x361: {  	v61 =	vld [tilespmem:s20+$0x18F0]  }
0x362: {  	v2 =	vmul.f32 v60, v2;
	v5 =	vadd.f32 v7, v5;
	v7 =	vld [tilespmem:$0x1FED0]  }
0x363: {  	v60 =	vld [tilespmem:s20+$0x1CF0]  }
0x364: {  	v2 =	vadd.f32 $0.0e+00, v2;
	v3 =	vmul.f32 v58, v3  }
0x365: {  	v57 =	vmul.f32 v16, v15;
	v11 =	vmul.f32 v11, v59  }
0x366: {  	v2 =	vadd.f32 v3, v2;
	v0 =	vmul.f32 v22, v0;
	v3 =	vmul.f32 v61, v10  }
0x367: {  	v1 =	vadd.f32 v57, v1;
	v6 =	vmul.f32 v7, v6  }
0x368: {  	v0 =	vadd.f32 v0, v2;
	v2 =	vmul.f32 v60, v3;
	v7 =	vadd.f32 v11, v9  }
0x369: {  	(xrf2) =	vadd.scan.msk.f32 $0xffff, v1;
	v1 =	vadd.f32 v6, v5  }
0x36a: {  	v0 =	vadd.f32 v2, v0;
	(xrf2) =	vadd.scan.msk.f32 $0xffff, v7  }
0x36b: {  	(xrf2) =	vadd.scan.msk.f32 $0xffff, v1  }
0x36c: {  	(xrf2) =	vadd.scan.msk.f32 $0xffff, v0;
	_ =	sdelay $0x5  }
0x36d: {  	p1 =	sne.s32 s19, $0x3  }
0x36e: {  	s31 =	sshll.u32 s31, $0x2;
	s0 =	sshll.u32 @!p1 s30, $0x2;
	v5 =	vlaneseq.u32;
	v1 =	vlaneseq.u32 @!p1;
	v0, _, _ =	vpop (xrf2)  }
0x36f: {  	v5 =	vadd.s32 s31, v5;
	v1 =	vadd.s32 @!p1 s0, v1;
	v0 =	vbroadcast v0, $0xF;
	v2, _, _ =	vpop (xrf2)  }
0x370: {  	v5 =	vmin.u32 v5, $0x1FF;
	v1 =	vmin.u32 @!p1 v1, $0x1FF;
	v2 =	vbroadcast v2, $0xF;
	v6, _, _ =	vpop (xrf2)  }
0x371: {  	v1 =	vshll.u32 @!p1 v1, $0x3;
	v0 =	vnsel vm1, $0x0, v0;
	v6 =	vbroadcast v6, $0xF;
	v7, _, _ =	vpop (xrf2)  }
0x372: {  	v0 =	vsel vm2, v0, v2;
	v2 =	vbroadcast v7, $0xF  }
0x373: {  	[tilespmem:$0x13B0] =	vst v3;
	v0 =	vsel vm3, v0, v6;
	v6 =	vor.u32 @!p1 $0x1, v1  }
0x374: {  	[tilespmem:$0x13F0] =	vst v3;
	v0 =	vsel vm4, v0, v2  }
0x375: {  	s0 =	simm.s32 @!p1 $0x0;
	[tilespmem:v5+s14+$0x0] =	vst.idx.msk $0xf, v0;
	v0 =	vor.u32 @!p1 $0x2, v1  }
0x376: {  	v1 =	vld.idx.msk @!p1 [tilespmem:v1+s0+$0x0], $0xffff;
	_ =	sdelay $0x1  }
0x377: {  	v2 =	vld.idx.msk @!p1 [tilespmem:v6+s0+$0x0], $0xffff;
	_ =	sdelay $0x1  }
0x378: {  	v0 =	vld.idx.msk @!p1 [tilespmem:v0+s0+$0x0], $0xffff;
	_ =	sdelay $0x2  }
0x379: {  	vm5 =	vmmov @!p1 $0xffff;
	s2 =	simm.s32 @!p1 $0x1400  }
0x37a: {  	[tilespmem:s2], [sflag:$0x1] =	stream.indirect_vreg.gather @!p1 [hbm4b:s4+s0], $0x40, v1, vm5, $0xb8;
	[tilespmem:$0x1BCC0] =	vst v63  }
0x37b: {  	s2 =	simm.s32 @!p1 $0x1800  }
0x37c: {  	[tilespmem:s2], [sflag:$0x1] =	stream.indirect_vreg.gather @!p1 [hbm4b:s5+s0], $0x40, v2, vm5, $0xb8;
	[tilespmem:$0x1BCC0] =	vst v63  }
0x37d: {  	s2 =	simm.s32 @!p1 $0x1C00  }
0x37e: {  	[tilespmem:s2], [sflag:$0x1] =	stream.indirect_vreg.gather @!p1 [hbm4b:s4+s0], $0x40, v0, vm5, $0xb8;
	[tilespmem:$0x1BCC0] =	vst v63  }
0x37f: {  	_ =	swait.ge [sflag:s25], $0x1900  }
0x380: {  	[sflag:s25] =	ssyncset.done $0x0  }
0x381: {  	[sflag:s25] =	ssyncadd.s32 $0xFFFFE700  }
0x382: {  	_ =	swait.ge [sflag:s25], $0x1900  }
0x383: {  	[sflag:s25] =	ssyncset.done $0x0  }
0x384: {  	[sflag:s25] =	ssyncadd.s32 $0xFFFFE700  }
0x385: {  	_ =	swait.ge [sflag:s25], $0x1900  }
0x386: {  	[sflag:s25] =	ssyncset.done $0x0  }
0x387: {  	[sflag:s25] =	ssyncadd.s32 $0xFFFFE700  }
0x388: {  	_ =	swait.ge [sflag:s25], $0x1900  }
0x389: {  	[sflag:s25] =	ssyncset.done $0x0  }
0x38a: {  	[sflag:s25] =	ssyncadd.s32 $0xFFFFE700  }
0x38b: {  	_ =	swait.ge [sflag:s25], $0x1900  }
0x38c: {  	[sflag:s25] =	ssyncset.done $0x0  }
0x38d: {  	[sflag:s25] =	ssyncadd.s32 $0xFFFFE700  }
0x38e: {  	_ =	swait.ge [sflag:s25], $0x1900  }
0x38f: {  	[sflag:s25] =	ssyncset.done $0x0  }
0x390: {  	[sflag:s25] =	ssyncadd.s32 $0xFFFFE700  }
0x391: {  	s21 =	smin.u32 s29, $0x7C;
	_ =	swait.ge [sflag:s25], $0x1900  }
0x392: {  	s0 =	sshll.u32 s21, $0x3;
	[sflag:s25] =	ssyncset.done $0x0  }
0x393: {  	s0 =	sadd.s32 s0, s12;
	[sflag:s25] =	ssyncadd.s32 $0xFFFFE700  }
0x394: {  	s0 =	smul.u32 $0xD, s0;
	_ =	swait.ge [sflag:s25], $0x1900  }
0x395: {  	[sflag:s25] =	ssyncset.done $0x0  }
0x396: {  	s0 =	sadd.s32 s7, s0;
	[sflag:s25] =	ssyncadd.s32 $0xFFFFE700  }
0x397: {  	[tilespmem:s22], [sflag:$0x7] =	stream.linear.gather [hbm4b:s0+s3], $0x340, $0x38;
	[tilespmem:$0x1BCC0] =	vst v63  }
0x398: {  	v16 =	vld [tilespmem:$0x1FF40];
	s0 =	simm.s32 @!p0 $0x5  }
0x399: {  	_ =	swait.ge @!p0 [sflag:s0], $0x320  }
0x39a: {  	v15 =	vld [tilespmem:$0x1FF30];
	_ =	sdelay $0x1  }
0x39b: {  	v0 =	vlaneseq.u32  }
0x39c: {  	v1 =	vor.u32 v16, v0  }
0x39d: {  	v5 =	vor.u32 v4, v0  }
0x39e: {  	v3 =	vadd.s32 $0x1, v0;
	[sflag:s0] =	ssyncset.done @!p0 $0x0;
	v2 =	vor.u32 v15, v0  }
0x39f: {  	s29 =	simm.s32 $0x0;
	v6 =	vand.u32 $0x3F, v3;
	[sflag:s0] =	ssyncadd.s32 @!p0 $0xFFFFFCE0;
	v0 =	vor.u32 v13, v0  }
0x3a0: {  	v3 =	vld [tilespmem:s29+$0x1200];
	v22 =	vor.u32 v15, v6  }
0x3a1: {  	v7 =	vor.u32 v16, v6;
	v1 =	vld.idx.msk [tilespmem:v1+s24+$0x0], $0xffff  }
0x3a2: {  	v58 =	vld.idx.msk [tilespmem:v5+s24+$0x0], $0xffff  }
0x3a3: {  	v10 =	vld.idx.msk [tilespmem:v2+s24+$0x0], $0xffff  }
0x3a4: {  	v57 =	vimm.f32 $0.0e+00;
	v63 =	vor.u32 v4, v6;
	v59 =	vld.idx.msk [tilespmem:v0+s24+$0x0], $0xffff  }
0x3a5: {  	v62 =	vor.u32 v13, v6;
	v5 =	vimm.f32 $0.0e+00;
	v2 =	vadd.s32 $0x1, v6;
	v0 =	vld.idx.msk [tilespmem:v22+s24+$0x0], $0xffff  }
0x3a6: {  	s30 =	simm.s32 $0x1;
	v22 =	vimm.f32 $0.0e+00;
	v6 =	vand.u32 $0x3F, v2;
	v2 =	vld.idx.msk [tilespmem:v7+s24+$0x0], $0xffff;
	v7 =	vmul.f32 v1, v3  }
0x3a7: {  	v60 =	vld [tilespmem:s30+$0x1200];
	v1 =	vimm.f32 $0.0e+00;
	v8 =	vor.u32 v15, v6;
	v61 =	vor.u32 v16, v6  }
0x3a8: {  	v14 =	vmovc v13;
	s2 =	simm.s32 $0x8;
	s0 =	simm.s32 $0xC;
	v11 =	vor.u32 v4, v6;
	v9 =	vor.u32 v13, v6;
	v10 =	vmul.f32 v10, v3  }
.LBB2_35:
0x3a9: {  	p0 =	sne.s32 s0, $0xFC;
	v12 =	vmul.f32 v58, v3;
	v58 =	vld.idx.msk [tilespmem:v63+s24+$0x0], $0xffff;
	v57 =	vadd.f32 v7, v57;
	v13 =	vmovc v8;
	v63 =	vmov v11;
	s19 =	smov.u32 s0;
	s0 =	sadd.s32 $0x4, s0  }
.Ltmp16:
0x3aa: {  	v8 =	vmul.f32 v59, v3;
	v59 =	vld.idx.msk [tilespmem:v62+s24+$0x0], $0xffff;
	v22 =	vadd.f32 v10, v22;
	v62 =	vmov v9;
	(pc) =	sbr.rel @p0 .LBB2_35-.Ltmp16, $4  }
0x3ab: {  	v6 =	vadd.s32 $0x1, v6;
	v5 =	vadd.f32 v12, v5  }
0x3ac: {  	s20 =	sshra.s32 s2, $0x2;
	v6 =	vand.u32 $0x3F, v6;
	s2 =	smov.u32 s19;
	v1 =	vadd.f32 v8, v1;
	v7 =	vmul.f32 v2, v60;
	v2 =	vld.idx.msk [tilespmem:v61+s24+$0x0], $0xffff;
	v3 =	vmovc v60  }
0x3ad: {  	v8 =	vor.u32 v15, v6;
	v61 =	vor.u32 v16, v6;
	v60 =	vld [tilespmem:s20+$0x1200]  }
0x3ae: {  	v11 =	vor.u32 v4, v6;
	v9 =	vor.u32 v14, v6;
	v10 =	vmul.f32 v0, v3;
	v0 =	vld.idx.msk [tilespmem:v13+s24+$0x0], $0xffff  }
0x3af: {  	_ =	sdelay $0x3  }
0x3b0: {  	v6 =	vld.idx.msk [tilespmem:v63+s24+$0x0], $0xffff  }
0x3b1: {  	v12 =	vld.idx.msk [tilespmem:v62+s24+$0x0], $0xffff  }
0x3b2: {  	v11 =	vld.idx.msk [tilespmem:v11+s24+$0x0], $0xffff  }
0x3b3: {  	s0 =	sshra.s32 s2, $0x2;
	v9 =	vld.idx.msk [tilespmem:v9+s24+$0x0], $0xffff  }
0x3b4: {  	v58 =	vmul.f32 v58, v3;
	v13 =	vld [tilespmem:s0+$0x1200]  }
0x3b5: {  	v7 =	vadd.f32 v7, v57;
	v3 =	vmul.f32 v59, v3;
	v8 =	vld.idx.msk [tilespmem:v8+s24+$0x0], $0xffff;
	v2 =	vmul.f32 v2, v60  }
0x3b6: {  	v17 =	vld [tilespmem:$0x1FF80];
	v10 =	vadd.f32 v10, v22;
	v5 =	vadd.f32 v58, v5;
	v0 =	vmul.f32 v0, v60  }
0x3b7: {  	v22 =	vld.idx.msk [tilespmem:v61+s24+$0x0], $0xffff;
	v1 =	vadd.f32 v3, v1;
	v3 =	vmul.f32 v6, v60;
	v2 =	vadd.f32 v2, v7  }
0x3b8: {  	v6 =	vmul.f32 v12, v60;
	v7 =	vlaneseq.u32;
	v0 =	vadd.f32 v0, v10  }
0x3b9: {  	v15 =	vld [tilespmem:$0x1FF70];
	v10 =	vor.u32 $0x10, v7;
	v3 =	vadd.f32 v3, v5;
	v5 =	vmul.f32 v11, v13  }
0x3ba: {  	v16 =	vld [tilespmem:$0x1FF50];
	v1 =	vadd.f32 v6, v1;
	v6 =	vmul.f32 v9, v13;
	v9 =	vor.u32 $0x20, v7  }
0x3bb: {  	v14 =	vld [tilespmem:$0x1FF60];
	v8 =	vmul.f32 v8, v13;
	v3 =	vadd.f32 v5, v3;
	v5 =	vor.u32 $0x30, v7  }
0x3bc: {  	v11 =	vmul.f32 v22, v13;
	v1 =	vadd.f32 v6, v1;
	v6 =	vor.u32 v17, v7  }
0x3bd: {  	v0 =	vadd.f32 v8, v0;
	[tilespmem:v7+s26+$0x0] =	vst.idx.msk $0xffff, v3  }
0x3be: {  	v2 =	vadd.f32 v11, v2;
	[tilespmem:v10+s26+$0x0] =	vst.idx.msk $0xffff, v1;
	v1 =	vor.u32 v15, v7  }
0x3bf: {  	[tilespmem:v9+s26+$0x0] =	vst.idx.msk $0xffff, v0;
	v0 =	vor.u32 v16, v7  }
0x3c0: {  	v3 =	vor.u32 v14, v7;
	[tilespmem:v5+s26+$0x0] =	vst.idx.msk $0xffff, v2;
	v2 =	vadd.s32 $0x1, v7  }
0x3c1: {  	s29 =	simm.s32 $0x0;
	v5 =	vld.idx.msk [tilespmem:v6+s24+$0x0], $0xffff;
	v2 =	vand.u32 $0x3F, v2  }
0x3c2: {  	v61 =	vld [tilespmem:s29+$0x1200];
	v7 =	vor.u32 v17, v2  }
0x3c3: {  	v12 =	vor.u32 v15, v2;
	v10 =	vld.idx.msk [tilespmem:v1+s24+$0x0], $0xffff  }
0x3c4: {  	v1 =	vor.u32 v16, v2;
	v58 =	vld.idx.msk [tilespmem:v0+s24+$0x0], $0xffff;
	v0 =	vadd.s32 $0x1, v2  }
0x3c5: {  	v57 =	vimm.f32 $0.0e+00;
	s30 =	simm.s32 $0x1;
	v62 =	vor.u32 v14, v2;
	v3 =	vld.idx.msk [tilespmem:v3+s24+$0x0], $0xffff;
	v6 =	vand.u32 $0x3F, v0  }
0x3c6: {  	v22 =	vimm.f32 $0.0e+00;
	v59 =	vld [tilespmem:s30+$0x1200];
	v0 =	vimm.f32 $0.0e+00;
	v8 =	vor.u32 v15, v6  }
0x3c7: {  	v60 =	vor.u32 v17, v6;
	v11 =	vor.u32 v16, v6;
	v2 =	vld.idx.msk [tilespmem:v7+s24+$0x0], $0xffff;
	v7 =	vmul.f32 v5, v61  }
0x3c8: {  	s2 =	simm.s32 $0x8;
	s0 =	simm.s32 $0xC;
	v9 =	vor.u32 v14, v6;
	v63 =	vld.idx.msk [tilespmem:v12+s24+$0x0], $0xffff;
	v5 =	vimm.f32 $0.0e+00;
	v10 =	vmul.f32 v10, v61  }
.LBB2_37:
0x3c9: {  	p0 =	sne.s32 s0, $0xFC;
	v12 =	vmul.f32 v58, v61;
	v58 =	vld.idx.msk [tilespmem:v1+s24+$0x0], $0xffff;
	v57 =	vadd.f32 v7, v57;
	v13 =	vmovc v8;
	v1 =	vmov v11;
	s19 =	smov.u32 s0;
	s0 =	sadd.s32 $0x4, s0  }
.Ltmp17:
0x3ca: {  	v8 =	vmul.f32 v3, v61;
	v3 =	vld.idx.msk [tilespmem:v62+s24+$0x0], $0xffff;
	v22 =	vadd.f32 v10, v22;
	v62 =	vmov v9;
	(pc) =	sbr.rel @p0 .LBB2_37-.Ltmp17, $4  }
0x3cb: {  	v6 =	vadd.s32 $0x1, v6;
	v0 =	vadd.f32 v12, v0  }
0x3cc: {  	s20 =	sshra.s32 s2, $0x2;
	v6 =	vand.u32 $0x3F, v6;
	s2 =	smov.u32 s19;
	v5 =	vadd.f32 v8, v5;
	v7 =	vmul.f32 v2, v59;
	v2 =	vld.idx.msk [tilespmem:v60+s24+$0x0], $0xffff;
	v61 =	vmovc v59  }
0x3cd: {  	v8 =	vor.u32 v15, v6;
	v60 =	vor.u32 v17, v6;
	v59 =	vld [tilespmem:s20+$0x1200]  }
0x3ce: {  	v11 =	vor.u32 v16, v6;
	v9 =	vor.u32 v14, v6;
	v10 =	vmul.f32 v63, v61;
	v63 =	vld.idx.msk [tilespmem:v13+s24+$0x0], $0xffff  }
0x3cf: {  	_ =	sdelay $0x3  }
0x3d0: {  	v1 =	vld.idx.msk [tilespmem:v1+s24+$0x0], $0xffff  }
0x3d1: {  	v6 =	vld.idx.msk [tilespmem:v62+s24+$0x0], $0xffff  }
0x3d2: {  	v11 =	vld.idx.msk [tilespmem:v11+s24+$0x0], $0xffff  }
0x3d3: {  	s0 =	sshra.s32 s2, $0x2;
	v9 =	vld.idx.msk [tilespmem:v9+s24+$0x0], $0xffff  }
0x3d4: {  	v13 =	vmul.f32 v58, v61;
	v3 =	vmul.f32 v3, v61;
	v12 =	vld [tilespmem:s0+$0x1200]  }
0x3d5: {  	v7 =	vadd.f32 v7, v57;
	v18 =	vld [tilespmem:$0x1FFC0];
	v10 =	vadd.f32 v10, v22;
	v2 =	vmul.f32 v2, v59  }
0x3d6: {  	v0 =	vadd.f32 v13, v0;
	v3 =	vadd.f32 v3, v5;
	v5 =	vld.idx.msk [tilespmem:v8+s24+$0x0], $0xffff;
	v8 =	vmul.f32 v63, v59  }
0x3d7: {  	v13 =	vld.idx.msk [tilespmem:v60+s24+$0x0], $0xffff;
	v1 =	vmul.f32 v1, v59;
	v2 =	vadd.f32 v2, v7;
	v7 =	vlaneseq.u32  }
0x3d8: {  	v6 =	vmul.f32 v6, v59;
	v8 =	vadd.f32 v8, v10;
	v10 =	vor.u32 $0x40, v7  }
0x3d9: {  	v0 =	vadd.f32 v1, v0;
	v1 =	vmul.f32 v11, v12;
	v11 =	vor.u32 $0x50, v7  }
0x3da: {  	v15 =	vld [tilespmem:$0x1FFB0];
	v3 =	vadd.f32 v6, v3;
	v6 =	vmul.f32 v9, v12;
	v9 =	vor.u32 $0x60, v7  }
0x3db: {  	v17 =	vld [tilespmem:$0x1FF90];
	v5 =	vmul.f32 v5, v12;
	v0 =	vadd.f32 v1, v0;
	v1 =	vor.u32 $0x70, v7  }
0x3dc: {  	v14 =	vld [tilespmem:$0x1FFA0];
	v12 =	vmul.f32 v13, v12;
	v3 =	vadd.f32 v6, v3;
	v6 =	vor.u32 v18, v7  }
0x3dd: {  	v5 =	vadd.f32 v5, v8;
	[tilespmem:v10+s26+$0x0] =	vst.idx.msk $0xffff, v0  }
0x3de: {  	v0 =	vadd.f32 v12, v2;
	[tilespmem:v11+s26+$0x0] =	vst.idx.msk $0xffff, v3  }
0x3df: {  	v2 =	vor.u32 v15, v7;
	[tilespmem:v9+s26+$0x0] =	vst.idx.msk $0xffff, v5  }
0x3e0: {  	[tilespmem:v1+s26+$0x0] =	vst.idx.msk $0xffff, v0;
	v0 =	vor.u32 v17, v7;
	v1 =	vadd.s32 $0x1, v7  }
0x3e1: {  	s29 =	simm.s32 $0x0;
	v3 =	vor.u32 v14, v7;
	v5 =	vld.idx.msk [tilespmem:v6+s24+$0x0], $0xffff;
	v6 =	vand.u32 $0x3F, v1  }
0x3e2: {  	v61 =	vld [tilespmem:s29+$0x1200];
	v7 =	vor.u32 v18, v6;
	_ =	sdelay $0x1  }
0x3e3: {  	v10 =	vld.idx.msk [tilespmem:v2+s24+$0x0], $0xffff;
	v12 =	vor.u32 v15, v6  }
0x3e4: {  	v57 =	vimm.f32 $0.0e+00;
	v1 =	vor.u32 v17, v6;
	v58 =	vld.idx.msk [tilespmem:v0+s24+$0x0], $0xffff  }
0x3e5: {  	v22 =	vimm.f32 $0.0e+00;
	v62 =	vor.u32 v14, v6;
	v3 =	vld.idx.msk [tilespmem:v3+s24+$0x0], $0xffff;
	v0 =	vadd.s32 $0x1, v6  }
0x3e6: {  	s30 =	simm.s32 $0x1;
	v6 =	vand.u32 $0x3F, v0;
	v0 =	vimm.f32 $0.0e+00;
	v2 =	vld.idx.msk [tilespmem:v7+s24+$0x0], $0xffff;
	v7 =	vmul.f32 v5, v61  }
0x3e7: {  	v59 =	vld [tilespmem:s30+$0x1200];
	v8 =	vor.u32 v15, v6;
	v60 =	vor.u32 v18, v6;
	v11 =	vor.u32 v17, v6  }
0x3e8: {  	s2 =	simm.s32 $0x8;
	s0 =	simm.s32 $0xC;
	v9 =	vor.u32 v14, v6;
	v10 =	vmul.f32 v10, v61;
	v63 =	vld.idx.msk [tilespmem:v12+s24+$0x0], $0xffff;
	v5 =	vimm.f32 $0.0e+00  }
.LBB2_39:
0x3e9: {  	p0 =	sne.s32 s0, $0xFC;
	v12 =	vmul.f32 v58, v61;
	v58 =	vld.idx.msk [tilespmem:v1+s24+$0x0], $0xffff;
	v57 =	vadd.f32 v7, v57;
	v13 =	vmovc v8;
	v1 =	vmov v11;
	s19 =	smov.u32 s0;
	s0 =	sadd.s32 $0x4, s0  }
.Ltmp18:
0x3ea: {  	v8 =	vmul.f32 v3, v61;
	v3 =	vld.idx.msk [tilespmem:v62+s24+$0x0], $0xffff;
	v22 =	vadd.f32 v10, v22;
	v62 =	vmov v9;
	(pc) =	sbr.rel @p0 .LBB2_39-.Ltmp18, $4  }
0x3eb: {  	v6 =	vadd.s32 $0x1, v6;
	v0 =	vadd.f32 v12, v0  }
0x3ec: {  	s20 =	sshra.s32 s2, $0x2;
	v6 =	vand.u32 $0x3F, v6;
	s2 =	smov.u32 s19;
	v5 =	vadd.f32 v8, v5;
	v7 =	vmul.f32 v2, v59;
	v2 =	vld.idx.msk [tilespmem:v60+s24+$0x0], $0xffff;
	v61 =	vmovc v59  }
0x3ed: {  	v8 =	vor.u32 v15, v6;
	v60 =	vor.u32 v18, v6;
	v59 =	vld [tilespmem:s20+$0x1200]  }
0x3ee: {  	v11 =	vor.u32 v17, v6;
	v9 =	vor.u32 v14, v6;
	v10 =	vmul.f32 v63, v61;
	v63 =	vld.idx.msk [tilespmem:v13+s24+$0x0], $0xffff  }
0x3ef: {  	_ =	sdelay $0x3  }
0x3f0: {  	v1 =	vld.idx.msk [tilespmem:v1+s24+$0x0], $0xffff  }
0x3f1: {  	v6 =	vld.idx.msk [tilespmem:v62+s24+$0x0], $0xffff  }
0x3f2: {  	v11 =	vld.idx.msk [tilespmem:v11+s24+$0x0], $0xffff  }
0x3f3: {  	s0 =	sshra.s32 s2, $0x2;
	v9 =	vld.idx.msk [tilespmem:v9+s24+$0x0], $0xffff  }
0x3f4: {  	v13 =	vmul.f32 v58, v61;
	v3 =	vmul.f32 v3, v61;
	v12 =	vld [tilespmem:s0+$0x1200]  }
0x3f5: {  	v7 =	vadd.f32 v7, v57;
	v60 =	vld.idx.msk [tilespmem:v60+s24+$0x0], $0xffff;
	v10 =	vadd.f32 v10, v22;
	v2 =	vmul.f32 v2, v59  }
0x3f6: {  	v0 =	vadd.f32 v13, v0;
	v3 =	vadd.f32 v3, v5;
	v5 =	vld.idx.msk [tilespmem:v8+s24+$0x0], $0xffff;
	v58 =	vmul.f32 v63, v59  }
0x3f7: {  	v18 =	vld [tilespmem:$0x1FFD0];
	v1 =	vmul.f32 v1, v59;
	v2 =	vadd.f32 v2, v7;
	v7 =	vlaneseq.u32  }
0x3f8: {  	v6 =	vmul.f32 v6, v59;
	v8 =	vadd.f32 v58, v10;
	v61 =	vor.u32 $0x80, v7  }
0x3f9: {  	v62 =	vor.u32 $0x90, v7;
	v0 =	vadd.f32 v1, v0;
	v1 =	vmul.f32 v11, v12  }
0x3fa: {  	v63 =	vor.u32 $0xA0, v7;
	v3 =	vadd.f32 v6, v3;
	v6 =	vmul.f32 v9, v12  }
0x3fb: {  	v5 =	vmul.f32 v5, v12;
	v0 =	vadd.f32 v1, v0;
	v1 =	vor.u32 $0xB0, v7  }
0x3fc: {  	v12 =	vmul.f32 v60, v12;
	v3 =	vadd.f32 v6, v3;
	v6 =	vor.u32 v18, v7  }
0x3fd: {  	v5 =	vadd.f32 v5, v8;
	[tilespmem:v61+s26+$0x0] =	vst.idx.msk $0xffff, v0  }
0x3fe: {  	v0 =	vadd.f32 v12, v2;
	[tilespmem:v62+s26+$0x0] =	vst.idx.msk $0xffff, v3  }
0x3ff: {  	[tilespmem:v63+s26+$0x0] =	vst.idx.msk $0xffff, v5  }
0x400: {  	[tilespmem:v1+s26+$0x0] =	vst.idx.msk $0xffff, v0;
	v1 =	vadd.s32 $0x1, v7  }
0x401: {  	s20 =	simm.s32 $0x0;
	v0 =	vld.idx.msk [tilespmem:v6+s24+$0x0], $0xffff;
	v5 =	vand.u32 $0x3F, v1  }
0x402: {  	s2 =	simm.s32 $0x4;
	s19 =	simm.s32 $0xC;
	s0 =	simm.s32 $0x8;
	v1 =	vimm.f32 $0.0e+00;
	v2 =	vld [tilespmem:s20+$0x1200];
	v3 =	vor.u32 v18, v5  }
.LBB2_41:
0x403: {  	_ = 	snop  }
0x404: {  	p0 =	sne.s32 s19, $0xFC  }
.Ltmp19:
0x405: {  	_ = 	snop;
	(pc) =	sbr.rel @p0 .LBB2_41-.Ltmp19, $4  }
0x406: {  	_ = 	snop  }
0x407: {  	v5 =	vadd.s32 $0x1, v5;
	v6 =	vmul.f32 v0, v2  }
0x408: {  	s20 =	smov.u32 s19;
	s21 =	sshra.s32 s2, $0x2;
	v5 =	vand.u32 $0x3F, v5;
	v0 =	vld.idx.msk [tilespmem:v3+s24+$0x0], $0xffff  }
0x409: {  	s19 =	sadd.s32 $0x4, s19;
	s2 =	smov.u32 s0;
	s0 =	smov.u32 s20;
	v3 =	vor.u32 v18, v5;
	v2 =	vld [tilespmem:s21+$0x1200];
	v1 =	vadd.f32 v6, v1  }
0x40a: {  	v5 =	vadd.s32 $0x1, v5  }
0x40b: {  	v5 =	vand.u32 $0x3F, v5  }
0x40c: {  	v5 =	vor.u32 v18, v5;
	_ =	sdelay $0x1  }
0x40d: {  	s2 =	sshra.s32 s2, $0x2;
	v3 =	vld.idx.msk [tilespmem:v3+s24+$0x0], $0xffff  }
0x40e: {  	s0 =	sshra.s32 s0, $0x2;
	v6 =	vld [tilespmem:s2+$0x1200]  }
0x40f: {  	v7 =	vld [tilespmem:s0+$0x1200]  }
0x410: {  	v5 =	vld.idx.msk [tilespmem:v5+s24+$0x0], $0xffff  }
0x411: {  	v0 =	vmul.f32 v0, v2;
	_ =	sdelay $0x1  }
0x412: {  	v2 =	vlaneseq.u32;
	v0 =	vadd.f32 v0, v1;
	v1 =	vmul.f32 v3, v6  }
0x413: {  	v14 =	vld [tilespmem:$0x1FFE0];
	v3 =	vor.u32 $0xC0, v2  }
0x414: {  	v15 =	vld [tilespmem:$0x1FFF0];
	v0 =	vadd.f32 v1, v0;
	v1 =	vmul.f32 v5, v7;
	v5 =	vor.u32 v20, v2;
	_ =	sdelay $0x1  }
0x415: {  	v0 =	vadd.f32 v1, v0  }
0x416: {  	v1 =	vor.u32 v19, v2  }
0x417: {  	s29 =	simm.s32 $0x0;
	[tilespmem:v3+s26+$0x0] =	vst.idx.msk $0xff, v0;
	v0 =	vor.u32 v14, v2;
	v3 =	vadd.s32 $0x1, v2  }
0x418: {  	s0 =	sand.u32 $0x3F, s29;
	v2 =	vor.u32 v15, v2;
	v5 =	vld.idx.msk [tilespmem:v5+s24+$0x0], $0xffff;
	v3 =	vand.u32 $0x3F, v3  }
0x419: {  	v61 =	vld [tilespmem:s0+$0x1280];
	v7 =	vor.u32 v20, v3;
	_ =	sdelay $0x1  }
0x41a: {  	v12 =	vor.u32 v19, v3;
	v10 =	vld.idx.msk [tilespmem:v1+s24+$0x0], $0xffff  }
0x41b: {  	v57 =	vimm.f32 $0.0e+00;
	v1 =	vor.u32 v14, v3;
	v58 =	vld.idx.msk [tilespmem:v0+s24+$0x0], $0xffff  }
0x41c: {  	s30 =	simm.s32 $0x1;
	v22 =	vimm.f32 $0.0e+00;
	v62 =	vor.u32 v15, v3;
	v0 =	vadd.s32 $0x1, v3;
	v3 =	vld.idx.msk [tilespmem:v2+s24+$0x0], $0xffff  }
0x41d: {  	s0 =	sand.u32 $0x3F, s30;
	v6 =	vand.u32 $0x3F, v0;
	v0 =	vimm.f32 $0.0e+00;
	v2 =	vld.idx.msk [tilespmem:v7+s24+$0x0], $0xffff;
	v7 =	vmul.f32 v5, v61  }
0x41e: {  	v59 =	vld [tilespmem:s0+$0x1280];
	v8 =	vor.u32 v19, v6;
	v60 =	vor.u32 v20, v6;
	v11 =	vor.u32 v14, v6  }
0x41f: {  	s2 =	simm.s32 $0x2;
	s0 =	simm.s32 $0x3;
	v9 =	vor.u32 v15, v6;
	v63 =	vld.idx.msk [tilespmem:v12+s24+$0x0], $0xffff;
	v5 =	vimm.f32 $0.0e+00;
	v10 =	vmul.f32 v10, v61  }
.LBB2_43:
0x420: {  	p0 =	sne.s32 s0, $0x3F;
	v12 =	vmul.f32 v58, v61;
	v58 =	vld.idx.msk [tilespmem:v1+s24+$0x0], $0xffff;
	v57 =	vadd.f32 v7, v57;
	v13 =	vmovc v8;
	v1 =	vmov v11;
	s19 =	smov.u32 s0;
	s0 =	sadd.s32 $0x1, s0  }
.Ltmp20:
0x421: {  	v8 =	vmul.f32 v3, v61;
	v3 =	vld.idx.msk [tilespmem:v62+s24+$0x0], $0xffff;
	v22 =	vadd.f32 v10, v22;
	v62 =	vmov v9;
	(pc) =	sbr.rel @p0 .LBB2_43-.Ltmp20, $4  }
0x422: {  	v6 =	vadd.s32 $0x1, v6;
	v0 =	vadd.f32 v12, v0  }
0x423: {  	s20 =	sand.u32 $0x3F, s2;
	v6 =	vand.u32 $0x3F, v6;
	s2 =	smov.u32 s19;
	v5 =	vadd.f32 v8, v5;
	v7 =	vmul.f32 v2, v59;
	v2 =	vld.idx.msk [tilespmem:v60+s24+$0x0], $0xffff;
	v61 =	vmovc v59  }
0x424: {  	v8 =	vor.u32 v19, v6;
	v60 =	vor.u32 v20, v6;
	v59 =	vld [tilespmem:s20+$0x1280]  }
0x425: {  	v11 =	vor.u32 v14, v6;
	v9 =	vor.u32 v15, v6;
	v10 =	vmul.f32 v63, v61;
	v63 =	vld.idx.msk [tilespmem:v13+s24+$0x0], $0xffff  }
0x426: {  	_ =	sdelay $0x3  }
0x427: {  	v1 =	vld.idx.msk [tilespmem:v1+s24+$0x0], $0xffff  }
0x428: {  	v6 =	vld.idx.msk [tilespmem:v62+s24+$0x0], $0xffff  }
0x429: {  	s0 =	sand.u32 $0x3F, s2;
	v11 =	vld.idx.msk [tilespmem:v11+s24+$0x0], $0xffff  }
0x42a: {  	v13 =	vmul.f32 v58, v61;
	v3 =	vmul.f32 v3, v61;
	v12 =	vld [tilespmem:s0+$0x1280]  }
0x42b: {  	v7 =	vadd.f32 v7, v57;
	v9 =	vld.idx.msk [tilespmem:v9+s24+$0x0], $0xffff;
	v10 =	vadd.f32 v10, v22;
	v2 =	vmul.f32 v2, v59  }
0x42c: {  	v0 =	vadd.f32 v13, v0;
	v3 =	vadd.f32 v3, v5;
	v5 =	vld.idx.msk [tilespmem:v8+s24+$0x0], $0xffff;
	v8 =	vmul.f32 v63, v59  }
0x42d: {  	v63 =	vld.idx.msk [tilespmem:v60+s24+$0x0], $0xffff;
	v1 =	vmul.f32 v1, v59;
	v2 =	vadd.f32 v2, v7;
	v7 =	vlaneseq.u32  }
0x42e: {  	v6 =	vmul.f32 v6, v59;
	v8 =	vadd.f32 v8, v10;
	v10 =	vadd.s32 $0xC8, v7  }
0x42f: {  	v0 =	vadd.f32 v1, v0;
	v1 =	vmul.f32 v11, v12;
	v11 =	vadd.s32 $0xD8, v7  }
0x430: {  	v3 =	vadd.f32 v6, v3;
	v6 =	vmul.f32 v9, v12;
	v9 =	vadd.s32 $0xE8, v7  }
0x431: {  	v5 =	vmul.f32 v5, v12;
	v0 =	vadd.f32 v1, v0;
	v1 =	vadd.s32 $0xF8, v7  }
0x432: {  	v12 =	vmul.f32 v63, v12;
	v3 =	vadd.f32 v6, v3;
	v6 =	vor.u32 v26, v7  }
0x433: {  	v5 =	vadd.f32 v5, v8;
	[tilespmem:v10+s26+$0x0] =	vst.idx.msk $0xffff, v0  }
0x434: {  	v0 =	vadd.f32 v12, v2;
	[tilespmem:v11+s26+$0x0] =	vst.idx.msk $0xffff, v3  }
0x435: {  	v2 =	vor.u32 v25, v7;
	[tilespmem:v9+s26+$0x0] =	vst.idx.msk $0xffff, v5  }
0x436: {  	s29 =	simm.s32 $0x0;
	[tilespmem:v1+s26+$0x0] =	vst.idx.msk $0xffff, v0;
	v0 =	vor.u32 v23, v7;
	v1 =	vadd.s32 $0x1, v7  }
0x437: {  	s0 =	sand.u32 $0x3F, s29;
	v3 =	vor.u32 v24, v7;
	v5 =	vld.idx.msk [tilespmem:v6+s24+$0x0], $0xffff;
	v6 =	vand.u32 $0x3F, v1  }
0x438: {  	v61 =	vld [tilespmem:s0+$0x1280];
	v7 =	vor.u32 v26, v6;
	_ =	sdelay $0x1  }
0x439: {  	v10 =	vld.idx.msk [tilespmem:v2+s24+$0x0], $0xffff;
	v12 =	vor.u32 v25, v6  }
0x43a: {  	v57 =	vimm.f32 $0.0e+00;
	v1 =	vor.u32 v23, v6;
	v58 =	vld.idx.msk [tilespmem:v0+s24+$0x0], $0xffff  }
0x43b: {  	s30 =	simm.s32 $0x1;
	v22 =	vimm.f32 $0.0e+00;
	v62 =	vor.u32 v24, v6;
	v3 =	vld.idx.msk [tilespmem:v3+s24+$0x0], $0xffff;
	v0 =	vadd.s32 $0x1, v6  }
0x43c: {  	s0 =	sand.u32 $0x3F, s30;
	v6 =	vand.u32 $0x3F, v0;
	v0 =	vimm.f32 $0.0e+00;
	v2 =	vld.idx.msk [tilespmem:v7+s24+$0x0], $0xffff;
	v7 =	vmul.f32 v5, v61  }
0x43d: {  	v59 =	vld [tilespmem:s0+$0x1280];
	v8 =	vor.u32 v25, v6;
	v60 =	vor.u32 v26, v6;
	v11 =	vor.u32 v23, v6  }
0x43e: {  	s2 =	simm.s32 $0x2;
	s0 =	simm.s32 $0x3;
	v9 =	vor.u32 v24, v6;
	v10 =	vmul.f32 v10, v61;
	v63 =	vld.idx.msk [tilespmem:v12+s24+$0x0], $0xffff;
	v5 =	vimm.f32 $0.0e+00  }
.LBB2_45:
0x43f: {  	p0 =	sne.s32 s0, $0x3F;
	v12 =	vmul.f32 v58, v61;
	v58 =	vld.idx.msk [tilespmem:v1+s24+$0x0], $0xffff;
	v57 =	vadd.f32 v7, v57;
	v13 =	vmovc v8;
	v1 =	vmov v11;
	s19 =	smov.u32 s0;
	s0 =	sadd.s32 $0x1, s0  }
.Ltmp21:
0x440: {  	v8 =	vmul.f32 v3, v61;
	v3 =	vld.idx.msk [tilespmem:v62+s24+$0x0], $0xffff;
	v22 =	vadd.f32 v10, v22;
	v62 =	vmov v9;
	(pc) =	sbr.rel @p0 .LBB2_45-.Ltmp21, $4  }
0x441: {  	v6 =	vadd.s32 $0x1, v6;
	v0 =	vadd.f32 v12, v0  }
0x442: {  	s20 =	sand.u32 $0x3F, s2;
	v6 =	vand.u32 $0x3F, v6;
	s2 =	smov.u32 s19;
	v5 =	vadd.f32 v8, v5;
	v7 =	vmul.f32 v2, v59;
	v2 =	vld.idx.msk [tilespmem:v60+s24+$0x0], $0xffff;
	v61 =	vmovc v59  }
0x443: {  	v8 =	vor.u32 v25, v6;
	v60 =	vor.u32 v26, v6;
	v59 =	vld [tilespmem:s20+$0x1280]  }
0x444: {  	v11 =	vor.u32 v23, v6;
	v9 =	vor.u32 v24, v6;
	v10 =	vmul.f32 v63, v61;
	v63 =	vld.idx.msk [tilespmem:v13+s24+$0x0], $0xffff  }
0x445: {  	_ =	sdelay $0x3  }
0x446: {  	v1 =	vld.idx.msk [tilespmem:v1+s24+$0x0], $0xffff  }
0x447: {  	v6 =	vld.idx.msk [tilespmem:v62+s24+$0x0], $0xffff  }
0x448: {  	s0 =	sand.u32 $0x3F, s2;
	v11 =	vld.idx.msk [tilespmem:v11+s24+$0x0], $0xffff  }
0x449: {  	v13 =	vmul.f32 v58, v61;
	v3 =	vmul.f32 v3, v61;
	v12 =	vld [tilespmem:s0+$0x1280]  }
0x44a: {  	v7 =	vadd.f32 v7, v57;
	v9 =	vld.idx.msk [tilespmem:v9+s24+$0x0], $0xffff;
	v10 =	vadd.f32 v10, v22;
	v2 =	vmul.f32 v2, v59  }
0x44b: {  	v0 =	vadd.f32 v13, v0;
	v3 =	vadd.f32 v3, v5;
	v5 =	vld.idx.msk [tilespmem:v8+s24+$0x0], $0xffff;
	v8 =	vmul.f32 v63, v59  }
0x44c: {  	v62 =	vld.idx.msk [tilespmem:v60+s24+$0x0], $0xffff;
	v1 =	vmul.f32 v1, v59;
	v2 =	vadd.f32 v2, v7;
	v7 =	vlaneseq.u32  }
0x44d: {  	v6 =	vmul.f32 v6, v59;
	v8 =	vadd.f32 v8, v10;
	v10 =	vadd.s32 $0x108, v7  }
0x44e: {  	v0 =	vadd.f32 v1, v0;
	v1 =	vmul.f32 v11, v12;
	v11 =	vadd.s32 $0x118, v7  }
0x44f: {  	v3 =	vadd.f32 v6, v3;
	v6 =	vmul.f32 v9, v12;
	v9 =	vadd.s32 $0x128, v7  }
0x450: {  	v5 =	vmul.f32 v5, v12;
	v0 =	vadd.f32 v1, v0;
	v1 =	vadd.s32 $0x138, v7  }
0x451: {  	v12 =	vmul.f32 v62, v12;
	v3 =	vadd.f32 v6, v3;
	v6 =	vor.u32 v30, v7  }
0x452: {  	v5 =	vadd.f32 v5, v8;
	[tilespmem:v10+s26+$0x0] =	vst.idx.msk $0xffff, v0  }
0x453: {  	v0 =	vadd.f32 v12, v2;
	[tilespmem:v11+s26+$0x0] =	vst.idx.msk $0xffff, v3  }
0x454: {  	v2 =	vor.u32 v29, v7;
	[tilespmem:v9+s26+$0x0] =	vst.idx.msk $0xffff, v5  }
0x455: {  	s29 =	simm.s32 $0x0;
	[tilespmem:v1+s26+$0x0] =	vst.idx.msk $0xffff, v0;
	v0 =	vor.u32 v27, v7;
	v1 =	vadd.s32 $0x1, v7  }
0x456: {  	s0 =	sand.u32 $0x3F, s29;
	v3 =	vor.u32 v28, v7;
	v5 =	vld.idx.msk [tilespmem:v6+s24+$0x0], $0xffff;
	v6 =	vand.u32 $0x3F, v1  }
0x457: {  	v57 =	vld [tilespmem:s0+$0x1280];
	v7 =	vor.u32 v30, v6;
	_ =	sdelay $0x1  }
0x458: {  	v10 =	vld.idx.msk [tilespmem:v2+s24+$0x0], $0xffff;
	v63 =	vor.u32 v29, v6  }
0x459: {  	v23 =	vimm.f32 $0.0e+00;
	v1 =	vor.u32 v27, v6;
	v24 =	vld.idx.msk [tilespmem:v0+s24+$0x0], $0xffff  }
0x45a: {  	s30 =	simm.s32 $0x1;
	v22 =	vimm.f32 $0.0e+00;
	v58 =	vor.u32 v28, v6;
	v3 =	vld.idx.msk [tilespmem:v3+s24+$0x0], $0xffff;
	v0 =	vadd.s32 $0x1, v6  }
0x45b: {  	s0 =	sand.u32 $0x3F, s30;
	v6 =	vand.u32 $0x3F, v0;
	v0 =	vimm.f32 $0.0e+00;
	v2 =	vld.idx.msk [tilespmem:v7+s24+$0x0], $0xffff;
	v7 =	vmul.f32 v5, v57  }
0x45c: {  	v25 =	vld [tilespmem:s0+$0x1280];
	v8 =	vor.u32 v29, v6;
	v26 =	vor.u32 v30, v6;
	v11 =	vor.u32 v27, v6  }
0x45d: {  	s2 =	simm.s32 $0x2;
	s0 =	simm.s32 $0x3;
	v9 =	vor.u32 v28, v6;
	v10 =	vmul.f32 v10, v57;
	v59 =	vld.idx.msk [tilespmem:v63+s24+$0x0], $0xffff;
	v5 =	vimm.f32 $0.0e+00  }
.LBB2_47:
0x45e: {  	p0 =	sne.s32 s0, $0x3F;
	v12 =	vmul.f32 v24, v57;
	v24 =	vld.idx.msk [tilespmem:v1+s24+$0x0], $0xffff;
	v23 =	vadd.f32 v7, v23;
	v13 =	vmovc v8;
	v1 =	vmov v11;
	s19 =	smov.u32 s0;
	s0 =	sadd.s32 $0x1, s0  }
.Ltmp22:
0x45f: {  	v8 =	vmul.f32 v3, v57;
	v3 =	vld.idx.msk [tilespmem:v58+s24+$0x0], $0xffff;
	v22 =	vadd.f32 v10, v22;
	v58 =	vmov v9;
	(pc) =	sbr.rel @p0 .LBB2_47-.Ltmp22, $4  }
0x460: {  	v6 =	vadd.s32 $0x1, v6;
	v0 =	vadd.f32 v12, v0  }
0x461: {  	s20 =	sand.u32 $0x3F, s2;
	v6 =	vand.u32 $0x3F, v6;
	s2 =	smov.u32 s19;
	v5 =	vadd.f32 v8, v5;
	v7 =	vmul.f32 v2, v25;
	v2 =	vld.idx.msk [tilespmem:v26+s24+$0x0], $0xffff;
	v57 =	vmovc v25  }
0x462: {  	v8 =	vor.u32 v29, v6;
	v26 =	vor.u32 v30, v6;
	v25 =	vld [tilespmem:s20+$0x1280]  }
0x463: {  	v11 =	vor.u32 v27, v6;
	v9 =	vor.u32 v28, v6;
	v10 =	vmul.f32 v59, v57;
	v59 =	vld.idx.msk [tilespmem:v13+s24+$0x0], $0xffff  }
0x464: {  	_ =	sdelay $0x3  }
0x465: {  	v1 =	vld.idx.msk [tilespmem:v1+s24+$0x0], $0xffff  }
0x466: {  	v6 =	vld.idx.msk [tilespmem:v58+s24+$0x0], $0xffff  }
0x467: {  	s0 =	sand.u32 $0x3F, s2;
	v11 =	vld.idx.msk [tilespmem:v11+s24+$0x0], $0xffff  }
0x468: {  	v13 =	vmul.f32 v24, v57;
	v3 =	vmul.f32 v3, v57;
	v12 =	vld [tilespmem:s0+$0x1280]  }
0x469: {  	v7 =	vadd.f32 v7, v23;
	v9 =	vld.idx.msk [tilespmem:v9+s24+$0x0], $0xffff;
	v10 =	vadd.f32 v10, v22;
	v2 =	vmul.f32 v2, v25  }
0x46a: {  	v0 =	vadd.f32 v13, v0;
	v3 =	vadd.f32 v3, v5;
	v5 =	vld.idx.msk [tilespmem:v8+s24+$0x0], $0xffff;
	v59 =	vmul.f32 v59, v25  }
0x46b: {  	v60 =	vld.idx.msk [tilespmem:v26+s24+$0x0], $0xffff;
	v1 =	vmul.f32 v1, v25;
	v2 =	vadd.f32 v2, v7;
	v7 =	vlaneseq.u32  }
0x46c: {  	v6 =	vmul.f32 v6, v25;
	v8 =	vadd.f32 v59, v10;
	v61 =	vadd.s32 $0x148, v7  }
0x46d: {  	v62 =	vadd.s32 $0x158, v7;
	v0 =	vadd.f32 v1, v0;
	v1 =	vmul.f32 v11, v12  }
0x46e: {  	v63 =	vadd.s32 $0x168, v7;
	v3 =	vadd.f32 v6, v3;
	v6 =	vmul.f32 v9, v12  }
0x46f: {  	v5 =	vmul.f32 v5, v12;
	v0 =	vadd.f32 v1, v0;
	v1 =	vadd.s32 $0x178, v7  }
0x470: {  	v12 =	vmul.f32 v60, v12;
	v3 =	vadd.f32 v6, v3;
	v6 =	vor.u32 v38, v7  }
0x471: {  	v5 =	vadd.f32 v5, v8;
	[tilespmem:v61+s26+$0x0] =	vst.idx.msk $0xffff, v0  }
0x472: {  	v0 =	vadd.f32 v12, v2;
	[tilespmem:v62+s26+$0x0] =	vst.idx.msk $0xffff, v3  }
0x473: {  	[tilespmem:v63+s26+$0x0] =	vst.idx.msk $0xffff, v5  }
0x474: {  	s30 =	simm.s32 $0x0;
	[tilespmem:v1+s26+$0x0] =	vst.idx.msk $0xffff, v0;
	v1 =	vadd.s32 $0x1, v7  }
0x475: {  	s20 =	sand.u32 $0x3F, s30;
	v0 =	vld.idx.msk [tilespmem:v6+s24+$0x0], $0xffff;
	v5 =	vand.u32 $0x3F, v1  }
0x476: {  	s2 =	simm.s32 $0x1;
	s19 =	simm.s32 $0x3;
	s0 =	simm.s32 $0x2;
	v1 =	vimm.f32 $0.0e+00;
	v2 =	vld [tilespmem:s20+$0x1280];
	v3 =	vor.u32 v38, v5  }
.LBB2_49:
0x477: {  	_ = 	snop  }
0x478: {  	p0 =	sne.s32 s19, $0x3F  }
.Ltmp23:
0x479: {  	_ = 	snop;
	(pc) =	sbr.rel @p0 .LBB2_49-.Ltmp23, $4  }
0x47a: {  	_ = 	snop  }
0x47b: {  	v5 =	vadd.s32 $0x1, v5;
	v6 =	vmul.f32 v0, v2  }
0x47c: {  	s20 =	smov.u32 s19;
	s21 =	sand.u32 $0x3F, s2;
	v5 =	vand.u32 $0x3F, v5;
	v0 =	vld.idx.msk [tilespmem:v3+s24+$0x0], $0xffff  }
0x47d: {  	s19 =	sadd.s32 $0x1, s19;
	s2 =	smov.u32 s0;
	s0 =	smov.u32 s20;
	v3 =	vor.u32 v38, v5;
	v2 =	vld [tilespmem:s21+$0x1280];
	v1 =	vadd.f32 v6, v1  }
0x47e: {  	v5 =	vadd.s32 $0x1, v5  }
0x47f: {  	v5 =	vand.u32 $0x3F, v5  }
0x480: {  	v5 =	vor.u32 v38, v5;
	_ =	sdelay $0x1  }
0x481: {  	s2 =	sand.u32 $0x3F, s2;
	v3 =	vld.idx.msk [tilespmem:v3+s24+$0x0], $0xffff  }
0x482: {  	s0 =	sand.u32 $0x3F, s0;
	v6 =	vld [tilespmem:s2+$0x1280]  }
0x483: {  	v7 =	vld [tilespmem:s0+$0x1280]  }
0x484: {  	v5 =	vld.idx.msk [tilespmem:v5+s24+$0x0], $0xffff  }
0x485: {  	v0 =	vmul.f32 v0, v2;
	_ =	sdelay $0x1  }
0x486: {  	v2 =	vlaneseq.u32;
	v0 =	vadd.f32 v0, v1;
	v1 =	vmul.f32 v3, v6  }
0x487: {  	v3 =	vadd.s32 $0x188, v2  }
0x488: {  	v0 =	vadd.f32 v1, v0;
	v1 =	vmul.f32 v5, v7;
	v5 =	vor.u32 v34, v2;
	_ =	sdelay $0x1  }
0x489: {  	v0 =	vadd.f32 v1, v0  }
0x48a: {  	v1 =	vor.u32 v33, v2  }
0x48b: {  	s29 =	simm.s32 $0x0;
	[tilespmem:v3+s26+$0x0] =	vst.idx.msk $0xff, v0;
	v0 =	vor.u32 v31, v2;
	v3 =	vadd.s32 $0x1, v2  }
0x48c: {  	s0 =	sand.u32 $0x3F, s29;
	v2 =	vor.u32 v32, v2;
	v5 =	vld.idx.msk [tilespmem:v5+s24+$0x0], $0xffff;
	v3 =	vand.u32 $0x3F, v3  }
0x48d: {  	v27 =	vld [tilespmem:s0+$0x1300];
	v7 =	vor.u32 v34, v3;
	_ =	sdelay $0x1  }
0x48e: {  	v12 =	vor.u32 v33, v3;
	v10 =	vld.idx.msk [tilespmem:v1+s24+$0x0], $0xffff  }
0x48f: {  	v23 =	vimm.f32 $0.0e+00;
	v1 =	vor.u32 v31, v3;
	v24 =	vld.idx.msk [tilespmem:v0+s24+$0x0], $0xffff  }
0x490: {  	s30 =	simm.s32 $0x1;
	v22 =	vimm.f32 $0.0e+00;
	v28 =	vor.u32 v32, v3;
	v0 =	vadd.s32 $0x1, v3;
	v3 =	vld.idx.msk [tilespmem:v2+s24+$0x0], $0xffff  }
0x491: {  	s0 =	sand.u32 $0x3F, s30;
	v6 =	vand.u32 $0x3F, v0;
	v0 =	vimm.f32 $0.0e+00;
	v2 =	vld.idx.msk [tilespmem:v7+s24+$0x0], $0xffff;
	v7 =	vmul.f32 v5, v27  }
0x492: {  	v25 =	vld [tilespmem:s0+$0x1300];
	v8 =	vor.u32 v33, v6;
	v26 =	vor.u32 v34, v6;
	v11 =	vor.u32 v31, v6  }
0x493: {  	s2 =	simm.s32 $0x2;
	s0 =	simm.s32 $0x3;
	v9 =	vor.u32 v32, v6;
	v29 =	vld.idx.msk [tilespmem:v12+s24+$0x0], $0xffff;
	v5 =	vimm.f32 $0.0e+00;
	v10 =	vmul.f32 v10, v27  }
.LBB2_51:
0x494: {  	p0 =	sne.s32 s0, $0x3F;
	v12 =	vmul.f32 v24, v27;
	v24 =	vld.idx.msk [tilespmem:v1+s24+$0x0], $0xffff;
	v23 =	vadd.f32 v7, v23;
	v13 =	vmovc v8;
	v1 =	vmov v11;
	s19 =	smov.u32 s0;
	s0 =	sadd.s32 $0x1, s0  }
.Ltmp24:
0x495: {  	v8 =	vmul.f32 v3, v27;
	v3 =	vld.idx.msk [tilespmem:v28+s24+$0x0], $0xffff;
	v22 =	vadd.f32 v10, v22;
	v28 =	vmov v9;
	(pc) =	sbr.rel @p0 .LBB2_51-.Ltmp24, $4  }
0x496: {  	v6 =	vadd.s32 $0x1, v6;
	v0 =	vadd.f32 v12, v0  }
0x497: {  	s20 =	sand.u32 $0x3F, s2;
	v6 =	vand.u32 $0x3F, v6;
	s2 =	smov.u32 s19;
	v5 =	vadd.f32 v8, v5;
	v7 =	vmul.f32 v2, v25;
	v2 =	vld.idx.msk [tilespmem:v26+s24+$0x0], $0xffff;
	v27 =	vmovc v25  }
0x498: {  	v8 =	vor.u32 v33, v6;
	v26 =	vor.u32 v34, v6;
	v25 =	vld [tilespmem:s20+$0x1300]  }
0x499: {  	v11 =	vor.u32 v31, v6;
	v9 =	vor.u32 v32, v6;
	v10 =	vmul.f32 v29, v27;
	v29 =	vld.idx.msk [tilespmem:v13+s24+$0x0], $0xffff  }
0x49a: {  	_ =	sdelay $0x3  }
0x49b: {  	v1 =	vld.idx.msk [tilespmem:v1+s24+$0x0], $0xffff  }
0x49c: {  	v6 =	vld.idx.msk [tilespmem:v28+s24+$0x0], $0xffff  }
0x49d: {  	s0 =	sand.u32 $0x3F, s2;
	v11 =	vld.idx.msk [tilespmem:v11+s24+$0x0], $0xffff  }
0x49e: {  	v13 =	vmul.f32 v24, v27;
	v3 =	vmul.f32 v3, v27;
	v12 =	vld [tilespmem:s0+$0x1300]  }
0x49f: {  	v7 =	vadd.f32 v7, v23;
	v9 =	vld.idx.msk [tilespmem:v9+s24+$0x0], $0xffff;
	v10 =	vadd.f32 v10, v22;
	v2 =	vmul.f32 v2, v25  }
0x4a0: {  	v0 =	vadd.f32 v13, v0;
	v3 =	vadd.f32 v3, v5;
	v5 =	vld.idx.msk [tilespmem:v8+s24+$0x0], $0xffff;
	v8 =	vmul.f32 v29, v25  }
0x4a1: {  	v62 =	vld.idx.msk [tilespmem:v26+s24+$0x0], $0xffff;
	v1 =	vmul.f32 v1, v25;
	v2 =	vadd.f32 v2, v7;
	v7 =	vlaneseq.u32  }
0x4a2: {  	v6 =	vmul.f32 v6, v25;
	v8 =	vadd.f32 v8, v10;
	v10 =	vor.u32 $0x190, v7  }
0x4a3: {  	v0 =	vadd.f32 v1, v0;
	v1 =	vmul.f32 v11, v12;
	v11 =	vor.u32 $0x1A0, v7  }
0x4a4: {  	v3 =	vadd.f32 v6, v3;
	v6 =	vmul.f32 v9, v12;
	v9 =	vor.u32 $0x1B0, v7  }
0x4a5: {  	v5 =	vmul.f32 v5, v12;
	v0 =	vadd.f32 v1, v0;
	v1 =	vor.u32 $0x1C0, v7  }
0x4a6: {  	v12 =	vmul.f32 v62, v12;
	v3 =	vadd.f32 v6, v3;
	v6 =	vor.u32 v39, v7  }
0x4a7: {  	v5 =	vadd.f32 v5, v8;
	[tilespmem:v10+s26+$0x0] =	vst.idx.msk $0xffff, v0  }
0x4a8: {  	v0 =	vadd.f32 v12, v2;
	[tilespmem:v11+s26+$0x0] =	vst.idx.msk $0xffff, v3  }
0x4a9: {  	v2 =	vor.u32 v37, v7;
	[tilespmem:v9+s26+$0x0] =	vst.idx.msk $0xffff, v5  }
0x4aa: {  	s29 =	simm.s32 $0x0;
	[tilespmem:v1+s26+$0x0] =	vst.idx.msk $0xffff, v0;
	v0 =	vor.u32 v35, v7;
	v1 =	vadd.s32 $0x1, v7  }
0x4ab: {  	s0 =	sand.u32 $0x3F, s29;
	v3 =	vor.u32 v36, v7;
	v5 =	vld.idx.msk [tilespmem:v6+s24+$0x0], $0xffff;
	v6 =	vand.u32 $0x3F, v1  }
0x4ac: {  	v27 =	vld [tilespmem:s0+$0x1300];
	v7 =	vor.u32 v39, v6;
	_ =	sdelay $0x1  }
0x4ad: {  	v10 =	vld.idx.msk [tilespmem:v2+s24+$0x0], $0xffff;
	v63 =	vor.u32 v37, v6  }
0x4ae: {  	v23 =	vimm.f32 $0.0e+00;
	v1 =	vor.u32 v35, v6;
	v24 =	vld.idx.msk [tilespmem:v0+s24+$0x0], $0xffff  }
0x4af: {  	s30 =	simm.s32 $0x1;
	v22 =	vimm.f32 $0.0e+00;
	v28 =	vor.u32 v36, v6;
	v3 =	vld.idx.msk [tilespmem:v3+s24+$0x0], $0xffff;
	v0 =	vadd.s32 $0x1, v6  }
0x4b0: {  	s0 =	sand.u32 $0x3F, s30;
	v6 =	vand.u32 $0x3F, v0;
	v0 =	vimm.f32 $0.0e+00;
	v2 =	vld.idx.msk [tilespmem:v7+s24+$0x0], $0xffff;
	v7 =	vmul.f32 v5, v27  }
0x4b1: {  	v25 =	vld [tilespmem:s0+$0x1300];
	v8 =	vor.u32 v37, v6;
	v26 =	vor.u32 v39, v6;
	v11 =	vor.u32 v35, v6  }
0x4b2: {  	s2 =	simm.s32 $0x2;
	s0 =	simm.s32 $0x3;
	v9 =	vor.u32 v36, v6;
	v10 =	vmul.f32 v10, v27;
	v29 =	vld.idx.msk [tilespmem:v63+s24+$0x0], $0xffff;
	v5 =	vimm.f32 $0.0e+00  }
.LBB2_53:
0x4b3: {  	p0 =	sne.s32 s0, $0x3F;
	v12 =	vmul.f32 v24, v27;
	v24 =	vld.idx.msk [tilespmem:v1+s24+$0x0], $0xffff;
	v23 =	vadd.f32 v7, v23;
	v13 =	vmovc v8;
	v1 =	vmov v11;
	s19 =	smov.u32 s0;
	s0 =	sadd.s32 $0x1, s0  }
.Ltmp25:
0x4b4: {  	v8 =	vmul.f32 v3, v27;
	v3 =	vld.idx.msk [tilespmem:v28+s24+$0x0], $0xffff;
	v22 =	vadd.f32 v10, v22;
	v28 =	vmov v9;
	(pc) =	sbr.rel @p0 .LBB2_53-.Ltmp25, $4  }
0x4b5: {  	v6 =	vadd.s32 $0x1, v6;
	v0 =	vadd.f32 v12, v0  }
0x4b6: {  	s20 =	sand.u32 $0x3F, s2;
	v6 =	vand.u32 $0x3F, v6;
	s2 =	smov.u32 s19;
	v5 =	vadd.f32 v8, v5;
	v7 =	vmul.f32 v2, v25;
	v2 =	vld.idx.msk [tilespmem:v26+s24+$0x0], $0xffff;
	v27 =	vmovc v25  }
0x4b7: {  	v8 =	vor.u32 v37, v6;
	v26 =	vor.u32 v39, v6;
	v25 =	vld [tilespmem:s20+$0x1300]  }
0x4b8: {  	v11 =	vor.u32 v35, v6;
	v9 =	vor.u32 v36, v6;
	v10 =	vmul.f32 v29, v27;
	v29 =	vld.idx.msk [tilespmem:v13+s24+$0x0], $0xffff  }
0x4b9: {  	_ =	sdelay $0x3  }
0x4ba: {  	v1 =	vld.idx.msk [tilespmem:v1+s24+$0x0], $0xffff  }
0x4bb: {  	v6 =	vld.idx.msk [tilespmem:v28+s24+$0x0], $0xffff  }
0x4bc: {  	s0 =	sand.u32 $0x3F, s2;
	v11 =	vld.idx.msk [tilespmem:v11+s24+$0x0], $0xffff  }
0x4bd: {  	v13 =	vmul.f32 v24, v27;
	v3 =	vmul.f32 v3, v27;
	v12 =	vld [tilespmem:s0+$0x1300]  }
0x4be: {  	v7 =	vadd.f32 v7, v23;
	v9 =	vld.idx.msk [tilespmem:v9+s24+$0x0], $0xffff;
	v10 =	vadd.f32 v10, v22;
	v2 =	vmul.f32 v2, v25  }
0x4bf: {  	v0 =	vadd.f32 v13, v0;
	v3 =	vadd.f32 v3, v5;
	v5 =	vld.idx.msk [tilespmem:v8+s24+$0x0], $0xffff;
	v8 =	vmul.f32 v29, v25  }
0x4c0: {  	v62 =	vld.idx.msk [tilespmem:v26+s24+$0x0], $0xffff;
	v1 =	vmul.f32 v1, v25;
	v2 =	vadd.f32 v2, v7;
	v7 =	vlaneseq.u32  }
0x4c1: {  	v6 =	vmul.f32 v6, v25;
	v8 =	vadd.f32 v8, v10;
	v10 =	vor.u32 $0x1D0, v7  }
0x4c2: {  	v0 =	vadd.f32 v1, v0;
	v1 =	vmul.f32 v11, v12;
	v11 =	vor.u32 $0x1E0, v7  }
0x4c3: {  	v3 =	vadd.f32 v6, v3;
	v6 =	vmul.f32 v9, v12;
	v9 =	vor.u32 $0x1F0, v7  }
0x4c4: {  	v5 =	vmul.f32 v5, v12;
	v0 =	vadd.f32 v1, v0;
	v1 =	vor.u32 $0x200, v7  }
0x4c5: {  	v12 =	vmul.f32 v62, v12;
	v3 =	vadd.f32 v6, v3;
	v6 =	vor.u32 v43, v7  }
0x4c6: {  	v5 =	vadd.f32 v5, v8;
	[tilespmem:v10+s26+$0x0] =	vst.idx.msk $0xffff, v0  }
0x4c7: {  	v0 =	vadd.f32 v12, v2;
	[tilespmem:v11+s26+$0x0] =	vst.idx.msk $0xffff, v3  }
0x4c8: {  	v2 =	vor.u32 v42, v7;
	[tilespmem:v9+s26+$0x0] =	vst.idx.msk $0xffff, v5  }
0x4c9: {  	s29 =	simm.s32 $0x0;
	[tilespmem:v1+s26+$0x0] =	vst.idx.msk $0xffff, v0;
	v0 =	vor.u32 v40, v7;
	v1 =	vadd.s32 $0x1, v7  }
0x4ca: {  	s0 =	sand.u32 $0x3F, s29;
	v3 =	vor.u32 v41, v7;
	v5 =	vld.idx.msk [tilespmem:v6+s24+$0x0], $0xffff;
	v6 =	vand.u32 $0x3F, v1  }
0x4cb: {  	v27 =	vld [tilespmem:s0+$0x1300];
	v7 =	vor.u32 v43, v6;
	_ =	sdelay $0x1  }
0x4cc: {  	v10 =	vld.idx.msk [tilespmem:v2+s24+$0x0], $0xffff;
	v63 =	vor.u32 v42, v6  }
0x4cd: {  	v23 =	vimm.f32 $0.0e+00;
	v1 =	vor.u32 v40, v6;
	v24 =	vld.idx.msk [tilespmem:v0+s24+$0x0], $0xffff  }
0x4ce: {  	s30 =	simm.s32 $0x1;
	v22 =	vimm.f32 $0.0e+00;
	v28 =	vor.u32 v41, v6;
	v3 =	vld.idx.msk [tilespmem:v3+s24+$0x0], $0xffff;
	v0 =	vadd.s32 $0x1, v6  }
0x4cf: {  	s0 =	sand.u32 $0x3F, s30;
	v6 =	vand.u32 $0x3F, v0;
	v0 =	vimm.f32 $0.0e+00;
	v2 =	vld.idx.msk [tilespmem:v7+s24+$0x0], $0xffff;
	v7 =	vmul.f32 v5, v27  }
0x4d0: {  	v25 =	vld [tilespmem:s0+$0x1300];
	v8 =	vor.u32 v42, v6;
	v26 =	vor.u32 v43, v6;
	v11 =	vor.u32 v40, v6  }
0x4d1: {  	s2 =	simm.s32 $0x2;
	s0 =	simm.s32 $0x3;
	v9 =	vor.u32 v41, v6;
	v10 =	vmul.f32 v10, v27;
	v29 =	vld.idx.msk [tilespmem:v63+s24+$0x0], $0xffff;
	v5 =	vimm.f32 $0.0e+00  }
.LBB2_55:
0x4d2: {  	p0 =	sne.s32 s0, $0x3F;
	v12 =	vmul.f32 v24, v27;
	v24 =	vld.idx.msk [tilespmem:v1+s24+$0x0], $0xffff;
	v23 =	vadd.f32 v7, v23;
	v13 =	vmovc v8;
	v1 =	vmov v11;
	s19 =	smov.u32 s0;
	s0 =	sadd.s32 $0x1, s0  }
.Ltmp26:
0x4d3: {  	v8 =	vmul.f32 v3, v27;
	v3 =	vld.idx.msk [tilespmem:v28+s24+$0x0], $0xffff;
	v22 =	vadd.f32 v10, v22;
	v28 =	vmov v9;
	(pc) =	sbr.rel @p0 .LBB2_55-.Ltmp26, $4  }
0x4d4: {  	v6 =	vadd.s32 $0x1, v6;
	v0 =	vadd.f32 v12, v0  }
0x4d5: {  	s20 =	sand.u32 $0x3F, s2;
	v6 =	vand.u32 $0x3F, v6;
	s2 =	smov.u32 s19;
	v5 =	vadd.f32 v8, v5;
	v7 =	vmul.f32 v2, v25;
	v2 =	vld.idx.msk [tilespmem:v26+s24+$0x0], $0xffff;
	v27 =	vmovc v25  }
0x4d6: {  	v8 =	vor.u32 v42, v6;
	v26 =	vor.u32 v43, v6;
	v25 =	vld [tilespmem:s20+$0x1300]  }
0x4d7: {  	v11 =	vor.u32 v40, v6;
	v9 =	vor.u32 v41, v6;
	v10 =	vmul.f32 v29, v27;
	v29 =	vld.idx.msk [tilespmem:v13+s24+$0x0], $0xffff  }
0x4d8: {  	_ =	sdelay $0x3  }
0x4d9: {  	v1 =	vld.idx.msk [tilespmem:v1+s24+$0x0], $0xffff  }
0x4da: {  	v6 =	vld.idx.msk [tilespmem:v28+s24+$0x0], $0xffff  }
0x4db: {  	s0 =	sand.u32 $0x3F, s2;
	v11 =	vld.idx.msk [tilespmem:v11+s24+$0x0], $0xffff  }
0x4dc: {  	v13 =	vmul.f32 v24, v27;
	v3 =	vmul.f32 v3, v27;
	v12 =	vld [tilespmem:s0+$0x1300]  }
0x4dd: {  	v7 =	vadd.f32 v7, v23;
	v9 =	vld.idx.msk [tilespmem:v9+s24+$0x0], $0xffff;
	v10 =	vadd.f32 v10, v22;
	v2 =	vmul.f32 v2, v25  }
0x4de: {  	v0 =	vadd.f32 v13, v0;
	v3 =	vadd.f32 v3, v5;
	v5 =	vld.idx.msk [tilespmem:v8+s24+$0x0], $0xffff;
	v59 =	vmul.f32 v29, v25  }
0x4df: {  	v60 =	vld.idx.msk [tilespmem:v26+s24+$0x0], $0xffff;
	v1 =	vmul.f32 v1, v25;
	v2 =	vadd.f32 v2, v7;
	v7 =	vlaneseq.u32  }
0x4e0: {  	v6 =	vmul.f32 v6, v25;
	v8 =	vadd.f32 v59, v10;
	v61 =	vor.u32 $0x210, v7  }
0x4e1: {  	v62 =	vor.u32 $0x220, v7;
	v0 =	vadd.f32 v1, v0;
	v1 =	vmul.f32 v11, v12  }
0x4e2: {  	v63 =	vor.u32 $0x230, v7;
	v3 =	vadd.f32 v6, v3;
	v6 =	vmul.f32 v9, v12  }
0x4e3: {  	v5 =	vmul.f32 v5, v12;
	v0 =	vadd.f32 v1, v0;
	v1 =	vor.u32 $0x240, v7  }
0x4e4: {  	v12 =	vmul.f32 v60, v12;
	v3 =	vadd.f32 v6, v3;
	v6 =	vor.u32 v51, v7  }
0x4e5: {  	v5 =	vadd.f32 v5, v8;
	[tilespmem:v61+s26+$0x0] =	vst.idx.msk $0xffff, v0  }
0x4e6: {  	v0 =	vadd.f32 v12, v2;
	[tilespmem:v62+s26+$0x0] =	vst.idx.msk $0xffff, v3  }
0x4e7: {  	[tilespmem:v63+s26+$0x0] =	vst.idx.msk $0xffff, v5  }
0x4e8: {  	s30 =	simm.s32 $0x0;
	[tilespmem:v1+s26+$0x0] =	vst.idx.msk $0xffff, v0;
	v1 =	vadd.s32 $0x1, v7  }
0x4e9: {  	s20 =	sand.u32 $0x3F, s30;
	v0 =	vld.idx.msk [tilespmem:v6+s24+$0x0], $0xffff;
	v5 =	vand.u32 $0x3F, v1  }
0x4ea: {  	s2 =	simm.s32 $0x1;
	s19 =	simm.s32 $0x3;
	s0 =	simm.s32 $0x2;
	v1 =	vimm.f32 $0.0e+00;
	v2 =	vld [tilespmem:s20+$0x1300];
	v3 =	vor.u32 v51, v5  }
.LBB2_57:
0x4eb: {  	_ = 	snop  }
0x4ec: {  	p0 =	sne.s32 s19, $0x3F  }
.Ltmp27:
0x4ed: {  	_ = 	snop;
	(pc) =	sbr.rel @p0 .LBB2_57-.Ltmp27, $4  }
0x4ee: {  	_ = 	snop  }
0x4ef: {  	v5 =	vadd.s32 $0x1, v5;
	v6 =	vmul.f32 v0, v2  }
0x4f0: {  	s20 =	smov.u32 s19;
	s21 =	sand.u32 $0x3F, s2;
	v5 =	vand.u32 $0x3F, v5;
	v0 =	vld.idx.msk [tilespmem:v3+s24+$0x0], $0xffff  }
0x4f1: {  	s19 =	sadd.s32 $0x1, s19;
	s2 =	smov.u32 s0;
	s0 =	smov.u32 s20;
	v3 =	vor.u32 v51, v5;
	v2 =	vld [tilespmem:s21+$0x1300];
	v1 =	vadd.f32 v6, v1  }
0x4f2: {  	v5 =	vadd.s32 $0x1, v5  }
0x4f3: {  	v5 =	vand.u32 $0x3F, v5  }
0x4f4: {  	v5 =	vor.u32 v51, v5;
	_ =	sdelay $0x1  }
0x4f5: {  	s2 =	sand.u32 $0x3F, s2;
	v3 =	vld.idx.msk [tilespmem:v3+s24+$0x0], $0xffff  }
0x4f6: {  	s0 =	sand.u32 $0x3F, s0;
	v6 =	vld [tilespmem:s2+$0x1300]  }
0x4f7: {  	v7 =	vld [tilespmem:s0+$0x1300]  }
0x4f8: {  	v5 =	vld.idx.msk [tilespmem:v5+s24+$0x0], $0xffff  }
0x4f9: {  	v0 =	vmul.f32 v0, v2;
	_ =	sdelay $0x1  }
0x4fa: {  	v2 =	vlaneseq.u32;
	v0 =	vadd.f32 v0, v1;
	v1 =	vmul.f32 v3, v6  }
0x4fb: {  	v3 =	vor.u32 $0x250, v2  }
0x4fc: {  	v0 =	vadd.f32 v1, v0;
	v1 =	vmul.f32 v5, v7;
	v5 =	vor.u32 v47, v2;
	_ =	sdelay $0x1  }
0x4fd: {  	v0 =	vadd.f32 v1, v0  }
0x4fe: {  	v41 =	vld [tilespmem:$0x1FF60];
	v1 =	vor.u32 v46, v2  }
0x4ff: {  	s29 =	simm.s32 $0x0;
	v42 =	vld [tilespmem:$0x1FF70];
	[tilespmem:v3+s26+$0x0] =	vst.idx.msk $0xff, v0;
	v0 =	vor.u32 v44, v2;
	v3 =	vadd.s32 $0x1, v2  }
0x500: {  	s0 =	sand.u32 $0x3F, s29;
	v2 =	vor.u32 v45, v2;
	v5 =	vld.idx.msk [tilespmem:v5+s24+$0x0], $0xffff;
	v3 =	vand.u32 $0x3F, v3  }
0x501: {  	v27 =	vld [tilespmem:s0+$0x1380];
	v7 =	vor.u32 v47, v3  }
0x502: {  	v43 =	vld [tilespmem:$0x1FF80]  }
0x503: {  	v12 =	vor.u32 v46, v3;
	v10 =	vld.idx.msk [tilespmem:v1+s24+$0x0], $0xffff  }
0x504: {  	v23 =	vimm.f32 $0.0e+00;
	v1 =	vor.u32 v44, v3;
	v24 =	vld.idx.msk [tilespmem:v0+s24+$0x0], $0xffff  }
0x505: {  	s30 =	simm.s32 $0x1;
	v22 =	vimm.f32 $0.0e+00;
	v28 =	vor.u32 v45, v3;
	v0 =	vadd.s32 $0x1, v3;
	v3 =	vld.idx.msk [tilespmem:v2+s24+$0x0], $0xffff  }
0x506: {  	s0 =	sand.u32 $0x3F, s30;
	v6 =	vand.u32 $0x3F, v0;
	v0 =	vimm.f32 $0.0e+00;
	v2 =	vld.idx.msk [tilespmem:v7+s24+$0x0], $0xffff;
	v7 =	vmul.f32 v5, v27  }
0x507: {  	v25 =	vld [tilespmem:s0+$0x1380];
	v8 =	vor.u32 v46, v6;
	v26 =	vor.u32 v47, v6;
	v11 =	vor.u32 v44, v6  }
0x508: {  	s2 =	simm.s32 $0x2;
	s0 =	simm.s32 $0x3;
	v9 =	vor.u32 v45, v6;
	v29 =	vld.idx.msk [tilespmem:v12+s24+$0x0], $0xffff;
	v5 =	vimm.f32 $0.0e+00;
	v10 =	vmul.f32 v10, v27  }
.LBB2_59:
0x509: {  	p0 =	sne.s32 s0, $0x3F;
	v12 =	vmul.f32 v24, v27;
	v24 =	vld.idx.msk [tilespmem:v1+s24+$0x0], $0xffff;
	v23 =	vadd.f32 v7, v23;
	v13 =	vmovc v8;
	v1 =	vmov v11;
	s19 =	smov.u32 s0;
	s0 =	sadd.s32 $0x1, s0  }
.Ltmp28:
0x50a: {  	v8 =	vmul.f32 v3, v27;
	v3 =	vld.idx.msk [tilespmem:v28+s24+$0x0], $0xffff;
	v22 =	vadd.f32 v10, v22;
	v28 =	vmov v9;
	(pc) =	sbr.rel @p0 .LBB2_59-.Ltmp28, $4  }
0x50b: {  	v6 =	vadd.s32 $0x1, v6;
	v0 =	vadd.f32 v12, v0  }
0x50c: {  	s20 =	sand.u32 $0x3F, s2;
	v6 =	vand.u32 $0x3F, v6;
	s2 =	smov.u32 s19;
	v5 =	vadd.f32 v8, v5;
	v7 =	vmul.f32 v2, v25;
	v2 =	vld.idx.msk [tilespmem:v26+s24+$0x0], $0xffff;
	v27 =	vmovc v25  }
0x50d: {  	v8 =	vor.u32 v46, v6;
	v26 =	vor.u32 v47, v6;
	v25 =	vld [tilespmem:s20+$0x1380]  }
0x50e: {  	v11 =	vor.u32 v44, v6;
	v9 =	vor.u32 v45, v6;
	v10 =	vmul.f32 v29, v27;
	v29 =	vld.idx.msk [tilespmem:v13+s24+$0x0], $0xffff  }
0x50f: {  	_ =	sdelay $0x3  }
0x510: {  	v1 =	vld.idx.msk [tilespmem:v1+s24+$0x0], $0xffff  }
0x511: {  	v6 =	vld.idx.msk [tilespmem:v28+s24+$0x0], $0xffff  }
0x512: {  	s0 =	sand.u32 $0x3F, s2;
	v11 =	vld.idx.msk [tilespmem:v11+s24+$0x0], $0xffff  }
0x513: {  	v13 =	vmul.f32 v24, v27;
	v3 =	vmul.f32 v3, v27;
	v12 =	vld [tilespmem:s0+$0x1380]  }
0x514: {  	v7 =	vadd.f32 v7, v23;
	v9 =	vld.idx.msk [tilespmem:v9+s24+$0x0], $0xffff;
	v10 =	vadd.f32 v10, v22;
	v2 =	vmul.f32 v2, v25  }
0x515: {  	v0 =	vadd.f32 v13, v0;
	v3 =	vadd.f32 v3, v5;
	v5 =	vld.idx.msk [tilespmem:v8+s24+$0x0], $0xffff;
	v8 =	vmul.f32 v29, v25  }
0x516: {  	v62 =	vld.idx.msk [tilespmem:v26+s24+$0x0], $0xffff;
	v1 =	vmul.f32 v1, v25;
	v2 =	vadd.f32 v2, v7;
	v7 =	vlaneseq.u32  }
0x517: {  	v6 =	vmul.f32 v6, v25;
	v8 =	vadd.f32 v8, v10;
	v10 =	vadd.s32 $0x258, v7  }
0x518: {  	v0 =	vadd.f32 v1, v0;
	v1 =	vmul.f32 v11, v12;
	v11 =	vadd.s32 $0x268, v7  }
0x519: {  	v3 =	vadd.f32 v6, v3;
	v6 =	vmul.f32 v9, v12;
	v9 =	vadd.s32 $0x278, v7  }
0x51a: {  	v5 =	vmul.f32 v5, v12;
	v0 =	vadd.f32 v1, v0;
	v1 =	vadd.s32 $0x288, v7  }
0x51b: {  	v12 =	vmul.f32 v62, v12;
	v3 =	vadd.f32 v6, v3;
	v6 =	vor.u32 v52, v7  }
0x51c: {  	v5 =	vadd.f32 v5, v8;
	[tilespmem:v10+s26+$0x0] =	vst.idx.msk $0xffff, v0  }
0x51d: {  	v0 =	vadd.f32 v12, v2;
	[tilespmem:v11+s26+$0x0] =	vst.idx.msk $0xffff, v3  }
0x51e: {  	v2 =	vor.u32 v50, v7;
	[tilespmem:v9+s26+$0x0] =	vst.idx.msk $0xffff, v5  }
0x51f: {  	s29 =	simm.s32 $0x0;
	[tilespmem:v1+s26+$0x0] =	vst.idx.msk $0xffff, v0;
	v0 =	vor.u32 v48, v7;
	v1 =	vadd.s32 $0x1, v7  }
0x520: {  	s0 =	sand.u32 $0x3F, s29;
	v3 =	vor.u32 v49, v7;
	v5 =	vld.idx.msk [tilespmem:v6+s24+$0x0], $0xffff;
	v6 =	vand.u32 $0x3F, v1  }
0x521: {  	v27 =	vld [tilespmem:s0+$0x1380];
	v7 =	vor.u32 v52, v6;
	_ =	sdelay $0x1  }
0x522: {  	v10 =	vld.idx.msk [tilespmem:v2+s24+$0x0], $0xffff;
	v63 =	vor.u32 v50, v6  }
0x523: {  	v23 =	vimm.f32 $0.0e+00;
	v1 =	vor.u32 v48, v6;
	v24 =	vld.idx.msk [tilespmem:v0+s24+$0x0], $0xffff  }
0x524: {  	s30 =	simm.s32 $0x1;
	v22 =	vimm.f32 $0.0e+00;
	v28 =	vor.u32 v49, v6;
	v3 =	vld.idx.msk [tilespmem:v3+s24+$0x0], $0xffff;
	v0 =	vadd.s32 $0x1, v6  }
0x525: {  	s0 =	sand.u32 $0x3F, s30;
	v6 =	vand.u32 $0x3F, v0;
	v0 =	vimm.f32 $0.0e+00;
	v2 =	vld.idx.msk [tilespmem:v7+s24+$0x0], $0xffff;
	v7 =	vmul.f32 v5, v27  }
0x526: {  	v25 =	vld [tilespmem:s0+$0x1380];
	v8 =	vor.u32 v50, v6;
	v26 =	vor.u32 v52, v6;
	v11 =	vor.u32 v48, v6  }
0x527: {  	s2 =	simm.s32 $0x2;
	s0 =	simm.s32 $0x3;
	v9 =	vor.u32 v49, v6;
	v10 =	vmul.f32 v10, v27;
	v29 =	vld.idx.msk [tilespmem:v63+s24+$0x0], $0xffff;
	v5 =	vimm.f32 $0.0e+00  }
.LBB2_61:
0x528: {  	p0 =	sne.s32 s0, $0x3F;
	v12 =	vmul.f32 v24, v27;
	v24 =	vld.idx.msk [tilespmem:v1+s24+$0x0], $0xffff;
	v23 =	vadd.f32 v7, v23;
	v13 =	vmovc v8;
	v1 =	vmov v11;
	s19 =	smov.u32 s0;
	s0 =	sadd.s32 $0x1, s0  }
.Ltmp29:
0x529: {  	v8 =	vmul.f32 v3, v27;
	v3 =	vld.idx.msk [tilespmem:v28+s24+$0x0], $0xffff;
	v22 =	vadd.f32 v10, v22;
	v28 =	vmov v9;
	(pc) =	sbr.rel @p0 .LBB2_61-.Ltmp29, $4  }
0x52a: {  	v6 =	vadd.s32 $0x1, v6;
	v0 =	vadd.f32 v12, v0  }
0x52b: {  	s20 =	sand.u32 $0x3F, s2;
	v6 =	vand.u32 $0x3F, v6;
	s2 =	smov.u32 s19;
	v5 =	vadd.f32 v8, v5;
	v7 =	vmul.f32 v2, v25;
	v2 =	vld.idx.msk [tilespmem:v26+s24+$0x0], $0xffff;
	v27 =	vmovc v25  }
0x52c: {  	v8 =	vor.u32 v50, v6;
	v26 =	vor.u32 v52, v6;
	v25 =	vld [tilespmem:s20+$0x1380]  }
0x52d: {  	v11 =	vor.u32 v48, v6;
	v9 =	vor.u32 v49, v6;
	v10 =	vmul.f32 v29, v27;
	v29 =	vld.idx.msk [tilespmem:v13+s24+$0x0], $0xffff  }
0x52e: {  	_ =	sdelay $0x3  }
0x52f: {  	v1 =	vld.idx.msk [tilespmem:v1+s24+$0x0], $0xffff  }
0x530: {  	v6 =	vld.idx.msk [tilespmem:v28+s24+$0x0], $0xffff  }
0x531: {  	s0 =	sand.u32 $0x3F, s2;
	v11 =	vld.idx.msk [tilespmem:v11+s24+$0x0], $0xffff  }
0x532: {  	v13 =	vmul.f32 v24, v27;
	v3 =	vmul.f32 v3, v27;
	v12 =	vld [tilespmem:s0+$0x1380]  }
0x533: {  	v7 =	vadd.f32 v7, v23;
	v9 =	vld.idx.msk [tilespmem:v9+s24+$0x0], $0xffff;
	v10 =	vadd.f32 v10, v22;
	v2 =	vmul.f32 v2, v25  }
0x534: {  	v0 =	vadd.f32 v13, v0;
	v3 =	vadd.f32 v3, v5;
	v5 =	vld.idx.msk [tilespmem:v8+s24+$0x0], $0xffff;
	v8 =	vmul.f32 v29, v25  }
0x535: {  	v13 =	vld.idx.msk [tilespmem:v26+s24+$0x0], $0xffff;
	v1 =	vmul.f32 v1, v25;
	v2 =	vadd.f32 v2, v7;
	v7 =	vlaneseq.u32  }
0x536: {  	v6 =	vmul.f32 v6, v25;
	v8 =	vadd.f32 v8, v10;
	v10 =	vadd.s32 $0x298, v7  }
0x537: {  	v0 =	vadd.f32 v1, v0;
	v1 =	vmul.f32 v11, v12;
	v11 =	vadd.s32 $0x2A8, v7  }
0x538: {  	v3 =	vadd.f32 v6, v3;
	v6 =	vmul.f32 v9, v12;
	v9 =	vadd.s32 $0x2B8, v7  }
0x539: {  	v5 =	vmul.f32 v5, v12;
	v0 =	vadd.f32 v1, v0;
	v1 =	vadd.s32 $0x2C8, v7  }
0x53a: {  	v44 =	vld [tilespmem:$0x1FFA0];
	v12 =	vmul.f32 v13, v12;
	v3 =	vadd.f32 v6, v3;
	v6 =	vor.u32 v56, v7  }
0x53b: {  	v14 =	vld [tilespmem:$0x1FFB0];
	v5 =	vadd.f32 v5, v8;
	[tilespmem:v10+s26+$0x0] =	vst.idx.msk $0xffff, v0  }
0x53c: {  	v15 =	vld [tilespmem:$0x1FFC0];
	v0 =	vadd.f32 v12, v2;
	[tilespmem:v11+s26+$0x0] =	vst.idx.msk $0xffff, v3  }
0x53d: {  	v45 =	vld [tilespmem:$0x1FFE0];
	v2 =	vor.u32 v55, v7;
	[tilespmem:v9+s26+$0x0] =	vst.idx.msk $0xffff, v5  }
0x53e: {  	s29 =	simm.s32 $0x0;
	v46 =	vld [tilespmem:$0x1FFF0];
	[tilespmem:v1+s26+$0x0] =	vst.idx.msk $0xffff, v0;
	v0 =	vor.u32 v53, v7;
	v1 =	vadd.s32 $0x1, v7  }
0x53f: {  	s0 =	sand.u32 $0x3F, s29;
	v3 =	vor.u32 v54, v7;
	v5 =	vld.idx.msk [tilespmem:v6+s24+$0x0], $0xffff;
	v6 =	vand.u32 $0x3F, v1  }
0x540: {  	v27 =	vld [tilespmem:s0+$0x1380];
	v7 =	vor.u32 v56, v6  }
0x541: {  	v47 =	vld [tilespmem:$0x1FF30]  }
0x542: {  	v10 =	vld.idx.msk [tilespmem:v2+s24+$0x0], $0xffff;
	v12 =	vor.u32 v55, v6  }
0x543: {  	v23 =	vimm.f32 $0.0e+00;
	v1 =	vor.u32 v53, v6;
	v24 =	vld.idx.msk [tilespmem:v0+s24+$0x0], $0xffff  }
0x544: {  	s30 =	simm.s32 $0x1;
	v22 =	vimm.f32 $0.0e+00;
	v28 =	vor.u32 v54, v6;
	v3 =	vld.idx.msk [tilespmem:v3+s24+$0x0], $0xffff;
	v0 =	vadd.s32 $0x1, v6  }
0x545: {  	s0 =	sand.u32 $0x3F, s30;
	v6 =	vand.u32 $0x3F, v0;
	v0 =	vimm.f32 $0.0e+00;
	v2 =	vld.idx.msk [tilespmem:v7+s24+$0x0], $0xffff;
	v7 =	vmul.f32 v5, v27  }
0x546: {  	v25 =	vld [tilespmem:s0+$0x1380];
	v8 =	vor.u32 v55, v6;
	v26 =	vor.u32 v56, v6;
	v11 =	vor.u32 v53, v6  }
0x547: {  	s2 =	simm.s32 $0x2;
	s0 =	simm.s32 $0x3;
	v9 =	vor.u32 v54, v6;
	v10 =	vmul.f32 v10, v27;
	v29 =	vld.idx.msk [tilespmem:v12+s24+$0x0], $0xffff;
	v5 =	vimm.f32 $0.0e+00  }
.LBB2_63:
0x548: {  	p0 =	sne.s32 s0, $0x3F;
	v12 =	vmul.f32 v24, v27;
	v24 =	vld.idx.msk [tilespmem:v1+s24+$0x0], $0xffff;
	v23 =	vadd.f32 v7, v23;
	v13 =	vmovc v8;
	v1 =	vmov v11;
	s19 =	smov.u32 s0;
	s0 =	sadd.s32 $0x1, s0  }
.Ltmp30:
0x549: {  	v8 =	vmul.f32 v3, v27;
	v3 =	vld.idx.msk [tilespmem:v28+s24+$0x0], $0xffff;
	v22 =	vadd.f32 v10, v22;
	v28 =	vmov v9;
	(pc) =	sbr.rel @p0 .LBB2_63-.Ltmp30, $4  }
0x54a: {  	v6 =	vadd.s32 $0x1, v6;
	v0 =	vadd.f32 v12, v0  }
0x54b: {  	s20 =	sand.u32 $0x3F, s2;
	v6 =	vand.u32 $0x3F, v6;
	s2 =	smov.u32 s19;
	v5 =	vadd.f32 v8, v5;
	v7 =	vmul.f32 v2, v25;
	v2 =	vld.idx.msk [tilespmem:v26+s24+$0x0], $0xffff;
	v27 =	vmovc v25  }
0x54c: {  	v8 =	vor.u32 v55, v6;
	v26 =	vor.u32 v56, v6;
	v25 =	vld [tilespmem:s20+$0x1380]  }
0x54d: {  	v11 =	vor.u32 v53, v6;
	v9 =	vor.u32 v54, v6;
	v10 =	vmul.f32 v29, v27;
	v29 =	vld.idx.msk [tilespmem:v13+s24+$0x0], $0xffff  }
0x54e: {  	_ =	sdelay $0x3  }
0x54f: {  	v1 =	vld.idx.msk [tilespmem:v1+s24+$0x0], $0xffff  }
0x550: {  	v6 =	vld.idx.msk [tilespmem:v28+s24+$0x0], $0xffff  }
0x551: {  	s0 =	sand.u32 $0x3F, s2;
	v11 =	vld.idx.msk [tilespmem:v11+s24+$0x0], $0xffff  }
0x552: {  	v13 =	vmul.f32 v24, v27;
	v3 =	vmul.f32 v3, v27;
	v12 =	vld [tilespmem:s0+$0x1380]  }
0x553: {  	v7 =	vadd.f32 v7, v23;
	v9 =	vld.idx.msk [tilespmem:v9+s24+$0x0], $0xffff;
	v10 =	vadd.f32 v10, v22;
	v2 =	vmul.f32 v2, v25  }
0x554: {  	v0 =	vadd.f32 v13, v0;
	v3 =	vadd.f32 v3, v5;
	v5 =	vld.idx.msk [tilespmem:v8+s24+$0x0], $0xffff;
	v60 =	vmul.f32 v29, v25  }
0x555: {  	v13 =	vld.idx.msk [tilespmem:v26+s24+$0x0], $0xffff;
	v1 =	vmul.f32 v1, v25;
	v2 =	vadd.f32 v2, v7;
	v7 =	vlaneseq.u32  }
0x556: {  	v6 =	vmul.f32 v6, v25;
	v8 =	vadd.f32 v60, v10;
	v61 =	vadd.s32 $0x2D8, v7  }
0x557: {  	v62 =	vadd.s32 $0x2E8, v7;
	v0 =	vadd.f32 v1, v0;
	v1 =	vmul.f32 v11, v12  }
0x558: {  	v63 =	vadd.s32 $0x2F8, v7;
	v3 =	vadd.f32 v6, v3;
	v6 =	vmul.f32 v9, v12  }
0x559: {  	v5 =	vmul.f32 v5, v12;
	v0 =	vadd.f32 v1, v0;
	v1 =	vadd.s32 $0x308, v7  }
0x55a: {  	v12 =	vmul.f32 v13, v12;
	v3 =	vadd.f32 v6, v3;
	v6 =	vor.u32 v21, v7  }
0x55b: {  	v5 =	vadd.f32 v5, v8;
	[tilespmem:v61+s26+$0x0] =	vst.idx.msk $0xffff, v0  }
0x55c: {  	v0 =	vadd.f32 v12, v2;
	[tilespmem:v62+s26+$0x0] =	vst.idx.msk $0xffff, v3  }
0x55d: {  	[tilespmem:v63+s26+$0x0] =	vst.idx.msk $0xffff, v5  }
0x55e: {  	s30 =	simm.s32 $0x0;
	v48 =	vld [tilespmem:$0x1FF40];
	[tilespmem:v1+s26+$0x0] =	vst.idx.msk $0xffff, v0;
	v1 =	vadd.s32 $0x1, v7  }
0x55f: {  	s20 =	sand.u32 $0x3F, s30;
	v0 =	vld.idx.msk [tilespmem:v6+s24+$0x0], $0xffff;
	v5 =	vand.u32 $0x3F, v1  }
0x560: {  	s2 =	simm.s32 $0x1;
	s19 =	simm.s32 $0x3;
	s0 =	simm.s32 $0x2;
	v1 =	vimm.f32 $0.0e+00;
	v2 =	vld [tilespmem:s20+$0x1380];
	v3 =	vor.u32 v21, v5  }
.LBB2_65:
0x561: {  	_ = 	snop  }
0x562: {  	p0 =	sne.s32 s19, $0x3F  }
.Ltmp31:
0x563: {  	_ = 	snop;
	(pc) =	sbr.rel @p0 .LBB2_65-.Ltmp31, $4  }
0x564: {  	_ = 	snop  }
0x565: {  	v5 =	vadd.s32 $0x1, v5;
	v6 =	vmul.f32 v0, v2  }
0x566: {  	s20 =	smov.u32 s19;
	s21 =	sand.u32 $0x3F, s2;
	v5 =	vand.u32 $0x3F, v5;
	v0 =	vld.idx.msk [tilespmem:v3+s24+$0x0], $0xffff  }
0x567: {  	s19 =	sadd.s32 $0x1, s19;
	s2 =	smov.u32 s0;
	s0 =	smov.u32 s20;
	v3 =	vor.u32 v21, v5;
	v2 =	vld [tilespmem:s21+$0x1380];
	v1 =	vadd.f32 v6, v1  }
0x568: {  	v5 =	vadd.s32 $0x1, v5  }
0x569: {  	v5 =	vand.u32 $0x3F, v5  }
0x56a: {  	v5 =	vor.u32 v21, v5;
	_ =	sdelay $0x1  }
0x56b: {  	s2 =	sand.u32 $0x3F, s2;
	v3 =	vld.idx.msk [tilespmem:v3+s24+$0x0], $0xffff  }
0x56c: {  	s0 =	sand.u32 $0x3F, s0;
	v6 =	vld [tilespmem:s2+$0x1380]  }
0x56d: {  	v7 =	vld [tilespmem:s0+$0x1380]  }
0x56e: {  	v5 =	vld.idx.msk [tilespmem:v5+s24+$0x0], $0xffff  }
0x56f: {  	v63 =	vld [tilespmem:$0x1FF10];
	v0 =	vmul.f32 v0, v2;
	_ =	sdelay $0x1  }
0x570: {  	v0 =	vadd.f32 v0, v1;
	v61 =	vmul.f32 v3, v6  }
0x571: {  	s28 =	sadd.s32 $0x1, s28  }
0x572: {  	p0 =	sne.s32 s28, $0x40;
	v0 =	vadd.f32 v61, v0;
	v62 =	vmul.f32 v5, v7  }
.Ltmp32:
0x573: {  	s31 =	sadd.s32 s6, s31;
	(pc) =	sbr.rel @p0 .LBB2_2-.Ltmp32, $3  }
0x574: {  	s0 =	smul.u32 $0x19, s31;
	v0 =	vadd.f32 v62, v0;
	_ =	sdelay $0x1  }
0x575: {  	s0 =	sadd.s32 s1, s0;
	[tilespmem:v63+s26+$0x0] =	vst.idx.msk $0xff, v0  }
0x576: {  	v12 =	vlaneseq.u32;
	v13 =	vld [tilespmem:$0x1FF20];
	[hbm4b:s0+s3] =	stream.linear.scatter [tilespmem:s26], [sflag:$0x5], $0x320, $0x38  }
0x577: {  	s0 =	simm.s32 $0x4  }
0x578: {  	_ =	swait.ge [sflag:s0], $0x320  }
0x579: {  	[sflag:s0] =	ssyncset.done $0x0  }
0x57a: {  	s21 =	simm.s32 $0x5;
	[sflag:s0] =	ssyncadd.s32 $0xFFFFFCE0  }
0x57b: {  	_ =	swait.ge [sflag:s21], $0x320  }
0x57c: {  	[sflag:s21] =	ssyncset.done $0x0  }
0x57d: {  	s28 =	simm.s32 $0x6;
	[sflag:s21] =	ssyncadd.s32 $0xFFFFFCE0  }
0x57e: {  	_ =	swait.ge [sflag:s28], $0x340  }
0x57f: {  	[sflag:s28] =	ssyncset.done $0x0  }
0x580: {  	[sflag:s28] =	ssyncadd.s32 $0xFFFFFCC0  }
0x581: {  	_ =	swait.ge [sflag:s23], $0x340  }
0x582: {  	[sflag:s23] =	ssyncset.done $0x0  }
0x583: {  	s29 =	simm.s32 $0x1;
	[sflag:s23] =	ssyncadd.s32 $0xFFFFFCC0  }
0x584: {  	_ =	swait.ge [sflag:s29], $0x400  }
0x585: {  	[sflag:s29] =	ssyncset.done $0x0  }
0x586: {  	[sflag:s29] =	ssyncadd.s32 $0xFFFFFC00  }
0x587: {  	_ =	swait.ge [sflag:s29], $0x400  }
0x588: {  	[sflag:s29] =	ssyncset.done $0x0  }
0x589: {  	[sflag:s29] =	ssyncadd.s32 $0xFFFFFC00  }
0x58a: {  	_ =	swait.ge [sflag:s29], $0x400  }
0x58b: {  	[sflag:s29] =	ssyncset.done $0x0  }
0x58c: {  	s2 =	simm.s32 $0x8;
	s30 =	rddreg [dreg:$0x7];
	[sflag:s29] =	ssyncadd.s32 $0xFFFFFC00  }
0x58d: {  	[hbm4b:s30+s3] =	stream.linear.scatter [tilespmem:s14], [sflag:$0x8], $0x200, $0x38;
	[tilespmem:$0x1BCC0] =	vst v63  }
0x58e: {  	_ =	swait.ge [sflag:s2], $0x200  }
0x58f: {  	s19 =	rddreg [dreg:$0x9]  }
0x590: {  	s31 =	rddreg [dreg:$0x8];
	s19 =	sadd.s32 $0x1, s19  }
0x591: {  	p0 =	sne.s32 s19, s31  }
.Ltmp33:
0x592: {  	_ = 	snop;
	(pc) =	sbr.rel @p0 .LBB2_1-.Ltmp33, $3  }
0x593: {  	_ =	sdelay $0x1  }
0x594: {  	[sflag:s2] =	ssyncset.done $0x0  }
0x595: {  	[sflag:s2] =	ssyncadd.s32 $0xFFFFFE00  }
0x596: {  	_ =	sfence.sel $0x180000  }
0x597: {  	[bflag:$0x0] =	sbarrier.arrive $0xFFFF  }
0x598: {  	_ =	strace $0x90000047  }
0x599: {  	s0 =	stileid.u32;
	[bflag:$0x2] =	sbarrier.arrive $0xFFFF  }
0x59a: {  	p0 =	sne.s32 s0, $0x0;
	s0 =	rddreg [dreg:$0x3]  }
0x59b: {  	s0 =	sadd.s32 @!p0 $0x100000, s0  }
0x59c: {  	[sflag:s0] =	ssyncadd.tile.s32 @!p0 $0x1;
	_ =	shalt  }
.Lfunc_end2:
_tile_overlayer_lowered:
.L_overlay_start_2:
0x59d: {  	(tag) =	ssettag $0x2  }
0x59e: {  	s0 =	rddreg [dreg:$0x0];
	s2 =	stileid.u32  }
0x59f: {  	s1 =	rddreg [dreg:$0x1];
	p0 =	sne.s32 s2, $0x0  }
0x5a0: {  	s3 =	rddreg [dreg:$0x2];
	[bflag:$0x3] =	sbarrier.arrive $0xFFFF;
	s2 =	simm.s32 @!p0 $0x1C08  }
0x5a1: {  	[timem:s3], [sflag:s2] =	dma.local @!p0 [hbm:s0], s1  }
0x5a2: {  	s0 =	simm.s32 @!p0 $0x8  }
0x5a3: {  	_ =	swait.ge @!p0 [sflag:s0], s1  }
0x5a4: {  	s1 =	ssub.s32 @!p0 $0x0, s1;
	[sflag:s0] =	ssyncset.done @!p0 $0x0  }
0x5a5: {  	[sflag:s0] =	ssyncadd.s32 @!p0 s1  }
0x5a6: {  	[bflag:$0x3] =	sbarrier.arrive $0xFFFF  }
0x5a7: {  	_ =	shalt  }

</sc_bundles>
